<compile_context>
chip_gen: v7x
topology: tpu7x:2x2x1
jax: 0.10.2.dev20260603
libtpu: 0.0.44.dev20260713+nightly
codegen_flags: <defaults>
</compile_context>

<pallas_src>
import functools

import numpy as np
import jax
import jax.numpy as jnp
from jax import lax
from jax.experimental import pallas as pl
from jax.experimental.pallas import tpu as pltpu
from jax.experimental.pallas import tpu_sc as plsc

L = 32
A = 32
B = 4096
N = A + L
C = N * (N - 1) // 2
OBS = 4 + 2 * L + 2 * (A - 1) + (A - 1)
F = 8

BB = 256
G = B // BB

_NW = 32
_BPW = B // _NW
_CB = 16
_CHUNKS = _BPW // _CB
_NT = B * N * F // 1024


def _edge_base():
    r, c = np.triu_indices(N, 1)
    rc = np.stack([r, c]).astype(np.int32)
    j = np.arange(BB * C)
    base = rc[:, j % C] + (N * (j // C)).astype(np.int32)[None, :]
    return np.ascontiguousarray(base, dtype=np.int32)


def _sc_tables():
    def rel_col(k, axis):
        if k == 0:
            return 0
        if k <= L:
            return 4 + 2 * (k - 1) + axis
        return 4 + 2 * L + 2 * (k - 1 - L) + axis

    idx = np.zeros((7, 4, 16), np.int32)
    for c in range(4):
        for lane in range(16):
            k = 16 * c + lane
            idx[0, c, lane] = rel_col(k, 0)
            idx[1, c, lane] = rel_col(k, 1)
            idx[2, c, lane] = rel_col(k, 0) if k else 0
            idx[3, c, lane] = rel_col(k, 1) if k else 1
            idx[4, c, lane] = rel_col(k, 0)
            idx[5, c, lane] = rel_col(k, 1)
            idx[6, c, lane] = 4 + 2 * L + 2 * (A - 1) + (k - 1 - L) if k > L else 0
    f32 = np.zeros((3, 16), np.float32)
    f32[0] = 1.0
    f32[0, 0] = 0.0
    f32[1, 0] = 2.0
    f32[2] = 1.0
    f32[2, 0] = 0.0
    return idx.reshape(-1), f32.reshape(-1)


_BASE_NP = _edge_base()
_IDX_NP, _F32_NP = _sc_tables()


def _tc_body(obs_ref, base_ref, ei_ref, ea_ref, bv_ref):
    i = pl.program_id(0)
    obs = obs_ref[...]
    velx, vely = obs[:, 0:1], obs[:, 1:2]
    posx, posy = obs[:, 2:3], obs[:, 3:4]
    rx = 1.0 / (0.001 + velx)
    ry = 1.0 / (0.001 + vely)

    def edge(cx):
        relx, rely = obs[:, cx:cx + 1], obs[:, cx + 1:cx + 2]
        ax, ay = posx + relx, posy + rely
        d0x, d0y = posx - ax, posy - ay
        d1x, d1y = velx - relx, vely - rely
        d2x, d2y = relx * rx, rely * ry
        s = (d0x * d0x + d0y * d0y + d1x * d1x + d1y * d1y
             + d2x * d2x + d2y * d2y + 4.0)
        return jnp.sqrt(s)

    ea_ref[...] = jnp.concatenate([edge(4), edge(6)], axis=1)
    bv_ref[...] = (jax.lax.iota(jnp.int32, BB * N) >> 6) + i * BB
    ei_ref[...] = base_ref[...] + i * (BB * N)


def _run_tc(obs, base):
    return pl.pallas_call(
        _tc_body,
        grid=(G,),
        in_specs=[
            pl.BlockSpec((BB, 8), lambda i: (i, 0)),
            pl.BlockSpec((2, BB * C), lambda i: (0, 0)),
        ],
        out_specs=[
            pl.BlockSpec((2, BB * C), lambda i: (0, i)),
            pl.BlockSpec((BB, 2), lambda i: (i, 0)),
            pl.BlockSpec((BB * N,), lambda i: (i,)),
        ],
        out_shape=[
            jax.ShapeDtypeStruct((2, B * C), jnp.int32),
            jax.ShapeDtypeStruct((B, 2), jnp.float32),
            jax.ShapeDtypeStruct((B * N,), jnp.int32),
        ],
    )(obs, base)


def _run_sc(obs, idx_tab, f32_tab):
    mesh = plsc.VectorSubcoreMesh(core_axis_name="c", subcore_axis_name="s")

    @functools.partial(
        pl.kernel,
        out_type=jax.ShapeDtypeStruct((B * N * F,), jnp.float32),
        mesh=mesh,
        compiler_params=pltpu.CompilerParams(
            needs_layout_passes=False, use_tc_tiling_on_sc=False),
        scratch_types=[
            pltpu.VMEM((_CB * OBS,), jnp.float32),
            pltpu.VMEM((_CB * OBS,), jnp.float32),
            pltpu.VMEM((7 * 4 * 16,), jnp.int32),
            pltpu.VMEM((3 * 16,), jnp.float32),
            pltpu.VMEM((8 * 8 * 128,), jnp.float32),
            pltpu.VMEM((8 * 8 * 128,), jnp.float32),
            pltpu.SemaphoreType.DMA,
            pltpu.SemaphoreType.DMA,
            pltpu.SemaphoreType.DMA,
            pltpu.SemaphoreType.DMA,
        ],
    )
    def k(obs_hbm, idx_hbm, f32_hbm, out_hbm,
          obs_v0, obs_v1, idx_v, f32_v, buf_v0, buf_v1, os0, os1, ws0, ws1):
        wid = lax.axis_index("s") * 2 + lax.axis_index("c")
        pltpu.sync_copy(idx_hbm, idx_v)
        pltpu.sync_copy(f32_hbm, f32_v)
        sel0 = f32_v[pl.ds(0, 16)]
        f6c0 = f32_v[pl.ds(16, 16)]
        f6c2 = f32_v[pl.ds(32, 16)]
        zeros16 = jnp.zeros((16,), jnp.float32)
        ones16 = jnp.full((16,), 1.0, jnp.float32)
        idx_tabs = [[idx_v[pl.ds(16 * (slot * 4 + c), 16)] for c in range(4)]
                    for slot in range(7)]
        obs_bufs = [obs_v0, obs_v1]
        out_bufs = [buf_v0, buf_v1]
        osems = [os0, os1]
        wsems = [ws0, ws1]

        def obs_fetch(ch, ob, sem):
            b0 = (wid * _BPW + ch * _CB) * OBS
            return pltpu.async_copy(obs_hbm.at[pl.ds(b0, _CB * OBS)], ob, sem)

        def compute_chunk(ob, buf_v):
            def batch_body(bl, carry2):
                roff = bl * OBS
                splat = jnp.full((16,), 0, jnp.int32) + roff
                velx = plsc.load_gather(ob, [splat])
                vely = plsc.load_gather(ob, [splat + 1])
                posx = plsc.load_gather(ob, [splat + 2])
                posy = plsc.load_gather(ob, [splat + 3])
                rx = 1.0 / (0.001 + velx)
                ry = 1.0 / (0.001 + vely)
                bbase = (bl // 2) * 1024 + (bl % 2) * 64
                for c in range(4):
                    off = bbase + 16 * c

                    def g(slot, c=c, roff=roff):
                        return plsc.load_gather(ob, [idx_tabs[slot][c] + roff])

                    a0, a1 = g(0), g(1)
                    if c == 0:
                        a0, a1 = a0 * sel0, a1 * sel0
                    buf_v[pl.ds(off, 16)] = a0 + posx
                    buf_v[pl.ds(off + 128, 16)] = a1 + posy
                    buf_v[pl.ds(off + 256, 16)] = g(2)
                    buf_v[pl.ds(off + 384, 16)] = g(3)
                    a4, a5 = g(4), g(5)
                    if c == 0:
                        a4, a5 = a4 * sel0, a5 * sel0
                    buf_v[pl.ds(off + 512, 16)] = a4 * rx
                    buf_v[pl.ds(off + 640, 16)] = a5 * ry
                    if c == 0:
                        buf_v[pl.ds(off + 768, 16)] = f6c0
                    elif c == 1:
                        buf_v[pl.ds(off + 768, 16)] = zeros16
                    elif c == 2:
                        buf_v[pl.ds(off + 768, 16)] = f6c2
                    else:
                        buf_v[pl.ds(off + 768, 16)] = ones16
                    if c < 2:
                        buf_v[pl.ds(off + 896, 16)] = zeros16
                    else:
                        a7 = g(6)
                        if c == 2:
                            a7 = a7 * sel0
                        buf_v[pl.ds(off + 896, 16)] = a7
                return carry2

            lax.fori_loop(0, _CB, batch_body, 0)

        oh = [obs_fetch(0, obs_bufs[0], osems[0]), None]
        wh = [None, None]
        for ch in range(_CHUNKS):
            s = ch % 2
            if ch + 1 < _CHUNKS:
                oh[1 - s] = obs_fetch(ch + 1, obs_bufs[1 - s], osems[1 - s])
            oh[s].wait()
            if wh[s] is not None:
                wh[s].wait()
            compute_chunk(obs_bufs[s], out_bufs[s])
            wh[s] = pltpu.async_copy(
                out_bufs[s],
                out_hbm.at[pl.ds((wid * 64 + ch * 8) * 1024, 8 * 1024)],
                wsems[s])
        wh[0].wait()
        wh[1].wait()

    return k(obs, idx_tab, f32_tab)


def kernel(batch_observations):
    base = jnp.asarray(_BASE_NP)
    idx_tab = jnp.asarray(_IDX_NP)
    f32_tab = jnp.asarray(_F32_NP)
    ei, ea, bv = _run_tc(batch_observations[:, :8], base)
    xt = _run_sc(batch_observations.reshape(-1), idx_tab, f32_tab)
    x = jnp.transpose(xt.reshape(_NT, 8, 128), (0, 2, 1)).reshape(B * N, F)
    return x, ei, ea.reshape(-1), bv

# --- scband reference (transcript-rebuilt; emitter-appended) ---
"""Pipeline reference for scband-multi-agent-graph-17231408792282 (READ-ONLY COPY).

The authoritative reference and input builder live on the scoring server;
editing this copy changes nothing except your own understanding.
"""

import jax, jax.numpy as jnp
import numpy as np

L = 32
A = 32
B = 4096
N = A + L
OBS_DIM = 4 + 2 * L + 2 * (A - 1) + (A - 1)


def setup_inputs(seed: int = 0) -> dict:
    key = jax.random.key(seed)
    batch_observations = jax.random.normal(key, (B, OBS_DIM), dtype=jnp.float32)
    return {"batch_observations": batch_observations}


def reference(batch_observations):
    b = batch_observations.shape[0]
    vel = batch_observations[:, :2]
    pos = batch_observations[:, 2:4]
    rel_landmarks = batch_observations[:, 4:4 + 2 * L].reshape(b, L, 2)
    rel_others = batch_observations[:, 4 + 2 * L:4 + 2 * (L + A - 1)].reshape(b, A - 1, 2)
    comm = batch_observations[:, -(A - 1):].reshape(b, A - 1, 1)
    abs_landmarks = pos[:, None, :] + rel_landmarks
    abs_others = pos[:, None, :] + rel_others
    denom = (0.001 + vel)[:, None, :]
    landmark_features = jnp.concatenate([
        abs_landmarks, rel_landmarks, rel_landmarks / denom,
        jnp.zeros((b, L, 2), dtype=jnp.float32)], axis=2)
    other_features = jnp.concatenate([
        abs_others, rel_others, rel_others / denom,
        jnp.ones((b, A - 1, 1), dtype=jnp.float32), comm], axis=2)
    agent_features = jnp.concatenate([
        pos[:, None, :], vel[:, None, :],
        jnp.zeros((b, 1, 2), dtype=jnp.float32),
        2.0 * jnp.ones((b, 1, 1), dtype=jnp.float32),
        jnp.zeros((b, 1, 1), dtype=jnp.float32)], axis=2)
    x = jnp.concatenate([agent_features, landmark_features, other_features], axis=1)  # [b, N, 8]
    # torch.combinations(arange(N), r=2).t() == upper-triangular (i<j) pairs in lex order
    r, c = jnp.triu_indices(N, k=1)
    edge_index = jnp.stack([jnp.asarray(r, dtype=jnp.int64 if jax.config.jax_enable_x64 else jnp.int32),
                            jnp.asarray(c, dtype=jnp.int64 if jax.config.jax_enable_x64 else jnp.int32)], axis=0)  # [2, C]
    C = edge_index.shape[1]
    # faithful to original: node_features[edge_index[0]][:2] takes the FIRST TWO edges' rows
    src = x[:, edge_index[0][:2], :]  # [b, 2, 8]
    dst = x[:, edge_index[1][:2], :]
    edge_attr = jnp.sqrt(jnp.sum((src - dst) ** 2, axis=-1))  # [b, 2]
    # Batch.from_data_list equivalent: concat node features, offset edge indices, concat edge_attr
    x_batched = x.reshape(b * N, 8)
    offsets = (jnp.arange(b, dtype=edge_index.dtype) * N)[:, None, None]
    edge_index_batched = (edge_index[None, :, :] + offsets).transpose(1, 0, 2).reshape(2, b * C)
    edge_attr_batched = edge_attr.reshape(-1)
    batch_vector = jnp.repeat(jnp.arange(b, dtype=jnp.int32), N)
    return x_batched, edge_index_batched, edge_attr_batched, batch_vector

if __name__ == "__main__":
    import jax
    _d = setup_inputs()
    print(jax.jit(kernel)(*tuple(_d.values())))

</pallas_src>

<mosaic_0001>
#map = affine_map<(d0, d1) -> (0)>
module attributes {stable_mosaic.version = 14 : i64} {
  func.func @k(%arg0: i32, %arg1: i32, %arg2: memref<659456xf32, #tpu.memory_space<hbm>>, %arg3: memref<448xi32, #tpu.memory_space<hbm>>, %arg4: memref<48xf32, #tpu.memory_space<hbm>>, %arg5: memref<2097152xf32, #tpu.memory_space<hbm>>, %arg6: memref<2576xf32, #tpu.memory_space<vmem>>, %arg7: memref<2576xf32, #tpu.memory_space<vmem>>, %arg8: memref<448xi32, #tpu.memory_space<vmem>>, %arg9: memref<48xf32, #tpu.memory_space<vmem>>, %arg10: memref<8192xf32, #tpu.memory_space<vmem>>, %arg11: memref<8192xf32, #tpu.memory_space<vmem>>, %arg12: memref<!tpu.dma_semaphore, #tpu.memory_space<semaphore_mem>>, %arg13: memref<!tpu.dma_semaphore, #tpu.memory_space<semaphore_mem>>, %arg14: memref<!tpu.dma_semaphore, #tpu.memory_space<semaphore_mem>>, %arg15: memref<!tpu.dma_semaphore, #tpu.memory_space<semaphore_mem>>) attributes {dimension_semantics = [#tpu.dimension_semantics<core_parallel>, #tpu.dimension_semantics<subcore_parallel>], iteration_bounds = array<i64: 2, 16>, scalar_prefetch = 0 : i64, scratch_operands = 10 : i64, tpu.core_type = #tpu.core_type<sc_vector_subcore>, window_params = [{transform_indices = #map}, {transform_indices = #map}, {transform_indices = #map}, {transform_indices = #map}]} {
    %mul3A = arith.constant 2 : i32
    %mul3A_0 = arith.muli %arg1, %mul3A : i32
    %add3A = arith.addi %mul3A_0, %arg0 : i32
    "tpu.region"() ({
      %run_scoped3A = tpu.sem_alloc : memref<!tpu.dma_semaphore, #tpu.memory_space<semaphore_mem>>
      tpu.enqueue_dma source(%arg3 : memref<448xi32, #tpu.memory_space<hbm>>) target(%arg8 : memref<448xi32, #tpu.memory_space<vmem>>) target_semaphore(%run_scoped3A : memref<!tpu.dma_semaphore, #tpu.memory_space<semaphore_mem>>)
      tpu.wait_dma2 semaphore(%run_scoped3A : memref<!tpu.dma_semaphore, #tpu.memory_space<semaphore_mem>>) src(%arg3 : memref<448xi32, #tpu.memory_space<hbm>>) dst(%arg8 : memref<448xi32, #tpu.memory_space<vmem>>)
      tpu.yield
    }) : () -> ()
    "tpu.region"() ({
      %run_scoped3A = tpu.sem_alloc : memref<!tpu.dma_semaphore, #tpu.memory_space<semaphore_mem>>
      tpu.enqueue_dma source(%arg4 : memref<48xf32, #tpu.memory_space<hbm>>) target(%arg9 : memref<48xf32, #tpu.memory_space<vmem>>) target_semaphore(%run_scoped3A : memref<!tpu.dma_semaphore, #tpu.memory_space<semaphore_mem>>)
      tpu.wait_dma2 semaphore(%run_scoped3A : memref<!tpu.dma_semaphore, #tpu.memory_space<semaphore_mem>>) src(%arg4 : memref<48xf32, #tpu.memory_space<hbm>>) dst(%arg9 : memref<48xf32, #tpu.memory_space<vmem>>)
      tpu.yield
    }) : () -> ()
    %get3A = arith.constant 0 : index
    %get3A_1 = tpu.vector_load %arg9[%get3A] {strides = array<i32>} : memref<48xf32, #tpu.memory_space<vmem>>, vector<16xf32>,
    %get3A_2 = arith.constant 16 : index
    %get3A_3 = tpu.vector_load %arg9[%get3A_2] {strides = array<i32>} : memref<48xf32, #tpu.memory_space<vmem>>, vector<16xf32>,
    %get3A_4 = arith.constant 32 : index
    %get3A_5 = tpu.vector_load %arg9[%get3A_4] {strides = array<i32>} : memref<48xf32, #tpu.memory_space<vmem>>, vector<16xf32>,
    %broadcast_in_dim3A = arith.constant 0.000000e+00 : f32
    %broadcast_in_dim3A_6 = vector.broadcast %broadcast_in_dim3A : f32 to vector<16xf32>
    %broadcast_in_dim3A_7 = arith.constant 1.000000e+00 : f32
    %broadcast_in_dim3A_8 = vector.broadcast %broadcast_in_dim3A_7 : f32 to vector<16xf32>
    %get3A_9 = arith.constant 0 : index
    %get3A_10 = tpu.vector_load %arg8[%get3A_9] {strides = array<i32>} : memref<448xi32, #tpu.memory_space<vmem>>, vector<16xi32>,
    %get3A_11 = arith.constant 16 : index
    %get3A_12 = tpu.vector_load %arg8[%get3A_11] {strides = array<i32>} : memref<448xi32, #tpu.memory_space<vmem>>, vector<16xi32>,
    %get3A_13 = arith.constant 32 : index
    %get3A_14 = tpu.vector_load %arg8[%get3A_13] {strides = array<i32>} : memref<448xi32, #tpu.memory_space<vmem>>, vector<16xi32>,
    %get3A_15 = arith.constant 48 : index
    %get3A_16 = tpu.vector_load %arg8[%get3A_15] {strides = array<i32>} : memref<448xi32, #tpu.memory_space<vmem>>, vector<16xi32>,
    %get3A_17 = arith.constant 64 : index
    %get3A_18 = tpu.vector_load %arg8[%get3A_17] {strides = array<i32>} : memref<448xi32, #tpu.memory_space<vmem>>, vector<16xi32>,
    %get3A_19 = arith.constant 80 : index
    %get3A_20 = tpu.vector_load %arg8[%get3A_19] {strides = array<i32>} : memref<448xi32, #tpu.memory_space<vmem>>, vector<16xi32>,
    %get3A_21 = arith.constant 96 : index
    %get3A_22 = tpu.vector_load %arg8[%get3A_21] {strides = array<i32>} : memref<448xi32, #tpu.memory_space<vmem>>, vector<16xi32>,
    %get3A_23 = arith.constant 112 : index
    %get3A_24 = tpu.vector_load %arg8[%get3A_23] {strides = array<i32>} : memref<448xi32, #tpu.memory_space<vmem>>, vector<16xi32>,
    %get3A_25 = arith.constant 128 : index
    %get3A_26 = tpu.vector_load %arg8[%get3A_25] {strides = array<i32>} : memref<448xi32, #tpu.memory_space<vmem>>, vector<16xi32>,
    %get3A_27 = arith.constant 144 : index
    %get3A_28 = tpu.vector_load %arg8[%get3A_27] {strides = array<i32>} : memref<448xi32, #tpu.memory_space<vmem>>, vector<16xi32>,
    %get3A_29 = arith.constant 160 : index
    %get3A_30 = tpu.vector_load %arg8[%get3A_29] {strides = array<i32>} : memref<448xi32, #tpu.memory_space<vmem>>, vector<16xi32>,
    %get3A_31 = arith.constant 176 : index
    %get3A_32 = tpu.vector_load %arg8[%get3A_31] {strides = array<i32>} : memref<448xi32, #tpu.memory_space<vmem>>, vector<16xi32>,
    %get3A_33 = arith.constant 192 : index
    %get3A_34 = tpu.vector_load %arg8[%get3A_33] {strides = array<i32>} : memref<448xi32, #tpu.memory_space<vmem>>, vector<16xi32>,
    %get3A_35 = arith.constant 208 : index
    %get3A_36 = tpu.vector_load %arg8[%get3A_35] {strides = array<i32>} : memref<448xi32, #tpu.memory_space<vmem>>, vector<16xi32>,
    %get3A_37 = arith.constant 224 : index
    %get3A_38 = tpu.vector_load %arg8[%get3A_37] {strides = array<i32>} : memref<448xi32, #tpu.memory_space<vmem>>, vector<16xi32>,
    %get3A_39 = arith.constant 240 : index
    %get3A_40 = tpu.vector_load %arg8[%get3A_39] {strides = array<i32>} : memref<448xi32, #tpu.memory_space<vmem>>, vector<16xi32>,
    %get3A_41 = arith.constant 256 : index
    %get3A_42 = tpu.vector_load %arg8[%get3A_41] {strides = array<i32>} : memref<448xi32, #tpu.memory_space<vmem>>, vector<16xi32>,
    %get3A_43 = arith.constant 272 : index
    %get3A_44 = tpu.vector_load %arg8[%get3A_43] {strides = array<i32>} : memref<448xi32, #tpu.memory_space<vmem>>, vector<16xi32>,
    %get3A_45 = arith.constant 288 : index
    %get3A_46 = tpu.vector_load %arg8[%get3A_45] {strides = array<i32>} : memref<448xi32, #tpu.memory_space<vmem>>, vector<16xi32>,
    %get3A_47 = arith.constant 304 : index
    %get3A_48 = tpu.vector_load %arg8[%get3A_47] {strides = array<i32>} : memref<448xi32, #tpu.memory_space<vmem>>, vector<16xi32>,
    %get3A_49 = arith.constant 320 : index
    %get3A_50 = tpu.vector_load %arg8[%get3A_49] {strides = array<i32>} : memref<448xi32, #tpu.memory_space<vmem>>, vector<16xi32>,
    %get3A_51 = arith.constant 336 : index
    %get3A_52 = tpu.vector_load %arg8[%get3A_51] {strides = array<i32>} : memref<448xi32, #tpu.memory_space<vmem>>, vector<16xi32>,
    %get3A_53 = arith.constant 352 : index
    %get3A_54 = tpu.vector_load %arg8[%get3A_53] {strides = array<i32>} : memref<448xi32, #tpu.memory_space<vmem>>, vector<16xi32>,
    %get3A_55 = arith.constant 368 : index
    %get3A_56 = tpu.vector_load %arg8[%get3A_55] {strides = array<i32>} : memref<448xi32, #tpu.memory_space<vmem>>, vector<16xi32>,
    %get3A_57 = arith.constant 384 : index
    %get3A_58 = tpu.vector_load %arg8[%get3A_57] {strides = array<i32>} : memref<448xi32, #tpu.memory_space<vmem>>, vector<16xi32>,
    %get3A_59 = arith.constant 400 : index
    %get3A_60 = tpu.vector_load %arg8[%get3A_59] {strides = array<i32>} : memref<448xi32, #tpu.memory_space<vmem>>, vector<16xi32>,
    %get3A_61 = arith.constant 416 : index
    %get3A_62 = tpu.vector_load %arg8[%get3A_61] {strides = array<i32>} : memref<448xi32, #tpu.memory_space<vmem>>, vector<16xi32>,
    %get3A_63 = arith.constant 432 : index
    %get3A_64 = tpu.vector_load %arg8[%get3A_63] {strides = array<i32>} : memref<448xi32, #tpu.memory_space<vmem>>, vector<16xi32>,
    %mul3A_65 = arith.constant 128 : i32
    %mul3A_66 = arith.muli %add3A, %mul3A_65 : i32
    %add3A_67 = arith.constant 0 : i32
    %add3A_68 = arith.addi %mul3A_66, %add3A_67 : i32
    %mul3A_69 = arith.constant 161 : i32
    %mul3A_70 = arith.muli %add3A_68, %mul3A_69 : i32
    %dma_start3A = tpu.memref_slice %arg2[%mul3A_70] : memref<659456xf32, #tpu.memory_space<hbm>> -> memref<2576xf32, #tpu.memory_space<hbm>>
    %dma_start3A_71 = tpu.memref_slice %arg2[%mul3A_70] : memref<659456xf32, #tpu.memory_space<hbm>> -> memref<2576xf32, #tpu.memory_space<hbm>>
    tpu.enqueue_dma source(%dma_start3A_71 : memref<2576xf32, #tpu.memory_space<hbm>>) target(%arg6 : memref<2576xf32, #tpu.memory_space<vmem>>) target_semaphore(%arg12 : memref<!tpu.dma_semaphore, #tpu.memory_space<semaphore_mem>>)
    %mul3A_72 = arith.constant 128 : i32
    %mul3A_73 = arith.muli %add3A, %mul3A_72 : i32
    %add3A_74 = arith.constant 16 : i32
    %add3A_75 = arith.addi %mul3A_73, %add3A_74 : i32
    %mul3A_76 = arith.constant 161 : i32
    %mul3A_77 = arith.muli %add3A_75, %mul3A_76 : i32
    %dma_start3A_78 = tpu.memref_slice %arg2[%mul3A_77] : memref<659456xf32, #tpu.memory_space<hbm>> -> memref<2576xf32, #tpu.memory_space<hbm>>
    %dma_start3A_79 = tpu.memref_slice %arg2[%mul3A_77] : memref<659456xf32, #tpu.memory_space<hbm>> -> memref<2576xf32, #tpu.memory_space<hbm>>
    tpu.enqueue_dma source(%dma_start3A_79 : memref<2576xf32, #tpu.memory_space<hbm>>) target(%arg7 : memref<2576xf32, #tpu.memory_space<vmem>>) target_semaphore(%arg13 : memref<!tpu.dma_semaphore, #tpu.memory_space<semaphore_mem>>)
    %dma_wait3A = tpu.memref_slice %arg2[%mul3A_70] : memref<659456xf32, #tpu.memory_space<hbm>> -> memref<2576xf32, #tpu.memory_space<hbm>>
    %dma_wait3A_80 = tpu.memref_slice %arg2[%mul3A_70] : memref<659456xf32, #tpu.memory_space<hbm>> -> memref<2576xf32, #tpu.memory_space<hbm>>
    tpu.wait_dma2 semaphore(%arg12 : memref<!tpu.dma_semaphore, #tpu.memory_space<semaphore_mem>>) src(%dma_wait3A_80 : memref<2576xf32, #tpu.memory_space<hbm>>) dst(%arg6 : memref<2576xf32, #tpu.memory_space<vmem>>)
    %scan3A = arith.constant 0 : i32
    %scan3A_81 = arith.constant 0 : i32
    %scan3A_82 = arith.constant 16 : i32
    %scan3A_83 = arith.addi %scan3A_81, %scan3A_82 : i32
    %scan3A_84 = arith.constant 1 : i32
    scf.for %scan3A_270 = %scan3A_81 to %scan3A_83 step %scan3A_84  : i32 {
      %mul3A_271 = arith.constant 161 : i32
      %mul3A_272 = arith.muli %scan3A_270, %mul3A_271 : i32
      %broadcast_in_dim3A_273 = arith.constant 0 : i32
      %broadcast_in_dim3A_274 = vector.broadcast %broadcast_in_dim3A_273 : i32 to vector<16xi32>
      %add3A_275 = vector.broadcast %mul3A_272 : i32 to vector<16xi32>
      %add3A_276 = arith.addi %broadcast_in_dim3A_274, %add3A_275 : vector<16xi32>
      %gather3A = tpu.vector_load_idx %arg6[%add3A_276] : memref<2576xf32, #tpu.memory_space<vmem>>[vector<16xi32>], vector<16xf32>,
      %add3A_277 = arith.constant 1 : i32
      %add3A_278 = vector.broadcast %add3A_277 : i32 to vector<16xi32>
      %add3A_279 = arith.addi %add3A_276, %add3A_278 : vector<16xi32>
      %gather3A_280 = tpu.vector_load_idx %arg6[%add3A_279] : memref<2576xf32, #tpu.memory_space<vmem>>[vector<16xi32>], vector<16xf32>,
      %add3A_281 = arith.constant 2 : i32
      %add3A_282 = vector.broadcast %add3A_281 : i32 to vector<16xi32>
      %add3A_283 = arith.addi %add3A_276, %add3A_282 : vector<16xi32>
      %gather3A_284 = tpu.vector_load_idx %arg6[%add3A_283] : memref<2576xf32, #tpu.memory_space<vmem>>[vector<16xi32>], vector<16xf32>,
      %add3A_285 = arith.constant 3 : i32
      %add3A_286 = vector.broadcast %add3A_285 : i32 to vector<16xi32>
      %add3A_287 = arith.addi %add3A_276, %add3A_286 : vector<16xi32>
      %gather3A_288 = tpu.vector_load_idx %arg6[%add3A_287] : memref<2576xf32, #tpu.memory_space<vmem>>[vector<16xi32>], vector<16xf32>,
      %add3A_289 = arith.constant 1.000000e-03 : f32
      %add3A_290 = vector.broadcast %add3A_289 : f32 to vector<16xf32>
      %add3A_291 = arith.addf %add3A_290, %gather3A : vector<16xf32>
      %div3A = arith.constant 1.000000e+00 : f32
      %div3A_292 = vector.broadcast %div3A : f32 to vector<16xf32>
      %div3A_293 = arith.divf %div3A_292, %add3A_291 : vector<16xf32>
      %add3A_294 = arith.constant 1.000000e-03 : f32
      %add3A_295 = vector.broadcast %add3A_294 : f32 to vector<16xf32>
      %add3A_296 = arith.addf %add3A_295, %gather3A_280 : vector<16xf32>
      %div3A_297 = arith.constant 1.000000e+00 : f32
      %div3A_298 = vector.broadcast %div3A_297 : f32 to vector<16xf32>
      %div3A_299 = arith.divf %div3A_298, %add3A_296 : vector<16xf32>
      %jit3A = arith.constant 2 : i32
      %div3A_300 = arith.divsi %scan3A_270, %jit3A : i32
      %sign3A = arith.constant 0 : i32
      %sign3A_301 = arith.cmpi sgt, %scan3A_270, %sign3A : i32
      %sign3A_302 = arith.extui %sign3A_301 : i1 to i32
      %sign3A_303 = arith.constant 0 : i32
      %sign3A_304 = arith.cmpi slt, %scan3A_270, %sign3A_303 : i32
      %sign3A_305 = arith.extui %sign3A_304 : i1 to i32
      %sign3A_306 = arith.subi %sign3A_302, %sign3A_305 : i32
      %sign3A_307 = arith.constant 0 : i32
      %sign3A_308 = arith.cmpi sgt, %jit3A, %sign3A_307 : i32
      %sign3A_309 = arith.extui %sign3A_308 : i1 to i32
      %sign3A_310 = arith.constant 0 : i32
      %sign3A_311 = arith.cmpi slt, %jit3A, %sign3A_310 : i32
      %sign3A_312 = arith.extui %sign3A_311 : i1 to i32
      %sign3A_313 = arith.subi %sign3A_309, %sign3A_312 : i32
      %ne3A = arith.cmpi ne, %sign3A_306, %sign3A_313 : i32
      %rem3A = arith.remsi %scan3A_270, %jit3A : i32
      %ne3A_314 = arith.constant 0 : i32
      %ne3A_315 = arith.cmpi ne, %rem3A, %ne3A_314 : i32
      %and3A = arith.andi %ne3A, %ne3A_315 : i1
      %sub3A = arith.constant 1 : i32
      %sub3A_316 = arith.subi %div3A_300, %sub3A : i32
      %select_n3A = arith.select %and3A, %sub3A_316, %div3A_300 : i32
      %mul3A_317 = arith.constant 1024 : i32
      %mul3A_318 = arith.muli %select_n3A, %mul3A_317 : i32
      %jit3A_319 = arith.constant 2 : i32
      %eq3A = arith.constant 0 : i32
      %eq3A_320 = arith.cmpi eq, %jit3A_319, %eq3A : i32
      %jit3A_321 = arith.constant 1 : i32
      %select_n3A_322 = arith.select %eq3A_320, %jit3A_321, %jit3A_319 : i32
      %rem3A_323 = arith.remsi %scan3A_270, %select_n3A_322 : i32
      %ne3A_324 = arith.constant 0 : i32
      %ne3A_325 = arith.cmpi ne, %rem3A_323, %ne3A_324 : i32
      %lt3A = arith.constant 0 : i32
      %lt3A_326 = arith.cmpi slt, %rem3A_323, %lt3A : i32
      %lt3A_327 = arith.constant 0 : i32
      %lt3A_328 = arith.cmpi slt, %select_n3A_322, %lt3A_327 : i32
      %ne3A_329 = arith.xori %lt3A_326, %lt3A_328 : i1
      %and3A_330 = arith.andi %ne3A_329, %ne3A_325 : i1
      %add3A_331 = arith.addi %rem3A_323, %select_n3A_322 : i32
      %select_n3A_332 = arith.select %and3A_330, %add3A_331, %rem3A_323 : i32
      %mul3A_333 = arith.constant 64 : i32
      %mul3A_334 = arith.muli %select_n3A_332, %mul3A_333 : i32
      %add3A_335 = arith.addi %mul3A_318, %mul3A_334 : i32
      %add3A_336 = arith.constant 0 : i32
      %add3A_337 = arith.addi %add3A_335, %add3A_336 : i32
      %add3A_338 = vector.broadcast %mul3A_272 : i32 to vector<16xi32>
      %add3A_339 = arith.addi %get3A_10, %add3A_338 : vector<16xi32>
      %gather3A_340 = tpu.vector_load_idx %arg6[%add3A_339] : memref<2576xf32, #tpu.memory_space<vmem>>[vector<16xi32>], vector<16xf32>,
      %add3A_341 = vector.broadcast %mul3A_272 : i32 to vector<16xi32>
      %add3A_342 = arith.addi %get3A_18, %add3A_341 : vector<16xi32>
      %gather3A_343 = tpu.vector_load_idx %arg6[%add3A_342] : memref<2576xf32, #tpu.memory_space<vmem>>[vector<16xi32>], vector<16xf32>,
      %mul3A_344 = arith.mulf %gather3A_340, %get3A_1 : vector<16xf32>
      %mul3A_345 = arith.mulf %gather3A_343, %get3A_1 : vector<16xf32>
      %add3A_346 = arith.addf %mul3A_344, %gather3A_284 : vector<16xf32>
      %swap3A = arith.index_cast %add3A_337 : i32 to index
      %swap3A_347 = tpu.vector_load %arg10[%swap3A] {strides = array<i32>} : memref<8192xf32, #tpu.memory_space<vmem>>, vector<16xf32>,
      tpu.vector_store %arg10[%swap3A], %add3A_346 {strides = array<i32>} : memref<8192xf32, #tpu.memory_space<vmem>>, vector<16xf32>,
      %add3A_348 = arith.addf %mul3A_345, %gather3A_288 : vector<16xf32>
      %add3A_349 = arith.constant 128 : i32
      %add3A_350 = arith.addi %add3A_337, %add3A_349 : i32
      %swap3A_351 = arith.index_cast %add3A_350 : i32 to index
      %swap3A_352 = tpu.vector_load %arg10[%swap3A_351] {strides = array<i32>} : memref<8192xf32, #tpu.memory_space<vmem>>, vector<16xf32>,
      tpu.vector_store %arg10[%swap3A_351], %add3A_348 {strides = array<i32>} : memref<8192xf32, #tpu.memory_space<vmem>>, vector<16xf32>,
      %add3A_353 = vector.broadcast %mul3A_272 : i32 to vector<16xi32>
      %add3A_354 = arith.addi %get3A_26, %add3A_353 : vector<16xi32>
      %gather3A_355 = tpu.vector_load_idx %arg6[%add3A_354] : memref<2576xf32, #tpu.memory_space<vmem>>[vector<16xi32>], vector<16xf32>,
      %add3A_356 = arith.constant 256 : i32
      %add3A_357 = arith.addi %add3A_337, %add3A_356 : i32
      %swap3A_358 = arith.index_cast %add3A_357 : i32 to index
      %swap3A_359 = tpu.vector_load %arg10[%swap3A_358] {strides = array<i32>} : memref<8192xf32, #tpu.memory_space<vmem>>, vector<16xf32>,
      tpu.vector_store %arg10[%swap3A_358], %gather3A_355 {strides = array<i32>} : memref<8192xf32, #tpu.memory_space<vmem>>, vector<16xf32>,
      %add3A_360 = vector.broadcast %mul3A_272 : i32 to vector<16xi32>
      %add3A_361 = arith.addi %get3A_34, %add3A_360 : vector<16xi32>
      %gather3A_362 = tpu.vector_load_idx %arg6[%add3A_361] : memref<2576xf32, #tpu.memory_space<vmem>>[vector<16xi32>], vector<16xf32>,
      %add3A_363 = arith.constant 384 : i32
      %add3A_364 = arith.addi %add3A_337, %add3A_363 : i32
      %swap3A_365 = arith.index_cast %add3A_364 : i32 to index
      %swap3A_366 = tpu.vector_load %arg10[%swap3A_365] {strides = array<i32>} : memref<8192xf32, #tpu.memory_space<vmem>>, vector<16xf32>,
      tpu.vector_store %arg10[%swap3A_365], %gather3A_362 {strides = array<i32>} : memref<8192xf32, #tpu.memory_space<vmem>>, vector<16xf32>,
      %add3A_367 = vector.broadcast %mul3A_272 : i32 to vector<16xi32>
      %add3A_368 = arith.addi %get3A_42, %add3A_367 : vector<16xi32>
      %gather3A_369 = tpu.vector_load_idx %arg6[%add3A_368] : memref<2576xf32, #tpu.memory_space<vmem>>[vector<16xi32>], vector<16xf32>,
      %add3A_370 = vector.broadcast %mul3A_272 : i32 to vector<16xi32>
      %add3A_371 = arith.addi %get3A_50, %add3A_370 : vector<16xi32>
      %gather3A_372 = tpu.vector_load_idx %arg6[%add3A_371] : memref<2576xf32, #tpu.memory_space<vmem>>[vector<16xi32>], vector<16xf32>,
      %mul3A_373 = arith.mulf %gather3A_369, %get3A_1 : vector<16xf32>
      %mul3A_374 = arith.mulf %gather3A_372, %get3A_1 : vector<16xf32>
      %mul3A_375 = arith.mulf %mul3A_373, %div3A_293 : vector<16xf32>
      %add3A_376 = arith.constant 512 : i32
      %add3A_377 = arith.addi %add3A_337, %add3A_376 : i32
      %swap3A_378 = arith.index_cast %add3A_377 : i32 to index
      %swap3A_379 = tpu.vector_load %arg10[%swap3A_378] {strides = array<i32>} : memref<8192xf32, #tpu.memory_space<vmem>>, vector<16xf32>,
      tpu.vector_store %arg10[%swap3A_378], %mul3A_375 {strides = array<i32>} : memref<8192xf32, #tpu.memory_space<vmem>>, vector<16xf32>,
      %mul3A_380 = arith.mulf %mul3A_374, %div3A_299 : vector<16xf32>
      %add3A_381 = arith.constant 640 : i32
      %add3A_382 = arith.addi %add3A_337, %add3A_381 : i32
      %swap3A_383 = arith.index_cast %add3A_382 : i32 to index
      %swap3A_384 = tpu.vector_load %arg10[%swap3A_383] {strides = array<i32>} : memref<8192xf32, #tpu.memory_space<vmem>>, vector<16xf32>,
      tpu.vector_store %arg10[%swap3A_383], %mul3A_380 {strides = array<i32>} : memref<8192xf32, #tpu.memory_space<vmem>>, vector<16xf32>,
      %add3A_385 = arith.constant 768 : i32
      %add3A_386 = arith.addi %add3A_337, %add3A_385 : i32
      %swap3A_387 = arith.index_cast %add3A_386 : i32 to index
      %swap3A_388 = tpu.vector_load %arg10[%swap3A_387] {strides = array<i32>} : memref<8192xf32, #tpu.memory_space<vmem>>, vector<16xf32>,
      tpu.vector_store %arg10[%swap3A_387], %get3A_3 {strides = array<i32>} : memref<8192xf32, #tpu.memory_space<vmem>>, vector<16xf32>,
      %add3A_389 = arith.constant 896 : i32
      %add3A_390 = arith.addi %add3A_337, %add3A_389 : i32
      %swap3A_391 = arith.index_cast %add3A_390 : i32 to index
      %swap3A_392 = tpu.vector_load %arg10[%swap3A_391] {strides = array<i32>} : memref<8192xf32, #tpu.memory_space<vmem>>, vector<16xf32>,
      tpu.vector_store %arg10[%swap3A_391], %broadcast_in_dim3A_6 {strides = array<i32>} : memref<8192xf32, #tpu.memory_space<vmem>>, vector<16xf32>,
      %add3A_393 = arith.constant 16 : i32
      %add3A_394 = arith.addi %add3A_335, %add3A_393 : i32
      %add3A_395 = vector.broadcast %mul3A_272 : i32 to vector<16xi32>
      %add3A_396 = arith.addi %get3A_12, %add3A_395 : vector<16xi32>
      %gather3A_397 = tpu.vector_load_idx %arg6[%add3A_396] : memref<2576xf32, #tpu.memory_space<vmem>>[vector<16xi32>], vector<16xf32>,
      %add3A_398 = vector.broadcast %mul3A_272 : i32 to vector<16xi32>
      %add3A_399 = arith.addi %get3A_20, %add3A_398 : vector<16xi32>
      %gather3A_400 = tpu.vector_load_idx %arg6[%add3A_399] : memref<2576xf32, #tpu.memory_space<vmem>>[vector<16xi32>], vector<16xf32>,
      %add3A_401 = arith.addf %gather3A_397, %gather3A_284 : vector<16xf32>
      %swap3A_402 = arith.index_cast %add3A_394 : i32 to index
      %swap3A_403 = tpu.vector_load %arg10[%swap3A_402] {strides = array<i32>} : memref<8192xf32, #tpu.memory_space<vmem>>, vector<16xf32>,
      tpu.vector_store %arg10[%swap3A_402], %add3A_401 {strides = array<i32>} : memref<8192xf32, #tpu.memory_space<vmem>>, vector<16xf32>,
      %add3A_404 = arith.addf %gather3A_400, %gather3A_288 : vector<16xf32>
      %add3A_405 = arith.constant 128 : i32
      %add3A_406 = arith.addi %add3A_394, %add3A_405 : i32
      %swap3A_407 = arith.index_cast %add3A_406 : i32 to index
      %swap3A_408 = tpu.vector_load %arg10[%swap3A_407] {strides = array<i32>} : memref<8192xf32, #tpu.memory_space<vmem>>, vector<16xf32>,
      tpu.vector_store %arg10[%swap3A_407], %add3A_404 {strides = array<i32>} : memref<8192xf32, #tpu.memory_space<vmem>>, vector<16xf32>,
      %add3A_409 = vector.broadcast %mul3A_272 : i32 to vector<16xi32>
      %add3A_410 = arith.addi %get3A_28, %add3A_409 : vector<16xi32>
      %gather3A_411 = tpu.vector_load_idx %arg6[%add3A_410] : memref<2576xf32, #tpu.memory_space<vmem>>[vector<16xi32>], vector<16xf32>,
      %add3A_412 = arith.constant 256 : i32
      %add3A_413 = arith.addi %add3A_394, %add3A_412 : i32
      %swap3A_414 = arith.index_cast %add3A_413 : i32 to index
      %swap3A_415 = tpu.vector_load %arg10[%swap3A_414] {strides = array<i32>} : memref<8192xf32, #tpu.memory_space<vmem>>, vector<16xf32>,
      tpu.vector_store %arg10[%swap3A_414], %gather3A_411 {strides = array<i32>} : memref<8192xf32, #tpu.memory_space<vmem>>, vector<16xf32>,
      %add3A_416 = vector.broadcast %mul3A_272 : i32 to vector<16xi32>
      %add3A_417 = arith.addi %get3A_36, %add3A_416 : vector<16xi32>
      %gather3A_418 = tpu.vector_load_idx %arg6[%add3A_417] : memref<2576xf32, #tpu.memory_space<vmem>>[vector<16xi32>], vector<16xf32>,
      %add3A_419 = arith.constant 384 : i32
      %add3A_420 = arith.addi %add3A_394, %add3A_419 : i32
      %swap3A_421 = arith.index_cast %add3A_420 : i32 to index
      %swap3A_422 = tpu.vector_load %arg10[%swap3A_421] {strides = array<i32>} : memref<8192xf32, #tpu.memory_space<vmem>>, vector<16xf32>,
      tpu.vector_store %arg10[%swap3A_421], %gather3A_418 {strides = array<i32>} : memref<8192xf32, #tpu.memory_space<vmem>>, vector<16xf32>,
      %add3A_423 = vector.broadcast %mul3A_272 : i32 to vector<16xi32>
      %add3A_424 = arith.addi %get3A_44, %add3A_423 : vector<16xi32>
      %gather3A_425 = tpu.vector_load_idx %arg6[%add3A_424] : memref<2576xf32, #tpu.memory_space<vmem>>[vector<16xi32>], vector<16xf32>,
      %add3A_426 = vector.broadcast %mul3A_272 : i32 to vector<16xi32>
      %add3A_427 = arith.addi %get3A_52, %add3A_426 : vector<16xi32>
      %gather3A_428 = tpu.vector_load_idx %arg6[%add3A_427] : memref<2576xf32, #tpu.memory_space<vmem>>[vector<16xi32>], vector<16xf32>,
      %mul3A_429 = arith.mulf %gather3A_425, %div3A_293 : vector<16xf32>
      %add3A_430 = arith.constant 512 : i32
      %add3A_431 = arith.addi %add3A_394, %add3A_430 : i32
      %swap3A_432 = arith.index_cast %add3A_431 : i32 to index
      %swap3A_433 = tpu.vector_load %arg10[%swap3A_432] {strides = array<i32>} : memref<8192xf32, #tpu.memory_space<vmem>>, vector<16xf32>,
      tpu.vector_store %arg10[%swap3A_432], %mul3A_429 {strides = array<i32>} : memref<8192xf32, #tpu.memory_space<vmem>>, vector<16xf32>,
      %mul3A_434 = arith.mulf %gather3A_428, %div3A_299 : vector<16xf32>
      %add3A_435 = arith.constant 640 : i32
      %add3A_436 = arith.addi %add3A_394, %add3A_435 : i32
      %swap3A_437 = arith.index_cast %add3A_436 : i32 to index
      %swap3A_438 = tpu.vector_load %arg10[%swap3A_437] {strides = array<i32>} : memref<8192xf32, #tpu.memory_space<vmem>>, vector<16xf32>,
      tpu.vector_store %arg10[%swap3A_437], %mul3A_434 {strides = array<i32>} : memref<8192xf32, #tpu.memory_space<vmem>>, vector<16xf32>,
      %add3A_439 = arith.constant 768 : i32
      %add3A_440 = arith.addi %add3A_394, %add3A_439 : i32
      %swap3A_441 = arith.index_cast %add3A_440 : i32 to index
      %swap3A_442 = tpu.vector_load %arg10[%swap3A_441] {strides = array<i32>} : memref<8192xf32, #tpu.memory_space<vmem>>, vector<16xf32>,
      tpu.vector_store %arg10[%swap3A_441], %broadcast_in_dim3A_6 {strides = array<i32>} : memref<8192xf32, #tpu.memory_space<vmem>>, vector<16xf32>,
      %add3A_443 = arith.constant 896 : i32
      %add3A_444 = arith.addi %add3A_394, %add3A_443 : i32
      %swap3A_445 = arith.index_cast %add3A_444 : i32 to index
      %swap3A_446 = tpu.vector_load %arg10[%swap3A_445] {strides = array<i32>} : memref<8192xf32, #tpu.memory_space<vmem>>, vector<16xf32>,
      tpu.vector_store %arg10[%swap3A_445], %broadcast_in_dim3A_6 {strides = array<i32>} : memref<8192xf32, #tpu.memory_space<vmem>>, vector<16xf32>,
      %add3A_447 = arith.constant 32 : i32
      %add3A_448 = arith.addi %add3A_335, %add3A_447 : i32
      %add3A_449 = vector.broadcast %mul3A_272 : i32 to vector<16xi32>
      %add3A_450 = arith.addi %get3A_14, %add3A_449 : vector<16xi32>
      %gather3A_451 = tpu.vector_load_idx %arg6[%add3A_450] : memref<2576xf32, #tpu.memory_space<vmem>>[vector<16xi32>], vector<16xf32>,
      %add3A_452 = vector.broadcast %mul3A_272 : i32 to vector<16xi32>
      %add3A_453 = arith.addi %get3A_22, %add3A_452 : vector<16xi32>
      %gather3A_454 = tpu.vector_load_idx %arg6[%add3A_453] : memref<2576xf32, #tpu.memory_space<vmem>>[vector<16xi32>], vector<16xf32>,
      %add3A_455 = arith.addf %gather3A_451, %gather3A_284 : vector<16xf32>
      %swap3A_456 = arith.index_cast %add3A_448 : i32 to index
      %swap3A_457 = tpu.vector_load %arg10[%swap3A_456] {strides = array<i32>} : memref<8192xf32, #tpu.memory_space<vmem>>, vector<16xf32>,
      tpu.vector_store %arg10[%swap3A_456], %add3A_455 {strides = array<i32>} : memref<8192xf32, #tpu.memory_space<vmem>>, vector<16xf32>,
      %add3A_458 = arith.addf %gather3A_454, %gather3A_288 : vector<16xf32>
      %add3A_459 = arith.constant 128 : i32
      %add3A_460 = arith.addi %add3A_448, %add3A_459 : i32
      %swap3A_461 = arith.index_cast %add3A_460 : i32 to index
      %swap3A_462 = tpu.vector_load %arg10[%swap3A_461] {strides = array<i32>} : memref<8192xf32, #tpu.memory_space<vmem>>, vector<16xf32>,
      tpu.vector_store %arg10[%swap3A_461], %add3A_458 {strides = array<i32>} : memref<8192xf32, #tpu.memory_space<vmem>>, vector<16xf32>,
      %add3A_463 = vector.broadcast %mul3A_272 : i32 to vector<16xi32>
      %add3A_464 = arith.addi %get3A_30, %add3A_463 : vector<16xi32>
      %gather3A_465 = tpu.vector_load_idx %arg6[%add3A_464] : memref<2576xf32, #tpu.memory_space<vmem>>[vector<16xi32>], vector<16xf32>,
      %add3A_466 = arith.constant 256 : i32
      %add3A_467 = arith.addi %add3A_448, %add3A_466 : i32
      %swap3A_468 = arith.index_cast %add3A_467 : i32 to index
      %swap3A_469 = tpu.vector_load %arg10[%swap3A_468] {strides = array<i32>} : memref<8192xf32, #tpu.memory_space<vmem>>, vector<16xf32>,
      tpu.vector_store %arg10[%swap3A_468], %gather3A_465 {strides = array<i32>} : memref<8192xf32, #tpu.memory_space<vmem>>, vector<16xf32>,
      %add3A_470 = vector.broadcast %mul3A_272 : i32 to vector<16xi32>
      %add3A_471 = arith.addi %get3A_38, %add3A_470 : vector<16xi32>
      %gather3A_472 = tpu.vector_load_idx %arg6[%add3A_471] : memref<2576xf32, #tpu.memory_space<vmem>>[vector<16xi32>], vector<16xf32>,
      %add3A_473 = arith.constant 384 : i32
      %add3A_474 = arith.addi %add3A_448, %add3A_473 : i32
      %swap3A_475 = arith.index_cast %add3A_474 : i32 to index
      %swap3A_476 = tpu.vector_load %arg10[%swap3A_475] {strides = array<i32>} : memref<8192xf32, #tpu.memory_space<vmem>>, vector<16xf32>,
      tpu.vector_store %arg10[%swap3A_475], %gather3A_472 {strides = array<i32>} : memref<8192xf32, #tpu.memory_space<vmem>>, vector<16xf32>,
      %add3A_477 = vector.broadcast %mul3A_272 : i32 to vector<16xi32>
      %add3A_478 = arith.addi %get3A_46, %add3A_477 : vector<16xi32>
      %gather3A_479 = tpu.vector_load_idx %arg6[%add3A_478] : memref<2576xf32, #tpu.memory_space<vmem>>[vector<16xi32>], vector<16xf32>,
      %add3A_480 = vector.broadcast %mul3A_272 : i32 to vector<16xi32>
      %add3A_481 = arith.addi %get3A_54, %add3A_480 : vector<16xi32>
      %gather3A_482 = tpu.vector_load_idx %arg6[%add3A_481] : memref<2576xf32, #tpu.memory_space<vmem>>[vector<16xi32>], vector<16xf32>,
      %mul3A_483 = arith.mulf %gather3A_479, %div3A_293 : vector<16xf32>
      %add3A_484 = arith.constant 512 : i32
      %add3A_485 = arith.addi %add3A_448, %add3A_484 : i32
      %swap3A_486 = arith.index_cast %add3A_485 : i32 to index
      %swap3A_487 = tpu.vector_load %arg10[%swap3A_486] {strides = array<i32>} : memref<8192xf32, #tpu.memory_space<vmem>>, vector<16xf32>,
      tpu.vector_store %arg10[%swap3A_486], %mul3A_483 {strides = array<i32>} : memref<8192xf32, #tpu.memory_space<vmem>>, vector<16xf32>,
      %mul3A_488 = arith.mulf %gather3A_482, %div3A_299 : vector<16xf32>
      %add3A_489 = arith.constant 640 : i32
      %add3A_490 = arith.addi %add3A_448, %add3A_489 : i32
      %swap3A_491 = arith.index_cast %add3A_490 : i32 to index
      %swap3A_492 = tpu.vector_load %arg10[%swap3A_491] {strides = array<i32>} : memref<8192xf32, #tpu.memory_space<vmem>>, vector<16xf32>,
      tpu.vector_store %arg10[%swap3A_491], %mul3A_488 {strides = array<i32>} : memref<8192xf32, #tpu.memory_space<vmem>>, vector<16xf32>,
      %add3A_493 = arith.constant 768 : i32
      %add3A_494 = arith.addi %add3A_448, %add3A_493 : i32
      %swap3A_495 = arith.index_cast %add3A_494 : i32 to index
      %swap3A_496 = tpu.vector_load %arg10[%swap3A_495] {strides = array<i32>} : memref<8192xf32, #tpu.memory_space<vmem>>, vector<16xf32>,
      tpu.vector_store %arg10[%swap3A_495], %get3A_5 {strides = array<i32>} : memref<8192xf32, #tpu.memory_space<vmem>>, vector<16xf32>,
      %add3A_497 = vector.broadcast %mul3A_272 : i32 to vector<16xi32>
      %add3A_498 = arith.addi %get3A_62, %add3A_497 : vector<16xi32>
      %gather3A_499 = tpu.vector_load_idx %arg6[%add3A_498] : memref<2576xf32, #tpu.memory_space<vmem>>[vector<16xi32>], vector<16xf32>,
      %mul3A_500 = arith.mulf %gather3A_499, %get3A_1 : vector<16xf32>
      %add3A_501 = arith.constant 896 : i32
      %add3A_502 = arith.addi %add3A_448, %add3A_501 : i32
      %swap3A_503 = arith.index_cast %add3A_502 : i32 to index
      %swap3A_504 = tpu.vector_load %arg10[%swap3A_503] {strides = array<i32>} : memref<8192xf32, #tpu.memory_space<vmem>>, vector<16xf32>,
      tpu.vector_store %arg10[%swap3A_503], %mul3A_500 {strides = array<i32>} : memref<8192xf32, #tpu.memory_space<vmem>>, vector<16xf32>,
      %add3A_505 = arith.constant 48 : i32
      %add3A_506 = arith.addi %add3A_335, %add3A_505 : i32
      %add3A_507 = vector.broadcast %mul3A_272 : i32 to vector<16xi32>
      %add3A_508 = arith.addi %get3A_16, %add3A_507 : vector<16xi32>
      %gather3A_509 = tpu.vector_load_idx %arg6[%add3A_508] : memref<2576xf32, #tpu.memory_space<vmem>>[vector<16xi32>], vector<16xf32>,
      %add3A_510 = vector.broadcast %mul3A_272 : i32 to vector<16xi32>
      %add3A_511 = arith.addi %get3A_24, %add3A_510 : vector<16xi32>
      %gather3A_512 = tpu.vector_load_idx %arg6[%add3A_511] : memref<2576xf32, #tpu.memory_space<vmem>>[vector<16xi32>], vector<16xf32>,
      %add3A_513 = arith.addf %gather3A_509, %gather3A_284 : vector<16xf32>
      %swap3A_514 = arith.index_cast %add3A_506 : i32 to index
      %swap3A_515 = tpu.vector_load %arg10[%swap3A_514] {strides = array<i32>} : memref<8192xf32, #tpu.memory_space<vmem>>, vector<16xf32>,
      tpu.vector_store %arg10[%swap3A_514], %add3A_513 {strides = array<i32>} : memref<8192xf32, #tpu.memory_space<vmem>>, vector<16xf32>,
      %add3A_516 = arith.addf %gather3A_512, %gather3A_288 : vector<16xf32>
      %add3A_517 = arith.constant 128 : i32
      %add3A_518 = arith.addi %add3A_506, %add3A_517 : i32
      %swap3A_519 = arith.index_cast %add3A_518 : i32 to index
      %swap3A_520 = tpu.vector_load %arg10[%swap3A_519] {strides = array<i32>} : memref<8192xf32, #tpu.memory_space<vmem>>, vector<16xf32>,
      tpu.vector_store %arg10[%swap3A_519], %add3A_516 {strides = array<i32>} : memref<8192xf32, #tpu.memory_space<vmem>>, vector<16xf32>,
      %add3A_521 = vector.broadcast %mul3A_272 : i32 to vector<16xi32>
      %add3A_522 = arith.addi %get3A_32, %add3A_521 : vector<16xi32>
      %gather3A_523 = tpu.vector_load_idx %arg6[%add3A_522] : memref<2576xf32, #tpu.memory_space<vmem>>[vector<16xi32>], vector<16xf32>,
      %add3A_524 = arith.constant 256 : i32
      %add3A_525 = arith.addi %add3A_506, %add3A_524 : i32
      %swap3A_526 = arith.index_cast %add3A_525 : i32 to index
      %swap3A_527 = tpu.vector_load %arg10[%swap3A_526] {strides = array<i32>} : memref<8192xf32, #tpu.memory_space<vmem>>, vector<16xf32>,
      tpu.vector_store %arg10[%swap3A_526], %gather3A_523 {strides = array<i32>} : memref<8192xf32, #tpu.memory_space<vmem>>, vector<16xf32>,
      %add3A_528 = vector.broadcast %mul3A_272 : i32 to vector<16xi32>
      %add3A_529 = arith.addi %get3A_40, %add3A_528 : vector<16xi32>
      %gather3A_530 = tpu.vector_load_idx %arg6[%add3A_529] : memref<2576xf32, #tpu.memory_space<vmem>>[vector<16xi32>], vector<16xf32>,
      %add3A_531 = arith.constant 384 : i32
      %add3A_532 = arith.addi %add3A_506, %add3A_531 : i32
      %swap3A_533 = arith.index_cast %add3A_532 : i32 to index
      %swap3A_534 = tpu.vector_load %arg10[%swap3A_533] {strides = array<i32>} : memref<8192xf32, #tpu.memory_space<vmem>>, vector<16xf32>,
      tpu.vector_store %arg10[%swap3A_533], %gather3A_530 {strides = array<i32>} : memref<8192xf32, #tpu.memory_space<vmem>>, vector<16xf32>,
      %add3A_535 = vector.broadcast %mul3A_272 : i32 to vector<16xi32>
      %add3A_536 = arith.addi %get3A_48, %add3A_535 : vector<16xi32>
      %gather3A_537 = tpu.vector_load_idx %arg6[%add3A_536] : memref<2576xf32, #tpu.memory_space<vmem>>[vector<16xi32>], vector<16xf32>,
      %add3A_538 = vector.broadcast %mul3A_272 : i32 to vector<16xi32>
      %add3A_539 = arith.addi %get3A_56, %add3A_538 : vector<16xi32>
      %gather3A_540 = tpu.vector_load_idx %arg6[%add3A_539] : memref<2576xf32, #tpu.memory_space<vmem>>[vector<16xi32>], vector<16xf32>,
      %mul3A_541 = arith.mulf %gather3A_537, %div3A_293 : vector<16xf32>
      %add3A_542 = arith.constant 512 : i32
      %add3A_543 = arith.addi %add3A_506, %add3A_542 : i32
      %swap3A_544 = arith.index_cast %add3A_543 : i32 to index
      %swap3A_545 = tpu.vector_load %arg10[%swap3A_544] {strides = array<i32>} : memref<8192xf32, #tpu.memory_space<vmem>>, vector<16xf32>,
      tpu.vector_store %arg10[%swap3A_544], %mul3A_541 {strides = array<i32>} : memref<8192xf32, #tpu.memory_space<vmem>>, vector<16xf32>,
      %mul3A_546 = arith.mulf %gather3A_540, %div3A_299 : vector<16xf32>
      %add3A_547 = arith.constant 640 : i32
      %add3A_548 = arith.addi %add3A_506, %add3A_547 : i32
      %swap3A_549 = arith.index_cast %add3A_548 : i32 to index
      %swap3A_550 = tpu.vector_load %arg10[%swap3A_549] {strides = array<i32>} : memref<8192xf32, #tpu.memory_space<vmem>>, vector<16xf32>,
      tpu.vector_store %arg10[%swap3A_549], %mul3A_546 {strides = array<i32>} : memref<8192xf32, #tpu.memory_space<vmem>>, vector<16xf32>,
      %add3A_551 = arith.constant 768 : i32
      %add3A_552 = arith.addi %add3A_506, %add3A_551 : i32
      %swap3A_553 = arith.index_cast %add3A_552 : i32 to index
      %swap3A_554 = tpu.vector_load %arg10[%swap3A_553] {strides = array<i32>} : memref<8192xf32, #tpu.memory_space<vmem>>, vector<16xf32>,
      tpu.vector_store %arg10[%swap3A_553], %broadcast_in_dim3A_8 {strides = array<i32>} : memref<8192xf32, #tpu.memory_space<vmem>>, vector<16xf32>,
      %add3A_555 = vector.broadcast %mul3A_272 : i32 to vector<16xi32>
      %add3A_556 = arith.addi %get3A_64, %add3A_555 : vector<16xi32>
      %gather3A_557 = tpu.vector_load_idx %arg6[%add3A_556] : memref<2576xf32, #tpu.memory_space<vmem>>[vector<16xi32>], vector<16xf32>,
      %add3A_558 = arith.constant 896 : i32
      %add3A_559 = arith.addi %add3A_506, %add3A_558 : i32
      %swap3A_560 = arith.index_cast %add3A_559 : i32 to index
      %swap3A_561 = tpu.vector_load %arg10[%swap3A_560] {strides = array<i32>} : memref<8192xf32, #tpu.memory_space<vmem>>, vector<16xf32>,
      tpu.vector_store %arg10[%swap3A_560], %gather3A_557 {strides = array<i32>} : memref<8192xf32, #tpu.memory_space<vmem>>, vector<16xf32>,
    }
    %scan3A_85 = arith.constant 16 : i32
    %mul3A_86 = arith.constant 64 : i32
    %mul3A_87 = arith.muli %add3A, %mul3A_86 : i32
    %add3A_88 = arith.constant 0 : i32
    %add3A_89 = arith.addi %mul3A_87, %add3A_88 : i32
    %mul3A_90 = arith.constant 1024 : i32
    %mul3A_91 = arith.muli %add3A_89, %mul3A_90 : i32
    %dma_start3A_92 = tpu.memref_slice %arg5[%mul3A_91] : memref<2097152xf32, #tpu.memory_space<hbm>> -> memref<8192xf32, #tpu.memory_space<hbm>>
    %dma_start3A_93 = tpu.memref_slice %arg5[%mul3A_91] : memref<2097152xf32, #tpu.memory_space<hbm>> -> memref<8192xf32, #tpu.memory_space<hbm>>
    tpu.enqueue_dma source(%arg10 : memref<8192xf32, #tpu.memory_space<vmem>>) target(%dma_start3A_93 : memref<8192xf32, #tpu.memory_space<hbm>>) target_semaphore(%arg14 : memref<!tpu.dma_semaphore, #tpu.memory_space<semaphore_mem>>)
    %mul3A_94 = arith.constant 128 : i32
    %mul3A_95 = arith.muli %add3A, %mul3A_94 : i32
    %add3A_96 = arith.constant 32 : i32
    %add3A_97 = arith.addi %mul3A_95, %add3A_96 : i32
    %mul3A_98 = arith.constant 161 : i32
    %mul3A_99 = arith.muli %add3A_97, %mul3A_98 : i32
    %dma_start3A_100 = tpu.memref_slice %arg2[%mul3A_99] : memref<659456xf32, #tpu.memory_space<hbm>> -> memref<2576xf32, #tpu.memory_space<hbm>>
    %dma_start3A_101 = tpu.memref_slice %arg2[%mul3A_99] : memref<659456xf32, #tpu.memory_space<hbm>> -> memref<2576xf32, #tpu.memory_space<hbm>>
    tpu.enqueue_dma source(%dma_start3A_101 : memref<2576xf32, #tpu.memory_space<hbm>>) target(%arg6 : memref<2576xf32, #tpu.memory_space<vmem>>) target_semaphore(%arg12 : memref<!tpu.dma_semaphore, #tpu.memory_space<semaphore_mem>>)
    %dma_wait3A_102 = tpu.memref_slice %arg2[%mul3A_77] : memref<659456xf32, #tpu.memory_space<hbm>> -> memref<2576xf32, #tpu.memory_space<hbm>>
    %dma_wait3A_103 = tpu.memref_slice %arg2[%mul3A_77] : memref<659456xf32, #tpu.memory_space<hbm>> -> memref<2576xf32, #tpu.memory_space<hbm>>
    tpu.wait_dma2 semaphore(%arg13 : memref<!tpu.dma_semaphore, #tpu.memory_space<semaphore_mem>>) src(%dma_wait3A_103 : memref<2576xf32, #tpu.memory_space<hbm>>) dst(%arg7 : memref<2576xf32, #tpu.memory_space<vmem>>)
    %scan3A_104 = arith.constant 0 : i32
    %scan3A_105 = arith.constant 0 : i32
    %scan3A_106 = arith.constant 16 : i32
    %scan3A_107 = arith.addi %scan3A_105, %scan3A_106 : i32
    %scan3A_108 = arith.constant 1 : i32
    scf.for %scan3A_270 = %scan3A_105 to %scan3A_107 step %scan3A_108  : i32 {
      %mul3A_271 = arith.constant 161 : i32
      %mul3A_272 = arith.muli %scan3A_270, %mul3A_271 : i32
      %broadcast_in_dim3A_273 = arith.constant 0 : i32
      %broadcast_in_dim3A_274 = vector.broadcast %broadcast_in_dim3A_273 : i32 to vector<16xi32>
      %add3A_275 = vector.broadcast %mul3A_272 : i32 to vector<16xi32>
      %add3A_276 = arith.addi %broadcast_in_dim3A_274, %add3A_275 : vector<16xi32>
      %gather3A = tpu.vector_load_idx %arg7[%add3A_276] : memref<2576xf32, #tpu.memory_space<vmem>>[vector<16xi32>], vector<16xf32>,
      %add3A_277 = arith.constant 1 : i32
      %add3A_278 = vector.broadcast %add3A_277 : i32 to vector<16xi32>
      %add3A_279 = arith.addi %add3A_276, %add3A_278 : vector<16xi32>
      %gather3A_280 = tpu.vector_load_idx %arg7[%add3A_279] : memref<2576xf32, #tpu.memory_space<vmem>>[vector<16xi32>], vector<16xf32>,
      %add3A_281 = arith.constant 2 : i32
      %add3A_282 = vector.broadcast %add3A_281 : i32 to vector<16xi32>
      %add3A_283 = arith.addi %add3A_276, %add3A_282 : vector<16xi32>
      %gather3A_284 = tpu.vector_load_idx %arg7[%add3A_283] : memref<2576xf32, #tpu.memory_space<vmem>>[vector<16xi32>], vector<16xf32>,
      %add3A_285 = arith.constant 3 : i32
      %add3A_286 = vector.broadcast %add3A_285 : i32 to vector<16xi32>
      %add3A_287 = arith.addi %add3A_276, %add3A_286 : vector<16xi32>
      %gather3A_288 = tpu.vector_load_idx %arg7[%add3A_287] : memref<2576xf32, #tpu.memory_space<vmem>>[vector<16xi32>], vector<16xf32>,
      %add3A_289 = arith.constant 1.000000e-03 : f32
      %add3A_290 = vector.broadcast %add3A_289 : f32 to vector<16xf32>
      %add3A_291 = arith.addf %add3A_290, %gather3A : vector<16xf32>
      %div3A = arith.constant 1.000000e+00 : f32
      %div3A_292 = vector.broadcast %div3A : f32 to vector<16xf32>
      %div3A_293 = arith.divf %div3A_292, %add3A_291 : vector<16xf32>
      %add3A_294 = arith.constant 1.000000e-03 : f32
      %add3A_295 = vector.broadcast %add3A_294 : f32 to vector<16xf32>
      %add3A_296 = arith.addf %add3A_295, %gather3A_280 : vector<16xf32>
      %div3A_297 = arith.constant 1.000000e+00 : f32
      %div3A_298 = vector.broadcast %div3A_297 : f32 to vector<16xf32>
      %div3A_299 = arith.divf %div3A_298, %add3A_296 : vector<16xf32>
      %jit3A = arith.constant 2 : i32
      %div3A_300 = arith.divsi %scan3A_270, %jit3A : i32
      %sign3A = arith.constant 0 : i32
      %sign3A_301 = arith.cmpi sgt, %scan3A_270, %sign3A : i32
      %sign3A_302 = arith.extui %sign3A_301 : i1 to i32
      %sign3A_303 = arith.constant 0 : i32
      %sign3A_304 = arith.cmpi slt, %scan3A_270, %sign3A_303 : i32
      %sign3A_305 = arith.extui %sign3A_304 : i1 to i32
      %sign3A_306 = arith.subi %sign3A_302, %sign3A_305 : i32
      %sign3A_307 = arith.constant 0 : i32
      %sign3A_308 = arith.cmpi sgt, %jit3A, %sign3A_307 : i32
      %sign3A_309 = arith.extui %sign3A_308 : i1 to i32
      %sign3A_310 = arith.constant 0 : i32
      %sign3A_311 = arith.cmpi slt, %jit3A, %sign3A_310 : i32
      %sign3A_312 = arith.extui %sign3A_311 : i1 to i32
      %sign3A_313 = arith.subi %sign3A_309, %sign3A_312 : i32
      %ne3A = arith.cmpi ne, %sign3A_306, %sign3A_313 : i32
      %rem3A = arith.remsi %scan3A_270, %jit3A : i32
      %ne3A_314 = arith.constant 0 : i32
      %ne3A_315 = arith.cmpi ne, %rem3A, %ne3A_314 : i32
      %and3A = arith.andi %ne3A, %ne3A_315 : i1
      %sub3A = arith.constant 1 : i32
      %sub3A_316 = arith.subi %div3A_300, %sub3A : i32
      %select_n3A = arith.select %and3A, %sub3A_316, %div3A_300 : i32
      %mul3A_317 = arith.constant 1024 : i32
      %mul3A_318 = arith.muli %select_n3A, %mul3A_317 : i32
      %jit3A_319 = arith.constant 2 : i32
      %eq3A = arith.constant 0 : i32
      %eq3A_320 = arith.cmpi eq, %jit3A_319, %eq3A : i32
      %jit3A_321 = arith.constant 1 : i32
      %select_n3A_322 = arith.select %eq3A_320, %jit3A_321, %jit3A_319 : i32
      %rem3A_323 = arith.remsi %scan3A_270, %select_n3A_322 : i32
      %ne3A_324 = arith.constant 0 : i32
      %ne3A_325 = arith.cmpi ne, %rem3A_323, %ne3A_324 : i32
      %lt3A = arith.constant 0 : i32
      %lt3A_326 = arith.cmpi slt, %rem3A_323, %lt3A : i32
      %lt3A_327 = arith.constant 0 : i32
      %lt3A_328 = arith.cmpi slt, %select_n3A_322, %lt3A_327 : i32
      %ne3A_329 = arith.xori %lt3A_326, %lt3A_328 : i1
      %and3A_330 = arith.andi %ne3A_329, %ne3A_325 : i1
      %add3A_331 = arith.addi %rem3A_323, %select_n3A_322 : i32
      %select_n3A_332 = arith.select %and3A_330, %add3A_331, %rem3A_323 : i32
      %mul3A_333 = arith.constant 64 : i32
      %mul3A_334 = arith.muli %select_n3A_332, %mul3A_333 : i32
      %add3A_335 = arith.addi %mul3A_318, %mul3A_334 : i32
      %add3A_336 = arith.constant 0 : i32
      %add3A_337 = arith.addi %add3A_335, %add3A_336 : i32
      %add3A_338 = vector.broadcast %mul3A_272 : i32 to vector<16xi32>
      %add3A_339 = arith.addi %get3A_10, %add3A_338 : vector<16xi32>
      %gather3A_340 = tpu.vector_load_idx %arg7[%add3A_339] : memref<2576xf32, #tpu.memory_space<vmem>>[vector<16xi32>], vector<16xf32>,
      %add3A_341 = vector.broadcast %mul3A_272 : i32 to vector<16xi32>
      %add3A_342 = arith.addi %get3A_18, %add3A_341 : vector<16xi32>
      %gather3A_343 = tpu.vector_load_idx %arg7[%add3A_342] : memref<2576xf32, #tpu.memory_space<vmem>>[vector<16xi32>], vector<16xf32>,
      %mul3A_344 = arith.mulf %gather3A_340, %get3A_1 : vector<16xf32>
      %mul3A_345 = arith.mulf %gather3A_343, %get3A_1 : vector<16xf32>
      %add3A_346 = arith.addf %mul3A_344, %gather3A_284 : vector<16xf32>
      %swap3A = arith.index_cast %add3A_337 : i32 to index
      %swap3A_347 = tpu.vector_load %arg11[%swap3A] {strides = array<i32>} : memref<8192xf32, #tpu.memory_space<vmem>>, vector<16xf32>,
      tpu.vector_store %arg11[%swap3A], %add3A_346 {strides = array<i32>} : memref<8192xf32, #tpu.memory_space<vmem>>, vector<16xf32>,
      %add3A_348 = arith.addf %mul3A_345, %gather3A_288 : vector<16xf32>
      %add3A_349 = arith.constant 128 : i32
      %add3A_350 = arith.addi %add3A_337, %add3A_349 : i32
      %swap3A_351 = arith.index_cast %add3A_350 : i32 to index
      %swap3A_352 = tpu.vector_load %arg11[%swap3A_351] {strides = array<i32>} : memref<8192xf32, #tpu.memory_space<vmem>>, vector<16xf32>,
      tpu.vector_store %arg11[%swap3A_351], %add3A_348 {strides = array<i32>} : memref<8192xf32, #tpu.memory_space<vmem>>, vector<16xf32>,
      %add3A_353 = vector.broadcast %mul3A_272 : i32 to vector<16xi32>
      %add3A_354 = arith.addi %get3A_26, %add3A_353 : vector<16xi32>
      %gather3A_355 = tpu.vector_load_idx %arg7[%add3A_354] : memref<2576xf32, #tpu.memory_space<vmem>>[vector<16xi32>], vector<16xf32>,
      %add3A_356 = arith.constant 256 : i32
      %add3A_357 = arith.addi %add3A_337, %add3A_356 : i32
      %swap3A_358 = arith.index_cast %add3A_357 : i32 to index
      %swap3A_359 = tpu.vector_load %arg11[%swap3A_358] {strides = array<i32>} : memref<8192xf32, #tpu.memory_space<vmem>>, vector<16xf32>,
      tpu.vector_store %arg11[%swap3A_358], %gather3A_355 {strides = array<i32>} : memref<8192xf32, #tpu.memory_space<vmem>>, vector<16xf32>,
      %add3A_360 = vector.broadcast %mul3A_272 : i32 to vector<16xi32>
      %add3A_361 = arith.addi %get3A_34, %add3A_360 : vector<16xi32>
      %gather3A_362 = tpu.vector_load_idx %arg7[%add3A_361] : memref<2576xf32, #tpu.memory_space<vmem>>[vector<16xi32>], vector<16xf32>,
      %add3A_363 = arith.constant 384 : i32
      %add3A_364 = arith.addi %add3A_337, %add3A_363 : i32
      %swap3A_365 = arith.index_cast %add3A_364 : i32 to index
      %swap3A_366 = tpu.vector_load %arg11[%swap3A_365] {strides = array<i32>} : memref<8192xf32, #tpu.memory_space<vmem>>, vector<16xf32>,
      tpu.vector_store %arg11[%swap3A_365], %gather3A_362 {strides = array<i32>} : memref<8192xf32, #tpu.memory_space<vmem>>, vector<16xf32>,
      %add3A_367 = vector.broadcast %mul3A_272 : i32 to vector<16xi32>
      %add3A_368 = arith.addi %get3A_42, %add3A_367 : vector<16xi32>
      %gather3A_369 = tpu.vector_load_idx %arg7[%add3A_368] : memref<2576xf32, #tpu.memory_space<vmem>>[vector<16xi32>], vector<16xf32>,
      %add3A_370 = vector.broadcast %mul3A_272 : i32 to vector<16xi32>
      %add3A_371 = arith.addi %get3A_50, %add3A_370 : vector<16xi32>
      %gather3A_372 = tpu.vector_load_idx %arg7[%add3A_371] : memref<2576xf32, #tpu.memory_space<vmem>>[vector<16xi32>], vector<16xf32>,
      %mul3A_373 = arith.mulf %gather3A_369, %get3A_1 : vector<16xf32>
      %mul3A_374 = arith.mulf %gather3A_372, %get3A_1 : vector<16xf32>
      %mul3A_375 = arith.mulf %mul3A_373, %div3A_293 : vector<16xf32>
      %add3A_376 = arith.constant 512 : i32
      %add3A_377 = arith.addi %add3A_337, %add3A_376 : i32
      %swap3A_378 = arith.index_cast %add3A_377 : i32 to index
      %swap3A_379 = tpu.vector_load %arg11[%swap3A_378] {strides = array<i32>} : memref<8192xf32, #tpu.memory_space<vmem>>, vector<16xf32>,
      tpu.vector_store %arg11[%swap3A_378], %mul3A_375 {strides = array<i32>} : memref<8192xf32, #tpu.memory_space<vmem>>, vector<16xf32>,
      %mul3A_380 = arith.mulf %mul3A_374, %div3A_299 : vector<16xf32>
      %add3A_381 = arith.constant 640 : i32
      %add3A_382 = arith.addi %add3A_337, %add3A_381 : i32
      %swap3A_383 = arith.index_cast %add3A_382 : i32 to index
      %swap3A_384 = tpu.vector_load %arg11[%swap3A_383] {strides = array<i32>} : memref<8192xf32, #tpu.memory_space<vmem>>, vector<16xf32>,
      tpu.vector_store %arg11[%swap3A_383], %mul3A_380 {strides = array<i32>} : memref<8192xf32, #tpu.memory_space<vmem>>, vector<16xf32>,
      %add3A_385 = arith.constant 768 : i32
      %add3A_386 = arith.addi %add3A_337, %add3A_385 : i32
      %swap3A_387 = arith.index_cast %add3A_386 : i32 to index
      %swap3A_388 = tpu.vector_load %arg11[%swap3A_387] {strides = array<i32>} : memref<8192xf32, #tpu.memory_space<vmem>>, vector<16xf32>,
      tpu.vector_store %arg11[%swap3A_387], %get3A_3 {strides = array<i32>} : memref<8192xf32, #tpu.memory_space<vmem>>, vector<16xf32>,
      %add3A_389 = arith.constant 896 : i32
      %add3A_390 = arith.addi %add3A_337, %add3A_389 : i32
      %swap3A_391 = arith.index_cast %add3A_390 : i32 to index
      %swap3A_392 = tpu.vector_load %arg11[%swap3A_391] {strides = array<i32>} : memref<8192xf32, #tpu.memory_space<vmem>>, vector<16xf32>,
      tpu.vector_store %arg11[%swap3A_391], %broadcast_in_dim3A_6 {strides = array<i32>} : memref<8192xf32, #tpu.memory_space<vmem>>, vector<16xf32>,
      %add3A_393 = arith.constant 16 : i32
      %add3A_394 = arith.addi %add3A_335, %add3A_393 : i32
      %add3A_395 = vector.broadcast %mul3A_272 : i32 to vector<16xi32>
      %add3A_396 = arith.addi %get3A_12, %add3A_395 : vector<16xi32>
      %gather3A_397 = tpu.vector_load_idx %arg7[%add3A_396] : memref<2576xf32, #tpu.memory_space<vmem>>[vector<16xi32>], vector<16xf32>,
      %add3A_398 = vector.broadcast %mul3A_272 : i32 to vector<16xi32>
      %add3A_399 = arith.addi %get3A_20, %add3A_398 : vector<16xi32>
      %gather3A_400 = tpu.vector_load_idx %arg7[%add3A_399] : memref<2576xf32, #tpu.memory_space<vmem>>[vector<16xi32>], vector<16xf32>,
      %add3A_401 = arith.addf %gather3A_397, %gather3A_284 : vector<16xf32>
      %swap3A_402 = arith.index_cast %add3A_394 : i32 to index
      %swap3A_403 = tpu.vector_load %arg11[%swap3A_402] {strides = array<i32>} : memref<8192xf32, #tpu.memory_space<vmem>>, vector<16xf32>,
      tpu.vector_store %arg11[%swap3A_402], %add3A_401 {strides = array<i32>} : memref<8192xf32, #tpu.memory_space<vmem>>, vector<16xf32>,
      %add3A_404 = arith.addf %gather3A_400, %gather3A_288 : vector<16xf32>
      %add3A_405 = arith.constant 128 : i32
      %add3A_406 = arith.addi %add3A_394, %add3A_405 : i32
      %swap3A_407 = arith.index_cast %add3A_406 : i32 to index
      %swap3A_408 = tpu.vector_load %arg11[%swap3A_407] {strides = array<i32>} : memref<8192xf32, #tpu.memory_space<vmem>>, vector<16xf32>,
      tpu.vector_store %arg11[%swap3A_407], %add3A_404 {strides = array<i32>} : memref<8192xf32, #tpu.memory_space<vmem>>, vector<16xf32>,
      %add3A_409 = vector.broadcast %mul3A_272 : i32 to vector<16xi32>
      %add3A_410 = arith.addi %get3A_28, %add3A_409 : vector<16xi32>
      %gather3A_411 = tpu.vector_load_idx %arg7[%add3A_410] : memref<2576xf32, #tpu.memory_space<vmem>>[vector<16xi32>], vector<16xf32>,
      %add3A_412 = arith.constant 256 : i32
      %add3A_413 = arith.addi %add3A_394, %add3A_412 : i32
      %swap3A_414 = arith.index_cast %add3A_413 : i32 to index
      %swap3A_415 = tpu.vector_load %arg11[%swap3A_414] {strides = array<i32>} : memref<8192xf32, #tpu.memory_space<vmem>>, vector<16xf32>,
      tpu.vector_store %arg11[%swap3A_414], %gather3A_411 {strides = array<i32>} : memref<8192xf32, #tpu.memory_space<vmem>>, vector<16xf32>,
      %add3A_416 = vector.broadcast %mul3A_272 : i32 to vector<16xi32>
      %add3A_417 = arith.addi %get3A_36, %add3A_416 : vector<16xi32>
      %gather3A_418 = tpu.vector_load_idx %arg7[%add3A_417] : memref<2576xf32, #tpu.memory_space<vmem>>[vector<16xi32>], vector<16xf32>,
      %add3A_419 = arith.constant 384 : i32
      %add3A_420 = arith.addi %add3A_394, %add3A_419 : i32
      %swap3A_421 = arith.index_cast %add3A_420 : i32 to index
      %swap3A_422 = tpu.vector_load %arg11[%swap3A_421] {strides = array<i32>} : memref<8192xf32, #tpu.memory_space<vmem>>, vector<16xf32>,
      tpu.vector_store %arg11[%swap3A_421], %gather3A_418 {strides = array<i32>} : memref<8192xf32, #tpu.memory_space<vmem>>, vector<16xf32>,
      %add3A_423 = vector.broadcast %mul3A_272 : i32 to vector<16xi32>
      %add3A_424 = arith.addi %get3A_44, %add3A_423 : vector<16xi32>
      %gather3A_425 = tpu.vector_load_idx %arg7[%add3A_424] : memref<2576xf32, #tpu.memory_space<vmem>>[vector<16xi32>], vector<16xf32>,
      %add3A_426 = vector.broadcast %mul3A_272 : i32 to vector<16xi32>
      %add3A_427 = arith.addi %get3A_52, %add3A_426 : vector<16xi32>
      %gather3A_428 = tpu.vector_load_idx %arg7[%add3A_427] : memref<2576xf32, #tpu.memory_space<vmem>>[vector<16xi32>], vector<16xf32>,
      %mul3A_429 = arith.mulf %gather3A_425, %div3A_293 : vector<16xf32>
      %add3A_430 = arith.constant 512 : i32
      %add3A_431 = arith.addi %add3A_394, %add3A_430 : i32
      %swap3A_432 = arith.index_cast %add3A_431 : i32 to index
      %swap3A_433 = tpu.vector_load %arg11[%swap3A_432] {strides = array<i32>} : memref<8192xf32, #tpu.memory_space<vmem>>, vector<16xf32>,
      tpu.vector_store %arg11[%swap3A_432], %mul3A_429 {strides = array<i32>} : memref<8192xf32, #tpu.memory_space<vmem>>, vector<16xf32>,
      %mul3A_434 = arith.mulf %gather3A_428, %div3A_299 : vector<16xf32>
      %add3A_435 = arith.constant 640 : i32
      %add3A_436 = arith.addi %add3A_394, %add3A_435 : i32
      %swap3A_437 = arith.index_cast %add3A_436 : i32 to index
      %swap3A_438 = tpu.vector_load %arg11[%swap3A_437] {strides = array<i32>} : memref<8192xf32, #tpu.memory_space<vmem>>, vector<16xf32>,
      tpu.vector_store %arg11[%swap3A_437], %mul3A_434 {strides = array<i32>} : memref<8192xf32, #tpu.memory_space<vmem>>, vector<16xf32>,
      %add3A_439 = arith.constant 768 : i32
      %add3A_440 = arith.addi %add3A_394, %add3A_439 : i32
      %swap3A_441 = arith.index_cast %add3A_440 : i32 to index
      %swap3A_442 = tpu.vector_load %arg11[%swap3A_441] {strides = array<i32>} : memref<8192xf32, #tpu.memory_space<vmem>>, vector<16xf32>,
      tpu.vector_store %arg11[%swap3A_441], %broadcast_in_dim3A_6 {strides = array<i32>} : memref<8192xf32, #tpu.memory_space<vmem>>, vector<16xf32>,
      %add3A_443 = arith.constant 896 : i32
      %add3A_444 = arith.addi %add3A_394, %add3A_443 : i32
      %swap3A_445 = arith.index_cast %add3A_444 : i32 to index
      %swap3A_446 = tpu.vector_load %arg11[%swap3A_445] {strides = array<i32>} : memref<8192xf32, #tpu.memory_space<vmem>>, vector<16xf32>,
      tpu.vector_store %arg11[%swap3A_445], %broadcast_in_dim3A_6 {strides = array<i32>} : memref<8192xf32, #tpu.memory_space<vmem>>, vector<16xf32>,
      %add3A_447 = arith.constant 32 : i32
      %add3A_448 = arith.addi %add3A_335, %add3A_447 : i32
      %add3A_449 = vector.broadcast %mul3A_272 : i32 to vector<16xi32>
      %add3A_450 = arith.addi %get3A_14, %add3A_449 : vector<16xi32>
      %gather3A_451 = tpu.vector_load_idx %arg7[%add3A_450] : memref<2576xf32, #tpu.memory_space<vmem>>[vector<16xi32>], vector<16xf32>,
      %add3A_452 = vector.broadcast %mul3A_272 : i32 to vector<16xi32>
      %add3A_453 = arith.addi %get3A_22, %add3A_452 : vector<16xi32>
      %gather3A_454 = tpu.vector_load_idx %arg7[%add3A_453] : memref<2576xf32, #tpu.memory_space<vmem>>[vector<16xi32>], vector<16xf32>,
      %add3A_455 = arith.addf %gather3A_451, %gather3A_284 : vector<16xf32>
      %swap3A_456 = arith.index_cast %add3A_448 : i32 to index
      %swap3A_457 = tpu.vector_load %arg11[%swap3A_456] {strides = array<i32>} : memref<8192xf32, #tpu.memory_space<vmem>>, vector<16xf32>,
      tpu.vector_store %arg11[%swap3A_456], %add3A_455 {strides = array<i32>} : memref<8192xf32, #tpu.memory_space<vmem>>, vector<16xf32>,
      %add3A_458 = arith.addf %gather3A_454, %gather3A_288 : vector<16xf32>
      %add3A_459 = arith.constant 128 : i32
      %add3A_460 = arith.addi %add3A_448, %add3A_459 : i32
      %swap3A_461 = arith.index_cast %add3A_460 : i32 to index
      %swap3A_462 = tpu.vector_load %arg11[%swap3A_461] {strides = array<i32>} : memref<8192xf32, #tpu.memory_space<vmem>>, vector<16xf32>,
      tpu.vector_store %arg11[%swap3A_461], %add3A_458 {strides = array<i32>} : memref<8192xf32, #tpu.memory_space<vmem>>, vector<16xf32>,
      %add3A_463 = vector.broadcast %mul3A_272 : i32 to vector<16xi32>
      %add3A_464 = arith.addi %get3A_30, %add3A_463 : vector<16xi32>
      %gather3A_465 = tpu.vector_load_idx %arg7[%add3A_464] : memref<2576xf32, #tpu.memory_space<vmem>>[vector<16xi32>], vector<16xf32>,
      %add3A_466 = arith.constant 256 : i32
      %add3A_467 = arith.addi %add3A_448, %add3A_466 : i32
      %swap3A_468 = arith.index_cast %add3A_467 : i32 to index
      %swap3A_469 = tpu.vector_load %arg11[%swap3A_468] {strides = array<i32>} : memref<8192xf32, #tpu.memory_space<vmem>>, vector<16xf32>,
      tpu.vector_store %arg11[%swap3A_468], %gather3A_465 {strides = array<i32>} : memref<8192xf32, #tpu.memory_space<vmem>>, vector<16xf32>,
      %add3A_470 = vector.broadcast %mul3A_272 : i32 to vector<16xi32>
      %add3A_471 = arith.addi %get3A_38, %add3A_470 : vector<16xi32>
      %gather3A_472 = tpu.vector_load_idx %arg7[%add3A_471] : memref<2576xf32, #tpu.memory_space<vmem>>[vector<16xi32>], vector<16xf32>,
      %add3A_473 = arith.constant 384 : i32
      %add3A_474 = arith.addi %add3A_448, %add3A_473 : i32
      %swap3A_475 = arith.index_cast %add3A_474 : i32 to index
      %swap3A_476 = tpu.vector_load %arg11[%swap3A_475] {strides = array<i32>} : memref<8192xf32, #tpu.memory_space<vmem>>, vector<16xf32>,
      tpu.vector_store %arg11[%swap3A_475], %gather3A_472 {strides = array<i32>} : memref<8192xf32, #tpu.memory_space<vmem>>, vector<16xf32>,
      %add3A_477 = vector.broadcast %mul3A_272 : i32 to vector<16xi32>
      %add3A_478 = arith.addi %get3A_46, %add3A_477 : vector<16xi32>
      %gather3A_479 = tpu.vector_load_idx %arg7[%add3A_478] : memref<2576xf32, #tpu.memory_space<vmem>>[vector<16xi32>], vector<16xf32>,
      %add3A_480 = vector.broadcast %mul3A_272 : i32 to vector<16xi32>
      %add3A_481 = arith.addi %get3A_54, %add3A_480 : vector<16xi32>
      %gather3A_482 = tpu.vector_load_idx %arg7[%add3A_481] : memref<2576xf32, #tpu.memory_space<vmem>>[vector<16xi32>], vector<16xf32>,
      %mul3A_483 = arith.mulf %gather3A_479, %div3A_293 : vector<16xf32>
      %add3A_484 = arith.constant 512 : i32
      %add3A_485 = arith.addi %add3A_448, %add3A_484 : i32
      %swap3A_486 = arith.index_cast %add3A_485 : i32 to index
      %swap3A_487 = tpu.vector_load %arg11[%swap3A_486] {strides = array<i32>} : memref<8192xf32, #tpu.memory_space<vmem>>, vector<16xf32>,
      tpu.vector_store %arg11[%swap3A_486], %mul3A_483 {strides = array<i32>} : memref<8192xf32, #tpu.memory_space<vmem>>, vector<16xf32>,
      %mul3A_488 = arith.mulf %gather3A_482, %div3A_299 : vector<16xf32>
      %add3A_489 = arith.constant 640 : i32
      %add3A_490 = arith.addi %add3A_448, %add3A_489 : i32
      %swap3A_491 = arith.index_cast %add3A_490 : i32 to index
      %swap3A_492 = tpu.vector_load %arg11[%swap3A_491] {strides = array<i32>} : memref<8192xf32, #tpu.memory_space<vmem>>, vector<16xf32>,
      tpu.vector_store %arg11[%swap3A_491], %mul3A_488 {strides = array<i32>} : memref<8192xf32, #tpu.memory_space<vmem>>, vector<16xf32>,
      %add3A_493 = arith.constant 768 : i32
      %add3A_494 = arith.addi %add3A_448, %add3A_493 : i32
      %swap3A_495 = arith.index_cast %add3A_494 : i32 to index
      %swap3A_496 = tpu.vector_load %arg11[%swap3A_495] {strides = array<i32>} : memref<8192xf32, #tpu.memory_space<vmem>>, vector<16xf32>,
      tpu.vector_store %arg11[%swap3A_495], %get3A_5 {strides = array<i32>} : memref<8192xf32, #tpu.memory_space<vmem>>, vector<16xf32>,
      %add3A_497 = vector.broadcast %mul3A_272 : i32 to vector<16xi32>
      %add3A_498 = arith.addi %get3A_62, %add3A_497 : vector<16xi32>
      %gather3A_499 = tpu.vector_load_idx %arg7[%add3A_498] : memref<2576xf32, #tpu.memory_space<vmem>>[vector<16xi32>], vector<16xf32>,
      %mul3A_500 = arith.mulf %gather3A_499, %get3A_1 : vector<16xf32>
      %add3A_501 = arith.constant 896 : i32
      %add3A_502 = arith.addi %add3A_448, %add3A_501 : i32
      %swap3A_503 = arith.index_cast %add3A_502 : i32 to index
      %swap3A_504 = tpu.vector_load %arg11[%swap3A_503] {strides = array<i32>} : memref<8192xf32, #tpu.memory_space<vmem>>, vector<16xf32>,
      tpu.vector_store %arg11[%swap3A_503], %mul3A_500 {strides = array<i32>} : memref<8192xf32, #tpu.memory_space<vmem>>, vector<16xf32>,
      %add3A_505 = arith.constant 48 : i32
      %add3A_506 = arith.addi %add3A_335, %add3A_505 : i32
      %add3A_507 = vector.broadcast %mul3A_272 : i32 to vector<16xi32>
      %add3A_508 = arith.addi %get3A_16, %add3A_507 : vector<16xi32>
      %gather3A_509 = tpu.vector_load_idx %arg7[%add3A_508] : memref<2576xf32, #tpu.memory_space<vmem>>[vector<16xi32>], vector<16xf32>,
      %add3A_510 = vector.broadcast %mul3A_272 : i32 to vector<16xi32>
      %add3A_511 = arith.addi %get3A_24, %add3A_510 : vector<16xi32>
      %gather3A_512 = tpu.vector_load_idx %arg7[%add3A_511] : memref<2576xf32, #tpu.memory_space<vmem>>[vector<16xi32>], vector<16xf32>,
      %add3A_513 = arith.addf %gather3A_509, %gather3A_284 : vector<16xf32>
      %swap3A_514 = arith.index_cast %add3A_506 : i32 to index
      %swap3A_515 = tpu.vector_load %arg11[%swap3A_514] {strides = array<i32>} : memref<8192xf32, #tpu.memory_space<vmem>>, vector<16xf32>,
      tpu.vector_store %arg11[%swap3A_514], %add3A_513 {strides = array<i32>} : memref<8192xf32, #tpu.memory_space<vmem>>, vector<16xf32>,
      %add3A_516 = arith.addf %gather3A_512, %gather3A_288 : vector<16xf32>
      %add3A_517 = arith.constant 128 : i32
      %add3A_518 = arith.addi %add3A_506, %add3A_517 : i32
      %swap3A_519 = arith.index_cast %add3A_518 : i32 to index
      %swap3A_520 = tpu.vector_load %arg11[%swap3A_519] {strides = array<i32>} : memref<8192xf32, #tpu.memory_space<vmem>>, vector<16xf32>,
      tpu.vector_store %arg11[%swap3A_519], %add3A_516 {strides = array<i32>} : memref<8192xf32, #tpu.memory_space<vmem>>, vector<16xf32>,
      %add3A_521 = vector.broadcast %mul3A_272 : i32 to vector<16xi32>
      %add3A_522 = arith.addi %get3A_32, %add3A_521 : vector<16xi32>
      %gather3A_523 = tpu.vector_load_idx %arg7[%add3A_522] : memref<2576xf32, #tpu.memory_space<vmem>>[vector<16xi32>], vector<16xf32>,
      %add3A_524 = arith.constant 256 : i32
      %add3A_525 = arith.addi %add3A_506, %add3A_524 : i32
      %swap3A_526 = arith.index_cast %add3A_525 : i32 to index
      %swap3A_527 = tpu.vector_load %arg11[%swap3A_526] {strides = array<i32>} : memref<8192xf32, #tpu.memory_space<vmem>>, vector<16xf32>,
      tpu.vector_store %arg11[%swap3A_526], %gather3A_523 {strides = array<i32>} : memref<8192xf32, #tpu.memory_space<vmem>>, vector<16xf32>,
      %add3A_528 = vector.broadcast %mul3A_272 : i32 to vector<16xi32>
      %add3A_529 = arith.addi %get3A_40, %add3A_528 : vector<16xi32>
      %gather3A_530 = tpu.vector_load_idx %arg7[%add3A_529] : memref<2576xf32, #tpu.memory_space<vmem>>[vector<16xi32>], vector<16xf32>,
      %add3A_531 = arith.constant 384 : i32
      %add3A_532 = arith.addi %add3A_506, %add3A_531 : i32
      %swap3A_533 = arith.index_cast %add3A_532 : i32 to index
      %swap3A_534 = tpu.vector_load %arg11[%swap3A_533] {strides = array<i32>} : memref<8192xf32, #tpu.memory_space<vmem>>, vector<16xf32>,
      tpu.vector_store %arg11[%swap3A_533], %gather3A_530 {strides = array<i32>} : memref<8192xf32, #tpu.memory_space<vmem>>, vector<16xf32>,
      %add3A_535 = vector.broadcast %mul3A_272 : i32 to vector<16xi32>
      %add3A_536 = arith.addi %get3A_48, %add3A_535 : vector<16xi32>
      %gather3A_537 = tpu.vector_load_idx %arg7[%add3A_536] : memref<2576xf32, #tpu.memory_space<vmem>>[vector<16xi32>], vector<16xf32>,
      %add3A_538 = vector.broadcast %mul3A_272 : i32 to vector<16xi32>
      %add3A_539 = arith.addi %get3A_56, %add3A_538 : vector<16xi32>
      %gather3A_540 = tpu.vector_load_idx %arg7[%add3A_539] : memref<2576xf32, #tpu.memory_space<vmem>>[vector<16xi32>], vector<16xf32>,
      %mul3A_541 = arith.mulf %gather3A_537, %div3A_293 : vector<16xf32>
      %add3A_542 = arith.constant 512 : i32
      %add3A_543 = arith.addi %add3A_506, %add3A_542 : i32
      %swap3A_544 = arith.index_cast %add3A_543 : i32 to index
      %swap3A_545 = tpu.vector_load %arg11[%swap3A_544] {strides = array<i32>} : memref<8192xf32, #tpu.memory_space<vmem>>, vector<16xf32>,
      tpu.vector_store %arg11[%swap3A_544], %mul3A_541 {strides = array<i32>} : memref<8192xf32, #tpu.memory_space<vmem>>, vector<16xf32>,
      %mul3A_546 = arith.mulf %gather3A_540, %div3A_299 : vector<16xf32>
      %add3A_547 = arith.constant 640 : i32
      %add3A_548 = arith.addi %add3A_506, %add3A_547 : i32
      %swap3A_549 = arith.index_cast %add3A_548 : i32 to index
      %swap3A_550 = tpu.vector_load %arg11[%swap3A_549] {strides = array<i32>} : memref<8192xf32, #tpu.memory_space<vmem>>, vector<16xf32>,
      tpu.vector_store %arg11[%swap3A_549], %mul3A_546 {strides = array<i32>} : memref<8192xf32, #tpu.memory_space<vmem>>, vector<16xf32>,
      %add3A_551 = arith.constant 768 : i32
      %add3A_552 = arith.addi %add3A_506, %add3A_551 : i32
      %swap3A_553 = arith.index_cast %add3A_552 : i32 to index
      %swap3A_554 = tpu.vector_load %arg11[%swap3A_553] {strides = array<i32>} : memref<8192xf32, #tpu.memory_space<vmem>>, vector<16xf32>,
      tpu.vector_store %arg11[%swap3A_553], %broadcast_in_dim3A_8 {strides = array<i32>} : memref<8192xf32, #tpu.memory_space<vmem>>, vector<16xf32>,
      %add3A_555 = vector.broadcast %mul3A_272 : i32 to vector<16xi32>
      %add3A_556 = arith.addi %get3A_64, %add3A_555 : vector<16xi32>
      %gather3A_557 = tpu.vector_load_idx %arg7[%add3A_556] : memref<2576xf32, #tpu.memory_space<vmem>>[vector<16xi32>], vector<16xf32>,
      %add3A_558 = arith.constant 896 : i32
      %add3A_559 = arith.addi %add3A_506, %add3A_558 : i32
      %swap3A_560 = arith.index_cast %add3A_559 : i32 to index
      %swap3A_561 = tpu.vector_load %arg11[%swap3A_560] {strides = array<i32>} : memref<8192xf32, #tpu.memory_space<vmem>>, vector<16xf32>,
      tpu.vector_store %arg11[%swap3A_560], %gather3A_557 {strides = array<i32>} : memref<8192xf32, #tpu.memory_space<vmem>>, vector<16xf32>,
    }
    %scan3A_109 = arith.constant 16 : i32
    %mul3A_110 = arith.constant 64 : i32
    %mul3A_111 = arith.muli %add3A, %mul3A_110 : i32
    %add3A_112 = arith.constant 8 : i32
    %add3A_113 = arith.addi %mul3A_111, %add3A_112 : i32
    %mul3A_114 = arith.constant 1024 : i32
    %mul3A_115 = arith.muli %add3A_113, %mul3A_114 : i32
    %dma_start3A_116 = tpu.memref_slice %arg5[%mul3A_115] : memref<2097152xf32, #tpu.memory_space<hbm>> -> memref<8192xf32, #tpu.memory_space<hbm>>
    %dma_start3A_117 = tpu.memref_slice %arg5[%mul3A_115] : memref<2097152xf32, #tpu.memory_space<hbm>> -> memref<8192xf32, #tpu.memory_space<hbm>>
    tpu.enqueue_dma source(%arg11 : memref<8192xf32, #tpu.memory_space<vmem>>) target(%dma_start3A_117 : memref<8192xf32, #tpu.memory_space<hbm>>) target_semaphore(%arg15 : memref<!tpu.dma_semaphore, #tpu.memory_space<semaphore_mem>>)
    %mul3A_118 = arith.constant 128 : i32
    %mul3A_119 = arith.muli %add3A, %mul3A_118 : i32
    %add3A_120 = arith.constant 48 : i32
    %add3A_121 = arith.addi %mul3A_119, %add3A_120 : i32
    %mul3A_122 = arith.constant 161 : i32
    %mul3A_123 = arith.muli %add3A_121, %mul3A_122 : i32
    %dma_start3A_124 = tpu.memref_slice %arg2[%mul3A_123] : memref<659456xf32, #tpu.memory_space<hbm>> -> memref<2576xf32, #tpu.memory_space<hbm>>
    %dma_start3A_125 = tpu.memref_slice %arg2[%mul3A_123] : memref<659456xf32, #tpu.memory_space<hbm>> -> memref<2576xf32, #tpu.memory_space<hbm>>
    tpu.enqueue_dma source(%dma_start3A_125 : memref<2576xf32, #tpu.memory_space<hbm>>) target(%arg7 : memref<2576xf32, #tpu.memory_space<vmem>>) target_semaphore(%arg13 : memref<!tpu.dma_semaphore, #tpu.memory_space<semaphore_mem>>)
    %dma_wait3A_126 = tpu.memref_slice %arg2[%mul3A_99] : memref<659456xf32, #tpu.memory_space<hbm>> -> memref<2576xf32, #tpu.memory_space<hbm>>
    %dma_wait3A_127 = tpu.memref_slice %arg2[%mul3A_99] : memref<659456xf32, #tpu.memory_space<hbm>> -> memref<2576xf32, #tpu.memory_space<hbm>>
    tpu.wait_dma2 semaphore(%arg12 : memref<!tpu.dma_semaphore, #tpu.memory_space<semaphore_mem>>) src(%dma_wait3A_127 : memref<2576xf32, #tpu.memory_space<hbm>>) dst(%arg6 : memref<2576xf32, #tpu.memory_space<vmem>>)
    %dma_wait3A_128 = tpu.memref_slice %arg5[%mul3A_91] : memref<2097152xf32, #tpu.memory_space<hbm>> -> memref<8192xf32, #tpu.memory_space<hbm>>
    %dma_wait3A_129 = tpu.memref_slice %arg5[%mul3A_91] : memref<2097152xf32, #tpu.memory_space<hbm>> -> memref<8192xf32, #tpu.memory_space<hbm>>
    tpu.wait_dma2 semaphore(%arg14 : memref<!tpu.dma_semaphore, #tpu.memory_space<semaphore_mem>>) src(%arg10 : memref<8192xf32, #tpu.memory_space<vmem>>) dst(%dma_wait3A_129 : memref<8192xf32, #tpu.memory_space<hbm>>)
    %scan3A_130 = arith.constant 0 : i32
    %scan3A_131 = arith.constant 0 : i32
    %scan3A_132 = arith.constant 16 : i32
    %scan3A_133 = arith.addi %scan3A_131, %scan3A_132 : i32
    %scan3A_134 = arith.constant 1 : i32
    scf.for %scan3A_270 = %scan3A_131 to %scan3A_133 step %scan3A_134  : i32 {
      %mul3A_271 = arith.constant 161 : i32
      %mul3A_272 = arith.muli %scan3A_270, %mul3A_271 : i32
      %broadcast_in_dim3A_273 = arith.constant 0 : i32
      %broadcast_in_dim3A_274 = vector.broadcast %broadcast_in_dim3A_273 : i32 to vector<16xi32>
      %add3A_275 = vector.broadcast %mul3A_272 : i32 to vector<16xi32>
      %add3A_276 = arith.addi %broadcast_in_dim3A_274, %add3A_275 : vector<16xi32>
      %gather3A = tpu.vector_load_idx %arg6[%add3A_276] : memref<2576xf32, #tpu.memory_space<vmem>>[vector<16xi32>], vector<16xf32>,
      %add3A_277 = arith.constant 1 : i32
      %add3A_278 = vector.broadcast %add3A_277 : i32 to vector<16xi32>
      %add3A_279 = arith.addi %add3A_276, %add3A_278 : vector<16xi32>
      %gather3A_280 = tpu.vector_load_idx %arg6[%add3A_279] : memref<2576xf32, #tpu.memory_space<vmem>>[vector<16xi32>], vector<16xf32>,
      %add3A_281 = arith.constant 2 : i32
      %add3A_282 = vector.broadcast %add3A_281 : i32 to vector<16xi32>
      %add3A_283 = arith.addi %add3A_276, %add3A_282 : vector<16xi32>
      %gather3A_284 = tpu.vector_load_idx %arg6[%add3A_283] : memref<2576xf32, #tpu.memory_space<vmem>>[vector<16xi32>], vector<16xf32>,
      %add3A_285 = arith.constant 3 : i32
      %add3A_286 = vector.broadcast %add3A_285 : i32 to vector<16xi32>
      %add3A_287 = arith.addi %add3A_276, %add3A_286 : vector<16xi32>
      %gather3A_288 = tpu.vector_load_idx %arg6[%add3A_287] : memref<2576xf32, #tpu.memory_space<vmem>>[vector<16xi32>], vector<16xf32>,
      %add3A_289 = arith.constant 1.000000e-03 : f32
      %add3A_290 = vector.broadcast %add3A_289 : f32 to vector<16xf32>
      %add3A_291 = arith.addf %add3A_290, %gather3A : vector<16xf32>
      %div3A = arith.constant 1.000000e+00 : f32
      %div3A_292 = vector.broadcast %div3A : f32 to vector<16xf32>
      %div3A_293 = arith.divf %div3A_292, %add3A_291 : vector<16xf32>
      %add3A_294 = arith.constant 1.000000e-03 : f32
      %add3A_295 = vector.broadcast %add3A_294 : f32 to vector<16xf32>
      %add3A_296 = arith.addf %add3A_295, %gather3A_280 : vector<16xf32>
      %div3A_297 = arith.constant 1.000000e+00 : f32
      %div3A_298 = vector.broadcast %div3A_297 : f32 to vector<16xf32>
      %div3A_299 = arith.divf %div3A_298, %add3A_296 : vector<16xf32>
      %jit3A = arith.constant 2 : i32
      %div3A_300 = arith.divsi %scan3A_270, %jit3A : i32
      %sign3A = arith.constant 0 : i32
      %sign3A_301 = arith.cmpi sgt, %scan3A_270, %sign3A : i32
      %sign3A_302 = arith.extui %sign3A_301 : i1 to i32
      %sign3A_303 = arith.constant 0 : i32
      %sign3A_304 = arith.cmpi slt, %scan3A_270, %sign3A_303 : i32
      %sign3A_305 = arith.extui %sign3A_304 : i1 to i32
      %sign3A_306 = arith.subi %sign3A_302, %sign3A_305 : i32
      %sign3A_307 = arith.constant 0 : i32
      %sign3A_308 = arith.cmpi sgt, %jit3A, %sign3A_307 : i32
      %sign3A_309 = arith.extui %sign3A_308 : i1 to i32
      %sign3A_310 = arith.constant 0 : i32
      %sign3A_311 = arith.cmpi slt, %jit3A, %sign3A_310 : i32
      %sign3A_312 = arith.extui %sign3A_311 : i1 to i32
      %sign3A_313 = arith.subi %sign3A_309, %sign3A_312 : i32
      %ne3A = arith.cmpi ne, %sign3A_306, %sign3A_313 : i32
      %rem3A = arith.remsi %scan3A_270, %jit3A : i32
      %ne3A_314 = arith.constant 0 : i32
      %ne3A_315 = arith.cmpi ne, %rem3A, %ne3A_314 : i32
      %and3A = arith.andi %ne3A, %ne3A_315 : i1
      %sub3A = arith.constant 1 : i32
      %sub3A_316 = arith.subi %div3A_300, %sub3A : i32
      %select_n3A = arith.select %and3A, %sub3A_316, %div3A_300 : i32
      %mul3A_317 = arith.constant 1024 : i32
      %mul3A_318 = arith.muli %select_n3A, %mul3A_317 : i32
      %jit3A_319 = arith.constant 2 : i32
      %eq3A = arith.constant 0 : i32
      %eq3A_320 = arith.cmpi eq, %jit3A_319, %eq3A : i32
      %jit3A_321 = arith.constant 1 : i32
      %select_n3A_322 = arith.select %eq3A_320, %jit3A_321, %jit3A_319 : i32
      %rem3A_323 = arith.remsi %scan3A_270, %select_n3A_322 : i32
      %ne3A_324 = arith.constant 0 : i32
      %ne3A_325 = arith.cmpi ne, %rem3A_323, %ne3A_324 : i32
      %lt3A = arith.constant 0 : i32
      %lt3A_326 = arith.cmpi slt, %rem3A_323, %lt3A : i32
      %lt3A_327 = arith.constant 0 : i32
      %lt3A_328 = arith.cmpi slt, %select_n3A_322, %lt3A_327 : i32
      %ne3A_329 = arith.xori %lt3A_326, %lt3A_328 : i1
      %and3A_330 = arith.andi %ne3A_329, %ne3A_325 : i1
      %add3A_331 = arith.addi %rem3A_323, %select_n3A_322 : i32
      %select_n3A_332 = arith.select %and3A_330, %add3A_331, %rem3A_323 : i32
      %mul3A_333 = arith.constant 64 : i32
      %mul3A_334 = arith.muli %select_n3A_332, %mul3A_333 : i32
      %add3A_335 = arith.addi %mul3A_318, %mul3A_334 : i32
      %add3A_336 = arith.constant 0 : i32
      %add3A_337 = arith.addi %add3A_335, %add3A_336 : i32
      %add3A_338 = vector.broadcast %mul3A_272 : i32 to vector<16xi32>
      %add3A_339 = arith.addi %get3A_10, %add3A_338 : vector<16xi32>
      %gather3A_340 = tpu.vector_load_idx %arg6[%add3A_339] : memref<2576xf32, #tpu.memory_space<vmem>>[vector<16xi32>], vector<16xf32>,
      %add3A_341 = vector.broadcast %mul3A_272 : i32 to vector<16xi32>
      %add3A_342 = arith.addi %get3A_18, %add3A_341 : vector<16xi32>
      %gather3A_343 = tpu.vector_load_idx %arg6[%add3A_342] : memref<2576xf32, #tpu.memory_space<vmem>>[vector<16xi32>], vector<16xf32>,
      %mul3A_344 = arith.mulf %gather3A_340, %get3A_1 : vector<16xf32>
      %mul3A_345 = arith.mulf %gather3A_343, %get3A_1 : vector<16xf32>
      %add3A_346 = arith.addf %mul3A_344, %gather3A_284 : vector<16xf32>
      %swap3A = arith.index_cast %add3A_337 : i32 to index
      %swap3A_347 = tpu.vector_load %arg10[%swap3A] {strides = array<i32>} : memref<8192xf32, #tpu.memory_space<vmem>>, vector<16xf32>,
      tpu.vector_store %arg10[%swap3A], %add3A_346 {strides = array<i32>} : memref<8192xf32, #tpu.memory_space<vmem>>, vector<16xf32>,
      %add3A_348 = arith.addf %mul3A_345, %gather3A_288 : vector<16xf32>
      %add3A_349 = arith.constant 128 : i32
      %add3A_350 = arith.addi %add3A_337, %add3A_349 : i32
      %swap3A_351 = arith.index_cast %add3A_350 : i32 to index
      %swap3A_352 = tpu.vector_load %arg10[%swap3A_351] {strides = array<i32>} : memref<8192xf32, #tpu.memory_space<vmem>>, vector<16xf32>,
      tpu.vector_store %arg10[%swap3A_351], %add3A_348 {strides = array<i32>} : memref<8192xf32, #tpu.memory_space<vmem>>, vector<16xf32>,
      %add3A_353 = vector.broadcast %mul3A_272 : i32 to vector<16xi32>
      %add3A_354 = arith.addi %get3A_26, %add3A_353 : vector<16xi32>
      %gather3A_355 = tpu.vector_load_idx %arg6[%add3A_354] : memref<2576xf32, #tpu.memory_space<vmem>>[vector<16xi32>], vector<16xf32>,
      %add3A_356 = arith.constant 256 : i32
      %add3A_357 = arith.addi %add3A_337, %add3A_356 : i32
      %swap3A_358 = arith.index_cast %add3A_357 : i32 to index
      %swap3A_359 = tpu.vector_load %arg10[%swap3A_358] {strides = array<i32>} : memref<8192xf32, #tpu.memory_space<vmem>>, vector<16xf32>,
      tpu.vector_store %arg10[%swap3A_358], %gather3A_355 {strides = array<i32>} : memref<8192xf32, #tpu.memory_space<vmem>>, vector<16xf32>,
      %add3A_360 = vector.broadcast %mul3A_272 : i32 to vector<16xi32>
      %add3A_361 = arith.addi %get3A_34, %add3A_360 : vector<16xi32>
      %gather3A_362 = tpu.vector_load_idx %arg6[%add3A_361] : memref<2576xf32, #tpu.memory_space<vmem>>[vector<16xi32>], vector<16xf32>,
      %add3A_363 = arith.constant 384 : i32
      %add3A_364 = arith.addi %add3A_337, %add3A_363 : i32
      %swap3A_365 = arith.index_cast %add3A_364 : i32 to index
      %swap3A_366 = tpu.vector_load %arg10[%swap3A_365] {strides = array<i32>} : memref<8192xf32, #tpu.memory_space<vmem>>, vector<16xf32>,
      tpu.vector_store %arg10[%swap3A_365], %gather3A_362 {strides = array<i32>} : memref<8192xf32, #tpu.memory_space<vmem>>, vector<16xf32>,
      %add3A_367 = vector.broadcast %mul3A_272 : i32 to vector<16xi32>
      %add3A_368 = arith.addi %get3A_42, %add3A_367 : vector<16xi32>
      %gather3A_369 = tpu.vector_load_idx %arg6[%add3A_368] : memref<2576xf32, #tpu.memory_space<vmem>>[vector<16xi32>], vector<16xf32>,
      %add3A_370 = vector.broadcast %mul3A_272 : i32 to vector<16xi32>
      %add3A_371 = arith.addi %get3A_50, %add3A_370 : vector<16xi32>
      %gather3A_372 = tpu.vector_load_idx %arg6[%add3A_371] : memref<2576xf32, #tpu.memory_space<vmem>>[vector<16xi32>], vector<16xf32>,
      %mul3A_373 = arith.mulf %gather3A_369, %get3A_1 : vector<16xf32>
      %mul3A_374 = arith.mulf %gather3A_372, %get3A_1 : vector<16xf32>
      %mul3A_375 = arith.mulf %mul3A_373, %div3A_293 : vector<16xf32>
      %add3A_376 = arith.constant 512 : i32
      %add3A_377 = arith.addi %add3A_337, %add3A_376 : i32
      %swap3A_378 = arith.index_cast %add3A_377 : i32 to index
      %swap3A_379 = tpu.vector_load %arg10[%swap3A_378] {strides = array<i32>} : memref<8192xf32, #tpu.memory_space<vmem>>, vector<16xf32>,
      tpu.vector_store %arg10[%swap3A_378], %mul3A_375 {strides = array<i32>} : memref<8192xf32, #tpu.memory_space<vmem>>, vector<16xf32>,
      %mul3A_380 = arith.mulf %mul3A_374, %div3A_299 : vector<16xf32>
      %add3A_381 = arith.constant 640 : i32
      %add3A_382 = arith.addi %add3A_337, %add3A_381 : i32
      %swap3A_383 = arith.index_cast %add3A_382 : i32 to index
      %swap3A_384 = tpu.vector_load %arg10[%swap3A_383] {strides = array<i32>} : memref<8192xf32, #tpu.memory_space<vmem>>, vector<16xf32>,
      tpu.vector_store %arg10[%swap3A_383], %mul3A_380 {strides = array<i32>} : memref<8192xf32, #tpu.memory_space<vmem>>, vector<16xf32>,
      %add3A_385 = arith.constant 768 : i32
      %add3A_386 = arith.addi %add3A_337, %add3A_385 : i32
      %swap3A_387 = arith.index_cast %add3A_386 : i32 to index
      %swap3A_388 = tpu.vector_load %arg10[%swap3A_387] {strides = array<i32>} : memref<8192xf32, #tpu.memory_space<vmem>>, vector<16xf32>,
      tpu.vector_store %arg10[%swap3A_387], %get3A_3 {strides = array<i32>} : memref<8192xf32, #tpu.memory_space<vmem>>, vector<16xf32>,
      %add3A_389 = arith.constant 896 : i32
      %add3A_390 = arith.addi %add3A_337, %add3A_389 : i32
      %swap3A_391 = arith.index_cast %add3A_390 : i32 to index
      %swap3A_392 = tpu.vector_load %arg10[%swap3A_391] {strides = array<i32>} : memref<8192xf32, #tpu.memory_space<vmem>>, vector<16xf32>,
      tpu.vector_store %arg10[%swap3A_391], %broadcast_in_dim3A_6 {strides = array<i32>} : memref<8192xf32, #tpu.memory_space<vmem>>, vector<16xf32>,
      %add3A_393 = arith.constant 16 : i32
      %add3A_394 = arith.addi %add3A_335, %add3A_393 : i32
      %add3A_395 = vector.broadcast %mul3A_272 : i32 to vector<16xi32>
      %add3A_396 = arith.addi %get3A_12, %add3A_395 : vector<16xi32>
      %gather3A_397 = tpu.vector_load_idx %arg6[%add3A_396] : memref<2576xf32, #tpu.memory_space<vmem>>[vector<16xi32>], vector<16xf32>,
      %add3A_398 = vector.broadcast %mul3A_272 : i32 to vector<16xi32>
      %add3A_399 = arith.addi %get3A_20, %add3A_398 : vector<16xi32>
      %gather3A_400 = tpu.vector_load_idx %arg6[%add3A_399] : memref<2576xf32, #tpu.memory_space<vmem>>[vector<16xi32>], vector<16xf32>,
      %add3A_401 = arith.addf %gather3A_397, %gather3A_284 : vector<16xf32>
      %swap3A_402 = arith.index_cast %add3A_394 : i32 to index
      %swap3A_403 = tpu.vector_load %arg10[%swap3A_402] {strides = array<i32>} : memref<8192xf32, #tpu.memory_space<vmem>>, vector<16xf32>,
      tpu.vector_store %arg10[%swap3A_402], %add3A_401 {strides = array<i32>} : memref<8192xf32, #tpu.memory_space<vmem>>, vector<16xf32>,
      %add3A_404 = arith.addf %gather3A_400, %gather3A_288 : vector<16xf32>
      %add3A_405 = arith.constant 128 : i32
      %add3A_406 = arith.addi %add3A_394, %add3A_405 : i32
      %swap3A_407 = arith.index_cast %add3A_406 : i32 to index
      %swap3A_408 = tpu.vector_load %arg10[%swap3A_407] {strides = array<i32>} : memref<8192xf32, #tpu.memory_space<vmem>>, vector<16xf32>,
      tpu.vector_store %arg10[%swap3A_407], %add3A_404 {strides = array<i32>} : memref<8192xf32, #tpu.memory_space<vmem>>, vector<16xf32>,
      %add3A_409 = vector.broadcast %mul3A_272 : i32 to vector<16xi32>
      %add3A_410 = arith.addi %get3A_28, %add3A_409 : vector<16xi32>
      %gather3A_411 = tpu.vector_load_idx %arg6[%add3A_410] : memref<2576xf32, #tpu.memory_space<vmem>>[vector<16xi32>], vector<16xf32>,
      %add3A_412 = arith.constant 256 : i32
      %add3A_413 = arith.addi %add3A_394, %add3A_412 : i32
      %swap3A_414 = arith.index_cast %add3A_413 : i32 to index
      %swap3A_415 = tpu.vector_load %arg10[%swap3A_414] {strides = array<i32>} : memref<8192xf32, #tpu.memory_space<vmem>>, vector<16xf32>,
      tpu.vector_store %arg10[%swap3A_414], %gather3A_411 {strides = array<i32>} : memref<8192xf32, #tpu.memory_space<vmem>>, vector<16xf32>,
      %add3A_416 = vector.broadcast %mul3A_272 : i32 to vector<16xi32>
      %add3A_417 = arith.addi %get3A_36, %add3A_416 : vector<16xi32>
      %gather3A_418 = tpu.vector_load_idx %arg6[%add3A_417] : memref<2576xf32, #tpu.memory_space<vmem>>[vector<16xi32>], vector<16xf32>,
      %add3A_419 = arith.constant 384 : i32
      %add3A_420 = arith.addi %add3A_394, %add3A_419 : i32
      %swap3A_421 = arith.index_cast %add3A_420 : i32 to index
      %swap3A_422 = tpu.vector_load %arg10[%swap3A_421] {strides = array<i32>} : memref<8192xf32, #tpu.memory_space<vmem>>, vector<16xf32>,
      tpu.vector_store %arg10[%swap3A_421], %gather3A_418 {strides = array<i32>} : memref<8192xf32, #tpu.memory_space<vmem>>, vector<16xf32>,
      %add3A_423 = vector.broadcast %mul3A_272 : i32 to vector<16xi32>
      %add3A_424 = arith.addi %get3A_44, %add3A_423 : vector<16xi32>
      %gather3A_425 = tpu.vector_load_idx %arg6[%add3A_424] : memref<2576xf32, #tpu.memory_space<vmem>>[vector<16xi32>], vector<16xf32>,
      %add3A_426 = vector.broadcast %mul3A_272 : i32 to vector<16xi32>
      %add3A_427 = arith.addi %get3A_52, %add3A_426 : vector<16xi32>
      %gather3A_428 = tpu.vector_load_idx %arg6[%add3A_427] : memref<2576xf32, #tpu.memory_space<vmem>>[vector<16xi32>], vector<16xf32>,
      %mul3A_429 = arith.mulf %gather3A_425, %div3A_293 : vector<16xf32>
      %add3A_430 = arith.constant 512 : i32
      %add3A_431 = arith.addi %add3A_394, %add3A_430 : i32
      %swap3A_432 = arith.index_cast %add3A_431 : i32 to index
      %swap3A_433 = tpu.vector_load %arg10[%swap3A_432] {strides = array<i32>} : memref<8192xf32, #tpu.memory_space<vmem>>, vector<16xf32>,
      tpu.vector_store %arg10[%swap3A_432], %mul3A_429 {strides = array<i32>} : memref<8192xf32, #tpu.memory_space<vmem>>, vector<16xf32>,
      %mul3A_434 = arith.mulf %gather3A_428, %div3A_299 : vector<16xf32>
      %add3A_435 = arith.constant 640 : i32
      %add3A_436 = arith.addi %add3A_394, %add3A_435 : i32
      %swap3A_437 = arith.index_cast %add3A_436 : i32 to index
      %swap3A_438 = tpu.vector_load %arg10[%swap3A_437] {strides = array<i32>} : memref<8192xf32, #tpu.memory_space<vmem>>, vector<16xf32>,
      tpu.vector_store %arg10[%swap3A_437], %mul3A_434 {strides = array<i32>} : memref<8192xf32, #tpu.memory_space<vmem>>, vector<16xf32>,
      %add3A_439 = arith.constant 768 : i32
      %add3A_440 = arith.addi %add3A_394, %add3A_439 : i32
      %swap3A_441 = arith.index_cast %add3A_440 : i32 to index
      %swap3A_442 = tpu.vector_load %arg10[%swap3A_441] {strides = array<i32>} : memref<8192xf32, #tpu.memory_space<vmem>>, vector<16xf32>,
      tpu.vector_store %arg10[%swap3A_441], %broadcast_in_dim3A_6 {strides = array<i32>} : memref<8192xf32, #tpu.memory_space<vmem>>, vector<16xf32>,
      %add3A_443 = arith.constant 896 : i32
      %add3A_444 = arith.addi %add3A_394, %add3A_443 : i32
      %swap3A_445 = arith.index_cast %add3A_444 : i32 to index
      %swap3A_446 = tpu.vector_load %arg10[%swap3A_445] {strides = array<i32>} : memref<8192xf32, #tpu.memory_space<vmem>>, vector<16xf32>,
      tpu.vector_store %arg10[%swap3A_445], %broadcast_in_dim3A_6 {strides = array<i32>} : memref<8192xf32, #tpu.memory_space<vmem>>, vector<16xf32>,
      %add3A_447 = arith.constant 32 : i32
      %add3A_448 = arith.addi %add3A_335, %add3A_447 : i32
      %add3A_449 = vector.broadcast %mul3A_272 : i32 to vector<16xi32>
      %add3A_450 = arith.addi %get3A_14, %add3A_449 : vector<16xi32>
      %gather3A_451 = tpu.vector_load_idx %arg6[%add3A_450] : memref<2576xf32, #tpu.memory_space<vmem>>[vector<16xi32>], vector<16xf32>,
      %add3A_452 = vector.broadcast %mul3A_272 : i32 to vector<16xi32>
      %add3A_453 = arith.addi %get3A_22, %add3A_452 : vector<16xi32>
      %gather3A_454 = tpu.vector_load_idx %arg6[%add3A_453] : memref<2576xf32, #tpu.memory_space<vmem>>[vector<16xi32>], vector<16xf32>,
      %add3A_455 = arith.addf %gather3A_451, %gather3A_284 : vector<16xf32>
      %swap3A_456 = arith.index_cast %add3A_448 : i32 to index
      %swap3A_457 = tpu.vector_load %arg10[%swap3A_456] {strides = array<i32>} : memref<8192xf32, #tpu.memory_space<vmem>>, vector<16xf32>,
      tpu.vector_store %arg10[%swap3A_456], %add3A_455 {strides = array<i32>} : memref<8192xf32, #tpu.memory_space<vmem>>, vector<16xf32>,
      %add3A_458 = arith.addf %gather3A_454, %gather3A_288 : vector<16xf32>
      %add3A_459 = arith.constant 128 : i32
      %add3A_460 = arith.addi %add3A_448, %add3A_459 : i32
      %swap3A_461 = arith.index_cast %add3A_460 : i32 to index
      %swap3A_462 = tpu.vector_load %arg10[%swap3A_461] {strides = array<i32>} : memref<8192xf32, #tpu.memory_space<vmem>>, vector<16xf32>,
      tpu.vector_store %arg10[%swap3A_461], %add3A_458 {strides = array<i32>} : memref<8192xf32, #tpu.memory_space<vmem>>, vector<16xf32>,
      %add3A_463 = vector.broadcast %mul3A_272 : i32 to vector<16xi32>
      %add3A_464 = arith.addi %get3A_30, %add3A_463 : vector<16xi32>
      %gather3A_465 = tpu.vector_load_idx %arg6[%add3A_464] : memref<2576xf32, #tpu.memory_space<vmem>>[vector<16xi32>], vector<16xf32>,
      %add3A_466 = arith.constant 256 : i32
      %add3A_467 = arith.addi %add3A_448, %add3A_466 : i32
      %swap3A_468 = arith.index_cast %add3A_467 : i32 to index
      %swap3A_469 = tpu.vector_load %arg10[%swap3A_468] {strides = array<i32>} : memref<8192xf32, #tpu.memory_space<vmem>>, vector<16xf32>,
      tpu.vector_store %arg10[%swap3A_468], %gather3A_465 {strides = array<i32>} : memref<8192xf32, #tpu.memory_space<vmem>>, vector<16xf32>,
      %add3A_470 = vector.broadcast %mul3A_272 : i32 to vector<16xi32>
      %add3A_471 = arith.addi %get3A_38, %add3A_470 : vector<16xi32>
      %gather3A_472 = tpu.vector_load_idx %arg6[%add3A_471] : memref<2576xf32, #tpu.memory_space<vmem>>[vector<16xi32>], vector<16xf32>,
      %add3A_473 = arith.constant 384 : i32
      %add3A_474 = arith.addi %add3A_448, %add3A_473 : i32
      %swap3A_475 = arith.index_cast %add3A_474 : i32 to index
      %swap3A_476 = tpu.vector_load %arg10[%swap3A_475] {strides = array<i32>} : memref<8192xf32, #tpu.memory_space<vmem>>, vector<16xf32>,
      tpu.vector_store %arg10[%swap3A_475], %gather3A_472 {strides = array<i32>} : memref<8192xf32, #tpu.memory_space<vmem>>, vector<16xf32>,
      %add3A_477 = vector.broadcast %mul3A_272 : i32 to vector<16xi32>
      %add3A_478 = arith.addi %get3A_46, %add3A_477 : vector<16xi32>
      %gather3A_479 = tpu.vector_load_idx %arg6[%add3A_478] : memref<2576xf32, #tpu.memory_space<vmem>>[vector<16xi32>], vector<16xf32>,
      %add3A_480 = vector.broadcast %mul3A_272 : i32 to vector<16xi32>
      %add3A_481 = arith.addi %get3A_54, %add3A_480 : vector<16xi32>
      %gather3A_482 = tpu.vector_load_idx %arg6[%add3A_481] : memref<2576xf32, #tpu.memory_space<vmem>>[vector<16xi32>], vector<16xf32>,
      %mul3A_483 = arith.mulf %gather3A_479, %div3A_293 : vector<16xf32>
      %add3A_484 = arith.constant 512 : i32
      %add3A_485 = arith.addi %add3A_448, %add3A_484 : i32
      %swap3A_486 = arith.index_cast %add3A_485 : i32 to index
      %swap3A_487 = tpu.vector_load %arg10[%swap3A_486] {strides = array<i32>} : memref<8192xf32, #tpu.memory_space<vmem>>, vector<16xf32>,
      tpu.vector_store %arg10[%swap3A_486], %mul3A_483 {strides = array<i32>} : memref<8192xf32, #tpu.memory_space<vmem>>, vector<16xf32>,
      %mul3A_488 = arith.mulf %gather3A_482, %div3A_299 : vector<16xf32>
      %add3A_489 = arith.constant 640 : i32
      %add3A_490 = arith.addi %add3A_448, %add3A_489 : i32
      %swap3A_491 = arith.index_cast %add3A_490 : i32 to index
      %swap3A_492 = tpu.vector_load %arg10[%swap3A_491] {strides = array<i32>} : memref<8192xf32, #tpu.memory_space<vmem>>, vector<16xf32>,
      tpu.vector_store %arg10[%swap3A_491], %mul3A_488 {strides = array<i32>} : memref<8192xf32, #tpu.memory_space<vmem>>, vector<16xf32>,
      %add3A_493 = arith.constant 768 : i32
      %add3A_494 = arith.addi %add3A_448, %add3A_493 : i32
      %swap3A_495 = arith.index_cast %add3A_494 : i32 to index
      %swap3A_496 = tpu.vector_load %arg10[%swap3A_495] {strides = array<i32>} : memref<8192xf32, #tpu.memory_space<vmem>>, vector<16xf32>,
      tpu.vector_store %arg10[%swap3A_495], %get3A_5 {strides = array<i32>} : memref<8192xf32, #tpu.memory_space<vmem>>, vector<16xf32>,
      %add3A_497 = vector.broadcast %mul3A_272 : i32 to vector<16xi32>
      %add3A_498 = arith.addi %get3A_62, %add3A_497 : vector<16xi32>
      %gather3A_499 = tpu.vector_load_idx %arg6[%add3A_498] : memref<2576xf32, #tpu.memory_space<vmem>>[vector<16xi32>], vector<16xf32>,
      %mul3A_500 = arith.mulf %gather3A_499, %get3A_1 : vector<16xf32>
      %add3A_501 = arith.constant 896 : i32
      %add3A_502 = arith.addi %add3A_448, %add3A_501 : i32
      %swap3A_503 = arith.index_cast %add3A_502 : i32 to index
      %swap3A_504 = tpu.vector_load %arg10[%swap3A_503] {strides = array<i32>} : memref<8192xf32, #tpu.memory_space<vmem>>, vector<16xf32>,
      tpu.vector_store %arg10[%swap3A_503], %mul3A_500 {strides = array<i32>} : memref<8192xf32, #tpu.memory_space<vmem>>, vector<16xf32>,
      %add3A_505 = arith.constant 48 : i32
      %add3A_506 = arith.addi %add3A_335, %add3A_505 : i32
      %add3A_507 = vector.broadcast %mul3A_272 : i32 to vector<16xi32>
      %add3A_508 = arith.addi %get3A_16, %add3A_507 : vector<16xi32>
      %gather3A_509 = tpu.vector_load_idx %arg6[%add3A_508] : memref<2576xf32, #tpu.memory_space<vmem>>[vector<16xi32>], vector<16xf32>,
      %add3A_510 = vector.broadcast %mul3A_272 : i32 to vector<16xi32>
      %add3A_511 = arith.addi %get3A_24, %add3A_510 : vector<16xi32>
      %gather3A_512 = tpu.vector_load_idx %arg6[%add3A_511] : memref<2576xf32, #tpu.memory_space<vmem>>[vector<16xi32>], vector<16xf32>,
      %add3A_513 = arith.addf %gather3A_509, %gather3A_284 : vector<16xf32>
      %swap3A_514 = arith.index_cast %add3A_506 : i32 to index
      %swap3A_515 = tpu.vector_load %arg10[%swap3A_514] {strides = array<i32>} : memref<8192xf32, #tpu.memory_space<vmem>>, vector<16xf32>,
      tpu.vector_store %arg10[%swap3A_514], %add3A_513 {strides = array<i32>} : memref<8192xf32, #tpu.memory_space<vmem>>, vector<16xf32>,
      %add3A_516 = arith.addf %gather3A_512, %gather3A_288 : vector<16xf32>
      %add3A_517 = arith.constant 128 : i32
      %add3A_518 = arith.addi %add3A_506, %add3A_517 : i32
      %swap3A_519 = arith.index_cast %add3A_518 : i32 to index
      %swap3A_520 = tpu.vector_load %arg10[%swap3A_519] {strides = array<i32>} : memref<8192xf32, #tpu.memory_space<vmem>>, vector<16xf32>,
      tpu.vector_store %arg10[%swap3A_519], %add3A_516 {strides = array<i32>} : memref<8192xf32, #tpu.memory_space<vmem>>, vector<16xf32>,
      %add3A_521 = vector.broadcast %mul3A_272 : i32 to vector<16xi32>
      %add3A_522 = arith.addi %get3A_32, %add3A_521 : vector<16xi32>
      %gather3A_523 = tpu.vector_load_idx %arg6[%add3A_522] : memref<2576xf32, #tpu.memory_space<vmem>>[vector<16xi32>], vector<16xf32>,
      %add3A_524 = arith.constant 256 : i32
      %add3A_525 = arith.addi %add3A_506, %add3A_524 : i32
      %swap3A_526 = arith.index_cast %add3A_525 : i32 to index
      %swap3A_527 = tpu.vector_load %arg10[%swap3A_526] {strides = array<i32>} : memref<8192xf32, #tpu.memory_space<vmem>>, vector<16xf32>,
      tpu.vector_store %arg10[%swap3A_526], %gather3A_523 {strides = array<i32>} : memref<8192xf32, #tpu.memory_space<vmem>>, vector<16xf32>,
      %add3A_528 = vector.broadcast %mul3A_272 : i32 to vector<16xi32>
      %add3A_529 = arith.addi %get3A_40, %add3A_528 : vector<16xi32>
      %gather3A_530 = tpu.vector_load_idx %arg6[%add3A_529] : memref<2576xf32, #tpu.memory_space<vmem>>[vector<16xi32>], vector<16xf32>,
      %add3A_531 = arith.constant 384 : i32
      %add3A_532 = arith.addi %add3A_506, %add3A_531 : i32
      %swap3A_533 = arith.index_cast %add3A_532 : i32 to index
      %swap3A_534 = tpu.vector_load %arg10[%swap3A_533] {strides = array<i32>} : memref<8192xf32, #tpu.memory_space<vmem>>, vector<16xf32>,
      tpu.vector_store %arg10[%swap3A_533], %gather3A_530 {strides = array<i32>} : memref<8192xf32, #tpu.memory_space<vmem>>, vector<16xf32>,
      %add3A_535 = vector.broadcast %mul3A_272 : i32 to vector<16xi32>
      %add3A_536 = arith.addi %get3A_48, %add3A_535 : vector<16xi32>
      %gather3A_537 = tpu.vector_load_idx %arg6[%add3A_536] : memref<2576xf32, #tpu.memory_space<vmem>>[vector<16xi32>], vector<16xf32>,
      %add3A_538 = vector.broadcast %mul3A_272 : i32 to vector<16xi32>
      %add3A_539 = arith.addi %get3A_56, %add3A_538 : vector<16xi32>
      %gather3A_540 = tpu.vector_load_idx %arg6[%add3A_539] : memref<2576xf32, #tpu.memory_space<vmem>>[vector<16xi32>], vector<16xf32>,
      %mul3A_541 = arith.mulf %gather3A_537, %div3A_293 : vector<16xf32>
      %add3A_542 = arith.constant 512 : i32
      %add3A_543 = arith.addi %add3A_506, %add3A_542 : i32
      %swap3A_544 = arith.index_cast %add3A_543 : i32 to index
      %swap3A_545 = tpu.vector_load %arg10[%swap3A_544] {strides = array<i32>} : memref<8192xf32, #tpu.memory_space<vmem>>, vector<16xf32>,
      tpu.vector_store %arg10[%swap3A_544], %mul3A_541 {strides = array<i32>} : memref<8192xf32, #tpu.memory_space<vmem>>, vector<16xf32>,
      %mul3A_546 = arith.mulf %gather3A_540, %div3A_299 : vector<16xf32>
      %add3A_547 = arith.constant 640 : i32
      %add3A_548 = arith.addi %add3A_506, %add3A_547 : i32
      %swap3A_549 = arith.index_cast %add3A_548 : i32 to index
      %swap3A_550 = tpu.vector_load %arg10[%swap3A_549] {strides = array<i32>} : memref<8192xf32, #tpu.memory_space<vmem>>, vector<16xf32>,
      tpu.vector_store %arg10[%swap3A_549], %mul3A_546 {strides = array<i32>} : memref<8192xf32, #tpu.memory_space<vmem>>, vector<16xf32>,
      %add3A_551 = arith.constant 768 : i32
      %add3A_552 = arith.addi %add3A_506, %add3A_551 : i32
      %swap3A_553 = arith.index_cast %add3A_552 : i32 to index
      %swap3A_554 = tpu.vector_load %arg10[%swap3A_553] {strides = array<i32>} : memref<8192xf32, #tpu.memory_space<vmem>>, vector<16xf32>,
      tpu.vector_store %arg10[%swap3A_553], %broadcast_in_dim3A_8 {strides = array<i32>} : memref<8192xf32, #tpu.memory_space<vmem>>, vector<16xf32>,
      %add3A_555 = vector.broadcast %mul3A_272 : i32 to vector<16xi32>
      %add3A_556 = arith.addi %get3A_64, %add3A_555 : vector<16xi32>
      %gather3A_557 = tpu.vector_load_idx %arg6[%add3A_556] : memref<2576xf32, #tpu.memory_space<vmem>>[vector<16xi32>], vector<16xf32>,
      %add3A_558 = arith.constant 896 : i32
      %add3A_559 = arith.addi %add3A_506, %add3A_558 : i32
      %swap3A_560 = arith.index_cast %add3A_559 : i32 to index
      %swap3A_561 = tpu.vector_load %arg10[%swap3A_560] {strides = array<i32>} : memref<8192xf32, #tpu.memory_space<vmem>>, vector<16xf32>,
      tpu.vector_store %arg10[%swap3A_560], %gather3A_557 {strides = array<i32>} : memref<8192xf32, #tpu.memory_space<vmem>>, vector<16xf32>,
    }
    %scan3A_135 = arith.constant 16 : i32
    %mul3A_136 = arith.constant 64 : i32
    %mul3A_137 = arith.muli %add3A, %mul3A_136 : i32
    %add3A_138 = arith.constant 16 : i32
    %add3A_139 = arith.addi %mul3A_137, %add3A_138 : i32
    %mul3A_140 = arith.constant 1024 : i32
    %mul3A_141 = arith.muli %add3A_139, %mul3A_140 : i32
    %dma_start3A_142 = tpu.memref_slice %arg5[%mul3A_141] : memref<2097152xf32, #tpu.memory_space<hbm>> -> memref<8192xf32, #tpu.memory_space<hbm>>
    %dma_start3A_143 = tpu.memref_slice %arg5[%mul3A_141] : memref<2097152xf32, #tpu.memory_space<hbm>> -> memref<8192xf32, #tpu.memory_space<hbm>>
    tpu.enqueue_dma source(%arg10 : memref<8192xf32, #tpu.memory_space<vmem>>) target(%dma_start3A_143 : memref<8192xf32, #tpu.memory_space<hbm>>) target_semaphore(%arg14 : memref<!tpu.dma_semaphore, #tpu.memory_space<semaphore_mem>>)
    %mul3A_144 = arith.constant 128 : i32
    %mul3A_145 = arith.muli %add3A, %mul3A_144 : i32
    %add3A_146 = arith.constant 64 : i32
    %add3A_147 = arith.addi %mul3A_145, %add3A_146 : i32
    %mul3A_148 = arith.constant 161 : i32
    %mul3A_149 = arith.muli %add3A_147, %mul3A_148 : i32
    %dma_start3A_150 = tpu.memref_slice %arg2[%mul3A_149] : memref<659456xf32, #tpu.memory_space<hbm>> -> memref<2576xf32, #tpu.memory_space<hbm>>
    %dma_start3A_151 = tpu.memref_slice %arg2[%mul3A_149] : memref<659456xf32, #tpu.memory_space<hbm>> -> memref<2576xf32, #tpu.memory_space<hbm>>
    tpu.enqueue_dma source(%dma_start3A_151 : memref<2576xf32, #tpu.memory_space<hbm>>) target(%arg6 : memref<2576xf32, #tpu.memory_space<vmem>>) target_semaphore(%arg12 : memref<!tpu.dma_semaphore, #tpu.memory_space<semaphore_mem>>)
    %dma_wait3A_152 = tpu.memref_slice %arg2[%mul3A_123] : memref<659456xf32, #tpu.memory_space<hbm>> -> memref<2576xf32, #tpu.memory_space<hbm>>
    %dma_wait3A_153 = tpu.memref_slice %arg2[%mul3A_123] : memref<659456xf32, #tpu.memory_space<hbm>> -> memref<2576xf32, #tpu.memory_space<hbm>>
    tpu.wait_dma2 semaphore(%arg13 : memref<!tpu.dma_semaphore, #tpu.memory_space<semaphore_mem>>) src(%dma_wait3A_153 : memref<2576xf32, #tpu.memory_space<hbm>>) dst(%arg7 : memref<2576xf32, #tpu.memory_space<vmem>>)
    %dma_wait3A_154 = tpu.memref_slice %arg5[%mul3A_115] : memref<2097152xf32, #tpu.memory_space<hbm>> -> memref<8192xf32, #tpu.memory_space<hbm>>
    %dma_wait3A_155 = tpu.memref_slice %arg5[%mul3A_115] : memref<2097152xf32, #tpu.memory_space<hbm>> -> memref<8192xf32, #tpu.memory_space<hbm>>
    tpu.wait_dma2 semaphore(%arg15 : memref<!tpu.dma_semaphore, #tpu.memory_space<semaphore_mem>>) src(%arg11 : memref<8192xf32, #tpu.memory_space<vmem>>) dst(%dma_wait3A_155 : memref<8192xf32, #tpu.memory_space<hbm>>)
    %scan3A_156 = arith.constant 0 : i32
    %scan3A_157 = arith.constant 0 : i32
    %scan3A_158 = arith.constant 16 : i32
    %scan3A_159 = arith.addi %scan3A_157, %scan3A_158 : i32
    %scan3A_160 = arith.constant 1 : i32
    scf.for %scan3A_270 = %scan3A_157 to %scan3A_159 step %scan3A_160  : i32 {
      %mul3A_271 = arith.constant 161 : i32
      %mul3A_272 = arith.muli %scan3A_270, %mul3A_271 : i32
      %broadcast_in_dim3A_273 = arith.constant 0 : i32
      %broadcast_in_dim3A_274 = vector.broadcast %broadcast_in_dim3A_273 : i32 to vector<16xi32>
      %add3A_275 = vector.broadcast %mul3A_272 : i32 to vector<16xi32>
      %add3A_276 = arith.addi %broadcast_in_dim3A_274, %add3A_275 : vector<16xi32>
      %gather3A = tpu.vector_load_idx %arg7[%add3A_276] : memref<2576xf32, #tpu.memory_space<vmem>>[vector<16xi32>], vector<16xf32>,
      %add3A_277 = arith.constant 1 : i32
      %add3A_278 = vector.broadcast %add3A_277 : i32 to vector<16xi32>
      %add3A_279 = arith.addi %add3A_276, %add3A_278 : vector<16xi32>
      %gather3A_280 = tpu.vector_load_idx %arg7[%add3A_279] : memref<2576xf32, #tpu.memory_space<vmem>>[vector<16xi32>], vector<16xf32>,
      %add3A_281 = arith.constant 2 : i32
      %add3A_282 = vector.broadcast %add3A_281 : i32 to vector<16xi32>
      %add3A_283 = arith.addi %add3A_276, %add3A_282 : vector<16xi32>
      %gather3A_284 = tpu.vector_load_idx %arg7[%add3A_283] : memref<2576xf32, #tpu.memory_space<vmem>>[vector<16xi32>], vector<16xf32>,
      %add3A_285 = arith.constant 3 : i32
      %add3A_286 = vector.broadcast %add3A_285 : i32 to vector<16xi32>
      %add3A_287 = arith.addi %add3A_276, %add3A_286 : vector<16xi32>
      %gather3A_288 = tpu.vector_load_idx %arg7[%add3A_287] : memref<2576xf32, #tpu.memory_space<vmem>>[vector<16xi32>], vector<16xf32>,
      %add3A_289 = arith.constant 1.000000e-03 : f32
      %add3A_290 = vector.broadcast %add3A_289 : f32 to vector<16xf32>
      %add3A_291 = arith.addf %add3A_290, %gather3A : vector<16xf32>
      %div3A = arith.constant 1.000000e+00 : f32
      %div3A_292 = vector.broadcast %div3A : f32 to vector<16xf32>
      %div3A_293 = arith.divf %div3A_292, %add3A_291 : vector<16xf32>
      %add3A_294 = arith.constant 1.000000e-03 : f32
      %add3A_295 = vector.broadcast %add3A_294 : f32 to vector<16xf32>
      %add3A_296 = arith.addf %add3A_295, %gather3A_280 : vector<16xf32>
      %div3A_297 = arith.constant 1.000000e+00 : f32
      %div3A_298 = vector.broadcast %div3A_297 : f32 to vector<16xf32>
      %div3A_299 = arith.divf %div3A_298, %add3A_296 : vector<16xf32>
      %jit3A = arith.constant 2 : i32
      %div3A_300 = arith.divsi %scan3A_270, %jit3A : i32
      %sign3A = arith.constant 0 : i32
      %sign3A_301 = arith.cmpi sgt, %scan3A_270, %sign3A : i32
      %sign3A_302 = arith.extui %sign3A_301 : i1 to i32
      %sign3A_303 = arith.constant 0 : i32
      %sign3A_304 = arith.cmpi slt, %scan3A_270, %sign3A_303 : i32
      %sign3A_305 = arith.extui %sign3A_304 : i1 to i32
      %sign3A_306 = arith.subi %sign3A_302, %sign3A_305 : i32
      %sign3A_307 = arith.constant 0 : i32
      %sign3A_308 = arith.cmpi sgt, %jit3A, %sign3A_307 : i32
      %sign3A_309 = arith.extui %sign3A_308 : i1 to i32
      %sign3A_310 = arith.constant 0 : i32
      %sign3A_311 = arith.cmpi slt, %jit3A, %sign3A_310 : i32
      %sign3A_312 = arith.extui %sign3A_311 : i1 to i32
      %sign3A_313 = arith.subi %sign3A_309, %sign3A_312 : i32
      %ne3A = arith.cmpi ne, %sign3A_306, %sign3A_313 : i32
      %rem3A = arith.remsi %scan3A_270, %jit3A : i32
      %ne3A_314 = arith.constant 0 : i32
      %ne3A_315 = arith.cmpi ne, %rem3A, %ne3A_314 : i32
      %and3A = arith.andi %ne3A, %ne3A_315 : i1
      %sub3A = arith.constant 1 : i32
      %sub3A_316 = arith.subi %div3A_300, %sub3A : i32
      %select_n3A = arith.select %and3A, %sub3A_316, %div3A_300 : i32
      %mul3A_317 = arith.constant 1024 : i32
      %mul3A_318 = arith.muli %select_n3A, %mul3A_317 : i32
      %jit3A_319 = arith.constant 2 : i32
      %eq3A = arith.constant 0 : i32
      %eq3A_320 = arith.cmpi eq, %jit3A_319, %eq3A : i32
      %jit3A_321 = arith.constant 1 : i32
      %select_n3A_322 = arith.select %eq3A_320, %jit3A_321, %jit3A_319 : i32
      %rem3A_323 = arith.remsi %scan3A_270, %select_n3A_322 : i32
      %ne3A_324 = arith.constant 0 : i32
      %ne3A_325 = arith.cmpi ne, %rem3A_323, %ne3A_324 : i32
      %lt3A = arith.constant 0 : i32
      %lt3A_326 = arith.cmpi slt, %rem3A_323, %lt3A : i32
      %lt3A_327 = arith.constant 0 : i32
      %lt3A_328 = arith.cmpi slt, %select_n3A_322, %lt3A_327 : i32
      %ne3A_329 = arith.xori %lt3A_326, %lt3A_328 : i1
      %and3A_330 = arith.andi %ne3A_329, %ne3A_325 : i1
      %add3A_331 = arith.addi %rem3A_323, %select_n3A_322 : i32
      %select_n3A_332 = arith.select %and3A_330, %add3A_331, %rem3A_323 : i32
      %mul3A_333 = arith.constant 64 : i32
      %mul3A_334 = arith.muli %select_n3A_332, %mul3A_333 : i32
      %add3A_335 = arith.addi %mul3A_318, %mul3A_334 : i32
      %add3A_336 = arith.constant 0 : i32
      %add3A_337 = arith.addi %add3A_335, %add3A_336 : i32
      %add3A_338 = vector.broadcast %mul3A_272 : i32 to vector<16xi32>
      %add3A_339 = arith.addi %get3A_10, %add3A_338 : vector<16xi32>
      %gather3A_340 = tpu.vector_load_idx %arg7[%add3A_339] : memref<2576xf32, #tpu.memory_space<vmem>>[vector<16xi32>], vector<16xf32>,
      %add3A_341 = vector.broadcast %mul3A_272 : i32 to vector<16xi32>
      %add3A_342 = arith.addi %get3A_18, %add3A_341 : vector<16xi32>
      %gather3A_343 = tpu.vector_load_idx %arg7[%add3A_342] : memref<2576xf32, #tpu.memory_space<vmem>>[vector<16xi32>], vector<16xf32>,
      %mul3A_344 = arith.mulf %gather3A_340, %get3A_1 : vector<16xf32>
      %mul3A_345 = arith.mulf %gather3A_343, %get3A_1 : vector<16xf32>
      %add3A_346 = arith.addf %mul3A_344, %gather3A_284 : vector<16xf32>
      %swap3A = arith.index_cast %add3A_337 : i32 to index
      %swap3A_347 = tpu.vector_load %arg11[%swap3A] {strides = array<i32>} : memref<8192xf32, #tpu.memory_space<vmem>>, vector<16xf32>,
      tpu.vector_store %arg11[%swap3A], %add3A_346 {strides = array<i32>} : memref<8192xf32, #tpu.memory_space<vmem>>, vector<16xf32>,
      %add3A_348 = arith.addf %mul3A_345, %gather3A_288 : vector<16xf32>
      %add3A_349 = arith.constant 128 : i32
      %add3A_350 = arith.addi %add3A_337, %add3A_349 : i32
      %swap3A_351 = arith.index_cast %add3A_350 : i32 to index
      %swap3A_352 = tpu.vector_load %arg11[%swap3A_351] {strides = array<i32>} : memref<8192xf32, #tpu.memory_space<vmem>>, vector<16xf32>,
      tpu.vector_store %arg11[%swap3A_351], %add3A_348 {strides = array<i32>} : memref<8192xf32, #tpu.memory_space<vmem>>, vector<16xf32>,
      %add3A_353 = vector.broadcast %mul3A_272 : i32 to vector<16xi32>
      %add3A_354 = arith.addi %get3A_26, %add3A_353 : vector<16xi32>
      %gather3A_355 = tpu.vector_load_idx %arg7[%add3A_354] : memref<2576xf32, #tpu.memory_space<vmem>>[vector<16xi32>], vector<16xf32>,
      %add3A_356 = arith.constant 256 : i32
      %add3A_357 = arith.addi %add3A_337, %add3A_356 : i32
      %swap3A_358 = arith.index_cast %add3A_357 : i32 to index
      %swap3A_359 = tpu.vector_load %arg11[%swap3A_358] {strides = array<i32>} : memref<8192xf32, #tpu.memory_space<vmem>>, vector<16xf32>,
      tpu.vector_store %arg11[%swap3A_358], %gather3A_355 {strides = array<i32>} : memref<8192xf32, #tpu.memory_space<vmem>>, vector<16xf32>,
      %add3A_360 = vector.broadcast %mul3A_272 : i32 to vector<16xi32>
      %add3A_361 = arith.addi %get3A_34, %add3A_360 : vector<16xi32>
      %gather3A_362 = tpu.vector_load_idx %arg7[%add3A_361] : memref<2576xf32, #tpu.memory_space<vmem>>[vector<16xi32>], vector<16xf32>,
      %add3A_363 = arith.constant 384 : i32
      %add3A_364 = arith.addi %add3A_337, %add3A_363 : i32
      %swap3A_365 = arith.index_cast %add3A_364 : i32 to index
      %swap3A_366 = tpu.vector_load %arg11[%swap3A_365] {strides = array<i32>} : memref<8192xf32, #tpu.memory_space<vmem>>, vector<16xf32>,
      tpu.vector_store %arg11[%swap3A_365], %gather3A_362 {strides = array<i32>} : memref<8192xf32, #tpu.memory_space<vmem>>, vector<16xf32>,
      %add3A_367 = vector.broadcast %mul3A_272 : i32 to vector<16xi32>
      %add3A_368 = arith.addi %get3A_42, %add3A_367 : vector<16xi32>
      %gather3A_369 = tpu.vector_load_idx %arg7[%add3A_368] : memref<2576xf32, #tpu.memory_space<vmem>>[vector<16xi32>], vector<16xf32>,
      %add3A_370 = vector.broadcast %mul3A_272 : i32 to vector<16xi32>
      %add3A_371 = arith.addi %get3A_50, %add3A_370 : vector<16xi32>
      %gather3A_372 = tpu.vector_load_idx %arg7[%add3A_371] : memref<2576xf32, #tpu.memory_space<vmem>>[vector<16xi32>], vector<16xf32>,
      %mul3A_373 = arith.mulf %gather3A_369, %get3A_1 : vector<16xf32>
      %mul3A_374 = arith.mulf %gather3A_372, %get3A_1 : vector<16xf32>
      %mul3A_375 = arith.mulf %mul3A_373, %div3A_293 : vector<16xf32>
      %add3A_376 = arith.constant 512 : i32
      %add3A_377 = arith.addi %add3A_337, %add3A_376 : i32
      %swap3A_378 = arith.index_cast %add3A_377 : i32 to index
      %swap3A_379 = tpu.vector_load %arg11[%swap3A_378] {strides = array<i32>} : memref<8192xf32, #tpu.memory_space<vmem>>, vector<16xf32>,
      tpu.vector_store %arg11[%swap3A_378], %mul3A_375 {strides = array<i32>} : memref<8192xf32, #tpu.memory_space<vmem>>, vector<16xf32>,
      %mul3A_380 = arith.mulf %mul3A_374, %div3A_299 : vector<16xf32>
      %add3A_381 = arith.constant 640 : i32
      %add3A_382 = arith.addi %add3A_337, %add3A_381 : i32
      %swap3A_383 = arith.index_cast %add3A_382 : i32 to index
      %swap3A_384 = tpu.vector_load %arg11[%swap3A_383] {strides = array<i32>} : memref<8192xf32, #tpu.memory_space<vmem>>, vector<16xf32>,
      tpu.vector_store %arg11[%swap3A_383], %mul3A_380 {strides = array<i32>} : memref<8192xf32, #tpu.memory_space<vmem>>, vector<16xf32>,
      %add3A_385 = arith.constant 768 : i32
      %add3A_386 = arith.addi %add3A_337, %add3A_385 : i32
      %swap3A_387 = arith.index_cast %add3A_386 : i32 to index
      %swap3A_388 = tpu.vector_load %arg11[%swap3A_387] {strides = array<i32>} : memref<8192xf32, #tpu.memory_space<vmem>>, vector<16xf32>,
      tpu.vector_store %arg11[%swap3A_387], %get3A_3 {strides = array<i32>} : memref<8192xf32, #tpu.memory_space<vmem>>, vector<16xf32>,
      %add3A_389 = arith.constant 896 : i32
      %add3A_390 = arith.addi %add3A_337, %add3A_389 : i32
      %swap3A_391 = arith.index_cast %add3A_390 : i32 to index
      %swap3A_392 = tpu.vector_load %arg11[%swap3A_391] {strides = array<i32>} : memref<8192xf32, #tpu.memory_space<vmem>>, vector<16xf32>,
      tpu.vector_store %arg11[%swap3A_391], %broadcast_in_dim3A_6 {strides = array<i32>} : memref<8192xf32, #tpu.memory_space<vmem>>, vector<16xf32>,
      %add3A_393 = arith.constant 16 : i32
      %add3A_394 = arith.addi %add3A_335, %add3A_393 : i32
      %add3A_395 = vector.broadcast %mul3A_272 : i32 to vector<16xi32>
      %add3A_396 = arith.addi %get3A_12, %add3A_395 : vector<16xi32>
      %gather3A_397 = tpu.vector_load_idx %arg7[%add3A_396] : memref<2576xf32, #tpu.memory_space<vmem>>[vector<16xi32>], vector<16xf32>,
      %add3A_398 = vector.broadcast %mul3A_272 : i32 to vector<16xi32>
      %add3A_399 = arith.addi %get3A_20, %add3A_398 : vector<16xi32>
      %gather3A_400 = tpu.vector_load_idx %arg7[%add3A_399] : memref<2576xf32, #tpu.memory_space<vmem>>[vector<16xi32>], vector<16xf32>,
      %add3A_401 = arith.addf %gather3A_397, %gather3A_284 : vector<16xf32>
      %swap3A_402 = arith.index_cast %add3A_394 : i32 to index
      %swap3A_403 = tpu.vector_load %arg11[%swap3A_402] {strides = array<i32>} : memref<8192xf32, #tpu.memory_space<vmem>>, vector<16xf32>,
      tpu.vector_store %arg11[%swap3A_402], %add3A_401 {strides = array<i32>} : memref<8192xf32, #tpu.memory_space<vmem>>, vector<16xf32>,
      %add3A_404 = arith.addf %gather3A_400, %gather3A_288 : vector<16xf32>
      %add3A_405 = arith.constant 128 : i32
      %add3A_406 = arith.addi %add3A_394, %add3A_405 : i32
      %swap3A_407 = arith.index_cast %add3A_406 : i32 to index
      %swap3A_408 = tpu.vector_load %arg11[%swap3A_407] {strides = array<i32>} : memref<8192xf32, #tpu.memory_space<vmem>>, vector<16xf32>,
      tpu.vector_store %arg11[%swap3A_407], %add3A_404 {strides = array<i32>} : memref<8192xf32, #tpu.memory_space<vmem>>, vector<16xf32>,
      %add3A_409 = vector.broadcast %mul3A_272 : i32 to vector<16xi32>
      %add3A_410 = arith.addi %get3A_28, %add3A_409 : vector<16xi32>
      %gather3A_411 = tpu.vector_load_idx %arg7[%add3A_410] : memref<2576xf32, #tpu.memory_space<vmem>>[vector<16xi32>], vector<16xf32>,
      %add3A_412 = arith.constant 256 : i32
      %add3A_413 = arith.addi %add3A_394, %add3A_412 : i32
      %swap3A_414 = arith.index_cast %add3A_413 : i32 to index
      %swap3A_415 = tpu.vector_load %arg11[%swap3A_414] {strides = array<i32>} : memref<8192xf32, #tpu.memory_space<vmem>>, vector<16xf32>,
      tpu.vector_store %arg11[%swap3A_414], %gather3A_411 {strides = array<i32>} : memref<8192xf32, #tpu.memory_space<vmem>>, vector<16xf32>,
      %add3A_416 = vector.broadcast %mul3A_272 : i32 to vector<16xi32>
      %add3A_417 = arith.addi %get3A_36, %add3A_416 : vector<16xi32>
      %gather3A_418 = tpu.vector_load_idx %arg7[%add3A_417] : memref<2576xf32, #tpu.memory_space<vmem>>[vector<16xi32>], vector<16xf32>,
      %add3A_419 = arith.constant 384 : i32
      %add3A_420 = arith.addi %add3A_394, %add3A_419 : i32
      %swap3A_421 = arith.index_cast %add3A_420 : i32 to index
      %swap3A_422 = tpu.vector_load %arg11[%swap3A_421] {strides = array<i32>} : memref<8192xf32, #tpu.memory_space<vmem>>, vector<16xf32>,
      tpu.vector_store %arg11[%swap3A_421], %gather3A_418 {strides = array<i32>} : memref<8192xf32, #tpu.memory_space<vmem>>, vector<16xf32>,
      %add3A_423 = vector.broadcast %mul3A_272 : i32 to vector<16xi32>
      %add3A_424 = arith.addi %get3A_44, %add3A_423 : vector<16xi32>
      %gather3A_425 = tpu.vector_load_idx %arg7[%add3A_424] : memref<2576xf32, #tpu.memory_space<vmem>>[vector<16xi32>], vector<16xf32>,
      %add3A_426 = vector.broadcast %mul3A_272 : i32 to vector<16xi32>
      %add3A_427 = arith.addi %get3A_52, %add3A_426 : vector<16xi32>
      %gather3A_428 = tpu.vector_load_idx %arg7[%add3A_427] : memref<2576xf32, #tpu.memory_space<vmem>>[vector<16xi32>], vector<16xf32>,
      %mul3A_429 = arith.mulf %gather3A_425, %div3A_293 : vector<16xf32>
      %add3A_430 = arith.constant 512 : i32
      %add3A_431 = arith.addi %add3A_394, %add3A_430 : i32
      %swap3A_432 = arith.index_cast %add3A_431 : i32 to index
      %swap3A_433 = tpu.vector_load %arg11[%swap3A_432] {strides = array<i32>} : memref<8192xf32, #tpu.memory_space<vmem>>, vector<16xf32>,
      tpu.vector_store %arg11[%swap3A_432], %mul3A_429 {strides = array<i32>} : memref<8192xf32, #tpu.memory_space<vmem>>, vector<16xf32>,
      %mul3A_434 = arith.mulf %gather3A_428, %div3A_299 : vector<16xf32>
      %add3A_435 = arith.constant 640 : i32
      %add3A_436 = arith.addi %add3A_394, %add3A_435 : i32
      %swap3A_437 = arith.index_cast %add3A_436 : i32 to index
      %swap3A_438 = tpu.vector_load %arg11[%swap3A_437] {strides = array<i32>} : memref<8192xf32, #tpu.memory_space<vmem>>, vector<16xf32>,
      tpu.vector_store %arg11[%swap3A_437], %mul3A_434 {strides = array<i32>} : memref<8192xf32, #tpu.memory_space<vmem>>, vector<16xf32>,
      %add3A_439 = arith.constant 768 : i32
      %add3A_440 = arith.addi %add3A_394, %add3A_439 : i32
      %swap3A_441 = arith.index_cast %add3A_440 : i32 to index
      %swap3A_442 = tpu.vector_load %arg11[%swap3A_441] {strides = array<i32>} : memref<8192xf32, #tpu.memory_space<vmem>>, vector<16xf32>,
      tpu.vector_store %arg11[%swap3A_441], %broadcast_in_dim3A_6 {strides = array<i32>} : memref<8192xf32, #tpu.memory_space<vmem>>, vector<16xf32>,
      %add3A_443 = arith.constant 896 : i32
      %add3A_444 = arith.addi %add3A_394, %add3A_443 : i32
      %swap3A_445 = arith.index_cast %add3A_444 : i32 to index
      %swap3A_446 = tpu.vector_load %arg11[%swap3A_445] {strides = array<i32>} : memref<8192xf32, #tpu.memory_space<vmem>>, vector<16xf32>,
      tpu.vector_store %arg11[%swap3A_445], %broadcast_in_dim3A_6 {strides = array<i32>} : memref<8192xf32, #tpu.memory_space<vmem>>, vector<16xf32>,
      %add3A_447 = arith.constant 32 : i32
      %add3A_448 = arith.addi %add3A_335, %add3A_447 : i32
      %add3A_449 = vector.broadcast %mul3A_272 : i32 to vector<16xi32>
      %add3A_450 = arith.addi %get3A_14, %add3A_449 : vector<16xi32>
      %gather3A_451 = tpu.vector_load_idx %arg7[%add3A_450] : memref<2576xf32, #tpu.memory_space<vmem>>[vector<16xi32>], vector<16xf32>,
      %add3A_452 = vector.broadcast %mul3A_272 : i32 to vector<16xi32>
      %add3A_453 = arith.addi %get3A_22, %add3A_452 : vector<16xi32>
      %gather3A_454 = tpu.vector_load_idx %arg7[%add3A_453] : memref<2576xf32, #tpu.memory_space<vmem>>[vector<16xi32>], vector<16xf32>,
      %add3A_455 = arith.addf %gather3A_451, %gather3A_284 : vector<16xf32>
      %swap3A_456 = arith.index_cast %add3A_448 : i32 to index
      %swap3A_457 = tpu.vector_load %arg11[%swap3A_456] {strides = array<i32>} : memref<8192xf32, #tpu.memory_space<vmem>>, vector<16xf32>,
      tpu.vector_store %arg11[%swap3A_456], %add3A_455 {strides = array<i32>} : memref<8192xf32, #tpu.memory_space<vmem>>, vector<16xf32>,
      %add3A_458 = arith.addf %gather3A_454, %gather3A_288 : vector<16xf32>
      %add3A_459 = arith.constant 128 : i32
      %add3A_460 = arith.addi %add3A_448, %add3A_459 : i32
      %swap3A_461 = arith.index_cast %add3A_460 : i32 to index
      %swap3A_462 = tpu.vector_load %arg11[%swap3A_461] {strides = array<i32>} : memref<8192xf32, #tpu.memory_space<vmem>>, vector<16xf32>,
      tpu.vector_store %arg11[%swap3A_461], %add3A_458 {strides = array<i32>} : memref<8192xf32, #tpu.memory_space<vmem>>, vector<16xf32>,
      %add3A_463 = vector.broadcast %mul3A_272 : i32 to vector<16xi32>
      %add3A_464 = arith.addi %get3A_30, %add3A_463 : vector<16xi32>
      %gather3A_465 = tpu.vector_load_idx %arg7[%add3A_464] : memref<2576xf32, #tpu.memory_space<vmem>>[vector<16xi32>], vector<16xf32>,
      %add3A_466 = arith.constant 256 : i32
      %add3A_467 = arith.addi %add3A_448, %add3A_466 : i32
      %swap3A_468 = arith.index_cast %add3A_467 : i32 to index
      %swap3A_469 = tpu.vector_load %arg11[%swap3A_468] {strides = array<i32>} : memref<8192xf32, #tpu.memory_space<vmem>>, vector<16xf32>,
      tpu.vector_store %arg11[%swap3A_468], %gather3A_465 {strides = array<i32>} : memref<8192xf32, #tpu.memory_space<vmem>>, vector<16xf32>,
      %add3A_470 = vector.broadcast %mul3A_272 : i32 to vector<16xi32>
      %add3A_471 = arith.addi %get3A_38, %add3A_470 : vector<16xi32>
      %gather3A_472 = tpu.vector_load_idx %arg7[%add3A_471] : memref<2576xf32, #tpu.memory_space<vmem>>[vector<16xi32>], vector<16xf32>,
      %add3A_473 = arith.constant 384 : i32
      %add3A_474 = arith.addi %add3A_448, %add3A_473 : i32
      %swap3A_475 = arith.index_cast %add3A_474 : i32 to index
      %swap3A_476 = tpu.vector_load %arg11[%swap3A_475] {strides = array<i32>} : memref<8192xf32, #tpu.memory_space<vmem>>, vector<16xf32>,
      tpu.vector_store %arg11[%swap3A_475], %gather3A_472 {strides = array<i32>} : memref<8192xf32, #tpu.memory_space<vmem>>, vector<16xf32>,
      %add3A_477 = vector.broadcast %mul3A_272 : i32 to vector<16xi32>
      %add3A_478 = arith.addi %get3A_46, %add3A_477 : vector<16xi32>
      %gather3A_479 = tpu.vector_load_idx %arg7[%add3A_478] : memref<2576xf32, #tpu.memory_space<vmem>>[vector<16xi32>], vector<16xf32>,
      %add3A_480 = vector.broadcast %mul3A_272 : i32 to vector<16xi32>
      %add3A_481 = arith.addi %get3A_54, %add3A_480 : vector<16xi32>
      %gather3A_482 = tpu.vector_load_idx %arg7[%add3A_481] : memref<2576xf32, #tpu.memory_space<vmem>>[vector<16xi32>], vector<16xf32>,
      %mul3A_483 = arith.mulf %gather3A_479, %div3A_293 : vector<16xf32>
      %add3A_484 = arith.constant 512 : i32
      %add3A_485 = arith.addi %add3A_448, %add3A_484 : i32
      %swap3A_486 = arith.index_cast %add3A_485 : i32 to index
      %swap3A_487 = tpu.vector_load %arg11[%swap3A_486] {strides = array<i32>} : memref<8192xf32, #tpu.memory_space<vmem>>, vector<16xf32>,
      tpu.vector_store %arg11[%swap3A_486], %mul3A_483 {strides = array<i32>} : memref<8192xf32, #tpu.memory_space<vmem>>, vector<16xf32>,
      %mul3A_488 = arith.mulf %gather3A_482, %div3A_299 : vector<16xf32>
      %add3A_489 = arith.constant 640 : i32
      %add3A_490 = arith.addi %add3A_448, %add3A_489 : i32
      %swap3A_491 = arith.index_cast %add3A_490 : i32 to index
      %swap3A_492 = tpu.vector_load %arg11[%swap3A_491] {strides = array<i32>} : memref<8192xf32, #tpu.memory_space<vmem>>, vector<16xf32>,
      tpu.vector_store %arg11[%swap3A_491], %mul3A_488 {strides = array<i32>} : memref<8192xf32, #tpu.memory_space<vmem>>, vector<16xf32>,
      %add3A_493 = arith.constant 768 : i32
      %add3A_494 = arith.addi %add3A_448, %add3A_493 : i32
      %swap3A_495 = arith.index_cast %add3A_494 : i32 to index
      %swap3A_496 = tpu.vector_load %arg11[%swap3A_495] {strides = array<i32>} : memref<8192xf32, #tpu.memory_space<vmem>>, vector<16xf32>,
      tpu.vector_store %arg11[%swap3A_495], %get3A_5 {strides = array<i32>} : memref<8192xf32, #tpu.memory_space<vmem>>, vector<16xf32>,
      %add3A_497 = vector.broadcast %mul3A_272 : i32 to vector<16xi32>
      %add3A_498 = arith.addi %get3A_62, %add3A_497 : vector<16xi32>
      %gather3A_499 = tpu.vector_load_idx %arg7[%add3A_498] : memref<2576xf32, #tpu.memory_space<vmem>>[vector<16xi32>], vector<16xf32>,
      %mul3A_500 = arith.mulf %gather3A_499, %get3A_1 : vector<16xf32>
      %add3A_501 = arith.constant 896 : i32
      %add3A_502 = arith.addi %add3A_448, %add3A_501 : i32
      %swap3A_503 = arith.index_cast %add3A_502 : i32 to index
      %swap3A_504 = tpu.vector_load %arg11[%swap3A_503] {strides = array<i32>} : memref<8192xf32, #tpu.memory_space<vmem>>, vector<16xf32>,
      tpu.vector_store %arg11[%swap3A_503], %mul3A_500 {strides = array<i32>} : memref<8192xf32, #tpu.memory_space<vmem>>, vector<16xf32>,
      %add3A_505 = arith.constant 48 : i32
      %add3A_506 = arith.addi %add3A_335, %add3A_505 : i32
      %add3A_507 = vector.broadcast %mul3A_272 : i32 to vector<16xi32>
      %add3A_508 = arith.addi %get3A_16, %add3A_507 : vector<16xi32>
      %gather3A_509 = tpu.vector_load_idx %arg7[%add3A_508] : memref<2576xf32, #tpu.memory_space<vmem>>[vector<16xi32>], vector<16xf32>,
      %add3A_510 = vector.broadcast %mul3A_272 : i32 to vector<16xi32>
      %add3A_511 = arith.addi %get3A_24, %add3A_510 : vector<16xi32>
      %gather3A_512 = tpu.vector_load_idx %arg7[%add3A_511] : memref<2576xf32, #tpu.memory_space<vmem>>[vector<16xi32>], vector<16xf32>,
      %add3A_513 = arith.addf %gather3A_509, %gather3A_284 : vector<16xf32>
      %swap3A_514 = arith.index_cast %add3A_506 : i32 to index
      %swap3A_515 = tpu.vector_load %arg11[%swap3A_514] {strides = array<i32>} : memref<8192xf32, #tpu.memory_space<vmem>>, vector<16xf32>,
      tpu.vector_store %arg11[%swap3A_514], %add3A_513 {strides = array<i32>} : memref<8192xf32, #tpu.memory_space<vmem>>, vector<16xf32>,
      %add3A_516 = arith.addf %gather3A_512, %gather3A_288 : vector<16xf32>
      %add3A_517 = arith.constant 128 : i32
      %add3A_518 = arith.addi %add3A_506, %add3A_517 : i32
      %swap3A_519 = arith.index_cast %add3A_518 : i32 to index
      %swap3A_520 = tpu.vector_load %arg11[%swap3A_519] {strides = array<i32>} : memref<8192xf32, #tpu.memory_space<vmem>>, vector<16xf32>,
      tpu.vector_store %arg11[%swap3A_519], %add3A_516 {strides = array<i32>} : memref<8192xf32, #tpu.memory_space<vmem>>, vector<16xf32>,
      %add3A_521 = vector.broadcast %mul3A_272 : i32 to vector<16xi32>
      %add3A_522 = arith.addi %get3A_32, %add3A_521 : vector<16xi32>
      %gather3A_523 = tpu.vector_load_idx %arg7[%add3A_522] : memref<2576xf32, #tpu.memory_space<vmem>>[vector<16xi32>], vector<16xf32>,
      %add3A_524 = arith.constant 256 : i32
      %add3A_525 = arith.addi %add3A_506, %add3A_524 : i32
      %swap3A_526 = arith.index_cast %add3A_525 : i32 to index
      %swap3A_527 = tpu.vector_load %arg11[%swap3A_526] {strides = array<i32>} : memref<8192xf32, #tpu.memory_space<vmem>>, vector<16xf32>,
      tpu.vector_store %arg11[%swap3A_526], %gather3A_523 {strides = array<i32>} : memref<8192xf32, #tpu.memory_space<vmem>>, vector<16xf32>,
      %add3A_528 = vector.broadcast %mul3A_272 : i32 to vector<16xi32>
      %add3A_529 = arith.addi %get3A_40, %add3A_528 : vector<16xi32>
      %gather3A_530 = tpu.vector_load_idx %arg7[%add3A_529] : memref<2576xf32, #tpu.memory_space<vmem>>[vector<16xi32>], vector<16xf32>,
      %add3A_531 = arith.constant 384 : i32
      %add3A_532 = arith.addi %add3A_506, %add3A_531 : i32
      %swap3A_533 = arith.index_cast %add3A_532 : i32 to index
      %swap3A_534 = tpu.vector_load %arg11[%swap3A_533] {strides = array<i32>} : memref<8192xf32, #tpu.memory_space<vmem>>, vector<16xf32>,
      tpu.vector_store %arg11[%swap3A_533], %gather3A_530 {strides = array<i32>} : memref<8192xf32, #tpu.memory_space<vmem>>, vector<16xf32>,
      %add3A_535 = vector.broadcast %mul3A_272 : i32 to vector<16xi32>
      %add3A_536 = arith.addi %get3A_48, %add3A_535 : vector<16xi32>
      %gather3A_537 = tpu.vector_load_idx %arg7[%add3A_536] : memref<2576xf32, #tpu.memory_space<vmem>>[vector<16xi32>], vector<16xf32>,
      %add3A_538 = vector.broadcast %mul3A_272 : i32 to vector<16xi32>
      %add3A_539 = arith.addi %get3A_56, %add3A_538 : vector<16xi32>
      %gather3A_540 = tpu.vector_load_idx %arg7[%add3A_539] : memref<2576xf32, #tpu.memory_space<vmem>>[vector<16xi32>], vector<16xf32>,
      %mul3A_541 = arith.mulf %gather3A_537, %div3A_293 : vector<16xf32>
      %add3A_542 = arith.constant 512 : i32
      %add3A_543 = arith.addi %add3A_506, %add3A_542 : i32
      %swap3A_544 = arith.index_cast %add3A_543 : i32 to index
      %swap3A_545 = tpu.vector_load %arg11[%swap3A_544] {strides = array<i32>} : memref<8192xf32, #tpu.memory_space<vmem>>, vector<16xf32>,
      tpu.vector_store %arg11[%swap3A_544], %mul3A_541 {strides = array<i32>} : memref<8192xf32, #tpu.memory_space<vmem>>, vector<16xf32>,
      %mul3A_546 = arith.mulf %gather3A_540, %div3A_299 : vector<16xf32>
      %add3A_547 = arith.constant 640 : i32
      %add3A_548 = arith.addi %add3A_506, %add3A_547 : i32
      %swap3A_549 = arith.index_cast %add3A_548 : i32 to index
      %swap3A_550 = tpu.vector_load %arg11[%swap3A_549] {strides = array<i32>} : memref<8192xf32, #tpu.memory_space<vmem>>, vector<16xf32>,
      tpu.vector_store %arg11[%swap3A_549], %mul3A_546 {strides = array<i32>} : memref<8192xf32, #tpu.memory_space<vmem>>, vector<16xf32>,
      %add3A_551 = arith.constant 768 : i32
      %add3A_552 = arith.addi %add3A_506, %add3A_551 : i32
      %swap3A_553 = arith.index_cast %add3A_552 : i32 to index
      %swap3A_554 = tpu.vector_load %arg11[%swap3A_553] {strides = array<i32>} : memref<8192xf32, #tpu.memory_space<vmem>>, vector<16xf32>,
      tpu.vector_store %arg11[%swap3A_553], %broadcast_in_dim3A_8 {strides = array<i32>} : memref<8192xf32, #tpu.memory_space<vmem>>, vector<16xf32>,
      %add3A_555 = vector.broadcast %mul3A_272 : i32 to vector<16xi32>
      %add3A_556 = arith.addi %get3A_64, %add3A_555 : vector<16xi32>
      %gather3A_557 = tpu.vector_load_idx %arg7[%add3A_556] : memref<2576xf32, #tpu.memory_space<vmem>>[vector<16xi32>], vector<16xf32>,
      %add3A_558 = arith.constant 896 : i32
      %add3A_559 = arith.addi %add3A_506, %add3A_558 : i32
      %swap3A_560 = arith.index_cast %add3A_559 : i32 to index
      %swap3A_561 = tpu.vector_load %arg11[%swap3A_560] {strides = array<i32>} : memref<8192xf32, #tpu.memory_space<vmem>>, vector<16xf32>,
      tpu.vector_store %arg11[%swap3A_560], %gather3A_557 {strides = array<i32>} : memref<8192xf32, #tpu.memory_space<vmem>>, vector<16xf32>,
    }
    %scan3A_161 = arith.constant 16 : i32
    %mul3A_162 = arith.constant 64 : i32
    %mul3A_163 = arith.muli %add3A, %mul3A_162 : i32
    %add3A_164 = arith.constant 24 : i32
    %add3A_165 = arith.addi %mul3A_163, %add3A_164 : i32
    %mul3A_166 = arith.constant 1024 : i32
    %mul3A_167 = arith.muli %add3A_165, %mul3A_166 : i32
    %dma_start3A_168 = tpu.memref_slice %arg5[%mul3A_167] : memref<2097152xf32, #tpu.memory_space<hbm>> -> memref<8192xf32, #tpu.memory_space<hbm>>
    %dma_start3A_169 = tpu.memref_slice %arg5[%mul3A_167] : memref<2097152xf32, #tpu.memory_space<hbm>> -> memref<8192xf32, #tpu.memory_space<hbm>>
    tpu.enqueue_dma source(%arg11 : memref<8192xf32, #tpu.memory_space<vmem>>) target(%dma_start3A_169 : memref<8192xf32, #tpu.memory_space<hbm>>) target_semaphore(%arg15 : memref<!tpu.dma_semaphore, #tpu.memory_space<semaphore_mem>>)
    %mul3A_170 = arith.constant 128 : i32
    %mul3A_171 = arith.muli %add3A, %mul3A_170 : i32
    %add3A_172 = arith.constant 80 : i32
    %add3A_173 = arith.addi %mul3A_171, %add3A_172 : i32
    %mul3A_174 = arith.constant 161 : i32
    %mul3A_175 = arith.muli %add3A_173, %mul3A_174 : i32
    %dma_start3A_176 = tpu.memref_slice %arg2[%mul3A_175] : memref<659456xf32, #tpu.memory_space<hbm>> -> memref<2576xf32, #tpu.memory_space<hbm>>
    %dma_start3A_177 = tpu.memref_slice %arg2[%mul3A_175] : memref<659456xf32, #tpu.memory_space<hbm>> -> memref<2576xf32, #tpu.memory_space<hbm>>
    tpu.enqueue_dma source(%dma_start3A_177 : memref<2576xf32, #tpu.memory_space<hbm>>) target(%arg7 : memref<2576xf32, #tpu.memory_space<vmem>>) target_semaphore(%arg13 : memref<!tpu.dma_semaphore, #tpu.memory_space<semaphore_mem>>)
    %dma_wait3A_178 = tpu.memref_slice %arg2[%mul3A_149] : memref<659456xf32, #tpu.memory_space<hbm>> -> memref<2576xf32, #tpu.memory_space<hbm>>
    %dma_wait3A_179 = tpu.memref_slice %arg2[%mul3A_149] : memref<659456xf32, #tpu.memory_space<hbm>> -> memref<2576xf32, #tpu.memory_space<hbm>>
    tpu.wait_dma2 semaphore(%arg12 : memref<!tpu.dma_semaphore, #tpu.memory_space<semaphore_mem>>) src(%dma_wait3A_179 : memref<2576xf32, #tpu.memory_space<hbm>>) dst(%arg6 : memref<2576xf32, #tpu.memory_space<vmem>>)
    %dma_wait3A_180 = tpu.memref_slice %arg5[%mul3A_141] : memref<2097152xf32, #tpu.memory_space<hbm>> -> memref<8192xf32, #tpu.memory_space<hbm>>
    %dma_wait3A_181 = tpu.memref_slice %arg5[%mul3A_141] : memref<2097152xf32, #tpu.memory_space<hbm>> -> memref<8192xf32, #tpu.memory_space<hbm>>
    tpu.wait_dma2 semaphore(%arg14 : memref<!tpu.dma_semaphore, #tpu.memory_space<semaphore_mem>>) src(%arg10 : memref<8192xf32, #tpu.memory_space<vmem>>) dst(%dma_wait3A_181 : memref<8192xf32, #tpu.memory_space<hbm>>)
    %scan3A_182 = arith.constant 0 : i32
    %scan3A_183 = arith.constant 0 : i32
    %scan3A_184 = arith.constant 16 : i32
    %scan3A_185 = arith.addi %scan3A_183, %scan3A_184 : i32
    %scan3A_186 = arith.constant 1 : i32
    scf.for %scan3A_270 = %scan3A_183 to %scan3A_185 step %scan3A_186  : i32 {
      %mul3A_271 = arith.constant 161 : i32
      %mul3A_272 = arith.muli %scan3A_270, %mul3A_271 : i32
      %broadcast_in_dim3A_273 = arith.constant 0 : i32
      %broadcast_in_dim3A_274 = vector.broadcast %broadcast_in_dim3A_273 : i32 to vector<16xi32>
      %add3A_275 = vector.broadcast %mul3A_272 : i32 to vector<16xi32>
      %add3A_276 = arith.addi %broadcast_in_dim3A_274, %add3A_275 : vector<16xi32>
      %gather3A = tpu.vector_load_idx %arg6[%add3A_276] : memref<2576xf32, #tpu.memory_space<vmem>>[vector<16xi32>], vector<16xf32>,
      %add3A_277 = arith.constant 1 : i32
      %add3A_278 = vector.broadcast %add3A_277 : i32 to vector<16xi32>
      %add3A_279 = arith.addi %add3A_276, %add3A_278 : vector<16xi32>
      %gather3A_280 = tpu.vector_load_idx %arg6[%add3A_279] : memref<2576xf32, #tpu.memory_space<vmem>>[vector<16xi32>], vector<16xf32>,
      %add3A_281 = arith.constant 2 : i32
      %add3A_282 = vector.broadcast %add3A_281 : i32 to vector<16xi32>
      %add3A_283 = arith.addi %add3A_276, %add3A_282 : vector<16xi32>
      %gather3A_284 = tpu.vector_load_idx %arg6[%add3A_283] : memref<2576xf32, #tpu.memory_space<vmem>>[vector<16xi32>], vector<16xf32>,
      %add3A_285 = arith.constant 3 : i32
      %add3A_286 = vector.broadcast %add3A_285 : i32 to vector<16xi32>
      %add3A_287 = arith.addi %add3A_276, %add3A_286 : vector<16xi32>
      %gather3A_288 = tpu.vector_load_idx %arg6[%add3A_287] : memref<2576xf32, #tpu.memory_space<vmem>>[vector<16xi32>], vector<16xf32>,
      %add3A_289 = arith.constant 1.000000e-03 : f32
      %add3A_290 = vector.broadcast %add3A_289 : f32 to vector<16xf32>
      %add3A_291 = arith.addf %add3A_290, %gather3A : vector<16xf32>
      %div3A = arith.constant 1.000000e+00 : f32
      %div3A_292 = vector.broadcast %div3A : f32 to vector<16xf32>
      %div3A_293 = arith.divf %div3A_292, %add3A_291 : vector<16xf32>
      %add3A_294 = arith.constant 1.000000e-03 : f32
      %add3A_295 = vector.broadcast %add3A_294 : f32 to vector<16xf32>
      %add3A_296 = arith.addf %add3A_295, %gather3A_280 : vector<16xf32>
      %div3A_297 = arith.constant 1.000000e+00 : f32
      %div3A_298 = vector.broadcast %div3A_297 : f32 to vector<16xf32>
      %div3A_299 = arith.divf %div3A_298, %add3A_296 : vector<16xf32>
      %jit3A = arith.constant 2 : i32
      %div3A_300 = arith.divsi %scan3A_270, %jit3A : i32
      %sign3A = arith.constant 0 : i32
      %sign3A_301 = arith.cmpi sgt, %scan3A_270, %sign3A : i32
      %sign3A_302 = arith.extui %sign3A_301 : i1 to i32
      %sign3A_303 = arith.constant 0 : i32
      %sign3A_304 = arith.cmpi slt, %scan3A_270, %sign3A_303 : i32
      %sign3A_305 = arith.extui %sign3A_304 : i1 to i32
      %sign3A_306 = arith.subi %sign3A_302, %sign3A_305 : i32
      %sign3A_307 = arith.constant 0 : i32
      %sign3A_308 = arith.cmpi sgt, %jit3A, %sign3A_307 : i32
      %sign3A_309 = arith.extui %sign3A_308 : i1 to i32
      %sign3A_310 = arith.constant 0 : i32
      %sign3A_311 = arith.cmpi slt, %jit3A, %sign3A_310 : i32
      %sign3A_312 = arith.extui %sign3A_311 : i1 to i32
      %sign3A_313 = arith.subi %sign3A_309, %sign3A_312 : i32
      %ne3A = arith.cmpi ne, %sign3A_306, %sign3A_313 : i32
      %rem3A = arith.remsi %scan3A_270, %jit3A : i32
      %ne3A_314 = arith.constant 0 : i32
      %ne3A_315 = arith.cmpi ne, %rem3A, %ne3A_314 : i32
      %and3A = arith.andi %ne3A, %ne3A_315 : i1
      %sub3A = arith.constant 1 : i32
      %sub3A_316 = arith.subi %div3A_300, %sub3A : i32
      %select_n3A = arith.select %and3A, %sub3A_316, %div3A_300 : i32
      %mul3A_317 = arith.constant 1024 : i32
      %mul3A_318 = arith.muli %select_n3A, %mul3A_317 : i32
      %jit3A_319 = arith.constant 2 : i32
      %eq3A = arith.constant 0 : i32
      %eq3A_320 = arith.cmpi eq, %jit3A_319, %eq3A : i32
      %jit3A_321 = arith.constant 1 : i32
      %select_n3A_322 = arith.select %eq3A_320, %jit3A_321, %jit3A_319 : i32
      %rem3A_323 = arith.remsi %scan3A_270, %select_n3A_322 : i32
      %ne3A_324 = arith.constant 0 : i32
      %ne3A_325 = arith.cmpi ne, %rem3A_323, %ne3A_324 : i32
      %lt3A = arith.constant 0 : i32
      %lt3A_326 = arith.cmpi slt, %rem3A_323, %lt3A : i32
      %lt3A_327 = arith.constant 0 : i32
      %lt3A_328 = arith.cmpi slt, %select_n3A_322, %lt3A_327 : i32
      %ne3A_329 = arith.xori %lt3A_326, %lt3A_328 : i1
      %and3A_330 = arith.andi %ne3A_329, %ne3A_325 : i1
      %add3A_331 = arith.addi %rem3A_323, %select_n3A_322 : i32
      %select_n3A_332 = arith.select %and3A_330, %add3A_331, %rem3A_323 : i32
      %mul3A_333 = arith.constant 64 : i32
      %mul3A_334 = arith.muli %select_n3A_332, %mul3A_333 : i32
      %add3A_335 = arith.addi %mul3A_318, %mul3A_334 : i32
      %add3A_336 = arith.constant 0 : i32
      %add3A_337 = arith.addi %add3A_335, %add3A_336 : i32
      %add3A_338 = vector.broadcast %mul3A_272 : i32 to vector<16xi32>
      %add3A_339 = arith.addi %get3A_10, %add3A_338 : vector<16xi32>
      %gather3A_340 = tpu.vector_load_idx %arg6[%add3A_339] : memref<2576xf32, #tpu.memory_space<vmem>>[vector<16xi32>], vector<16xf32>,
      %add3A_341 = vector.broadcast %mul3A_272 : i32 to vector<16xi32>
      %add3A_342 = arith.addi %get3A_18, %add3A_341 : vector<16xi32>
      %gather3A_343 = tpu.vector_load_idx %arg6[%add3A_342] : memref<2576xf32, #tpu.memory_space<vmem>>[vector<16xi32>], vector<16xf32>,
      %mul3A_344 = arith.mulf %gather3A_340, %get3A_1 : vector<16xf32>
      %mul3A_345 = arith.mulf %gather3A_343, %get3A_1 : vector<16xf32>
      %add3A_346 = arith.addf %mul3A_344, %gather3A_284 : vector<16xf32>
      %swap3A = arith.index_cast %add3A_337 : i32 to index
      %swap3A_347 = tpu.vector_load %arg10[%swap3A] {strides = array<i32>} : memref<8192xf32, #tpu.memory_space<vmem>>, vector<16xf32>,
      tpu.vector_store %arg10[%swap3A], %add3A_346 {strides = array<i32>} : memref<8192xf32, #tpu.memory_space<vmem>>, vector<16xf32>,
      %add3A_348 = arith.addf %mul3A_345, %gather3A_288 : vector<16xf32>
      %add3A_349 = arith.constant 128 : i32
      %add3A_350 = arith.addi %add3A_337, %add3A_349 : i32
      %swap3A_351 = arith.index_cast %add3A_350 : i32 to index
      %swap3A_352 = tpu.vector_load %arg10[%swap3A_351] {strides = array<i32>} : memref<8192xf32, #tpu.memory_space<vmem>>, vector<16xf32>,
      tpu.vector_store %arg10[%swap3A_351], %add3A_348 {strides = array<i32>} : memref<8192xf32, #tpu.memory_space<vmem>>, vector<16xf32>,
      %add3A_353 = vector.broadcast %mul3A_272 : i32 to vector<16xi32>
      %add3A_354 = arith.addi %get3A_26, %add3A_353 : vector<16xi32>
      %gather3A_355 = tpu.vector_load_idx %arg6[%add3A_354] : memref<2576xf32, #tpu.memory_space<vmem>>[vector<16xi32>], vector<16xf32>,
      %add3A_356 = arith.constant 256 : i32
      %add3A_357 = arith.addi %add3A_337, %add3A_356 : i32
      %swap3A_358 = arith.index_cast %add3A_357 : i32 to index
      %swap3A_359 = tpu.vector_load %arg10[%swap3A_358] {strides = array<i32>} : memref<8192xf32, #tpu.memory_space<vmem>>, vector<16xf32>,
      tpu.vector_store %arg10[%swap3A_358], %gather3A_355 {strides = array<i32>} : memref<8192xf32, #tpu.memory_space<vmem>>, vector<16xf32>,
      %add3A_360 = vector.broadcast %mul3A_272 : i32 to vector<16xi32>
      %add3A_361 = arith.addi %get3A_34, %add3A_360 : vector<16xi32>
      %gather3A_362 = tpu.vector_load_idx %arg6[%add3A_361] : memref<2576xf32, #tpu.memory_space<vmem>>[vector<16xi32>], vector<16xf32>,
      %add3A_363 = arith.constant 384 : i32
      %add3A_364 = arith.addi %add3A_337, %add3A_363 : i32
      %swap3A_365 = arith.index_cast %add3A_364 : i32 to index
      %swap3A_366 = tpu.vector_load %arg10[%swap3A_365] {strides = array<i32>} : memref<8192xf32, #tpu.memory_space<vmem>>, vector<16xf32>,
      tpu.vector_store %arg10[%swap3A_365], %gather3A_362 {strides = array<i32>} : memref<8192xf32, #tpu.memory_space<vmem>>, vector<16xf32>,
      %add3A_367 = vector.broadcast %mul3A_272 : i32 to vector<16xi32>
      %add3A_368 = arith.addi %get3A_42, %add3A_367 : vector<16xi32>
      %gather3A_369 = tpu.vector_load_idx %arg6[%add3A_368] : memref<2576xf32, #tpu.memory_space<vmem>>[vector<16xi32>], vector<16xf32>,
      %add3A_370 = vector.broadcast %mul3A_272 : i32 to vector<16xi32>
      %add3A_371 = arith.addi %get3A_50, %add3A_370 : vector<16xi32>
      %gather3A_372 = tpu.vector_load_idx %arg6[%add3A_371] : memref<2576xf32, #tpu.memory_space<vmem>>[vector<16xi32>], vector<16xf32>,
      %mul3A_373 = arith.mulf %gather3A_369, %get3A_1 : vector<16xf32>
      %mul3A_374 = arith.mulf %gather3A_372, %get3A_1 : vector<16xf32>
      %mul3A_375 = arith.mulf %mul3A_373, %div3A_293 : vector<16xf32>
      %add3A_376 = arith.constant 512 : i32
      %add3A_377 = arith.addi %add3A_337, %add3A_376 : i32
      %swap3A_378 = arith.index_cast %add3A_377 : i32 to index
      %swap3A_379 = tpu.vector_load %arg10[%swap3A_378] {strides = array<i32>} : memref<8192xf32, #tpu.memory_space<vmem>>, vector<16xf32>,
      tpu.vector_store %arg10[%swap3A_378], %mul3A_375 {strides = array<i32>} : memref<8192xf32, #tpu.memory_space<vmem>>, vector<16xf32>,
      %mul3A_380 = arith.mulf %mul3A_374, %div3A_299 : vector<16xf32>
      %add3A_381 = arith.constant 640 : i32
      %add3A_382 = arith.addi %add3A_337, %add3A_381 : i32
      %swap3A_383 = arith.index_cast %add3A_382 : i32 to index
      %swap3A_384 = tpu.vector_load %arg10[%swap3A_383] {strides = array<i32>} : memref<8192xf32, #tpu.memory_space<vmem>>, vector<16xf32>,
      tpu.vector_store %arg10[%swap3A_383], %mul3A_380 {strides = array<i32>} : memref<8192xf32, #tpu.memory_space<vmem>>, vector<16xf32>,
      %add3A_385 = arith.constant 768 : i32
      %add3A_386 = arith.addi %add3A_337, %add3A_385 : i32
      %swap3A_387 = arith.index_cast %add3A_386 : i32 to index
      %swap3A_388 = tpu.vector_load %arg10[%swap3A_387] {strides = array<i32>} : memref<8192xf32, #tpu.memory_space<vmem>>, vector<16xf32>,
      tpu.vector_store %arg10[%swap3A_387], %get3A_3 {strides = array<i32>} : memref<8192xf32, #tpu.memory_space<vmem>>, vector<16xf32>,
      %add3A_389 = arith.constant 896 : i32
      %add3A_390 = arith.addi %add3A_337, %add3A_389 : i32
      %swap3A_391 = arith.index_cast %add3A_390 : i32 to index
      %swap3A_392 = tpu.vector_load %arg10[%swap3A_391] {strides = array<i32>} : memref<8192xf32, #tpu.memory_space<vmem>>, vector<16xf32>,
      tpu.vector_store %arg10[%swap3A_391], %broadcast_in_dim3A_6 {strides = array<i32>} : memref<8192xf32, #tpu.memory_space<vmem>>, vector<16xf32>,
      %add3A_393 = arith.constant 16 : i32
      %add3A_394 = arith.addi %add3A_335, %add3A_393 : i32
      %add3A_395 = vector.broadcast %mul3A_272 : i32 to vector<16xi32>
      %add3A_396 = arith.addi %get3A_12, %add3A_395 : vector<16xi32>
      %gather3A_397 = tpu.vector_load_idx %arg6[%add3A_396] : memref<2576xf32, #tpu.memory_space<vmem>>[vector<16xi32>], vector<16xf32>,
      %add3A_398 = vector.broadcast %mul3A_272 : i32 to vector<16xi32>
      %add3A_399 = arith.addi %get3A_20, %add3A_398 : vector<16xi32>
      %gather3A_400 = tpu.vector_load_idx %arg6[%add3A_399] : memref<2576xf32, #tpu.memory_space<vmem>>[vector<16xi32>], vector<16xf32>,
      %add3A_401 = arith.addf %gather3A_397, %gather3A_284 : vector<16xf32>
      %swap3A_402 = arith.index_cast %add3A_394 : i32 to index
      %swap3A_403 = tpu.vector_load %arg10[%swap3A_402] {strides = array<i32>} : memref<8192xf32, #tpu.memory_space<vmem>>, vector<16xf32>,
      tpu.vector_store %arg10[%swap3A_402], %add3A_401 {strides = array<i32>} : memref<8192xf32, #tpu.memory_space<vmem>>, vector<16xf32>,
      %add3A_404 = arith.addf %gather3A_400, %gather3A_288 : vector<16xf32>
      %add3A_405 = arith.constant 128 : i32
      %add3A_406 = arith.addi %add3A_394, %add3A_405 : i32
      %swap3A_407 = arith.index_cast %add3A_406 : i32 to index
      %swap3A_408 = tpu.vector_load %arg10[%swap3A_407] {strides = array<i32>} : memref<8192xf32, #tpu.memory_space<vmem>>, vector<16xf32>,
      tpu.vector_store %arg10[%swap3A_407], %add3A_404 {strides = array<i32>} : memref<8192xf32, #tpu.memory_space<vmem>>, vector<16xf32>,
      %add3A_409 = vector.broadcast %mul3A_272 : i32 to vector<16xi32>
      %add3A_410 = arith.addi %get3A_28, %add3A_409 : vector<16xi32>
      %gather3A_411 = tpu.vector_load_idx %arg6[%add3A_410] : memref<2576xf32, #tpu.memory_space<vmem>>[vector<16xi32>], vector<16xf32>,
      %add3A_412 = arith.constant 256 : i32
      %add3A_413 = arith.addi %add3A_394, %add3A_412 : i32
      %swap3A_414 = arith.index_cast %add3A_413 : i32 to index
      %swap3A_415 = tpu.vector_load %arg10[%swap3A_414] {strides = array<i32>} : memref<8192xf32, #tpu.memory_space<vmem>>, vector<16xf32>,
      tpu.vector_store %arg10[%swap3A_414], %gather3A_411 {strides = array<i32>} : memref<8192xf32, #tpu.memory_space<vmem>>, vector<16xf32>,
      %add3A_416 = vector.broadcast %mul3A_272 : i32 to vector<16xi32>
      %add3A_417 = arith.addi %get3A_36, %add3A_416 : vector<16xi32>
      %gather3A_418 = tpu.vector_load_idx %arg6[%add3A_417] : memref<2576xf32, #tpu.memory_space<vmem>>[vector<16xi32>], vector<16xf32>,
      %add3A_419 = arith.constant 384 : i32
      %add3A_420 = arith.addi %add3A_394, %add3A_419 : i32
      %swap3A_421 = arith.index_cast %add3A_420 : i32 to index
      %swap3A_422 = tpu.vector_load %arg10[%swap3A_421] {strides = array<i32>} : memref<8192xf32, #tpu.memory_space<vmem>>, vector<16xf32>,
      tpu.vector_store %arg10[%swap3A_421], %gather3A_418 {strides = array<i32>} : memref<8192xf32, #tpu.memory_space<vmem>>, vector<16xf32>,
      %add3A_423 = vector.broadcast %mul3A_272 : i32 to vector<16xi32>
      %add3A_424 = arith.addi %get3A_44, %add3A_423 : vector<16xi32>
      %gather3A_425 = tpu.vector_load_idx %arg6[%add3A_424] : memref<2576xf32, #tpu.memory_space<vmem>>[vector<16xi32>], vector<16xf32>,
      %add3A_426 = vector.broadcast %mul3A_272 : i32 to vector<16xi32>
      %add3A_427 = arith.addi %get3A_52, %add3A_426 : vector<16xi32>
      %gather3A_428 = tpu.vector_load_idx %arg6[%add3A_427] : memref<2576xf32, #tpu.memory_space<vmem>>[vector<16xi32>], vector<16xf32>,
      %mul3A_429 = arith.mulf %gather3A_425, %div3A_293 : vector<16xf32>
      %add3A_430 = arith.constant 512 : i32
      %add3A_431 = arith.addi %add3A_394, %add3A_430 : i32
      %swap3A_432 = arith.index_cast %add3A_431 : i32 to index
      %swap3A_433 = tpu.vector_load %arg10[%swap3A_432] {strides = array<i32>} : memref<8192xf32, #tpu.memory_space<vmem>>, vector<16xf32>,
      tpu.vector_store %arg10[%swap3A_432], %mul3A_429 {strides = array<i32>} : memref<8192xf32, #tpu.memory_space<vmem>>, vector<16xf32>,
      %mul3A_434 = arith.mulf %gather3A_428, %div3A_299 : vector<16xf32>
      %add3A_435 = arith.constant 640 : i32
      %add3A_436 = arith.addi %add3A_394, %add3A_435 : i32
      %swap3A_437 = arith.index_cast %add3A_436 : i32 to index
      %swap3A_438 = tpu.vector_load %arg10[%swap3A_437] {strides = array<i32>} : memref<8192xf32, #tpu.memory_space<vmem>>, vector<16xf32>,
      tpu.vector_store %arg10[%swap3A_437], %mul3A_434 {strides = array<i32>} : memref<8192xf32, #tpu.memory_space<vmem>>, vector<16xf32>,
      %add3A_439 = arith.constant 768 : i32
      %add3A_440 = arith.addi %add3A_394, %add3A_439 : i32
      %swap3A_441 = arith.index_cast %add3A_440 : i32 to index
      %swap3A_442 = tpu.vector_load %arg10[%swap3A_441] {strides = array<i32>} : memref<8192xf32, #tpu.memory_space<vmem>>, vector<16xf32>,
      tpu.vector_store %arg10[%swap3A_441], %broadcast_in_dim3A_6 {strides = array<i32>} : memref<8192xf32, #tpu.memory_space<vmem>>, vector<16xf32>,
      %add3A_443 = arith.constant 896 : i32
      %add3A_444 = arith.addi %add3A_394, %add3A_443 : i32
      %swap3A_445 = arith.index_cast %add3A_444 : i32 to index
      %swap3A_446 = tpu.vector_load %arg10[%swap3A_445] {strides = array<i32>} : memref<8192xf32, #tpu.memory_space<vmem>>, vector<16xf32>,
      tpu.vector_store %arg10[%swap3A_445], %broadcast_in_dim3A_6 {strides = array<i32>} : memref<8192xf32, #tpu.memory_space<vmem>>, vector<16xf32>,
      %add3A_447 = arith.constant 32 : i32
      %add3A_448 = arith.addi %add3A_335, %add3A_447 : i32
      %add3A_449 = vector.broadcast %mul3A_272 : i32 to vector<16xi32>
      %add3A_450 = arith.addi %get3A_14, %add3A_449 : vector<16xi32>
      %gather3A_451 = tpu.vector_load_idx %arg6[%add3A_450] : memref<2576xf32, #tpu.memory_space<vmem>>[vector<16xi32>], vector<16xf32>,
      %add3A_452 = vector.broadcast %mul3A_272 : i32 to vector<16xi32>
      %add3A_453 = arith.addi %get3A_22, %add3A_452 : vector<16xi32>
      %gather3A_454 = tpu.vector_load_idx %arg6[%add3A_453] : memref<2576xf32, #tpu.memory_space<vmem>>[vector<16xi32>], vector<16xf32>,
      %add3A_455 = arith.addf %gather3A_451, %gather3A_284 : vector<16xf32>
      %swap3A_456 = arith.index_cast %add3A_448 : i32 to index
      %swap3A_457 = tpu.vector_load %arg10[%swap3A_456] {strides = array<i32>} : memref<8192xf32, #tpu.memory_space<vmem>>, vector<16xf32>,
      tpu.vector_store %arg10[%swap3A_456], %add3A_455 {strides = array<i32>} : memref<8192xf32, #tpu.memory_space<vmem>>, vector<16xf32>,
      %add3A_458 = arith.addf %gather3A_454, %gather3A_288 : vector<16xf32>
      %add3A_459 = arith.constant 128 : i32
      %add3A_460 = arith.addi %add3A_448, %add3A_459 : i32
      %swap3A_461 = arith.index_cast %add3A_460 : i32 to index
      %swap3A_462 = tpu.vector_load %arg10[%swap3A_461] {strides = array<i32>} : memref<8192xf32, #tpu.memory_space<vmem>>, vector<16xf32>,
      tpu.vector_store %arg10[%swap3A_461], %add3A_458 {strides = array<i32>} : memref<8192xf32, #tpu.memory_space<vmem>>, vector<16xf32>,
      %add3A_463 = vector.broadcast %mul3A_272 : i32 to vector<16xi32>
      %add3A_464 = arith.addi %get3A_30, %add3A_463 : vector<16xi32>
      %gather3A_465 = tpu.vector_load_idx %arg6[%add3A_464] : memref<2576xf32, #tpu.memory_space<vmem>>[vector<16xi32>], vector<16xf32>,
      %add3A_466 = arith.constant 256 : i32
      %add3A_467 = arith.addi %add3A_448, %add3A_466 : i32
      %swap3A_468 = arith.index_cast %add3A_467 : i32 to index
      %swap3A_469 = tpu.vector_load %arg10[%swap3A_468] {strides = array<i32>} : memref<8192xf32, #tpu.memory_space<vmem>>, vector<16xf32>,
      tpu.vector_store %arg10[%swap3A_468], %gather3A_465 {strides = array<i32>} : memref<8192xf32, #tpu.memory_space<vmem>>, vector<16xf32>,
      %add3A_470 = vector.broadcast %mul3A_272 : i32 to vector<16xi32>
      %add3A_471 = arith.addi %get3A_38, %add3A_470 : vector<16xi32>
      %gather3A_472 = tpu.vector_load_idx %arg6[%add3A_471] : memref<2576xf32, #tpu.memory_space<vmem>>[vector<16xi32>], vector<16xf32>,
      %add3A_473 = arith.constant 384 : i32
      %add3A_474 = arith.addi %add3A_448, %add3A_473 : i32
      %swap3A_475 = arith.index_cast %add3A_474 : i32 to index
      %swap3A_476 = tpu.vector_load %arg10[%swap3A_475] {strides = array<i32>} : memref<8192xf32, #tpu.memory_space<vmem>>, vector<16xf32>,
      tpu.vector_store %arg10[%swap3A_475], %gather3A_472 {strides = array<i32>} : memref<8192xf32, #tpu.memory_space<vmem>>, vector<16xf32>,
      %add3A_477 = vector.broadcast %mul3A_272 : i32 to vector<16xi32>
      %add3A_478 = arith.addi %get3A_46, %add3A_477 : vector<16xi32>
      %gather3A_479 = tpu.vector_load_idx %arg6[%add3A_478] : memref<2576xf32, #tpu.memory_space<vmem>>[vector<16xi32>], vector<16xf32>,
      %add3A_480 = vector.broadcast %mul3A_272 : i32 to vector<16xi32>
      %add3A_481 = arith.addi %get3A_54, %add3A_480 : vector<16xi32>
      %gather3A_482 = tpu.vector_load_idx %arg6[%add3A_481] : memref<2576xf32, #tpu.memory_space<vmem>>[vector<16xi32>], vector<16xf32>,
      %mul3A_483 = arith.mulf %gather3A_479, %div3A_293 : vector<16xf32>
      %add3A_484 = arith.constant 512 : i32
      %add3A_485 = arith.addi %add3A_448, %add3A_484 : i32
      %swap3A_486 = arith.index_cast %add3A_485 : i32 to index
      %swap3A_487 = tpu.vector_load %arg10[%swap3A_486] {strides = array<i32>} : memref<8192xf32, #tpu.memory_space<vmem>>, vector<16xf32>,
      tpu.vector_store %arg10[%swap3A_486], %mul3A_483 {strides = array<i32>} : memref<8192xf32, #tpu.memory_space<vmem>>, vector<16xf32>,
      %mul3A_488 = arith.mulf %gather3A_482, %div3A_299 : vector<16xf32>
      %add3A_489 = arith.constant 640 : i32
      %add3A_490 = arith.addi %add3A_448, %add3A_489 : i32
      %swap3A_491 = arith.index_cast %add3A_490 : i32 to index
      %swap3A_492 = tpu.vector_load %arg10[%swap3A_491] {strides = array<i32>} : memref<8192xf32, #tpu.memory_space<vmem>>, vector<16xf32>,
      tpu.vector_store %arg10[%swap3A_491], %mul3A_488 {strides = array<i32>} : memref<8192xf32, #tpu.memory_space<vmem>>, vector<16xf32>,
      %add3A_493 = arith.constant 768 : i32
      %add3A_494 = arith.addi %add3A_448, %add3A_493 : i32
      %swap3A_495 = arith.index_cast %add3A_494 : i32 to index
      %swap3A_496 = tpu.vector_load %arg10[%swap3A_495] {strides = array<i32>} : memref<8192xf32, #tpu.memory_space<vmem>>, vector<16xf32>,
      tpu.vector_store %arg10[%swap3A_495], %get3A_5 {strides = array<i32>} : memref<8192xf32, #tpu.memory_space<vmem>>, vector<16xf32>,
      %add3A_497 = vector.broadcast %mul3A_272 : i32 to vector<16xi32>
      %add3A_498 = arith.addi %get3A_62, %add3A_497 : vector<16xi32>
      %gather3A_499 = tpu.vector_load_idx %arg6[%add3A_498] : memref<2576xf32, #tpu.memory_space<vmem>>[vector<16xi32>], vector<16xf32>,
      %mul3A_500 = arith.mulf %gather3A_499, %get3A_1 : vector<16xf32>
      %add3A_501 = arith.constant 896 : i32
      %add3A_502 = arith.addi %add3A_448, %add3A_501 : i32
      %swap3A_503 = arith.index_cast %add3A_502 : i32 to index
      %swap3A_504 = tpu.vector_load %arg10[%swap3A_503] {strides = array<i32>} : memref<8192xf32, #tpu.memory_space<vmem>>, vector<16xf32>,
      tpu.vector_store %arg10[%swap3A_503], %mul3A_500 {strides = array<i32>} : memref<8192xf32, #tpu.memory_space<vmem>>, vector<16xf32>,
      %add3A_505 = arith.constant 48 : i32
      %add3A_506 = arith.addi %add3A_335, %add3A_505 : i32
      %add3A_507 = vector.broadcast %mul3A_272 : i32 to vector<16xi32>
      %add3A_508 = arith.addi %get3A_16, %add3A_507 : vector<16xi32>
      %gather3A_509 = tpu.vector_load_idx %arg6[%add3A_508] : memref<2576xf32, #tpu.memory_space<vmem>>[vector<16xi32>], vector<16xf32>,
      %add3A_510 = vector.broadcast %mul3A_272 : i32 to vector<16xi32>
      %add3A_511 = arith.addi %get3A_24, %add3A_510 : vector<16xi32>
      %gather3A_512 = tpu.vector_load_idx %arg6[%add3A_511] : memref<2576xf32, #tpu.memory_space<vmem>>[vector<16xi32>], vector<16xf32>,
      %add3A_513 = arith.addf %gather3A_509, %gather3A_284 : vector<16xf32>
      %swap3A_514 = arith.index_cast %add3A_506 : i32 to index
      %swap3A_515 = tpu.vector_load %arg10[%swap3A_514] {strides = array<i32>} : memref<8192xf32, #tpu.memory_space<vmem>>, vector<16xf32>,
      tpu.vector_store %arg10[%swap3A_514], %add3A_513 {strides = array<i32>} : memref<8192xf32, #tpu.memory_space<vmem>>, vector<16xf32>,
      %add3A_516 = arith.addf %gather3A_512, %gather3A_288 : vector<16xf32>
      %add3A_517 = arith.constant 128 : i32
      %add3A_518 = arith.addi %add3A_506, %add3A_517 : i32
      %swap3A_519 = arith.index_cast %add3A_518 : i32 to index
      %swap3A_520 = tpu.vector_load %arg10[%swap3A_519] {strides = array<i32>} : memref<8192xf32, #tpu.memory_space<vmem>>, vector<16xf32>,
      tpu.vector_store %arg10[%swap3A_519], %add3A_516 {strides = array<i32>} : memref<8192xf32, #tpu.memory_space<vmem>>, vector<16xf32>,
      %add3A_521 = vector.broadcast %mul3A_272 : i32 to vector<16xi32>
      %add3A_522 = arith.addi %get3A_32, %add3A_521 : vector<16xi32>
      %gather3A_523 = tpu.vector_load_idx %arg6[%add3A_522] : memref<2576xf32, #tpu.memory_space<vmem>>[vector<16xi32>], vector<16xf32>,
      %add3A_524 = arith.constant 256 : i32
      %add3A_525 = arith.addi %add3A_506, %add3A_524 : i32
      %swap3A_526 = arith.index_cast %add3A_525 : i32 to index
      %swap3A_527 = tpu.vector_load %arg10[%swap3A_526] {strides = array<i32>} : memref<8192xf32, #tpu.memory_space<vmem>>, vector<16xf32>,
      tpu.vector_store %arg10[%swap3A_526], %gather3A_523 {strides = array<i32>} : memref<8192xf32, #tpu.memory_space<vmem>>, vector<16xf32>,
      %add3A_528 = vector.broadcast %mul3A_272 : i32 to vector<16xi32>
      %add3A_529 = arith.addi %get3A_40, %add3A_528 : vector<16xi32>
      %gather3A_530 = tpu.vector_load_idx %arg6[%add3A_529] : memref<2576xf32, #tpu.memory_space<vmem>>[vector<16xi32>], vector<16xf32>,
      %add3A_531 = arith.constant 384 : i32
      %add3A_532 = arith.addi %add3A_506, %add3A_531 : i32
      %swap3A_533 = arith.index_cast %add3A_532 : i32 to index
      %swap3A_534 = tpu.vector_load %arg10[%swap3A_533] {strides = array<i32>} : memref<8192xf32, #tpu.memory_space<vmem>>, vector<16xf32>,
      tpu.vector_store %arg10[%swap3A_533], %gather3A_530 {strides = array<i32>} : memref<8192xf32, #tpu.memory_space<vmem>>, vector<16xf32>,
      %add3A_535 = vector.broadcast %mul3A_272 : i32 to vector<16xi32>
      %add3A_536 = arith.addi %get3A_48, %add3A_535 : vector<16xi32>
      %gather3A_537 = tpu.vector_load_idx %arg6[%add3A_536] : memref<2576xf32, #tpu.memory_space<vmem>>[vector<16xi32>], vector<16xf32>,
      %add3A_538 = vector.broadcast %mul3A_272 : i32 to vector<16xi32>
      %add3A_539 = arith.addi %get3A_56, %add3A_538 : vector<16xi32>
      %gather3A_540 = tpu.vector_load_idx %arg6[%add3A_539] : memref<2576xf32, #tpu.memory_space<vmem>>[vector<16xi32>], vector<16xf32>,
      %mul3A_541 = arith.mulf %gather3A_537, %div3A_293 : vector<16xf32>
      %add3A_542 = arith.constant 512 : i32
      %add3A_543 = arith.addi %add3A_506, %add3A_542 : i32
      %swap3A_544 = arith.index_cast %add3A_543 : i32 to index
      %swap3A_545 = tpu.vector_load %arg10[%swap3A_544] {strides = array<i32>} : memref<8192xf32, #tpu.memory_space<vmem>>, vector<16xf32>,
      tpu.vector_store %arg10[%swap3A_544], %mul3A_541 {strides = array<i32>} : memref<8192xf32, #tpu.memory_space<vmem>>, vector<16xf32>,
      %mul3A_546 = arith.mulf %gather3A_540, %div3A_299 : vector<16xf32>
      %add3A_547 = arith.constant 640 : i32
      %add3A_548 = arith.addi %add3A_506, %add3A_547 : i32
      %swap3A_549 = arith.index_cast %add3A_548 : i32 to index
      %swap3A_550 = tpu.vector_load %arg10[%swap3A_549] {strides = array<i32>} : memref<8192xf32, #tpu.memory_space<vmem>>, vector<16xf32>,
      tpu.vector_store %arg10[%swap3A_549], %mul3A_546 {strides = array<i32>} : memref<8192xf32, #tpu.memory_space<vmem>>, vector<16xf32>,
      %add3A_551 = arith.constant 768 : i32
      %add3A_552 = arith.addi %add3A_506, %add3A_551 : i32
      %swap3A_553 = arith.index_cast %add3A_552 : i32 to index
      %swap3A_554 = tpu.vector_load %arg10[%swap3A_553] {strides = array<i32>} : memref<8192xf32, #tpu.memory_space<vmem>>, vector<16xf32>,
      tpu.vector_store %arg10[%swap3A_553], %broadcast_in_dim3A_8 {strides = array<i32>} : memref<8192xf32, #tpu.memory_space<vmem>>, vector<16xf32>,
      %add3A_555 = vector.broadcast %mul3A_272 : i32 to vector<16xi32>
      %add3A_556 = arith.addi %get3A_64, %add3A_555 : vector<16xi32>
      %gather3A_557 = tpu.vector_load_idx %arg6[%add3A_556] : memref<2576xf32, #tpu.memory_space<vmem>>[vector<16xi32>], vector<16xf32>,
      %add3A_558 = arith.constant 896 : i32
      %add3A_559 = arith.addi %add3A_506, %add3A_558 : i32
      %swap3A_560 = arith.index_cast %add3A_559 : i32 to index
      %swap3A_561 = tpu.vector_load %arg10[%swap3A_560] {strides = array<i32>} : memref<8192xf32, #tpu.memory_space<vmem>>, vector<16xf32>,
      tpu.vector_store %arg10[%swap3A_560], %gather3A_557 {strides = array<i32>} : memref<8192xf32, #tpu.memory_space<vmem>>, vector<16xf32>,
    }
    %scan3A_187 = arith.constant 16 : i32
    %mul3A_188 = arith.constant 64 : i32
    %mul3A_189 = arith.muli %add3A, %mul3A_188 : i32
    %add3A_190 = arith.constant 32 : i32
    %add3A_191 = arith.addi %mul3A_189, %add3A_190 : i32
    %mul3A_192 = arith.constant 1024 : i32
    %mul3A_193 = arith.muli %add3A_191, %mul3A_192 : i32
    %dma_start3A_194 = tpu.memref_slice %arg5[%mul3A_193] : memref<2097152xf32, #tpu.memory_space<hbm>> -> memref<8192xf32, #tpu.memory_space<hbm>>
    %dma_start3A_195 = tpu.memref_slice %arg5[%mul3A_193] : memref<2097152xf32, #tpu.memory_space<hbm>> -> memref<8192xf32, #tpu.memory_space<hbm>>
    tpu.enqueue_dma source(%arg10 : memref<8192xf32, #tpu.memory_space<vmem>>) target(%dma_start3A_195 : memref<8192xf32, #tpu.memory_space<hbm>>) target_semaphore(%arg14 : memref<!tpu.dma_semaphore, #tpu.memory_space<semaphore_mem>>)
    %mul3A_196 = arith.constant 128 : i32
    %mul3A_197 = arith.muli %add3A, %mul3A_196 : i32
    %add3A_198 = arith.constant 96 : i32
    %add3A_199 = arith.addi %mul3A_197, %add3A_198 : i32
    %mul3A_200 = arith.constant 161 : i32
    %mul3A_201 = arith.muli %add3A_199, %mul3A_200 : i32
    %dma_start3A_202 = tpu.memref_slice %arg2[%mul3A_201] : memref<659456xf32, #tpu.memory_space<hbm>> -> memref<2576xf32, #tpu.memory_space<hbm>>
    %dma_start3A_203 = tpu.memref_slice %arg2[%mul3A_201] : memref<659456xf32, #tpu.memory_space<hbm>> -> memref<2576xf32, #tpu.memory_space<hbm>>
    tpu.enqueue_dma source(%dma_start3A_203 : memref<2576xf32, #tpu.memory_space<hbm>>) target(%arg6 : memref<2576xf32, #tpu.memory_space<vmem>>) target_semaphore(%arg12 : memref<!tpu.dma_semaphore, #tpu.memory_space<semaphore_mem>>)
    %dma_wait3A_204 = tpu.memref_slice %arg2[%mul3A_175] : memref<659456xf32, #tpu.memory_space<hbm>> -> memref<2576xf32, #tpu.memory_space<hbm>>
    %dma_wait3A_205 = tpu.memref_slice %arg2[%mul3A_175] : memref<659456xf32, #tpu.memory_space<hbm>> -> memref<2576xf32, #tpu.memory_space<hbm>>
    tpu.wait_dma2 semaphore(%arg13 : memref<!tpu.dma_semaphore, #tpu.memory_space<semaphore_mem>>) src(%dma_wait3A_205 : memref<2576xf32, #tpu.memory_space<hbm>>) dst(%arg7 : memref<2576xf32, #tpu.memory_space<vmem>>)
    %dma_wait3A_206 = tpu.memref_slice %arg5[%mul3A_167] : memref<2097152xf32, #tpu.memory_space<hbm>> -> memref<8192xf32, #tpu.memory_space<hbm>>
    %dma_wait3A_207 = tpu.memref_slice %arg5[%mul3A_167] : memref<2097152xf32, #tpu.memory_space<hbm>> -> memref<8192xf32, #tpu.memory_space<hbm>>
    tpu.wait_dma2 semaphore(%arg15 : memref<!tpu.dma_semaphore, #tpu.memory_space<semaphore_mem>>) src(%arg11 : memref<8192xf32, #tpu.memory_space<vmem>>) dst(%dma_wait3A_207 : memref<8192xf32, #tpu.memory_space<hbm>>)
    %scan3A_208 = arith.constant 0 : i32
    %scan3A_209 = arith.constant 0 : i32
    %scan3A_210 = arith.constant 16 : i32
    %scan3A_211 = arith.addi %scan3A_209, %scan3A_210 : i32
    %scan3A_212 = arith.constant 1 : i32
    scf.for %scan3A_270 = %scan3A_209 to %scan3A_211 step %scan3A_212  : i32 {
      %mul3A_271 = arith.constant 161 : i32
      %mul3A_272 = arith.muli %scan3A_270, %mul3A_271 : i32
      %broadcast_in_dim3A_273 = arith.constant 0 : i32
      %broadcast_in_dim3A_274 = vector.broadcast %broadcast_in_dim3A_273 : i32 to vector<16xi32>
      %add3A_275 = vector.broadcast %mul3A_272 : i32 to vector<16xi32>
      %add3A_276 = arith.addi %broadcast_in_dim3A_274, %add3A_275 : vector<16xi32>
      %gather3A = tpu.vector_load_idx %arg7[%add3A_276] : memref<2576xf32, #tpu.memory_space<vmem>>[vector<16xi32>], vector<16xf32>,
      %add3A_277 = arith.constant 1 : i32
      %add3A_278 = vector.broadcast %add3A_277 : i32 to vector<16xi32>
      %add3A_279 = arith.addi %add3A_276, %add3A_278 : vector<16xi32>
      %gather3A_280 = tpu.vector_load_idx %arg7[%add3A_279] : memref<2576xf32, #tpu.memory_space<vmem>>[vector<16xi32>], vector<16xf32>,
      %add3A_281 = arith.constant 2 : i32
      %add3A_282 = vector.broadcast %add3A_281 : i32 to vector<16xi32>
      %add3A_283 = arith.addi %add3A_276, %add3A_282 : vector<16xi32>
      %gather3A_284 = tpu.vector_load_idx %arg7[%add3A_283] : memref<2576xf32, #tpu.memory_space<vmem>>[vector<16xi32>], vector<16xf32>,
      %add3A_285 = arith.constant 3 : i32
      %add3A_286 = vector.broadcast %add3A_285 : i32 to vector<16xi32>
      %add3A_287 = arith.addi %add3A_276, %add3A_286 : vector<16xi32>
      %gather3A_288 = tpu.vector_load_idx %arg7[%add3A_287] : memref<2576xf32, #tpu.memory_space<vmem>>[vector<16xi32>], vector<16xf32>,
      %add3A_289 = arith.constant 1.000000e-03 : f32
      %add3A_290 = vector.broadcast %add3A_289 : f32 to vector<16xf32>
      %add3A_291 = arith.addf %add3A_290, %gather3A : vector<16xf32>
      %div3A = arith.constant 1.000000e+00 : f32
      %div3A_292 = vector.broadcast %div3A : f32 to vector<16xf32>
      %div3A_293 = arith.divf %div3A_292, %add3A_291 : vector<16xf32>
      %add3A_294 = arith.constant 1.000000e-03 : f32
      %add3A_295 = vector.broadcast %add3A_294 : f32 to vector<16xf32>
      %add3A_296 = arith.addf %add3A_295, %gather3A_280 : vector<16xf32>
      %div3A_297 = arith.constant 1.000000e+00 : f32
      %div3A_298 = vector.broadcast %div3A_297 : f32 to vector<16xf32>
      %div3A_299 = arith.divf %div3A_298, %add3A_296 : vector<16xf32>
      %jit3A = arith.constant 2 : i32
      %div3A_300 = arith.divsi %scan3A_270, %jit3A : i32
      %sign3A = arith.constant 0 : i32
      %sign3A_301 = arith.cmpi sgt, %scan3A_270, %sign3A : i32
      %sign3A_302 = arith.extui %sign3A_301 : i1 to i32
      %sign3A_303 = arith.constant 0 : i32
      %sign3A_304 = arith.cmpi slt, %scan3A_270, %sign3A_303 : i32
      %sign3A_305 = arith.extui %sign3A_304 : i1 to i32
      %sign3A_306 = arith.subi %sign3A_302, %sign3A_305 : i32
      %sign3A_307 = arith.constant 0 : i32
      %sign3A_308 = arith.cmpi sgt, %jit3A, %sign3A_307 : i32
      %sign3A_309 = arith.extui %sign3A_308 : i1 to i32
      %sign3A_310 = arith.constant 0 : i32
      %sign3A_311 = arith.cmpi slt, %jit3A, %sign3A_310 : i32
      %sign3A_312 = arith.extui %sign3A_311 : i1 to i32
      %sign3A_313 = arith.subi %sign3A_309, %sign3A_312 : i32
      %ne3A = arith.cmpi ne, %sign3A_306, %sign3A_313 : i32
      %rem3A = arith.remsi %scan3A_270, %jit3A : i32
      %ne3A_314 = arith.constant 0 : i32
      %ne3A_315 = arith.cmpi ne, %rem3A, %ne3A_314 : i32
      %and3A = arith.andi %ne3A, %ne3A_315 : i1
      %sub3A = arith.constant 1 : i32
      %sub3A_316 = arith.subi %div3A_300, %sub3A : i32
      %select_n3A = arith.select %and3A, %sub3A_316, %div3A_300 : i32
      %mul3A_317 = arith.constant 1024 : i32
      %mul3A_318 = arith.muli %select_n3A, %mul3A_317 : i32
      %jit3A_319 = arith.constant 2 : i32
      %eq3A = arith.constant 0 : i32
      %eq3A_320 = arith.cmpi eq, %jit3A_319, %eq3A : i32
      %jit3A_321 = arith.constant 1 : i32
      %select_n3A_322 = arith.select %eq3A_320, %jit3A_321, %jit3A_319 : i32
      %rem3A_323 = arith.remsi %scan3A_270, %select_n3A_322 : i32
      %ne3A_324 = arith.constant 0 : i32
      %ne3A_325 = arith.cmpi ne, %rem3A_323, %ne3A_324 : i32
      %lt3A = arith.constant 0 : i32
      %lt3A_326 = arith.cmpi slt, %rem3A_323, %lt3A : i32
      %lt3A_327 = arith.constant 0 : i32
      %lt3A_328 = arith.cmpi slt, %select_n3A_322, %lt3A_327 : i32
      %ne3A_329 = arith.xori %lt3A_326, %lt3A_328 : i1
      %and3A_330 = arith.andi %ne3A_329, %ne3A_325 : i1
      %add3A_331 = arith.addi %rem3A_323, %select_n3A_322 : i32
      %select_n3A_332 = arith.select %and3A_330, %add3A_331, %rem3A_323 : i32
      %mul3A_333 = arith.constant 64 : i32
      %mul3A_334 = arith.muli %select_n3A_332, %mul3A_333 : i32
      %add3A_335 = arith.addi %mul3A_318, %mul3A_334 : i32
      %add3A_336 = arith.constant 0 : i32
      %add3A_337 = arith.addi %add3A_335, %add3A_336 : i32
      %add3A_338 = vector.broadcast %mul3A_272 : i32 to vector<16xi32>
      %add3A_339 = arith.addi %get3A_10, %add3A_338 : vector<16xi32>
      %gather3A_340 = tpu.vector_load_idx %arg7[%add3A_339] : memref<2576xf32, #tpu.memory_space<vmem>>[vector<16xi32>], vector<16xf32>,
      %add3A_341 = vector.broadcast %mul3A_272 : i32 to vector<16xi32>
      %add3A_342 = arith.addi %get3A_18, %add3A_341 : vector<16xi32>
      %gather3A_343 = tpu.vector_load_idx %arg7[%add3A_342] : memref<2576xf32, #tpu.memory_space<vmem>>[vector<16xi32>], vector<16xf32>,
      %mul3A_344 = arith.mulf %gather3A_340, %get3A_1 : vector<16xf32>
      %mul3A_345 = arith.mulf %gather3A_343, %get3A_1 : vector<16xf32>
      %add3A_346 = arith.addf %mul3A_344, %gather3A_284 : vector<16xf32>
      %swap3A = arith.index_cast %add3A_337 : i32 to index
      %swap3A_347 = tpu.vector_load %arg11[%swap3A] {strides = array<i32>} : memref<8192xf32, #tpu.memory_space<vmem>>, vector<16xf32>,
      tpu.vector_store %arg11[%swap3A], %add3A_346 {strides = array<i32>} : memref<8192xf32, #tpu.memory_space<vmem>>, vector<16xf32>,
      %add3A_348 = arith.addf %mul3A_345, %gather3A_288 : vector<16xf32>
      %add3A_349 = arith.constant 128 : i32
      %add3A_350 = arith.addi %add3A_337, %add3A_349 : i32
      %swap3A_351 = arith.index_cast %add3A_350 : i32 to index
      %swap3A_352 = tpu.vector_load %arg11[%swap3A_351] {strides = array<i32>} : memref<8192xf32, #tpu.memory_space<vmem>>, vector<16xf32>,
      tpu.vector_store %arg11[%swap3A_351], %add3A_348 {strides = array<i32>} : memref<8192xf32, #tpu.memory_space<vmem>>, vector<16xf32>,
      %add3A_353 = vector.broadcast %mul3A_272 : i32 to vector<16xi32>
      %add3A_354 = arith.addi %get3A_26, %add3A_353 : vector<16xi32>
      %gather3A_355 = tpu.vector_load_idx %arg7[%add3A_354] : memref<2576xf32, #tpu.memory_space<vmem>>[vector<16xi32>], vector<16xf32>,
      %add3A_356 = arith.constant 256 : i32
      %add3A_357 = arith.addi %add3A_337, %add3A_356 : i32
      %swap3A_358 = arith.index_cast %add3A_357 : i32 to index
      %swap3A_359 = tpu.vector_load %arg11[%swap3A_358] {strides = array<i32>} : memref<8192xf32, #tpu.memory_space<vmem>>, vector<16xf32>,
      tpu.vector_store %arg11[%swap3A_358], %gather3A_355 {strides = array<i32>} : memref<8192xf32, #tpu.memory_space<vmem>>, vector<16xf32>,
      %add3A_360 = vector.broadcast %mul3A_272 : i32 to vector<16xi32>
      %add3A_361 = arith.addi %get3A_34, %add3A_360 : vector<16xi32>
      %gather3A_362 = tpu.vector_load_idx %arg7[%add3A_361] : memref<2576xf32, #tpu.memory_space<vmem>>[vector<16xi32>], vector<16xf32>,
      %add3A_363 = arith.constant 384 : i32
      %add3A_364 = arith.addi %add3A_337, %add3A_363 : i32
      %swap3A_365 = arith.index_cast %add3A_364 : i32 to index
      %swap3A_366 = tpu.vector_load %arg11[%swap3A_365] {strides = array<i32>} : memref<8192xf32, #tpu.memory_space<vmem>>, vector<16xf32>,
      tpu.vector_store %arg11[%swap3A_365], %gather3A_362 {strides = array<i32>} : memref<8192xf32, #tpu.memory_space<vmem>>, vector<16xf32>,
      %add3A_367 = vector.broadcast %mul3A_272 : i32 to vector<16xi32>
      %add3A_368 = arith.addi %get3A_42, %add3A_367 : vector<16xi32>
      %gather3A_369 = tpu.vector_load_idx %arg7[%add3A_368] : memref<2576xf32, #tpu.memory_space<vmem>>[vector<16xi32>], vector<16xf32>,
      %add3A_370 = vector.broadcast %mul3A_272 : i32 to vector<16xi32>
      %add3A_371 = arith.addi %get3A_50, %add3A_370 : vector<16xi32>
      %gather3A_372 = tpu.vector_load_idx %arg7[%add3A_371] : memref<2576xf32, #tpu.memory_space<vmem>>[vector<16xi32>], vector<16xf32>,
      %mul3A_373 = arith.mulf %gather3A_369, %get3A_1 : vector<16xf32>
      %mul3A_374 = arith.mulf %gather3A_372, %get3A_1 : vector<16xf32>
      %mul3A_375 = arith.mulf %mul3A_373, %div3A_293 : vector<16xf32>
      %add3A_376 = arith.constant 512 : i32
      %add3A_377 = arith.addi %add3A_337, %add3A_376 : i32
      %swap3A_378 = arith.index_cast %add3A_377 : i32 to index
      %swap3A_379 = tpu.vector_load %arg11[%swap3A_378] {strides = array<i32>} : memref<8192xf32, #tpu.memory_space<vmem>>, vector<16xf32>,
      tpu.vector_store %arg11[%swap3A_378], %mul3A_375 {strides = array<i32>} : memref<8192xf32, #tpu.memory_space<vmem>>, vector<16xf32>,
      %mul3A_380 = arith.mulf %mul3A_374, %div3A_299 : vector<16xf32>
      %add3A_381 = arith.constant 640 : i32
      %add3A_382 = arith.addi %add3A_337, %add3A_381 : i32
      %swap3A_383 = arith.index_cast %add3A_382 : i32 to index
      %swap3A_384 = tpu.vector_load %arg11[%swap3A_383] {strides = array<i32>} : memref<8192xf32, #tpu.memory_space<vmem>>, vector<16xf32>,
      tpu.vector_store %arg11[%swap3A_383], %mul3A_380 {strides = array<i32>} : memref<8192xf32, #tpu.memory_space<vmem>>, vector<16xf32>,
      %add3A_385 = arith.constant 768 : i32
      %add3A_386 = arith.addi %add3A_337, %add3A_385 : i32
      %swap3A_387 = arith.index_cast %add3A_386 : i32 to index
      %swap3A_388 = tpu.vector_load %arg11[%swap3A_387] {strides = array<i32>} : memref<8192xf32, #tpu.memory_space<vmem>>, vector<16xf32>,
      tpu.vector_store %arg11[%swap3A_387], %get3A_3 {strides = array<i32>} : memref<8192xf32, #tpu.memory_space<vmem>>, vector<16xf32>,
      %add3A_389 = arith.constant 896 : i32
      %add3A_390 = arith.addi %add3A_337, %add3A_389 : i32
      %swap3A_391 = arith.index_cast %add3A_390 : i32 to index
      %swap3A_392 = tpu.vector_load %arg11[%swap3A_391] {strides = array<i32>} : memref<8192xf32, #tpu.memory_space<vmem>>, vector<16xf32>,
      tpu.vector_store %arg11[%swap3A_391], %broadcast_in_dim3A_6 {strides = array<i32>} : memref<8192xf32, #tpu.memory_space<vmem>>, vector<16xf32>,
      %add3A_393 = arith.constant 16 : i32
      %add3A_394 = arith.addi %add3A_335, %add3A_393 : i32
      %add3A_395 = vector.broadcast %mul3A_272 : i32 to vector<16xi32>
      %add3A_396 = arith.addi %get3A_12, %add3A_395 : vector<16xi32>
      %gather3A_397 = tpu.vector_load_idx %arg7[%add3A_396] : memref<2576xf32, #tpu.memory_space<vmem>>[vector<16xi32>], vector<16xf32>,
      %add3A_398 = vector.broadcast %mul3A_272 : i32 to vector<16xi32>
      %add3A_399 = arith.addi %get3A_20, %add3A_398 : vector<16xi32>
      %gather3A_400 = tpu.vector_load_idx %arg7[%add3A_399] : memref<2576xf32, #tpu.memory_space<vmem>>[vector<16xi32>], vector<16xf32>,
      %add3A_401 = arith.addf %gather3A_397, %gather3A_284 : vector<16xf32>
      %swap3A_402 = arith.index_cast %add3A_394 : i32 to index
      %swap3A_403 = tpu.vector_load %arg11[%swap3A_402] {strides = array<i32>} : memref<8192xf32, #tpu.memory_space<vmem>>, vector<16xf32>,
      tpu.vector_store %arg11[%swap3A_402], %add3A_401 {strides = array<i32>} : memref<8192xf32, #tpu.memory_space<vmem>>, vector<16xf32>,
      %add3A_404 = arith.addf %gather3A_400, %gather3A_288 : vector<16xf32>
      %add3A_405 = arith.constant 128 : i32
      %add3A_406 = arith.addi %add3A_394, %add3A_405 : i32
      %swap3A_407 = arith.index_cast %add3A_406 : i32 to index
      %swap3A_408 = tpu.vector_load %arg11[%swap3A_407] {strides = array<i32>} : memref<8192xf32, #tpu.memory_space<vmem>>, vector<16xf32>,
      tpu.vector_store %arg11[%swap3A_407], %add3A_404 {strides = array<i32>} : memref<8192xf32, #tpu.memory_space<vmem>>, vector<16xf32>,
      %add3A_409 = vector.broadcast %mul3A_272 : i32 to vector<16xi32>
      %add3A_410 = arith.addi %get3A_28, %add3A_409 : vector<16xi32>
      %gather3A_411 = tpu.vector_load_idx %arg7[%add3A_410] : memref<2576xf32, #tpu.memory_space<vmem>>[vector<16xi32>], vector<16xf32>,
      %add3A_412 = arith.constant 256 : i32
      %add3A_413 = arith.addi %add3A_394, %add3A_412 : i32
      %swap3A_414 = arith.index_cast %add3A_413 : i32 to index
      %swap3A_415 = tpu.vector_load %arg11[%swap3A_414] {strides = array<i32>} : memref<8192xf32, #tpu.memory_space<vmem>>, vector<16xf32>,
      tpu.vector_store %arg11[%swap3A_414], %gather3A_411 {strides = array<i32>} : memref<8192xf32, #tpu.memory_space<vmem>>, vector<16xf32>,
      %add3A_416 = vector.broadcast %mul3A_272 : i32 to vector<16xi32>
      %add3A_417 = arith.addi %get3A_36, %add3A_416 : vector<16xi32>
      %gather3A_418 = tpu.vector_load_idx %arg7[%add3A_417] : memref<2576xf32, #tpu.memory_space<vmem>>[vector<16xi32>], vector<16xf32>,
      %add3A_419 = arith.constant 384 : i32
      %add3A_420 = arith.addi %add3A_394, %add3A_419 : i32
      %swap3A_421 = arith.index_cast %add3A_420 : i32 to index
      %swap3A_422 = tpu.vector_load %arg11[%swap3A_421] {strides = array<i32>} : memref<8192xf32, #tpu.memory_space<vmem>>, vector<16xf32>,
      tpu.vector_store %arg11[%swap3A_421], %gather3A_418 {strides = array<i32>} : memref<8192xf32, #tpu.memory_space<vmem>>, vector<16xf32>,
      %add3A_423 = vector.broadcast %mul3A_272 : i32 to vector<16xi32>
      %add3A_424 = arith.addi %get3A_44, %add3A_423 : vector<16xi32>
      %gather3A_425 = tpu.vector_load_idx %arg7[%add3A_424] : memref<2576xf32, #tpu.memory_space<vmem>>[vector<16xi32>], vector<16xf32>,
      %add3A_426 = vector.broadcast %mul3A_272 : i32 to vector<16xi32>
      %add3A_427 = arith.addi %get3A_52, %add3A_426 : vector<16xi32>
      %gather3A_428 = tpu.vector_load_idx %arg7[%add3A_427] : memref<2576xf32, #tpu.memory_space<vmem>>[vector<16xi32>], vector<16xf32>,
      %mul3A_429 = arith.mulf %gather3A_425, %div3A_293 : vector<16xf32>
      %add3A_430 = arith.constant 512 : i32
      %add3A_431 = arith.addi %add3A_394, %add3A_430 : i32
      %swap3A_432 = arith.index_cast %add3A_431 : i32 to index
      %swap3A_433 = tpu.vector_load %arg11[%swap3A_432] {strides = array<i32>} : memref<8192xf32, #tpu.memory_space<vmem>>, vector<16xf32>,
      tpu.vector_store %arg11[%swap3A_432], %mul3A_429 {strides = array<i32>} : memref<8192xf32, #tpu.memory_space<vmem>>, vector<16xf32>,
      %mul3A_434 = arith.mulf %gather3A_428, %div3A_299 : vector<16xf32>
      %add3A_435 = arith.constant 640 : i32
      %add3A_436 = arith.addi %add3A_394, %add3A_435 : i32
      %swap3A_437 = arith.index_cast %add3A_436 : i32 to index
      %swap3A_438 = tpu.vector_load %arg11[%swap3A_437] {strides = array<i32>} : memref<8192xf32, #tpu.memory_space<vmem>>, vector<16xf32>,
      tpu.vector_store %arg11[%swap3A_437], %mul3A_434 {strides = array<i32>} : memref<8192xf32, #tpu.memory_space<vmem>>, vector<16xf32>,
      %add3A_439 = arith.constant 768 : i32
      %add3A_440 = arith.addi %add3A_394, %add3A_439 : i32
      %swap3A_441 = arith.index_cast %add3A_440 : i32 to index
      %swap3A_442 = tpu.vector_load %arg11[%swap3A_441] {strides = array<i32>} : memref<8192xf32, #tpu.memory_space<vmem>>, vector<16xf32>,
      tpu.vector_store %arg11[%swap3A_441], %broadcast_in_dim3A_6 {strides = array<i32>} : memref<8192xf32, #tpu.memory_space<vmem>>, vector<16xf32>,
      %add3A_443 = arith.constant 896 : i32
      %add3A_444 = arith.addi %add3A_394, %add3A_443 : i32
      %swap3A_445 = arith.index_cast %add3A_444 : i32 to index
      %swap3A_446 = tpu.vector_load %arg11[%swap3A_445] {strides = array<i32>} : memref<8192xf32, #tpu.memory_space<vmem>>, vector<16xf32>,
      tpu.vector_store %arg11[%swap3A_445], %broadcast_in_dim3A_6 {strides = array<i32>} : memref<8192xf32, #tpu.memory_space<vmem>>, vector<16xf32>,
      %add3A_447 = arith.constant 32 : i32
      %add3A_448 = arith.addi %add3A_335, %add3A_447 : i32
      %add3A_449 = vector.broadcast %mul3A_272 : i32 to vector<16xi32>
      %add3A_450 = arith.addi %get3A_14, %add3A_449 : vector<16xi32>
      %gather3A_451 = tpu.vector_load_idx %arg7[%add3A_450] : memref<2576xf32, #tpu.memory_space<vmem>>[vector<16xi32>], vector<16xf32>,
      %add3A_452 = vector.broadcast %mul3A_272 : i32 to vector<16xi32>
      %add3A_453 = arith.addi %get3A_22, %add3A_452 : vector<16xi32>
      %gather3A_454 = tpu.vector_load_idx %arg7[%add3A_453] : memref<2576xf32, #tpu.memory_space<vmem>>[vector<16xi32>], vector<16xf32>,
      %add3A_455 = arith.addf %gather3A_451, %gather3A_284 : vector<16xf32>
      %swap3A_456 = arith.index_cast %add3A_448 : i32 to index
      %swap3A_457 = tpu.vector_load %arg11[%swap3A_456] {strides = array<i32>} : memref<8192xf32, #tpu.memory_space<vmem>>, vector<16xf32>,
      tpu.vector_store %arg11[%swap3A_456], %add3A_455 {strides = array<i32>} : memref<8192xf32, #tpu.memory_space<vmem>>, vector<16xf32>,
      %add3A_458 = arith.addf %gather3A_454, %gather3A_288 : vector<16xf32>
      %add3A_459 = arith.constant 128 : i32
      %add3A_460 = arith.addi %add3A_448, %add3A_459 : i32
      %swap3A_461 = arith.index_cast %add3A_460 : i32 to index
      %swap3A_462 = tpu.vector_load %arg11[%swap3A_461] {strides = array<i32>} : memref<8192xf32, #tpu.memory_space<vmem>>, vector<16xf32>,
      tpu.vector_store %arg11[%swap3A_461], %add3A_458 {strides = array<i32>} : memref<8192xf32, #tpu.memory_space<vmem>>, vector<16xf32>,
      %add3A_463 = vector.broadcast %mul3A_272 : i32 to vector<16xi32>
      %add3A_464 = arith.addi %get3A_30, %add3A_463 : vector<16xi32>
      %gather3A_465 = tpu.vector_load_idx %arg7[%add3A_464] : memref<2576xf32, #tpu.memory_space<vmem>>[vector<16xi32>], vector<16xf32>,
      %add3A_466 = arith.constant 256 : i32
      %add3A_467 = arith.addi %add3A_448, %add3A_466 : i32
      %swap3A_468 = arith.index_cast %add3A_467 : i32 to index
      %swap3A_469 = tpu.vector_load %arg11[%swap3A_468] {strides = array<i32>} : memref<8192xf32, #tpu.memory_space<vmem>>, vector<16xf32>,
      tpu.vector_store %arg11[%swap3A_468], %gather3A_465 {strides = array<i32>} : memref<8192xf32, #tpu.memory_space<vmem>>, vector<16xf32>,
      %add3A_470 = vector.broadcast %mul3A_272 : i32 to vector<16xi32>
      %add3A_471 = arith.addi %get3A_38, %add3A_470 : vector<16xi32>
      %gather3A_472 = tpu.vector_load_idx %arg7[%add3A_471] : memref<2576xf32, #tpu.memory_space<vmem>>[vector<16xi32>], vector<16xf32>,
      %add3A_473 = arith.constant 384 : i32
      %add3A_474 = arith.addi %add3A_448, %add3A_473 : i32
      %swap3A_475 = arith.index_cast %add3A_474 : i32 to index
      %swap3A_476 = tpu.vector_load %arg11[%swap3A_475] {strides = array<i32>} : memref<8192xf32, #tpu.memory_space<vmem>>, vector<16xf32>,
      tpu.vector_store %arg11[%swap3A_475], %gather3A_472 {strides = array<i32>} : memref<8192xf32, #tpu.memory_space<vmem>>, vector<16xf32>,
      %add3A_477 = vector.broadcast %mul3A_272 : i32 to vector<16xi32>
      %add3A_478 = arith.addi %get3A_46, %add3A_477 : vector<16xi32>
      %gather3A_479 = tpu.vector_load_idx %arg7[%add3A_478] : memref<2576xf32, #tpu.memory_space<vmem>>[vector<16xi32>], vector<16xf32>,
      %add3A_480 = vector.broadcast %mul3A_272 : i32 to vector<16xi32>
      %add3A_481 = arith.addi %get3A_54, %add3A_480 : vector<16xi32>
      %gather3A_482 = tpu.vector_load_idx %arg7[%add3A_481] : memref<2576xf32, #tpu.memory_space<vmem>>[vector<16xi32>], vector<16xf32>,
      %mul3A_483 = arith.mulf %gather3A_479, %div3A_293 : vector<16xf32>
      %add3A_484 = arith.constant 512 : i32
      %add3A_485 = arith.addi %add3A_448, %add3A_484 : i32
      %swap3A_486 = arith.index_cast %add3A_485 : i32 to index
      %swap3A_487 = tpu.vector_load %arg11[%swap3A_486] {strides = array<i32>} : memref<8192xf32, #tpu.memory_space<vmem>>, vector<16xf32>,
      tpu.vector_store %arg11[%swap3A_486], %mul3A_483 {strides = array<i32>} : memref<8192xf32, #tpu.memory_space<vmem>>, vector<16xf32>,
      %mul3A_488 = arith.mulf %gather3A_482, %div3A_299 : vector<16xf32>
      %add3A_489 = arith.constant 640 : i32
      %add3A_490 = arith.addi %add3A_448, %add3A_489 : i32
      %swap3A_491 = arith.index_cast %add3A_490 : i32 to index
      %swap3A_492 = tpu.vector_load %arg11[%swap3A_491] {strides = array<i32>} : memref<8192xf32, #tpu.memory_space<vmem>>, vector<16xf32>,
      tpu.vector_store %arg11[%swap3A_491], %mul3A_488 {strides = array<i32>} : memref<8192xf32, #tpu.memory_space<vmem>>, vector<16xf32>,
      %add3A_493 = arith.constant 768 : i32
      %add3A_494 = arith.addi %add3A_448, %add3A_493 : i32
      %swap3A_495 = arith.index_cast %add3A_494 : i32 to index
      %swap3A_496 = tpu.vector_load %arg11[%swap3A_495] {strides = array<i32>} : memref<8192xf32, #tpu.memory_space<vmem>>, vector<16xf32>,
      tpu.vector_store %arg11[%swap3A_495], %get3A_5 {strides = array<i32>} : memref<8192xf32, #tpu.memory_space<vmem>>, vector<16xf32>,
      %add3A_497 = vector.broadcast %mul3A_272 : i32 to vector<16xi32>
      %add3A_498 = arith.addi %get3A_62, %add3A_497 : vector<16xi32>
      %gather3A_499 = tpu.vector_load_idx %arg7[%add3A_498] : memref<2576xf32, #tpu.memory_space<vmem>>[vector<16xi32>], vector<16xf32>,
      %mul3A_500 = arith.mulf %gather3A_499, %get3A_1 : vector<16xf32>
      %add3A_501 = arith.constant 896 : i32
      %add3A_502 = arith.addi %add3A_448, %add3A_501 : i32
      %swap3A_503 = arith.index_cast %add3A_502 : i32 to index
      %swap3A_504 = tpu.vector_load %arg11[%swap3A_503] {strides = array<i32>} : memref<8192xf32, #tpu.memory_space<vmem>>, vector<16xf32>,
      tpu.vector_store %arg11[%swap3A_503], %mul3A_500 {strides = array<i32>} : memref<8192xf32, #tpu.memory_space<vmem>>, vector<16xf32>,
      %add3A_505 = arith.constant 48 : i32
      %add3A_506 = arith.addi %add3A_335, %add3A_505 : i32
      %add3A_507 = vector.broadcast %mul3A_272 : i32 to vector<16xi32>
      %add3A_508 = arith.addi %get3A_16, %add3A_507 : vector<16xi32>
      %gather3A_509 = tpu.vector_load_idx %arg7[%add3A_508] : memref<2576xf32, #tpu.memory_space<vmem>>[vector<16xi32>], vector<16xf32>,
      %add3A_510 = vector.broadcast %mul3A_272 : i32 to vector<16xi32>
      %add3A_511 = arith.addi %get3A_24, %add3A_510 : vector<16xi32>
      %gather3A_512 = tpu.vector_load_idx %arg7[%add3A_511] : memref<2576xf32, #tpu.memory_space<vmem>>[vector<16xi32>], vector<16xf32>,
      %add3A_513 = arith.addf %gather3A_509, %gather3A_284 : vector<16xf32>
      %swap3A_514 = arith.index_cast %add3A_506 : i32 to index
      %swap3A_515 = tpu.vector_load %arg11[%swap3A_514] {strides = array<i32>} : memref<8192xf32, #tpu.memory_space<vmem>>, vector<16xf32>,
      tpu.vector_store %arg11[%swap3A_514], %add3A_513 {strides = array<i32>} : memref<8192xf32, #tpu.memory_space<vmem>>, vector<16xf32>,
      %add3A_516 = arith.addf %gather3A_512, %gather3A_288 : vector<16xf32>
      %add3A_517 = arith.constant 128 : i32
      %add3A_518 = arith.addi %add3A_506, %add3A_517 : i32
      %swap3A_519 = arith.index_cast %add3A_518 : i32 to index
      %swap3A_520 = tpu.vector_load %arg11[%swap3A_519] {strides = array<i32>} : memref<8192xf32, #tpu.memory_space<vmem>>, vector<16xf32>,
      tpu.vector_store %arg11[%swap3A_519], %add3A_516 {strides = array<i32>} : memref<8192xf32, #tpu.memory_space<vmem>>, vector<16xf32>,
      %add3A_521 = vector.broadcast %mul3A_272 : i32 to vector<16xi32>
      %add3A_522 = arith.addi %get3A_32, %add3A_521 : vector<16xi32>
      %gather3A_523 = tpu.vector_load_idx %arg7[%add3A_522] : memref<2576xf32, #tpu.memory_space<vmem>>[vector<16xi32>], vector<16xf32>,
      %add3A_524 = arith.constant 256 : i32
      %add3A_525 = arith.addi %add3A_506, %add3A_524 : i32
      %swap3A_526 = arith.index_cast %add3A_525 : i32 to index
      %swap3A_527 = tpu.vector_load %arg11[%swap3A_526] {strides = array<i32>} : memref<8192xf32, #tpu.memory_space<vmem>>, vector<16xf32>,
      tpu.vector_store %arg11[%swap3A_526], %gather3A_523 {strides = array<i32>} : memref<8192xf32, #tpu.memory_space<vmem>>, vector<16xf32>,
      %add3A_528 = vector.broadcast %mul3A_272 : i32 to vector<16xi32>
      %add3A_529 = arith.addi %get3A_40, %add3A_528 : vector<16xi32>
      %gather3A_530 = tpu.vector_load_idx %arg7[%add3A_529] : memref<2576xf32, #tpu.memory_space<vmem>>[vector<16xi32>], vector<16xf32>,
      %add3A_531 = arith.constant 384 : i32
      %add3A_532 = arith.addi %add3A_506, %add3A_531 : i32
      %swap3A_533 = arith.index_cast %add3A_532 : i32 to index
      %swap3A_534 = tpu.vector_load %arg11[%swap3A_533] {strides = array<i32>} : memref<8192xf32, #tpu.memory_space<vmem>>, vector<16xf32>,
      tpu.vector_store %arg11[%swap3A_533], %gather3A_530 {strides = array<i32>} : memref<8192xf32, #tpu.memory_space<vmem>>, vector<16xf32>,
      %add3A_535 = vector.broadcast %mul3A_272 : i32 to vector<16xi32>
      %add3A_536 = arith.addi %get3A_48, %add3A_535 : vector<16xi32>
      %gather3A_537 = tpu.vector_load_idx %arg7[%add3A_536] : memref<2576xf32, #tpu.memory_space<vmem>>[vector<16xi32>], vector<16xf32>,
      %add3A_538 = vector.broadcast %mul3A_272 : i32 to vector<16xi32>
      %add3A_539 = arith.addi %get3A_56, %add3A_538 : vector<16xi32>
      %gather3A_540 = tpu.vector_load_idx %arg7[%add3A_539] : memref<2576xf32, #tpu.memory_space<vmem>>[vector<16xi32>], vector<16xf32>,
      %mul3A_541 = arith.mulf %gather3A_537, %div3A_293 : vector<16xf32>
      %add3A_542 = arith.constant 512 : i32
      %add3A_543 = arith.addi %add3A_506, %add3A_542 : i32
      %swap3A_544 = arith.index_cast %add3A_543 : i32 to index
      %swap3A_545 = tpu.vector_load %arg11[%swap3A_544] {strides = array<i32>} : memref<8192xf32, #tpu.memory_space<vmem>>, vector<16xf32>,
      tpu.vector_store %arg11[%swap3A_544], %mul3A_541 {strides = array<i32>} : memref<8192xf32, #tpu.memory_space<vmem>>, vector<16xf32>,
      %mul3A_546 = arith.mulf %gather3A_540, %div3A_299 : vector<16xf32>
      %add3A_547 = arith.constant 640 : i32
      %add3A_548 = arith.addi %add3A_506, %add3A_547 : i32
      %swap3A_549 = arith.index_cast %add3A_548 : i32 to index
      %swap3A_550 = tpu.vector_load %arg11[%swap3A_549] {strides = array<i32>} : memref<8192xf32, #tpu.memory_space<vmem>>, vector<16xf32>,
      tpu.vector_store %arg11[%swap3A_549], %mul3A_546 {strides = array<i32>} : memref<8192xf32, #tpu.memory_space<vmem>>, vector<16xf32>,
      %add3A_551 = arith.constant 768 : i32
      %add3A_552 = arith.addi %add3A_506, %add3A_551 : i32
      %swap3A_553 = arith.index_cast %add3A_552 : i32 to index
      %swap3A_554 = tpu.vector_load %arg11[%swap3A_553] {strides = array<i32>} : memref<8192xf32, #tpu.memory_space<vmem>>, vector<16xf32>,
      tpu.vector_store %arg11[%swap3A_553], %broadcast_in_dim3A_8 {strides = array<i32>} : memref<8192xf32, #tpu.memory_space<vmem>>, vector<16xf32>,
      %add3A_555 = vector.broadcast %mul3A_272 : i32 to vector<16xi32>
      %add3A_556 = arith.addi %get3A_64, %add3A_555 : vector<16xi32>
      %gather3A_557 = tpu.vector_load_idx %arg7[%add3A_556] : memref<2576xf32, #tpu.memory_space<vmem>>[vector<16xi32>], vector<16xf32>,
      %add3A_558 = arith.constant 896 : i32
      %add3A_559 = arith.addi %add3A_506, %add3A_558 : i32
      %swap3A_560 = arith.index_cast %add3A_559 : i32 to index
      %swap3A_561 = tpu.vector_load %arg11[%swap3A_560] {strides = array<i32>} : memref<8192xf32, #tpu.memory_space<vmem>>, vector<16xf32>,
      tpu.vector_store %arg11[%swap3A_560], %gather3A_557 {strides = array<i32>} : memref<8192xf32, #tpu.memory_space<vmem>>, vector<16xf32>,
    }
    %scan3A_213 = arith.constant 16 : i32
    %mul3A_214 = arith.constant 64 : i32
    %mul3A_215 = arith.muli %add3A, %mul3A_214 : i32
    %add3A_216 = arith.constant 40 : i32
    %add3A_217 = arith.addi %mul3A_215, %add3A_216 : i32
    %mul3A_218 = arith.constant 1024 : i32
    %mul3A_219 = arith.muli %add3A_217, %mul3A_218 : i32
    %dma_start3A_220 = tpu.memref_slice %arg5[%mul3A_219] : memref<2097152xf32, #tpu.memory_space<hbm>> -> memref<8192xf32, #tpu.memory_space<hbm>>
    %dma_start3A_221 = tpu.memref_slice %arg5[%mul3A_219] : memref<2097152xf32, #tpu.memory_space<hbm>> -> memref<8192xf32, #tpu.memory_space<hbm>>
    tpu.enqueue_dma source(%arg11 : memref<8192xf32, #tpu.memory_space<vmem>>) target(%dma_start3A_221 : memref<8192xf32, #tpu.memory_space<hbm>>) target_semaphore(%arg15 : memref<!tpu.dma_semaphore, #tpu.memory_space<semaphore_mem>>)
    %mul3A_222 = arith.constant 128 : i32
    %mul3A_223 = arith.muli %add3A, %mul3A_222 : i32
    %add3A_224 = arith.constant 112 : i32
    %add3A_225 = arith.addi %mul3A_223, %add3A_224 : i32
    %mul3A_226 = arith.constant 161 : i32
    %mul3A_227 = arith.muli %add3A_225, %mul3A_226 : i32
    %dma_start3A_228 = tpu.memref_slice %arg2[%mul3A_227] : memref<659456xf32, #tpu.memory_space<hbm>> -> memref<2576xf32, #tpu.memory_space<hbm>>
    %dma_start3A_229 = tpu.memref_slice %arg2[%mul3A_227] : memref<659456xf32, #tpu.memory_space<hbm>> -> memref<2576xf32, #tpu.memory_space<hbm>>
    tpu.enqueue_dma source(%dma_start3A_229 : memref<2576xf32, #tpu.memory_space<hbm>>) target(%arg7 : memref<2576xf32, #tpu.memory_space<vmem>>) target_semaphore(%arg13 : memref<!tpu.dma_semaphore, #tpu.memory_space<semaphore_mem>>)
    %dma_wait3A_230 = tpu.memref_slice %arg2[%mul3A_201] : memref<659456xf32, #tpu.memory_space<hbm>> -> memref<2576xf32, #tpu.memory_space<hbm>>
    %dma_wait3A_231 = tpu.memref_slice %arg2[%mul3A_201] : memref<659456xf32, #tpu.memory_space<hbm>> -> memref<2576xf32, #tpu.memory_space<hbm>>
    tpu.wait_dma2 semaphore(%arg12 : memref<!tpu.dma_semaphore, #tpu.memory_space<semaphore_mem>>) src(%dma_wait3A_231 : memref<2576xf32, #tpu.memory_space<hbm>>) dst(%arg6 : memref<2576xf32, #tpu.memory_space<vmem>>)
    %dma_wait3A_232 = tpu.memref_slice %arg5[%mul3A_193] : memref<2097152xf32, #tpu.memory_space<hbm>> -> memref<8192xf32, #tpu.memory_space<hbm>>
    %dma_wait3A_233 = tpu.memref_slice %arg5[%mul3A_193] : memref<2097152xf32, #tpu.memory_space<hbm>> -> memref<8192xf32, #tpu.memory_space<hbm>>
    tpu.wait_dma2 semaphore(%arg14 : memref<!tpu.dma_semaphore, #tpu.memory_space<semaphore_mem>>) src(%arg10 : memref<8192xf32, #tpu.memory_space<vmem>>) dst(%dma_wait3A_233 : memref<8192xf32, #tpu.memory_space<hbm>>)
    %scan3A_234 = arith.constant 0 : i32
    %scan3A_235 = arith.constant 0 : i32
    %scan3A_236 = arith.constant 16 : i32
    %scan3A_237 = arith.addi %scan3A_235, %scan3A_236 : i32
    %scan3A_238 = arith.constant 1 : i32
    scf.for %scan3A_270 = %scan3A_235 to %scan3A_237 step %scan3A_238  : i32 {
      %mul3A_271 = arith.constant 161 : i32
      %mul3A_272 = arith.muli %scan3A_270, %mul3A_271 : i32
      %broadcast_in_dim3A_273 = arith.constant 0 : i32
      %broadcast_in_dim3A_274 = vector.broadcast %broadcast_in_dim3A_273 : i32 to vector<16xi32>
      %add3A_275 = vector.broadcast %mul3A_272 : i32 to vector<16xi32>
      %add3A_276 = arith.addi %broadcast_in_dim3A_274, %add3A_275 : vector<16xi32>
      %gather3A = tpu.vector_load_idx %arg6[%add3A_276] : memref<2576xf32, #tpu.memory_space<vmem>>[vector<16xi32>], vector<16xf32>,
      %add3A_277 = arith.constant 1 : i32
      %add3A_278 = vector.broadcast %add3A_277 : i32 to vector<16xi32>
      %add3A_279 = arith.addi %add3A_276, %add3A_278 : vector<16xi32>
      %gather3A_280 = tpu.vector_load_idx %arg6[%add3A_279] : memref<2576xf32, #tpu.memory_space<vmem>>[vector<16xi32>], vector<16xf32>,
      %add3A_281 = arith.constant 2 : i32
      %add3A_282 = vector.broadcast %add3A_281 : i32 to vector<16xi32>
      %add3A_283 = arith.addi %add3A_276, %add3A_282 : vector<16xi32>
      %gather3A_284 = tpu.vector_load_idx %arg6[%add3A_283] : memref<2576xf32, #tpu.memory_space<vmem>>[vector<16xi32>], vector<16xf32>,
      %add3A_285 = arith.constant 3 : i32
      %add3A_286 = vector.broadcast %add3A_285 : i32 to vector<16xi32>
      %add3A_287 = arith.addi %add3A_276, %add3A_286 : vector<16xi32>
      %gather3A_288 = tpu.vector_load_idx %arg6[%add3A_287] : memref<2576xf32, #tpu.memory_space<vmem>>[vector<16xi32>], vector<16xf32>,
      %add3A_289 = arith.constant 1.000000e-03 : f32
      %add3A_290 = vector.broadcast %add3A_289 : f32 to vector<16xf32>
      %add3A_291 = arith.addf %add3A_290, %gather3A : vector<16xf32>
      %div3A = arith.constant 1.000000e+00 : f32
      %div3A_292 = vector.broadcast %div3A : f32 to vector<16xf32>
      %div3A_293 = arith.divf %div3A_292, %add3A_291 : vector<16xf32>
      %add3A_294 = arith.constant 1.000000e-03 : f32
      %add3A_295 = vector.broadcast %add3A_294 : f32 to vector<16xf32>
      %add3A_296 = arith.addf %add3A_295, %gather3A_280 : vector<16xf32>
      %div3A_297 = arith.constant 1.000000e+00 : f32
      %div3A_298 = vector.broadcast %div3A_297 : f32 to vector<16xf32>
      %div3A_299 = arith.divf %div3A_298, %add3A_296 : vector<16xf32>
      %jit3A = arith.constant 2 : i32
      %div3A_300 = arith.divsi %scan3A_270, %jit3A : i32
      %sign3A = arith.constant 0 : i32
      %sign3A_301 = arith.cmpi sgt, %scan3A_270, %sign3A : i32
      %sign3A_302 = arith.extui %sign3A_301 : i1 to i32
      %sign3A_303 = arith.constant 0 : i32
      %sign3A_304 = arith.cmpi slt, %scan3A_270, %sign3A_303 : i32
      %sign3A_305 = arith.extui %sign3A_304 : i1 to i32
      %sign3A_306 = arith.subi %sign3A_302, %sign3A_305 : i32
      %sign3A_307 = arith.constant 0 : i32
      %sign3A_308 = arith.cmpi sgt, %jit3A, %sign3A_307 : i32
      %sign3A_309 = arith.extui %sign3A_308 : i1 to i32
      %sign3A_310 = arith.constant 0 : i32
      %sign3A_311 = arith.cmpi slt, %jit3A, %sign3A_310 : i32
      %sign3A_312 = arith.extui %sign3A_311 : i1 to i32
      %sign3A_313 = arith.subi %sign3A_309, %sign3A_312 : i32
      %ne3A = arith.cmpi ne, %sign3A_306, %sign3A_313 : i32
      %rem3A = arith.remsi %scan3A_270, %jit3A : i32
      %ne3A_314 = arith.constant 0 : i32
      %ne3A_315 = arith.cmpi ne, %rem3A, %ne3A_314 : i32
      %and3A = arith.andi %ne3A, %ne3A_315 : i1
      %sub3A = arith.constant 1 : i32
      %sub3A_316 = arith.subi %div3A_300, %sub3A : i32
      %select_n3A = arith.select %and3A, %sub3A_316, %div3A_300 : i32
      %mul3A_317 = arith.constant 1024 : i32
      %mul3A_318 = arith.muli %select_n3A, %mul3A_317 : i32
      %jit3A_319 = arith.constant 2 : i32
      %eq3A = arith.constant 0 : i32
      %eq3A_320 = arith.cmpi eq, %jit3A_319, %eq3A : i32
      %jit3A_321 = arith.constant 1 : i32
      %select_n3A_322 = arith.select %eq3A_320, %jit3A_321, %jit3A_319 : i32
      %rem3A_323 = arith.remsi %scan3A_270, %select_n3A_322 : i32
      %ne3A_324 = arith.constant 0 : i32
      %ne3A_325 = arith.cmpi ne, %rem3A_323, %ne3A_324 : i32
      %lt3A = arith.constant 0 : i32
      %lt3A_326 = arith.cmpi slt, %rem3A_323, %lt3A : i32
      %lt3A_327 = arith.constant 0 : i32
      %lt3A_328 = arith.cmpi slt, %select_n3A_322, %lt3A_327 : i32
      %ne3A_329 = arith.xori %lt3A_326, %lt3A_328 : i1
      %and3A_330 = arith.andi %ne3A_329, %ne3A_325 : i1
      %add3A_331 = arith.addi %rem3A_323, %select_n3A_322 : i32
      %select_n3A_332 = arith.select %and3A_330, %add3A_331, %rem3A_323 : i32
      %mul3A_333 = arith.constant 64 : i32
      %mul3A_334 = arith.muli %select_n3A_332, %mul3A_333 : i32
      %add3A_335 = arith.addi %mul3A_318, %mul3A_334 : i32
      %add3A_336 = arith.constant 0 : i32
      %add3A_337 = arith.addi %add3A_335, %add3A_336 : i32
      %add3A_338 = vector.broadcast %mul3A_272 : i32 to vector<16xi32>
      %add3A_339 = arith.addi %get3A_10, %add3A_338 : vector<16xi32>
      %gather3A_340 = tpu.vector_load_idx %arg6[%add3A_339] : memref<2576xf32, #tpu.memory_space<vmem>>[vector<16xi32>], vector<16xf32>,
      %add3A_341 = vector.broadcast %mul3A_272 : i32 to vector<16xi32>
      %add3A_342 = arith.addi %get3A_18, %add3A_341 : vector<16xi32>
      %gather3A_343 = tpu.vector_load_idx %arg6[%add3A_342] : memref<2576xf32, #tpu.memory_space<vmem>>[vector<16xi32>], vector<16xf32>,
      %mul3A_344 = arith.mulf %gather3A_340, %get3A_1 : vector<16xf32>
      %mul3A_345 = arith.mulf %gather3A_343, %get3A_1 : vector<16xf32>
      %add3A_346 = arith.addf %mul3A_344, %gather3A_284 : vector<16xf32>
      %swap3A = arith.index_cast %add3A_337 : i32 to index
      %swap3A_347 = tpu.vector_load %arg10[%swap3A] {strides = array<i32>} : memref<8192xf32, #tpu.memory_space<vmem>>, vector<16xf32>,
      tpu.vector_store %arg10[%swap3A], %add3A_346 {strides = array<i32>} : memref<8192xf32, #tpu.memory_space<vmem>>, vector<16xf32>,
      %add3A_348 = arith.addf %mul3A_345, %gather3A_288 : vector<16xf32>
      %add3A_349 = arith.constant 128 : i32
      %add3A_350 = arith.addi %add3A_337, %add3A_349 : i32
      %swap3A_351 = arith.index_cast %add3A_350 : i32 to index
      %swap3A_352 = tpu.vector_load %arg10[%swap3A_351] {strides = array<i32>} : memref<8192xf32, #tpu.memory_space<vmem>>, vector<16xf32>,
      tpu.vector_store %arg10[%swap3A_351], %add3A_348 {strides = array<i32>} : memref<8192xf32, #tpu.memory_space<vmem>>, vector<16xf32>,
      %add3A_353 = vector.broadcast %mul3A_272 : i32 to vector<16xi32>
      %add3A_354 = arith.addi %get3A_26, %add3A_353 : vector<16xi32>
      %gather3A_355 = tpu.vector_load_idx %arg6[%add3A_354] : memref<2576xf32, #tpu.memory_space<vmem>>[vector<16xi32>], vector<16xf32>,
      %add3A_356 = arith.constant 256 : i32
      %add3A_357 = arith.addi %add3A_337, %add3A_356 : i32
      %swap3A_358 = arith.index_cast %add3A_357 : i32 to index
      %swap3A_359 = tpu.vector_load %arg10[%swap3A_358] {strides = array<i32>} : memref<8192xf32, #tpu.memory_space<vmem>>, vector<16xf32>,
      tpu.vector_store %arg10[%swap3A_358], %gather3A_355 {strides = array<i32>} : memref<8192xf32, #tpu.memory_space<vmem>>, vector<16xf32>,
      %add3A_360 = vector.broadcast %mul3A_272 : i32 to vector<16xi32>
      %add3A_361 = arith.addi %get3A_34, %add3A_360 : vector<16xi32>
      %gather3A_362 = tpu.vector_load_idx %arg6[%add3A_361] : memref<2576xf32, #tpu.memory_space<vmem>>[vector<16xi32>], vector<16xf32>,
      %add3A_363 = arith.constant 384 : i32
      %add3A_364 = arith.addi %add3A_337, %add3A_363 : i32
      %swap3A_365 = arith.index_cast %add3A_364 : i32 to index
      %swap3A_366 = tpu.vector_load %arg10[%swap3A_365] {strides = array<i32>} : memref<8192xf32, #tpu.memory_space<vmem>>, vector<16xf32>,
      tpu.vector_store %arg10[%swap3A_365], %gather3A_362 {strides = array<i32>} : memref<8192xf32, #tpu.memory_space<vmem>>, vector<16xf32>,
      %add3A_367 = vector.broadcast %mul3A_272 : i32 to vector<16xi32>
      %add3A_368 = arith.addi %get3A_42, %add3A_367 : vector<16xi32>
      %gather3A_369 = tpu.vector_load_idx %arg6[%add3A_368] : memref<2576xf32, #tpu.memory_space<vmem>>[vector<16xi32>], vector<16xf32>,
      %add3A_370 = vector.broadcast %mul3A_272 : i32 to vector<16xi32>
      %add3A_371 = arith.addi %get3A_50, %add3A_370 : vector<16xi32>
      %gather3A_372 = tpu.vector_load_idx %arg6[%add3A_371] : memref<2576xf32, #tpu.memory_space<vmem>>[vector<16xi32>], vector<16xf32>,
      %mul3A_373 = arith.mulf %gather3A_369, %get3A_1 : vector<16xf32>
      %mul3A_374 = arith.mulf %gather3A_372, %get3A_1 : vector<16xf32>
      %mul3A_375 = arith.mulf %mul3A_373, %div3A_293 : vector<16xf32>
      %add3A_376 = arith.constant 512 : i32
      %add3A_377 = arith.addi %add3A_337, %add3A_376 : i32
      %swap3A_378 = arith.index_cast %add3A_377 : i32 to index
      %swap3A_379 = tpu.vector_load %arg10[%swap3A_378] {strides = array<i32>} : memref<8192xf32, #tpu.memory_space<vmem>>, vector<16xf32>,
      tpu.vector_store %arg10[%swap3A_378], %mul3A_375 {strides = array<i32>} : memref<8192xf32, #tpu.memory_space<vmem>>, vector<16xf32>,
      %mul3A_380 = arith.mulf %mul3A_374, %div3A_299 : vector<16xf32>
      %add3A_381 = arith.constant 640 : i32
      %add3A_382 = arith.addi %add3A_337, %add3A_381 : i32
      %swap3A_383 = arith.index_cast %add3A_382 : i32 to index
      %swap3A_384 = tpu.vector_load %arg10[%swap3A_383] {strides = array<i32>} : memref<8192xf32, #tpu.memory_space<vmem>>, vector<16xf32>,
      tpu.vector_store %arg10[%swap3A_383], %mul3A_380 {strides = array<i32>} : memref<8192xf32, #tpu.memory_space<vmem>>, vector<16xf32>,
      %add3A_385 = arith.constant 768 : i32
      %add3A_386 = arith.addi %add3A_337, %add3A_385 : i32
      %swap3A_387 = arith.index_cast %add3A_386 : i32 to index
      %swap3A_388 = tpu.vector_load %arg10[%swap3A_387] {strides = array<i32>} : memref<8192xf32, #tpu.memory_space<vmem>>, vector<16xf32>,
      tpu.vector_store %arg10[%swap3A_387], %get3A_3 {strides = array<i32>} : memref<8192xf32, #tpu.memory_space<vmem>>, vector<16xf32>,
      %add3A_389 = arith.constant 896 : i32
      %add3A_390 = arith.addi %add3A_337, %add3A_389 : i32
      %swap3A_391 = arith.index_cast %add3A_390 : i32 to index
      %swap3A_392 = tpu.vector_load %arg10[%swap3A_391] {strides = array<i32>} : memref<8192xf32, #tpu.memory_space<vmem>>, vector<16xf32>,
      tpu.vector_store %arg10[%swap3A_391], %broadcast_in_dim3A_6 {strides = array<i32>} : memref<8192xf32, #tpu.memory_space<vmem>>, vector<16xf32>,
      %add3A_393 = arith.constant 16 : i32
      %add3A_394 = arith.addi %add3A_335, %add3A_393 : i32
      %add3A_395 = vector.broadcast %mul3A_272 : i32 to vector<16xi32>
      %add3A_396 = arith.addi %get3A_12, %add3A_395 : vector<16xi32>
      %gather3A_397 = tpu.vector_load_idx %arg6[%add3A_396] : memref<2576xf32, #tpu.memory_space<vmem>>[vector<16xi32>], vector<16xf32>,
      %add3A_398 = vector.broadcast %mul3A_272 : i32 to vector<16xi32>
      %add3A_399 = arith.addi %get3A_20, %add3A_398 : vector<16xi32>
      %gather3A_400 = tpu.vector_load_idx %arg6[%add3A_399] : memref<2576xf32, #tpu.memory_space<vmem>>[vector<16xi32>], vector<16xf32>,
      %add3A_401 = arith.addf %gather3A_397, %gather3A_284 : vector<16xf32>
      %swap3A_402 = arith.index_cast %add3A_394 : i32 to index
      %swap3A_403 = tpu.vector_load %arg10[%swap3A_402] {strides = array<i32>} : memref<8192xf32, #tpu.memory_space<vmem>>, vector<16xf32>,
      tpu.vector_store %arg10[%swap3A_402], %add3A_401 {strides = array<i32>} : memref<8192xf32, #tpu.memory_space<vmem>>, vector<16xf32>,
      %add3A_404 = arith.addf %gather3A_400, %gather3A_288 : vector<16xf32>
      %add3A_405 = arith.constant 128 : i32
      %add3A_406 = arith.addi %add3A_394, %add3A_405 : i32
      %swap3A_407 = arith.index_cast %add3A_406 : i32 to index
      %swap3A_408 = tpu.vector_load %arg10[%swap3A_407] {strides = array<i32>} : memref<8192xf32, #tpu.memory_space<vmem>>, vector<16xf32>,
      tpu.vector_store %arg10[%swap3A_407], %add3A_404 {strides = array<i32>} : memref<8192xf32, #tpu.memory_space<vmem>>, vector<16xf32>,
      %add3A_409 = vector.broadcast %mul3A_272 : i32 to vector<16xi32>
      %add3A_410 = arith.addi %get3A_28, %add3A_409 : vector<16xi32>
      %gather3A_411 = tpu.vector_load_idx %arg6[%add3A_410] : memref<2576xf32, #tpu.memory_space<vmem>>[vector<16xi32>], vector<16xf32>,
      %add3A_412 = arith.constant 256 : i32
      %add3A_413 = arith.addi %add3A_394, %add3A_412 : i32
      %swap3A_414 = arith.index_cast %add3A_413 : i32 to index
      %swap3A_415 = tpu.vector_load %arg10[%swap3A_414] {strides = array<i32>} : memref<8192xf32, #tpu.memory_space<vmem>>, vector<16xf32>,
      tpu.vector_store %arg10[%swap3A_414], %gather3A_411 {strides = array<i32>} : memref<8192xf32, #tpu.memory_space<vmem>>, vector<16xf32>,
      %add3A_416 = vector.broadcast %mul3A_272 : i32 to vector<16xi32>
      %add3A_417 = arith.addi %get3A_36, %add3A_416 : vector<16xi32>
      %gather3A_418 = tpu.vector_load_idx %arg6[%add3A_417] : memref<2576xf32, #tpu.memory_space<vmem>>[vector<16xi32>], vector<16xf32>,
      %add3A_419 = arith.constant 384 : i32
      %add3A_420 = arith.addi %add3A_394, %add3A_419 : i32
      %swap3A_421 = arith.index_cast %add3A_420 : i32 to index
      %swap3A_422 = tpu.vector_load %arg10[%swap3A_421] {strides = array<i32>} : memref<8192xf32, #tpu.memory_space<vmem>>, vector<16xf32>,
      tpu.vector_store %arg10[%swap3A_421], %gather3A_418 {strides = array<i32>} : memref<8192xf32, #tpu.memory_space<vmem>>, vector<16xf32>,
      %add3A_423 = vector.broadcast %mul3A_272 : i32 to vector<16xi32>
      %add3A_424 = arith.addi %get3A_44, %add3A_423 : vector<16xi32>
      %gather3A_425 = tpu.vector_load_idx %arg6[%add3A_424] : memref<2576xf32, #tpu.memory_space<vmem>>[vector<16xi32>], vector<16xf32>,
      %add3A_426 = vector.broadcast %mul3A_272 : i32 to vector<16xi32>
      %add3A_427 = arith.addi %get3A_52, %add3A_426 : vector<16xi32>
      %gather3A_428 = tpu.vector_load_idx %arg6[%add3A_427] : memref<2576xf32, #tpu.memory_space<vmem>>[vector<16xi32>], vector<16xf32>,
      %mul3A_429 = arith.mulf %gather3A_425, %div3A_293 : vector<16xf32>
      %add3A_430 = arith.constant 512 : i32
      %add3A_431 = arith.addi %add3A_394, %add3A_430 : i32
      %swap3A_432 = arith.index_cast %add3A_431 : i32 to index
      %swap3A_433 = tpu.vector_load %arg10[%swap3A_432] {strides = array<i32>} : memref<8192xf32, #tpu.memory_space<vmem>>, vector<16xf32>,
      tpu.vector_store %arg10[%swap3A_432], %mul3A_429 {strides = array<i32>} : memref<8192xf32, #tpu.memory_space<vmem>>, vector<16xf32>,
      %mul3A_434 = arith.mulf %gather3A_428, %div3A_299 : vector<16xf32>
      %add3A_435 = arith.constant 640 : i32
      %add3A_436 = arith.addi %add3A_394, %add3A_435 : i32
      %swap3A_437 = arith.index_cast %add3A_436 : i32 to index
      %swap3A_438 = tpu.vector_load %arg10[%swap3A_437] {strides = array<i32>} : memref<8192xf32, #tpu.memory_space<vmem>>, vector<16xf32>,
      tpu.vector_store %arg10[%swap3A_437], %mul3A_434 {strides = array<i32>} : memref<8192xf32, #tpu.memory_space<vmem>>, vector<16xf32>,
      %add3A_439 = arith.constant 768 : i32
      %add3A_440 = arith.addi %add3A_394, %add3A_439 : i32
      %swap3A_441 = arith.index_cast %add3A_440 : i32 to index
      %swap3A_442 = tpu.vector_load %arg10[%swap3A_441] {strides = array<i32>} : memref<8192xf32, #tpu.memory_space<vmem>>, vector<16xf32>,
      tpu.vector_store %arg10[%swap3A_441], %broadcast_in_dim3A_6 {strides = array<i32>} : memref<8192xf32, #tpu.memory_space<vmem>>, vector<16xf32>,
      %add3A_443 = arith.constant 896 : i32
      %add3A_444 = arith.addi %add3A_394, %add3A_443 : i32
      %swap3A_445 = arith.index_cast %add3A_444 : i32 to index
      %swap3A_446 = tpu.vector_load %arg10[%swap3A_445] {strides = array<i32>} : memref<8192xf32, #tpu.memory_space<vmem>>, vector<16xf32>,
      tpu.vector_store %arg10[%swap3A_445], %broadcast_in_dim3A_6 {strides = array<i32>} : memref<8192xf32, #tpu.memory_space<vmem>>, vector<16xf32>,
      %add3A_447 = arith.constant 32 : i32
      %add3A_448 = arith.addi %add3A_335, %add3A_447 : i32
      %add3A_449 = vector.broadcast %mul3A_272 : i32 to vector<16xi32>
      %add3A_450 = arith.addi %get3A_14, %add3A_449 : vector<16xi32>
      %gather3A_451 = tpu.vector_load_idx %arg6[%add3A_450] : memref<2576xf32, #tpu.memory_space<vmem>>[vector<16xi32>], vector<16xf32>,
      %add3A_452 = vector.broadcast %mul3A_272 : i32 to vector<16xi32>
      %add3A_453 = arith.addi %get3A_22, %add3A_452 : vector<16xi32>
      %gather3A_454 = tpu.vector_load_idx %arg6[%add3A_453] : memref<2576xf32, #tpu.memory_space<vmem>>[vector<16xi32>], vector<16xf32>,
      %add3A_455 = arith.addf %gather3A_451, %gather3A_284 : vector<16xf32>
      %swap3A_456 = arith.index_cast %add3A_448 : i32 to index
      %swap3A_457 = tpu.vector_load %arg10[%swap3A_456] {strides = array<i32>} : memref<8192xf32, #tpu.memory_space<vmem>>, vector<16xf32>,
      tpu.vector_store %arg10[%swap3A_456], %add3A_455 {strides = array<i32>} : memref<8192xf32, #tpu.memory_space<vmem>>, vector<16xf32>,
      %add3A_458 = arith.addf %gather3A_454, %gather3A_288 : vector<16xf32>
      %add3A_459 = arith.constant 128 : i32
      %add3A_460 = arith.addi %add3A_448, %add3A_459 : i32
      %swap3A_461 = arith.index_cast %add3A_460 : i32 to index
      %swap3A_462 = tpu.vector_load %arg10[%swap3A_461] {strides = array<i32>} : memref<8192xf32, #tpu.memory_space<vmem>>, vector<16xf32>,
      tpu.vector_store %arg10[%swap3A_461], %add3A_458 {strides = array<i32>} : memref<8192xf32, #tpu.memory_space<vmem>>, vector<16xf32>,
      %add3A_463 = vector.broadcast %mul3A_272 : i32 to vector<16xi32>
      %add3A_464 = arith.addi %get3A_30, %add3A_463 : vector<16xi32>
      %gather3A_465 = tpu.vector_load_idx %arg6[%add3A_464] : memref<2576xf32, #tpu.memory_space<vmem>>[vector<16xi32>], vector<16xf32>,
      %add3A_466 = arith.constant 256 : i32
      %add3A_467 = arith.addi %add3A_448, %add3A_466 : i32
      %swap3A_468 = arith.index_cast %add3A_467 : i32 to index
      %swap3A_469 = tpu.vector_load %arg10[%swap3A_468] {strides = array<i32>} : memref<8192xf32, #tpu.memory_space<vmem>>, vector<16xf32>,
      tpu.vector_store %arg10[%swap3A_468], %gather3A_465 {strides = array<i32>} : memref<8192xf32, #tpu.memory_space<vmem>>, vector<16xf32>,
      %add3A_470 = vector.broadcast %mul3A_272 : i32 to vector<16xi32>
      %add3A_471 = arith.addi %get3A_38, %add3A_470 : vector<16xi32>
      %gather3A_472 = tpu.vector_load_idx %arg6[%add3A_471] : memref<2576xf32, #tpu.memory_space<vmem>>[vector<16xi32>], vector<16xf32>,
      %add3A_473 = arith.constant 384 : i32
      %add3A_474 = arith.addi %add3A_448, %add3A_473 : i32
      %swap3A_475 = arith.index_cast %add3A_474 : i32 to index
      %swap3A_476 = tpu.vector_load %arg10[%swap3A_475] {strides = array<i32>} : memref<8192xf32, #tpu.memory_space<vmem>>, vector<16xf32>,
      tpu.vector_store %arg10[%swap3A_475], %gather3A_472 {strides = array<i32>} : memref<8192xf32, #tpu.memory_space<vmem>>, vector<16xf32>,
      %add3A_477 = vector.broadcast %mul3A_272 : i32 to vector<16xi32>
      %add3A_478 = arith.addi %get3A_46, %add3A_477 : vector<16xi32>
      %gather3A_479 = tpu.vector_load_idx %arg6[%add3A_478] : memref<2576xf32, #tpu.memory_space<vmem>>[vector<16xi32>], vector<16xf32>,
      %add3A_480 = vector.broadcast %mul3A_272 : i32 to vector<16xi32>
      %add3A_481 = arith.addi %get3A_54, %add3A_480 : vector<16xi32>
      %gather3A_482 = tpu.vector_load_idx %arg6[%add3A_481] : memref<2576xf32, #tpu.memory_space<vmem>>[vector<16xi32>], vector<16xf32>,
      %mul3A_483 = arith.mulf %gather3A_479, %div3A_293 : vector<16xf32>
      %add3A_484 = arith.constant 512 : i32
      %add3A_485 = arith.addi %add3A_448, %add3A_484 : i32
      %swap3A_486 = arith.index_cast %add3A_485 : i32 to index
      %swap3A_487 = tpu.vector_load %arg10[%swap3A_486] {strides = array<i32>} : memref<8192xf32, #tpu.memory_space<vmem>>, vector<16xf32>,
      tpu.vector_store %arg10[%swap3A_486], %mul3A_483 {strides = array<i32>} : memref<8192xf32, #tpu.memory_space<vmem>>, vector<16xf32>,
      %mul3A_488 = arith.mulf %gather3A_482, %div3A_299 : vector<16xf32>
      %add3A_489 = arith.constant 640 : i32
      %add3A_490 = arith.addi %add3A_448, %add3A_489 : i32
      %swap3A_491 = arith.index_cast %add3A_490 : i32 to index
      %swap3A_492 = tpu.vector_load %arg10[%swap3A_491] {strides = array<i32>} : memref<8192xf32, #tpu.memory_space<vmem>>, vector<16xf32>,
      tpu.vector_store %arg10[%swap3A_491], %mul3A_488 {strides = array<i32>} : memref<8192xf32, #tpu.memory_space<vmem>>, vector<16xf32>,
      %add3A_493 = arith.constant 768 : i32
      %add3A_494 = arith.addi %add3A_448, %add3A_493 : i32
      %swap3A_495 = arith.index_cast %add3A_494 : i32 to index
      %swap3A_496 = tpu.vector_load %arg10[%swap3A_495] {strides = array<i32>} : memref<8192xf32, #tpu.memory_space<vmem>>, vector<16xf32>,
      tpu.vector_store %arg10[%swap3A_495], %get3A_5 {strides = array<i32>} : memref<8192xf32, #tpu.memory_space<vmem>>, vector<16xf32>,
      %add3A_497 = vector.broadcast %mul3A_272 : i32 to vector<16xi32>
      %add3A_498 = arith.addi %get3A_62, %add3A_497 : vector<16xi32>
      %gather3A_499 = tpu.vector_load_idx %arg6[%add3A_498] : memref<2576xf32, #tpu.memory_space<vmem>>[vector<16xi32>], vector<16xf32>,
      %mul3A_500 = arith.mulf %gather3A_499, %get3A_1 : vector<16xf32>
      %add3A_501 = arith.constant 896 : i32
      %add3A_502 = arith.addi %add3A_448, %add3A_501 : i32
      %swap3A_503 = arith.index_cast %add3A_502 : i32 to index
      %swap3A_504 = tpu.vector_load %arg10[%swap3A_503] {strides = array<i32>} : memref<8192xf32, #tpu.memory_space<vmem>>, vector<16xf32>,
      tpu.vector_store %arg10[%swap3A_503], %mul3A_500 {strides = array<i32>} : memref<8192xf32, #tpu.memory_space<vmem>>, vector<16xf32>,
      %add3A_505 = arith.constant 48 : i32
      %add3A_506 = arith.addi %add3A_335, %add3A_505 : i32
      %add3A_507 = vector.broadcast %mul3A_272 : i32 to vector<16xi32>
      %add3A_508 = arith.addi %get3A_16, %add3A_507 : vector<16xi32>
      %gather3A_509 = tpu.vector_load_idx %arg6[%add3A_508] : memref<2576xf32, #tpu.memory_space<vmem>>[vector<16xi32>], vector<16xf32>,
      %add3A_510 = vector.broadcast %mul3A_272 : i32 to vector<16xi32>
      %add3A_511 = arith.addi %get3A_24, %add3A_510 : vector<16xi32>
      %gather3A_512 = tpu.vector_load_idx %arg6[%add3A_511] : memref<2576xf32, #tpu.memory_space<vmem>>[vector<16xi32>], vector<16xf32>,
      %add3A_513 = arith.addf %gather3A_509, %gather3A_284 : vector<16xf32>
      %swap3A_514 = arith.index_cast %add3A_506 : i32 to index
      %swap3A_515 = tpu.vector_load %arg10[%swap3A_514] {strides = array<i32>} : memref<8192xf32, #tpu.memory_space<vmem>>, vector<16xf32>,
      tpu.vector_store %arg10[%swap3A_514], %add3A_513 {strides = array<i32>} : memref<8192xf32, #tpu.memory_space<vmem>>, vector<16xf32>,
      %add3A_516 = arith.addf %gather3A_512, %gather3A_288 : vector<16xf32>
      %add3A_517 = arith.constant 128 : i32
      %add3A_518 = arith.addi %add3A_506, %add3A_517 : i32
      %swap3A_519 = arith.index_cast %add3A_518 : i32 to index
      %swap3A_520 = tpu.vector_load %arg10[%swap3A_519] {strides = array<i32>} : memref<8192xf32, #tpu.memory_space<vmem>>, vector<16xf32>,
      tpu.vector_store %arg10[%swap3A_519], %add3A_516 {strides = array<i32>} : memref<8192xf32, #tpu.memory_space<vmem>>, vector<16xf32>,
      %add3A_521 = vector.broadcast %mul3A_272 : i32 to vector<16xi32>
      %add3A_522 = arith.addi %get3A_32, %add3A_521 : vector<16xi32>
      %gather3A_523 = tpu.vector_load_idx %arg6[%add3A_522] : memref<2576xf32, #tpu.memory_space<vmem>>[vector<16xi32>], vector<16xf32>,
      %add3A_524 = arith.constant 256 : i32
      %add3A_525 = arith.addi %add3A_506, %add3A_524 : i32
      %swap3A_526 = arith.index_cast %add3A_525 : i32 to index
      %swap3A_527 = tpu.vector_load %arg10[%swap3A_526] {strides = array<i32>} : memref<8192xf32, #tpu.memory_space<vmem>>, vector<16xf32>,
      tpu.vector_store %arg10[%swap3A_526], %gather3A_523 {strides = array<i32>} : memref<8192xf32, #tpu.memory_space<vmem>>, vector<16xf32>,
      %add3A_528 = vector.broadcast %mul3A_272 : i32 to vector<16xi32>
      %add3A_529 = arith.addi %get3A_40, %add3A_528 : vector<16xi32>
      %gather3A_530 = tpu.vector_load_idx %arg6[%add3A_529] : memref<2576xf32, #tpu.memory_space<vmem>>[vector<16xi32>], vector<16xf32>,
      %add3A_531 = arith.constant 384 : i32
      %add3A_532 = arith.addi %add3A_506, %add3A_531 : i32
      %swap3A_533 = arith.index_cast %add3A_532 : i32 to index
      %swap3A_534 = tpu.vector_load %arg10[%swap3A_533] {strides = array<i32>} : memref<8192xf32, #tpu.memory_space<vmem>>, vector<16xf32>,
      tpu.vector_store %arg10[%swap3A_533], %gather3A_530 {strides = array<i32>} : memref<8192xf32, #tpu.memory_space<vmem>>, vector<16xf32>,
      %add3A_535 = vector.broadcast %mul3A_272 : i32 to vector<16xi32>
      %add3A_536 = arith.addi %get3A_48, %add3A_535 : vector<16xi32>
      %gather3A_537 = tpu.vector_load_idx %arg6[%add3A_536] : memref<2576xf32, #tpu.memory_space<vmem>>[vector<16xi32>], vector<16xf32>,
      %add3A_538 = vector.broadcast %mul3A_272 : i32 to vector<16xi32>
      %add3A_539 = arith.addi %get3A_56, %add3A_538 : vector<16xi32>
      %gather3A_540 = tpu.vector_load_idx %arg6[%add3A_539] : memref<2576xf32, #tpu.memory_space<vmem>>[vector<16xi32>], vector<16xf32>,
      %mul3A_541 = arith.mulf %gather3A_537, %div3A_293 : vector<16xf32>
      %add3A_542 = arith.constant 512 : i32
      %add3A_543 = arith.addi %add3A_506, %add3A_542 : i32
      %swap3A_544 = arith.index_cast %add3A_543 : i32 to index
      %swap3A_545 = tpu.vector_load %arg10[%swap3A_544] {strides = array<i32>} : memref<8192xf32, #tpu.memory_space<vmem>>, vector<16xf32>,
      tpu.vector_store %arg10[%swap3A_544], %mul3A_541 {strides = array<i32>} : memref<8192xf32, #tpu.memory_space<vmem>>, vector<16xf32>,
      %mul3A_546 = arith.mulf %gather3A_540, %div3A_299 : vector<16xf32>
      %add3A_547 = arith.constant 640 : i32
      %add3A_548 = arith.addi %add3A_506, %add3A_547 : i32
      %swap3A_549 = arith.index_cast %add3A_548 : i32 to index
      %swap3A_550 = tpu.vector_load %arg10[%swap3A_549] {strides = array<i32>} : memref<8192xf32, #tpu.memory_space<vmem>>, vector<16xf32>,
      tpu.vector_store %arg10[%swap3A_549], %mul3A_546 {strides = array<i32>} : memref<8192xf32, #tpu.memory_space<vmem>>, vector<16xf32>,
      %add3A_551 = arith.constant 768 : i32
      %add3A_552 = arith.addi %add3A_506, %add3A_551 : i32
      %swap3A_553 = arith.index_cast %add3A_552 : i32 to index
      %swap3A_554 = tpu.vector_load %arg10[%swap3A_553] {strides = array<i32>} : memref<8192xf32, #tpu.memory_space<vmem>>, vector<16xf32>,
      tpu.vector_store %arg10[%swap3A_553], %broadcast_in_dim3A_8 {strides = array<i32>} : memref<8192xf32, #tpu.memory_space<vmem>>, vector<16xf32>,
      %add3A_555 = vector.broadcast %mul3A_272 : i32 to vector<16xi32>
      %add3A_556 = arith.addi %get3A_64, %add3A_555 : vector<16xi32>
      %gather3A_557 = tpu.vector_load_idx %arg6[%add3A_556] : memref<2576xf32, #tpu.memory_space<vmem>>[vector<16xi32>], vector<16xf32>,
      %add3A_558 = arith.constant 896 : i32
      %add3A_559 = arith.addi %add3A_506, %add3A_558 : i32
      %swap3A_560 = arith.index_cast %add3A_559 : i32 to index
      %swap3A_561 = tpu.vector_load %arg10[%swap3A_560] {strides = array<i32>} : memref<8192xf32, #tpu.memory_space<vmem>>, vector<16xf32>,
      tpu.vector_store %arg10[%swap3A_560], %gather3A_557 {strides = array<i32>} : memref<8192xf32, #tpu.memory_space<vmem>>, vector<16xf32>,
    }
    %scan3A_239 = arith.constant 16 : i32
    %mul3A_240 = arith.constant 64 : i32
    %mul3A_241 = arith.muli %add3A, %mul3A_240 : i32
    %add3A_242 = arith.constant 48 : i32
    %add3A_243 = arith.addi %mul3A_241, %add3A_242 : i32
    %mul3A_244 = arith.constant 1024 : i32
    %mul3A_245 = arith.muli %add3A_243, %mul3A_244 : i32
    %dma_start3A_246 = tpu.memref_slice %arg5[%mul3A_245] : memref<2097152xf32, #tpu.memory_space<hbm>> -> memref<8192xf32, #tpu.memory_space<hbm>>
    %dma_start3A_247 = tpu.memref_slice %arg5[%mul3A_245] : memref<2097152xf32, #tpu.memory_space<hbm>> -> memref<8192xf32, #tpu.memory_space<hbm>>
    tpu.enqueue_dma source(%arg10 : memref<8192xf32, #tpu.memory_space<vmem>>) target(%dma_start3A_247 : memref<8192xf32, #tpu.memory_space<hbm>>) target_semaphore(%arg14 : memref<!tpu.dma_semaphore, #tpu.memory_space<semaphore_mem>>)
    %dma_wait3A_248 = tpu.memref_slice %arg2[%mul3A_227] : memref<659456xf32, #tpu.memory_space<hbm>> -> memref<2576xf32, #tpu.memory_space<hbm>>
    %dma_wait3A_249 = tpu.memref_slice %arg2[%mul3A_227] : memref<659456xf32, #tpu.memory_space<hbm>> -> memref<2576xf32, #tpu.memory_space<hbm>>
    tpu.wait_dma2 semaphore(%arg13 : memref<!tpu.dma_semaphore, #tpu.memory_space<semaphore_mem>>) src(%dma_wait3A_249 : memref<2576xf32, #tpu.memory_space<hbm>>) dst(%arg7 : memref<2576xf32, #tpu.memory_space<vmem>>)
    %dma_wait3A_250 = tpu.memref_slice %arg5[%mul3A_219] : memref<2097152xf32, #tpu.memory_space<hbm>> -> memref<8192xf32, #tpu.memory_space<hbm>>
    %dma_wait3A_251 = tpu.memref_slice %arg5[%mul3A_219] : memref<2097152xf32, #tpu.memory_space<hbm>> -> memref<8192xf32, #tpu.memory_space<hbm>>
    tpu.wait_dma2 semaphore(%arg15 : memref<!tpu.dma_semaphore, #tpu.memory_space<semaphore_mem>>) src(%arg11 : memref<8192xf32, #tpu.memory_space<vmem>>) dst(%dma_wait3A_251 : memref<8192xf32, #tpu.memory_space<hbm>>)
    %scan3A_252 = arith.constant 0 : i32
    %scan3A_253 = arith.constant 0 : i32
    %scan3A_254 = arith.constant 16 : i32
    %scan3A_255 = arith.addi %scan3A_253, %scan3A_254 : i32
    %scan3A_256 = arith.constant 1 : i32
    scf.for %scan3A_270 = %scan3A_253 to %scan3A_255 step %scan3A_256  : i32 {
      %mul3A_271 = arith.constant 161 : i32
      %mul3A_272 = arith.muli %scan3A_270, %mul3A_271 : i32
      %broadcast_in_dim3A_273 = arith.constant 0 : i32
      %broadcast_in_dim3A_274 = vector.broadcast %broadcast_in_dim3A_273 : i32 to vector<16xi32>
      %add3A_275 = vector.broadcast %mul3A_272 : i32 to vector<16xi32>
      %add3A_276 = arith.addi %broadcast_in_dim3A_274, %add3A_275 : vector<16xi32>
      %gather3A = tpu.vector_load_idx %arg7[%add3A_276] : memref<2576xf32, #tpu.memory_space<vmem>>[vector<16xi32>], vector<16xf32>,
      %add3A_277 = arith.constant 1 : i32
      %add3A_278 = vector.broadcast %add3A_277 : i32 to vector<16xi32>
      %add3A_279 = arith.addi %add3A_276, %add3A_278 : vector<16xi32>
      %gather3A_280 = tpu.vector_load_idx %arg7[%add3A_279] : memref<2576xf32, #tpu.memory_space<vmem>>[vector<16xi32>], vector<16xf32>,
      %add3A_281 = arith.constant 2 : i32
      %add3A_282 = vector.broadcast %add3A_281 : i32 to vector<16xi32>
      %add3A_283 = arith.addi %add3A_276, %add3A_282 : vector<16xi32>
      %gather3A_284 = tpu.vector_load_idx %arg7[%add3A_283] : memref<2576xf32, #tpu.memory_space<vmem>>[vector<16xi32>], vector<16xf32>,
      %add3A_285 = arith.constant 3 : i32
      %add3A_286 = vector.broadcast %add3A_285 : i32 to vector<16xi32>
      %add3A_287 = arith.addi %add3A_276, %add3A_286 : vector<16xi32>
      %gather3A_288 = tpu.vector_load_idx %arg7[%add3A_287] : memref<2576xf32, #tpu.memory_space<vmem>>[vector<16xi32>], vector<16xf32>,
      %add3A_289 = arith.constant 1.000000e-03 : f32
      %add3A_290 = vector.broadcast %add3A_289 : f32 to vector<16xf32>
      %add3A_291 = arith.addf %add3A_290, %gather3A : vector<16xf32>
      %div3A = arith.constant 1.000000e+00 : f32
      %div3A_292 = vector.broadcast %div3A : f32 to vector<16xf32>
      %div3A_293 = arith.divf %div3A_292, %add3A_291 : vector<16xf32>
      %add3A_294 = arith.constant 1.000000e-03 : f32
      %add3A_295 = vector.broadcast %add3A_294 : f32 to vector<16xf32>
      %add3A_296 = arith.addf %add3A_295, %gather3A_280 : vector<16xf32>
      %div3A_297 = arith.constant 1.000000e+00 : f32
      %div3A_298 = vector.broadcast %div3A_297 : f32 to vector<16xf32>
      %div3A_299 = arith.divf %div3A_298, %add3A_296 : vector<16xf32>
      %jit3A = arith.constant 2 : i32
      %div3A_300 = arith.divsi %scan3A_270, %jit3A : i32
      %sign3A = arith.constant 0 : i32
      %sign3A_301 = arith.cmpi sgt, %scan3A_270, %sign3A : i32
      %sign3A_302 = arith.extui %sign3A_301 : i1 to i32
      %sign3A_303 = arith.constant 0 : i32
      %sign3A_304 = arith.cmpi slt, %scan3A_270, %sign3A_303 : i32
      %sign3A_305 = arith.extui %sign3A_304 : i1 to i32
      %sign3A_306 = arith.subi %sign3A_302, %sign3A_305 : i32
      %sign3A_307 = arith.constant 0 : i32
      %sign3A_308 = arith.cmpi sgt, %jit3A, %sign3A_307 : i32
      %sign3A_309 = arith.extui %sign3A_308 : i1 to i32
      %sign3A_310 = arith.constant 0 : i32
      %sign3A_311 = arith.cmpi slt, %jit3A, %sign3A_310 : i32
      %sign3A_312 = arith.extui %sign3A_311 : i1 to i32
      %sign3A_313 = arith.subi %sign3A_309, %sign3A_312 : i32
      %ne3A = arith.cmpi ne, %sign3A_306, %sign3A_313 : i32
      %rem3A = arith.remsi %scan3A_270, %jit3A : i32
      %ne3A_314 = arith.constant 0 : i32
      %ne3A_315 = arith.cmpi ne, %rem3A, %ne3A_314 : i32
      %and3A = arith.andi %ne3A, %ne3A_315 : i1
      %sub3A = arith.constant 1 : i32
      %sub3A_316 = arith.subi %div3A_300, %sub3A : i32
      %select_n3A = arith.select %and3A, %sub3A_316, %div3A_300 : i32
      %mul3A_317 = arith.constant 1024 : i32
      %mul3A_318 = arith.muli %select_n3A, %mul3A_317 : i32
      %jit3A_319 = arith.constant 2 : i32
      %eq3A = arith.constant 0 : i32
      %eq3A_320 = arith.cmpi eq, %jit3A_319, %eq3A : i32
      %jit3A_321 = arith.constant 1 : i32
      %select_n3A_322 = arith.select %eq3A_320, %jit3A_321, %jit3A_319 : i32
      %rem3A_323 = arith.remsi %scan3A_270, %select_n3A_322 : i32
      %ne3A_324 = arith.constant 0 : i32
      %ne3A_325 = arith.cmpi ne, %rem3A_323, %ne3A_324 : i32
      %lt3A = arith.constant 0 : i32
      %lt3A_326 = arith.cmpi slt, %rem3A_323, %lt3A : i32
      %lt3A_327 = arith.constant 0 : i32
      %lt3A_328 = arith.cmpi slt, %select_n3A_322, %lt3A_327 : i32
      %ne3A_329 = arith.xori %lt3A_326, %lt3A_328 : i1
      %and3A_330 = arith.andi %ne3A_329, %ne3A_325 : i1
      %add3A_331 = arith.addi %rem3A_323, %select_n3A_322 : i32
      %select_n3A_332 = arith.select %and3A_330, %add3A_331, %rem3A_323 : i32
      %mul3A_333 = arith.constant 64 : i32
      %mul3A_334 = arith.muli %select_n3A_332, %mul3A_333 : i32
      %add3A_335 = arith.addi %mul3A_318, %mul3A_334 : i32
      %add3A_336 = arith.constant 0 : i32
      %add3A_337 = arith.addi %add3A_335, %add3A_336 : i32
      %add3A_338 = vector.broadcast %mul3A_272 : i32 to vector<16xi32>
      %add3A_339 = arith.addi %get3A_10, %add3A_338 : vector<16xi32>
      %gather3A_340 = tpu.vector_load_idx %arg7[%add3A_339] : memref<2576xf32, #tpu.memory_space<vmem>>[vector<16xi32>], vector<16xf32>,
      %add3A_341 = vector.broadcast %mul3A_272 : i32 to vector<16xi32>
      %add3A_342 = arith.addi %get3A_18, %add3A_341 : vector<16xi32>
      %gather3A_343 = tpu.vector_load_idx %arg7[%add3A_342] : memref<2576xf32, #tpu.memory_space<vmem>>[vector<16xi32>], vector<16xf32>,
      %mul3A_344 = arith.mulf %gather3A_340, %get3A_1 : vector<16xf32>
      %mul3A_345 = arith.mulf %gather3A_343, %get3A_1 : vector<16xf32>
      %add3A_346 = arith.addf %mul3A_344, %gather3A_284 : vector<16xf32>
      %swap3A = arith.index_cast %add3A_337 : i32 to index
      %swap3A_347 = tpu.vector_load %arg11[%swap3A] {strides = array<i32>} : memref<8192xf32, #tpu.memory_space<vmem>>, vector<16xf32>,
      tpu.vector_store %arg11[%swap3A], %add3A_346 {strides = array<i32>} : memref<8192xf32, #tpu.memory_space<vmem>>, vector<16xf32>,
      %add3A_348 = arith.addf %mul3A_345, %gather3A_288 : vector<16xf32>
      %add3A_349 = arith.constant 128 : i32
      %add3A_350 = arith.addi %add3A_337, %add3A_349 : i32
      %swap3A_351 = arith.index_cast %add3A_350 : i32 to index
      %swap3A_352 = tpu.vector_load %arg11[%swap3A_351] {strides = array<i32>} : memref<8192xf32, #tpu.memory_space<vmem>>, vector<16xf32>,
      tpu.vector_store %arg11[%swap3A_351], %add3A_348 {strides = array<i32>} : memref<8192xf32, #tpu.memory_space<vmem>>, vector<16xf32>,
      %add3A_353 = vector.broadcast %mul3A_272 : i32 to vector<16xi32>
      %add3A_354 = arith.addi %get3A_26, %add3A_353 : vector<16xi32>
      %gather3A_355 = tpu.vector_load_idx %arg7[%add3A_354] : memref<2576xf32, #tpu.memory_space<vmem>>[vector<16xi32>], vector<16xf32>,
      %add3A_356 = arith.constant 256 : i32
      %add3A_357 = arith.addi %add3A_337, %add3A_356 : i32
      %swap3A_358 = arith.index_cast %add3A_357 : i32 to index
      %swap3A_359 = tpu.vector_load %arg11[%swap3A_358] {strides = array<i32>} : memref<8192xf32, #tpu.memory_space<vmem>>, vector<16xf32>,
      tpu.vector_store %arg11[%swap3A_358], %gather3A_355 {strides = array<i32>} : memref<8192xf32, #tpu.memory_space<vmem>>, vector<16xf32>,
      %add3A_360 = vector.broadcast %mul3A_272 : i32 to vector<16xi32>
      %add3A_361 = arith.addi %get3A_34, %add3A_360 : vector<16xi32>
      %gather3A_362 = tpu.vector_load_idx %arg7[%add3A_361] : memref<2576xf32, #tpu.memory_space<vmem>>[vector<16xi32>], vector<16xf32>,
      %add3A_363 = arith.constant 384 : i32
      %add3A_364 = arith.addi %add3A_337, %add3A_363 : i32
      %swap3A_365 = arith.index_cast %add3A_364 : i32 to index
      %swap3A_366 = tpu.vector_load %arg11[%swap3A_365] {strides = array<i32>} : memref<8192xf32, #tpu.memory_space<vmem>>, vector<16xf32>,
      tpu.vector_store %arg11[%swap3A_365], %gather3A_362 {strides = array<i32>} : memref<8192xf32, #tpu.memory_space<vmem>>, vector<16xf32>,
      %add3A_367 = vector.broadcast %mul3A_272 : i32 to vector<16xi32>
      %add3A_368 = arith.addi %get3A_42, %add3A_367 : vector<16xi32>
      %gather3A_369 = tpu.vector_load_idx %arg7[%add3A_368] : memref<2576xf32, #tpu.memory_space<vmem>>[vector<16xi32>], vector<16xf32>,
      %add3A_370 = vector.broadcast %mul3A_272 : i32 to vector<16xi32>
      %add3A_371 = arith.addi %get3A_50, %add3A_370 : vector<16xi32>
      %gather3A_372 = tpu.vector_load_idx %arg7[%add3A_371] : memref<2576xf32, #tpu.memory_space<vmem>>[vector<16xi32>], vector<16xf32>,
      %mul3A_373 = arith.mulf %gather3A_369, %get3A_1 : vector<16xf32>
      %mul3A_374 = arith.mulf %gather3A_372, %get3A_1 : vector<16xf32>
      %mul3A_375 = arith.mulf %mul3A_373, %div3A_293 : vector<16xf32>
      %add3A_376 = arith.constant 512 : i32
      %add3A_377 = arith.addi %add3A_337, %add3A_376 : i32
      %swap3A_378 = arith.index_cast %add3A_377 : i32 to index
      %swap3A_379 = tpu.vector_load %arg11[%swap3A_378] {strides = array<i32>} : memref<8192xf32, #tpu.memory_space<vmem>>, vector<16xf32>,
      tpu.vector_store %arg11[%swap3A_378], %mul3A_375 {strides = array<i32>} : memref<8192xf32, #tpu.memory_space<vmem>>, vector<16xf32>,
      %mul3A_380 = arith.mulf %mul3A_374, %div3A_299 : vector<16xf32>
      %add3A_381 = arith.constant 640 : i32
      %add3A_382 = arith.addi %add3A_337, %add3A_381 : i32
      %swap3A_383 = arith.index_cast %add3A_382 : i32 to index
      %swap3A_384 = tpu.vector_load %arg11[%swap3A_383] {strides = array<i32>} : memref<8192xf32, #tpu.memory_space<vmem>>, vector<16xf32>,
      tpu.vector_store %arg11[%swap3A_383], %mul3A_380 {strides = array<i32>} : memref<8192xf32, #tpu.memory_space<vmem>>, vector<16xf32>,
      %add3A_385 = arith.constant 768 : i32
      %add3A_386 = arith.addi %add3A_337, %add3A_385 : i32
      %swap3A_387 = arith.index_cast %add3A_386 : i32 to index
      %swap3A_388 = tpu.vector_load %arg11[%swap3A_387] {strides = array<i32>} : memref<8192xf32, #tpu.memory_space<vmem>>, vector<16xf32>,
      tpu.vector_store %arg11[%swap3A_387], %get3A_3 {strides = array<i32>} : memref<8192xf32, #tpu.memory_space<vmem>>, vector<16xf32>,
      %add3A_389 = arith.constant 896 : i32
      %add3A_390 = arith.addi %add3A_337, %add3A_389 : i32
      %swap3A_391 = arith.index_cast %add3A_390 : i32 to index
      %swap3A_392 = tpu.vector_load %arg11[%swap3A_391] {strides = array<i32>} : memref<8192xf32, #tpu.memory_space<vmem>>, vector<16xf32>,
      tpu.vector_store %arg11[%swap3A_391], %broadcast_in_dim3A_6 {strides = array<i32>} : memref<8192xf32, #tpu.memory_space<vmem>>, vector<16xf32>,
      %add3A_393 = arith.constant 16 : i32
      %add3A_394 = arith.addi %add3A_335, %add3A_393 : i32
      %add3A_395 = vector.broadcast %mul3A_272 : i32 to vector<16xi32>
      %add3A_396 = arith.addi %get3A_12, %add3A_395 : vector<16xi32>
      %gather3A_397 = tpu.vector_load_idx %arg7[%add3A_396] : memref<2576xf32, #tpu.memory_space<vmem>>[vector<16xi32>], vector<16xf32>,
      %add3A_398 = vector.broadcast %mul3A_272 : i32 to vector<16xi32>
      %add3A_399 = arith.addi %get3A_20, %add3A_398 : vector<16xi32>
      %gather3A_400 = tpu.vector_load_idx %arg7[%add3A_399] : memref<2576xf32, #tpu.memory_space<vmem>>[vector<16xi32>], vector<16xf32>,
      %add3A_401 = arith.addf %gather3A_397, %gather3A_284 : vector<16xf32>
      %swap3A_402 = arith.index_cast %add3A_394 : i32 to index
      %swap3A_403 = tpu.vector_load %arg11[%swap3A_402] {strides = array<i32>} : memref<8192xf32, #tpu.memory_space<vmem>>, vector<16xf32>,
      tpu.vector_store %arg11[%swap3A_402], %add3A_401 {strides = array<i32>} : memref<8192xf32, #tpu.memory_space<vmem>>, vector<16xf32>,
      %add3A_404 = arith.addf %gather3A_400, %gather3A_288 : vector<16xf32>
      %add3A_405 = arith.constant 128 : i32
      %add3A_406 = arith.addi %add3A_394, %add3A_405 : i32
      %swap3A_407 = arith.index_cast %add3A_406 : i32 to index
      %swap3A_408 = tpu.vector_load %arg11[%swap3A_407] {strides = array<i32>} : memref<8192xf32, #tpu.memory_space<vmem>>, vector<16xf32>,
      tpu.vector_store %arg11[%swap3A_407], %add3A_404 {strides = array<i32>} : memref<8192xf32, #tpu.memory_space<vmem>>, vector<16xf32>,
      %add3A_409 = vector.broadcast %mul3A_272 : i32 to vector<16xi32>
      %add3A_410 = arith.addi %get3A_28, %add3A_409 : vector<16xi32>
      %gather3A_411 = tpu.vector_load_idx %arg7[%add3A_410] : memref<2576xf32, #tpu.memory_space<vmem>>[vector<16xi32>], vector<16xf32>,
      %add3A_412 = arith.constant 256 : i32
      %add3A_413 = arith.addi %add3A_394, %add3A_412 : i32
      %swap3A_414 = arith.index_cast %add3A_413 : i32 to index
      %swap3A_415 = tpu.vector_load %arg11[%swap3A_414] {strides = array<i32>} : memref<8192xf32, #tpu.memory_space<vmem>>, vector<16xf32>,
      tpu.vector_store %arg11[%swap3A_414], %gather3A_411 {strides = array<i32>} : memref<8192xf32, #tpu.memory_space<vmem>>, vector<16xf32>,
      %add3A_416 = vector.broadcast %mul3A_272 : i32 to vector<16xi32>
      %add3A_417 = arith.addi %get3A_36, %add3A_416 : vector<16xi32>
      %gather3A_418 = tpu.vector_load_idx %arg7[%add3A_417] : memref<2576xf32, #tpu.memory_space<vmem>>[vector<16xi32>], vector<16xf32>,
      %add3A_419 = arith.constant 384 : i32
      %add3A_420 = arith.addi %add3A_394, %add3A_419 : i32
      %swap3A_421 = arith.index_cast %add3A_420 : i32 to index
      %swap3A_422 = tpu.vector_load %arg11[%swap3A_421] {strides = array<i32>} : memref<8192xf32, #tpu.memory_space<vmem>>, vector<16xf32>,
      tpu.vector_store %arg11[%swap3A_421], %gather3A_418 {strides = array<i32>} : memref<8192xf32, #tpu.memory_space<vmem>>, vector<16xf32>,
      %add3A_423 = vector.broadcast %mul3A_272 : i32 to vector<16xi32>
      %add3A_424 = arith.addi %get3A_44, %add3A_423 : vector<16xi32>
      %gather3A_425 = tpu.vector_load_idx %arg7[%add3A_424] : memref<2576xf32, #tpu.memory_space<vmem>>[vector<16xi32>], vector<16xf32>,
      %add3A_426 = vector.broadcast %mul3A_272 : i32 to vector<16xi32>
      %add3A_427 = arith.addi %get3A_52, %add3A_426 : vector<16xi32>
      %gather3A_428 = tpu.vector_load_idx %arg7[%add3A_427] : memref<2576xf32, #tpu.memory_space<vmem>>[vector<16xi32>], vector<16xf32>,
      %mul3A_429 = arith.mulf %gather3A_425, %div3A_293 : vector<16xf32>
      %add3A_430 = arith.constant 512 : i32
      %add3A_431 = arith.addi %add3A_394, %add3A_430 : i32
      %swap3A_432 = arith.index_cast %add3A_431 : i32 to index
      %swap3A_433 = tpu.vector_load %arg11[%swap3A_432] {strides = array<i32>} : memref<8192xf32, #tpu.memory_space<vmem>>, vector<16xf32>,
      tpu.vector_store %arg11[%swap3A_432], %mul3A_429 {strides = array<i32>} : memref<8192xf32, #tpu.memory_space<vmem>>, vector<16xf32>,
      %mul3A_434 = arith.mulf %gather3A_428, %div3A_299 : vector<16xf32>
      %add3A_435 = arith.constant 640 : i32
      %add3A_436 = arith.addi %add3A_394, %add3A_435 : i32
      %swap3A_437 = arith.index_cast %add3A_436 : i32 to index
      %swap3A_438 = tpu.vector_load %arg11[%swap3A_437] {strides = array<i32>} : memref<8192xf32, #tpu.memory_space<vmem>>, vector<16xf32>,
      tpu.vector_store %arg11[%swap3A_437], %mul3A_434 {strides = array<i32>} : memref<8192xf32, #tpu.memory_space<vmem>>, vector<16xf32>,
      %add3A_439 = arith.constant 768 : i32
      %add3A_440 = arith.addi %add3A_394, %add3A_439 : i32
      %swap3A_441 = arith.index_cast %add3A_440 : i32 to index
      %swap3A_442 = tpu.vector_load %arg11[%swap3A_441] {strides = array<i32>} : memref<8192xf32, #tpu.memory_space<vmem>>, vector<16xf32>,
      tpu.vector_store %arg11[%swap3A_441], %broadcast_in_dim3A_6 {strides = array<i32>} : memref<8192xf32, #tpu.memory_space<vmem>>, vector<16xf32>,
      %add3A_443 = arith.constant 896 : i32
      %add3A_444 = arith.addi %add3A_394, %add3A_443 : i32
      %swap3A_445 = arith.index_cast %add3A_444 : i32 to index
      %swap3A_446 = tpu.vector_load %arg11[%swap3A_445] {strides = array<i32>} : memref<8192xf32, #tpu.memory_space<vmem>>, vector<16xf32>,
      tpu.vector_store %arg11[%swap3A_445], %broadcast_in_dim3A_6 {strides = array<i32>} : memref<8192xf32, #tpu.memory_space<vmem>>, vector<16xf32>,
      %add3A_447 = arith.constant 32 : i32
      %add3A_448 = arith.addi %add3A_335, %add3A_447 : i32
      %add3A_449 = vector.broadcast %mul3A_272 : i32 to vector<16xi32>
      %add3A_450 = arith.addi %get3A_14, %add3A_449 : vector<16xi32>
      %gather3A_451 = tpu.vector_load_idx %arg7[%add3A_450] : memref<2576xf32, #tpu.memory_space<vmem>>[vector<16xi32>], vector<16xf32>,
      %add3A_452 = vector.broadcast %mul3A_272 : i32 to vector<16xi32>
      %add3A_453 = arith.addi %get3A_22, %add3A_452 : vector<16xi32>
      %gather3A_454 = tpu.vector_load_idx %arg7[%add3A_453] : memref<2576xf32, #tpu.memory_space<vmem>>[vector<16xi32>], vector<16xf32>,
      %add3A_455 = arith.addf %gather3A_451, %gather3A_284 : vector<16xf32>
      %swap3A_456 = arith.index_cast %add3A_448 : i32 to index
      %swap3A_457 = tpu.vector_load %arg11[%swap3A_456] {strides = array<i32>} : memref<8192xf32, #tpu.memory_space<vmem>>, vector<16xf32>,
      tpu.vector_store %arg11[%swap3A_456], %add3A_455 {strides = array<i32>} : memref<8192xf32, #tpu.memory_space<vmem>>, vector<16xf32>,
      %add3A_458 = arith.addf %gather3A_454, %gather3A_288 : vector<16xf32>
      %add3A_459 = arith.constant 128 : i32
      %add3A_460 = arith.addi %add3A_448, %add3A_459 : i32
      %swap3A_461 = arith.index_cast %add3A_460 : i32 to index
      %swap3A_462 = tpu.vector_load %arg11[%swap3A_461] {strides = array<i32>} : memref<8192xf32, #tpu.memory_space<vmem>>, vector<16xf32>,
      tpu.vector_store %arg11[%swap3A_461], %add3A_458 {strides = array<i32>} : memref<8192xf32, #tpu.memory_space<vmem>>, vector<16xf32>,
      %add3A_463 = vector.broadcast %mul3A_272 : i32 to vector<16xi32>
      %add3A_464 = arith.addi %get3A_30, %add3A_463 : vector<16xi32>
      %gather3A_465 = tpu.vector_load_idx %arg7[%add3A_464] : memref<2576xf32, #tpu.memory_space<vmem>>[vector<16xi32>], vector<16xf32>,
      %add3A_466 = arith.constant 256 : i32
      %add3A_467 = arith.addi %add3A_448, %add3A_466 : i32
      %swap3A_468 = arith.index_cast %add3A_467 : i32 to index
      %swap3A_469 = tpu.vector_load %arg11[%swap3A_468] {strides = array<i32>} : memref<8192xf32, #tpu.memory_space<vmem>>, vector<16xf32>,
      tpu.vector_store %arg11[%swap3A_468], %gather3A_465 {strides = array<i32>} : memref<8192xf32, #tpu.memory_space<vmem>>, vector<16xf32>,
      %add3A_470 = vector.broadcast %mul3A_272 : i32 to vector<16xi32>
      %add3A_471 = arith.addi %get3A_38, %add3A_470 : vector<16xi32>
      %gather3A_472 = tpu.vector_load_idx %arg7[%add3A_471] : memref<2576xf32, #tpu.memory_space<vmem>>[vector<16xi32>], vector<16xf32>,
      %add3A_473 = arith.constant 384 : i32
      %add3A_474 = arith.addi %add3A_448, %add3A_473 : i32
      %swap3A_475 = arith.index_cast %add3A_474 : i32 to index
      %swap3A_476 = tpu.vector_load %arg11[%swap3A_475] {strides = array<i32>} : memref<8192xf32, #tpu.memory_space<vmem>>, vector<16xf32>,
      tpu.vector_store %arg11[%swap3A_475], %gather3A_472 {strides = array<i32>} : memref<8192xf32, #tpu.memory_space<vmem>>, vector<16xf32>,
      %add3A_477 = vector.broadcast %mul3A_272 : i32 to vector<16xi32>
      %add3A_478 = arith.addi %get3A_46, %add3A_477 : vector<16xi32>
      %gather3A_479 = tpu.vector_load_idx %arg7[%add3A_478] : memref<2576xf32, #tpu.memory_space<vmem>>[vector<16xi32>], vector<16xf32>,
      %add3A_480 = vector.broadcast %mul3A_272 : i32 to vector<16xi32>
      %add3A_481 = arith.addi %get3A_54, %add3A_480 : vector<16xi32>
      %gather3A_482 = tpu.vector_load_idx %arg7[%add3A_481] : memref<2576xf32, #tpu.memory_space<vmem>>[vector<16xi32>], vector<16xf32>,
      %mul3A_483 = arith.mulf %gather3A_479, %div3A_293 : vector<16xf32>
      %add3A_484 = arith.constant 512 : i32
      %add3A_485 = arith.addi %add3A_448, %add3A_484 : i32
      %swap3A_486 = arith.index_cast %add3A_485 : i32 to index
      %swap3A_487 = tpu.vector_load %arg11[%swap3A_486] {strides = array<i32>} : memref<8192xf32, #tpu.memory_space<vmem>>, vector<16xf32>,
      tpu.vector_store %arg11[%swap3A_486], %mul3A_483 {strides = array<i32>} : memref<8192xf32, #tpu.memory_space<vmem>>, vector<16xf32>,
      %mul3A_488 = arith.mulf %gather3A_482, %div3A_299 : vector<16xf32>
      %add3A_489 = arith.constant 640 : i32
      %add3A_490 = arith.addi %add3A_448, %add3A_489 : i32
      %swap3A_491 = arith.index_cast %add3A_490 : i32 to index
      %swap3A_492 = tpu.vector_load %arg11[%swap3A_491] {strides = array<i32>} : memref<8192xf32, #tpu.memory_space<vmem>>, vector<16xf32>,
      tpu.vector_store %arg11[%swap3A_491], %mul3A_488 {strides = array<i32>} : memref<8192xf32, #tpu.memory_space<vmem>>, vector<16xf32>,
      %add3A_493 = arith.constant 768 : i32
      %add3A_494 = arith.addi %add3A_448, %add3A_493 : i32
      %swap3A_495 = arith.index_cast %add3A_494 : i32 to index
      %swap3A_496 = tpu.vector_load %arg11[%swap3A_495] {strides = array<i32>} : memref<8192xf32, #tpu.memory_space<vmem>>, vector<16xf32>,
      tpu.vector_store %arg11[%swap3A_495], %get3A_5 {strides = array<i32>} : memref<8192xf32, #tpu.memory_space<vmem>>, vector<16xf32>,
      %add3A_497 = vector.broadcast %mul3A_272 : i32 to vector<16xi32>
      %add3A_498 = arith.addi %get3A_62, %add3A_497 : vector<16xi32>
      %gather3A_499 = tpu.vector_load_idx %arg7[%add3A_498] : memref<2576xf32, #tpu.memory_space<vmem>>[vector<16xi32>], vector<16xf32>,
      %mul3A_500 = arith.mulf %gather3A_499, %get3A_1 : vector<16xf32>
      %add3A_501 = arith.constant 896 : i32
      %add3A_502 = arith.addi %add3A_448, %add3A_501 : i32
      %swap3A_503 = arith.index_cast %add3A_502 : i32 to index
      %swap3A_504 = tpu.vector_load %arg11[%swap3A_503] {strides = array<i32>} : memref<8192xf32, #tpu.memory_space<vmem>>, vector<16xf32>,
      tpu.vector_store %arg11[%swap3A_503], %mul3A_500 {strides = array<i32>} : memref<8192xf32, #tpu.memory_space<vmem>>, vector<16xf32>,
      %add3A_505 = arith.constant 48 : i32
      %add3A_506 = arith.addi %add3A_335, %add3A_505 : i32
      %add3A_507 = vector.broadcast %mul3A_272 : i32 to vector<16xi32>
      %add3A_508 = arith.addi %get3A_16, %add3A_507 : vector<16xi32>
      %gather3A_509 = tpu.vector_load_idx %arg7[%add3A_508] : memref<2576xf32, #tpu.memory_space<vmem>>[vector<16xi32>], vector<16xf32>,
      %add3A_510 = vector.broadcast %mul3A_272 : i32 to vector<16xi32>
      %add3A_511 = arith.addi %get3A_24, %add3A_510 : vector<16xi32>
      %gather3A_512 = tpu.vector_load_idx %arg7[%add3A_511] : memref<2576xf32, #tpu.memory_space<vmem>>[vector<16xi32>], vector<16xf32>,
      %add3A_513 = arith.addf %gather3A_509, %gather3A_284 : vector<16xf32>
      %swap3A_514 = arith.index_cast %add3A_506 : i32 to index
      %swap3A_515 = tpu.vector_load %arg11[%swap3A_514] {strides = array<i32>} : memref<8192xf32, #tpu.memory_space<vmem>>, vector<16xf32>,
      tpu.vector_store %arg11[%swap3A_514], %add3A_513 {strides = array<i32>} : memref<8192xf32, #tpu.memory_space<vmem>>, vector<16xf32>,
      %add3A_516 = arith.addf %gather3A_512, %gather3A_288 : vector<16xf32>
      %add3A_517 = arith.constant 128 : i32
      %add3A_518 = arith.addi %add3A_506, %add3A_517 : i32
      %swap3A_519 = arith.index_cast %add3A_518 : i32 to index
      %swap3A_520 = tpu.vector_load %arg11[%swap3A_519] {strides = array<i32>} : memref<8192xf32, #tpu.memory_space<vmem>>, vector<16xf32>,
      tpu.vector_store %arg11[%swap3A_519], %add3A_516 {strides = array<i32>} : memref<8192xf32, #tpu.memory_space<vmem>>, vector<16xf32>,
      %add3A_521 = vector.broadcast %mul3A_272 : i32 to vector<16xi32>
      %add3A_522 = arith.addi %get3A_32, %add3A_521 : vector<16xi32>
      %gather3A_523 = tpu.vector_load_idx %arg7[%add3A_522] : memref<2576xf32, #tpu.memory_space<vmem>>[vector<16xi32>], vector<16xf32>,
      %add3A_524 = arith.constant 256 : i32
      %add3A_525 = arith.addi %add3A_506, %add3A_524 : i32
      %swap3A_526 = arith.index_cast %add3A_525 : i32 to index
      %swap3A_527 = tpu.vector_load %arg11[%swap3A_526] {strides = array<i32>} : memref<8192xf32, #tpu.memory_space<vmem>>, vector<16xf32>,
      tpu.vector_store %arg11[%swap3A_526], %gather3A_523 {strides = array<i32>} : memref<8192xf32, #tpu.memory_space<vmem>>, vector<16xf32>,
      %add3A_528 = vector.broadcast %mul3A_272 : i32 to vector<16xi32>
      %add3A_529 = arith.addi %get3A_40, %add3A_528 : vector<16xi32>
      %gather3A_530 = tpu.vector_load_idx %arg7[%add3A_529] : memref<2576xf32, #tpu.memory_space<vmem>>[vector<16xi32>], vector<16xf32>,
      %add3A_531 = arith.constant 384 : i32
      %add3A_532 = arith.addi %add3A_506, %add3A_531 : i32
      %swap3A_533 = arith.index_cast %add3A_532 : i32 to index
      %swap3A_534 = tpu.vector_load %arg11[%swap3A_533] {strides = array<i32>} : memref<8192xf32, #tpu.memory_space<vmem>>, vector<16xf32>,
      tpu.vector_store %arg11[%swap3A_533], %gather3A_530 {strides = array<i32>} : memref<8192xf32, #tpu.memory_space<vmem>>, vector<16xf32>,
      %add3A_535 = vector.broadcast %mul3A_272 : i32 to vector<16xi32>
      %add3A_536 = arith.addi %get3A_48, %add3A_535 : vector<16xi32>
      %gather3A_537 = tpu.vector_load_idx %arg7[%add3A_536] : memref<2576xf32, #tpu.memory_space<vmem>>[vector<16xi32>], vector<16xf32>,
      %add3A_538 = vector.broadcast %mul3A_272 : i32 to vector<16xi32>
      %add3A_539 = arith.addi %get3A_56, %add3A_538 : vector<16xi32>
      %gather3A_540 = tpu.vector_load_idx %arg7[%add3A_539] : memref<2576xf32, #tpu.memory_space<vmem>>[vector<16xi32>], vector<16xf32>,
      %mul3A_541 = arith.mulf %gather3A_537, %div3A_293 : vector<16xf32>
      %add3A_542 = arith.constant 512 : i32
      %add3A_543 = arith.addi %add3A_506, %add3A_542 : i32
      %swap3A_544 = arith.index_cast %add3A_543 : i32 to index
      %swap3A_545 = tpu.vector_load %arg11[%swap3A_544] {strides = array<i32>} : memref<8192xf32, #tpu.memory_space<vmem>>, vector<16xf32>,
      tpu.vector_store %arg11[%swap3A_544], %mul3A_541 {strides = array<i32>} : memref<8192xf32, #tpu.memory_space<vmem>>, vector<16xf32>,
      %mul3A_546 = arith.mulf %gather3A_540, %div3A_299 : vector<16xf32>
      %add3A_547 = arith.constant 640 : i32
      %add3A_548 = arith.addi %add3A_506, %add3A_547 : i32
      %swap3A_549 = arith.index_cast %add3A_548 : i32 to index
      %swap3A_550 = tpu.vector_load %arg11[%swap3A_549] {strides = array<i32>} : memref<8192xf32, #tpu.memory_space<vmem>>, vector<16xf32>,
      tpu.vector_store %arg11[%swap3A_549], %mul3A_546 {strides = array<i32>} : memref<8192xf32, #tpu.memory_space<vmem>>, vector<16xf32>,
      %add3A_551 = arith.constant 768 : i32
      %add3A_552 = arith.addi %add3A_506, %add3A_551 : i32
      %swap3A_553 = arith.index_cast %add3A_552 : i32 to index
      %swap3A_554 = tpu.vector_load %arg11[%swap3A_553] {strides = array<i32>} : memref<8192xf32, #tpu.memory_space<vmem>>, vector<16xf32>,
      tpu.vector_store %arg11[%swap3A_553], %broadcast_in_dim3A_8 {strides = array<i32>} : memref<8192xf32, #tpu.memory_space<vmem>>, vector<16xf32>,
      %add3A_555 = vector.broadcast %mul3A_272 : i32 to vector<16xi32>
      %add3A_556 = arith.addi %get3A_64, %add3A_555 : vector<16xi32>
      %gather3A_557 = tpu.vector_load_idx %arg7[%add3A_556] : memref<2576xf32, #tpu.memory_space<vmem>>[vector<16xi32>], vector<16xf32>,
      %add3A_558 = arith.constant 896 : i32
      %add3A_559 = arith.addi %add3A_506, %add3A_558 : i32
      %swap3A_560 = arith.index_cast %add3A_559 : i32 to index
      %swap3A_561 = tpu.vector_load %arg11[%swap3A_560] {strides = array<i32>} : memref<8192xf32, #tpu.memory_space<vmem>>, vector<16xf32>,
      tpu.vector_store %arg11[%swap3A_560], %gather3A_557 {strides = array<i32>} : memref<8192xf32, #tpu.memory_space<vmem>>, vector<16xf32>,
    }
    %scan3A_257 = arith.constant 16 : i32
    %mul3A_258 = arith.constant 64 : i32
    %mul3A_259 = arith.muli %add3A, %mul3A_258 : i32
    %add3A_260 = arith.constant 56 : i32
    %add3A_261 = arith.addi %mul3A_259, %add3A_260 : i32
    %mul3A_262 = arith.constant 1024 : i32
    %mul3A_263 = arith.muli %add3A_261, %mul3A_262 : i32
    %dma_start3A_264 = tpu.memref_slice %arg5[%mul3A_263] : memref<2097152xf32, #tpu.memory_space<hbm>> -> memref<8192xf32, #tpu.memory_space<hbm>>
    %dma_start3A_265 = tpu.memref_slice %arg5[%mul3A_263] : memref<2097152xf32, #tpu.memory_space<hbm>> -> memref<8192xf32, #tpu.memory_space<hbm>>
    tpu.enqueue_dma source(%arg11 : memref<8192xf32, #tpu.memory_space<vmem>>) target(%dma_start3A_265 : memref<8192xf32, #tpu.memory_space<hbm>>) target_semaphore(%arg15 : memref<!tpu.dma_semaphore, #tpu.memory_space<semaphore_mem>>)
    %dma_wait3A_266 = tpu.memref_slice %arg5[%mul3A_245] : memref<2097152xf32, #tpu.memory_space<hbm>> -> memref<8192xf32, #tpu.memory_space<hbm>>
    %dma_wait3A_267 = tpu.memref_slice %arg5[%mul3A_245] : memref<2097152xf32, #tpu.memory_space<hbm>> -> memref<8192xf32, #tpu.memory_space<hbm>>
    tpu.wait_dma2 semaphore(%arg14 : memref<!tpu.dma_semaphore, #tpu.memory_space<semaphore_mem>>) src(%arg10 : memref<8192xf32, #tpu.memory_space<vmem>>) dst(%dma_wait3A_267 : memref<8192xf32, #tpu.memory_space<hbm>>)
    %dma_wait3A_268 = tpu.memref_slice %arg5[%mul3A_263] : memref<2097152xf32, #tpu.memory_space<hbm>> -> memref<8192xf32, #tpu.memory_space<hbm>>
    %dma_wait3A_269 = tpu.memref_slice %arg5[%mul3A_263] : memref<2097152xf32, #tpu.memory_space<hbm>> -> memref<8192xf32, #tpu.memory_space<hbm>>
    tpu.wait_dma2 semaphore(%arg15 : memref<!tpu.dma_semaphore, #tpu.memory_space<semaphore_mem>>) src(%arg11 : memref<8192xf32, #tpu.memory_space<vmem>>) dst(%dma_wait3A_269 : memref<8192xf32, #tpu.memory_space<hbm>>)
    return
  }
}

module attributes {stable_mosaic.version = 14 : i64} {
  func.func @_tc_body(%arg0: i32, %arg1: memref<256x8xf32, #tpu.memory_space<vmem>>, %arg2: memref<2x516096xi32, #tpu.memory_space<vmem>>, %arg3: memref<2x516096xi32, #tpu.memory_space<vmem>>, %arg4: memref<256x2xf32, #tpu.memory_space<vmem>>, %arg5: memref<16384xi32, #tpu.memory_space<vmem>>) attributes {dimension_semantics = [#tpu.dimension_semantics<arbitrary>], iteration_bounds = array<i64: 16>, scalar_prefetch = 0 : i64, scratch_operands = 0 : i64, tpu.core_type = #tpu.core_type<tc>, window_params = [{transform_indices = @transform_0, window_bounds = array<i64: 256, 8>}, {pipeline_mode = #tpu.pipeline_mode<synchronous>, transform_indices = @transform_1, window_bounds = array<i64: 2, 516096>}, {transform_indices = @transform_2, window_bounds = array<i64: 2, 516096>}, {transform_indices = @transform_3, window_bounds = array<i64: 256, 2>}, {transform_indices = @transform_4, window_bounds = array<i64: 16384>}]} {
    %get3A = arith.constant 0 : index
    %get3A_0 = arith.constant 0 : index
    %get3A_1 = vector.load %arg1[%get3A, %get3A_0] : memref<256x8xf32, #tpu.memory_space<vmem>>, vector<256x8xf32>
    %slice3A = vector.extract_strided_slice %get3A_1 {offsets = [0, 0], sizes = [256, 1], strides = [1, 1]} : vector<256x8xf32> to vector<256x1xf32>
    %slice3A_2 = vector.extract_strided_slice %get3A_1 {offsets = [0, 1], sizes = [256, 1], strides = [1, 1]} : vector<256x8xf32> to vector<256x1xf32>
    %slice3A_3 = vector.extract_strided_slice %get3A_1 {offsets = [0, 2], sizes = [256, 1], strides = [1, 1]} : vector<256x8xf32> to vector<256x1xf32>
    %slice3A_4 = vector.extract_strided_slice %get3A_1 {offsets = [0, 3], sizes = [256, 1], strides = [1, 1]} : vector<256x8xf32> to vector<256x1xf32>
    %add3A = arith.constant 1.000000e-03 : f32
    %add3A_5 = vector.broadcast %add3A : f32 to vector<256x1xf32>
    %add3A_6 = arith.addf %add3A_5, %slice3A : vector<256x1xf32>
    %div3A = arith.constant 1.000000e+00 : f32
    %div3A_7 = vector.broadcast %div3A : f32 to vector<256x1xf32>
    %div3A_8 = arith.divf %div3A_7, %add3A_6 : vector<256x1xf32>
    %add3A_9 = arith.constant 1.000000e-03 : f32
    %add3A_10 = vector.broadcast %add3A_9 : f32 to vector<256x1xf32>
    %add3A_11 = arith.addf %add3A_10, %slice3A_2 : vector<256x1xf32>
    %div3A_12 = arith.constant 1.000000e+00 : f32
    %div3A_13 = vector.broadcast %div3A_12 : f32 to vector<256x1xf32>
    %div3A_14 = arith.divf %div3A_13, %add3A_11 : vector<256x1xf32>
    %slice3A_15 = vector.extract_strided_slice %get3A_1 {offsets = [0, 4], sizes = [256, 1], strides = [1, 1]} : vector<256x8xf32> to vector<256x1xf32>
    %slice3A_16 = vector.extract_strided_slice %get3A_1 {offsets = [0, 5], sizes = [256, 1], strides = [1, 1]} : vector<256x8xf32> to vector<256x1xf32>
    %add3A_17 = arith.addf %slice3A_3, %slice3A_15 : vector<256x1xf32>
    %add3A_18 = arith.addf %slice3A_4, %slice3A_16 : vector<256x1xf32>
    %sub3A = arith.subf %slice3A_3, %add3A_17 : vector<256x1xf32>
    %sub3A_19 = arith.subf %slice3A_4, %add3A_18 : vector<256x1xf32>
    %sub3A_20 = arith.subf %slice3A, %slice3A_15 : vector<256x1xf32>
    %sub3A_21 = arith.subf %slice3A_2, %slice3A_16 : vector<256x1xf32>
    %mul3A = arith.mulf %slice3A_15, %div3A_8 : vector<256x1xf32>
    %mul3A_22 = arith.mulf %slice3A_16, %div3A_14 : vector<256x1xf32>
    %mul3A_23 = arith.mulf %sub3A, %sub3A : vector<256x1xf32>
    %mul3A_24 = arith.mulf %sub3A_19, %sub3A_19 : vector<256x1xf32>
    %add3A_25 = arith.addf %mul3A_23, %mul3A_24 : vector<256x1xf32>
    %mul3A_26 = arith.mulf %sub3A_20, %sub3A_20 : vector<256x1xf32>
    %add3A_27 = arith.addf %add3A_25, %mul3A_26 : vector<256x1xf32>
    %mul3A_28 = arith.mulf %sub3A_21, %sub3A_21 : vector<256x1xf32>
    %add3A_29 = arith.addf %add3A_27, %mul3A_28 : vector<256x1xf32>
    %mul3A_30 = arith.mulf %mul3A, %mul3A : vector<256x1xf32>
    %add3A_31 = arith.addf %add3A_29, %mul3A_30 : vector<256x1xf32>
    %mul3A_32 = arith.mulf %mul3A_22, %mul3A_22 : vector<256x1xf32>
    %add3A_33 = arith.addf %add3A_31, %mul3A_32 : vector<256x1xf32>
    %add3A_34 = arith.constant 4.000000e+00 : f32
    %add3A_35 = vector.broadcast %add3A_34 : f32 to vector<256x1xf32>
    %add3A_36 = arith.addf %add3A_33, %add3A_35 : vector<256x1xf32>
    %sqrt3A = math.sqrt %add3A_36 : vector<256x1xf32>
    %slice3A_37 = vector.extract_strided_slice %get3A_1 {offsets = [0, 6], sizes = [256, 1], strides = [1, 1]} : vector<256x8xf32> to vector<256x1xf32>
    %slice3A_38 = vector.extract_strided_slice %get3A_1 {offsets = [0, 7], sizes = [256, 1], strides = [1, 1]} : vector<256x8xf32> to vector<256x1xf32>
    %add3A_39 = arith.addf %slice3A_3, %slice3A_37 : vector<256x1xf32>
    %add3A_40 = arith.addf %slice3A_4, %slice3A_38 : vector<256x1xf32>
    %sub3A_41 = arith.subf %slice3A_3, %add3A_39 : vector<256x1xf32>
    %sub3A_42 = arith.subf %slice3A_4, %add3A_40 : vector<256x1xf32>
    %sub3A_43 = arith.subf %slice3A, %slice3A_37 : vector<256x1xf32>
    %sub3A_44 = arith.subf %slice3A_2, %slice3A_38 : vector<256x1xf32>
    %mul3A_45 = arith.mulf %slice3A_37, %div3A_8 : vector<256x1xf32>
    %mul3A_46 = arith.mulf %slice3A_38, %div3A_14 : vector<256x1xf32>
    %mul3A_47 = arith.mulf %sub3A_41, %sub3A_41 : vector<256x1xf32>
    %mul3A_48 = arith.mulf %sub3A_42, %sub3A_42 : vector<256x1xf32>
    %add3A_49 = arith.addf %mul3A_47, %mul3A_48 : vector<256x1xf32>
    %mul3A_50 = arith.mulf %sub3A_43, %sub3A_43 : vector<256x1xf32>
    %add3A_51 = arith.addf %add3A_49, %mul3A_50 : vector<256x1xf32>
    %mul3A_52 = arith.mulf %sub3A_44, %sub3A_44 : vector<256x1xf32>
    %add3A_53 = arith.addf %add3A_51, %mul3A_52 : vector<256x1xf32>
    %mul3A_54 = arith.mulf %mul3A_45, %mul3A_45 : vector<256x1xf32>
    %add3A_55 = arith.addf %add3A_53, %mul3A_54 : vector<256x1xf32>
    %mul3A_56 = arith.mulf %mul3A_46, %mul3A_46 : vector<256x1xf32>
    %add3A_57 = arith.addf %add3A_55, %mul3A_56 : vector<256x1xf32>
    %add3A_58 = arith.constant 4.000000e+00 : f32
    %add3A_59 = vector.broadcast %add3A_58 : f32 to vector<256x1xf32>
    %add3A_60 = arith.addf %add3A_57, %add3A_59 : vector<256x1xf32>
    %sqrt3A_61 = math.sqrt %add3A_60 : vector<256x1xf32>
    %concatenate3A = tpu.concatenate %sqrt3A, %sqrt3A_61 in 1 : vector<256x1xf32>, vector<256x1xf32> -> vector<256x2xf32>
    %swap3A = arith.constant 0 : index
    %swap3A_62 = arith.constant 0 : index
    %swap3A_63 = vector.load %arg4[%swap3A, %swap3A_62] : memref<256x2xf32, #tpu.memory_space<vmem>>, vector<256x2xf32>
    tpu.vector_store %arg4[%swap3A, %swap3A_62], %concatenate3A {strides = array<i32>} : memref<256x2xf32, #tpu.memory_space<vmem>>, vector<256x2xf32>,
    %iota3A = tpu.iota {dimensions = array<i32: 1>} : vector<1x16384xi32>
    %iota3A_64 = vector.shape_cast %iota3A : vector<1x16384xi32> to vector<16384xi32>
    %shift_right_arithmetic3A = arith.constant 6 : i32
    %shift_right_arithmetic3A_65 = vector.broadcast %shift_right_arithmetic3A : i32 to vector<16384xi32>
    %shift_right_arithmetic3A_66 = arith.shrsi %iota3A_64, %shift_right_arithmetic3A_65 : vector<16384xi32>
    %mul3A_67 = arith.constant 256 : i32
    %mul3A_68 = arith.muli %arg0, %mul3A_67 : i32
    %add3A_69 = vector.broadcast %mul3A_68 : i32 to vector<16384xi32>
    %add3A_70 = arith.addi %shift_right_arithmetic3A_66, %add3A_69 : vector<16384xi32>
    %swap3A_71 = arith.constant 0 : index
    %swap3A_72 = vector.load %arg5[%swap3A_71] : memref<16384xi32, #tpu.memory_space<vmem>>, vector<16384xi32>
    tpu.vector_store %arg5[%swap3A_71], %add3A_70 {strides = array<i32>} : memref<16384xi32, #tpu.memory_space<vmem>>, vector<16384xi32>,
    %get3A_73 = arith.constant 0 : index
    %get3A_74 = arith.constant 0 : index
    %get3A_75 = vector.load %arg2[%get3A_73, %get3A_74] : memref<2x516096xi32, #tpu.memory_space<vmem>>, vector<2x516096xi32>
    %mul3A_76 = arith.constant 16384 : i32
    %mul3A_77 = arith.muli %arg0, %mul3A_76 : i32
    %add3A_78 = vector.broadcast %mul3A_77 : i32 to vector<2x516096xi32>
    %add3A_79 = arith.addi %get3A_75, %add3A_78 : vector<2x516096xi32>
    %swap3A_80 = arith.constant 0 : index
    %swap3A_81 = arith.constant 0 : index
    %swap3A_82 = vector.load %arg3[%swap3A_80, %swap3A_81] : memref<2x516096xi32, #tpu.memory_space<vmem>>, vector<2x516096xi32>
    tpu.vector_store %arg3[%swap3A_80, %swap3A_81], %add3A_79 {strides = array<i32>} : memref<2x516096xi32, #tpu.memory_space<vmem>>, vector<2x516096xi32>,
    return
  }
  func.func @transform_0(%arg0: i32) -> (i32, i32) {
    %c0_i32 = arith.constant 0 : i32
    %c0_i32_0 = arith.constant 0 : i32
    return %arg0, %c0_i32 : i32, i32
  }
  func.func @transform_1(%arg0: i32) -> (i32, i32) {
    %c0_i32 = arith.constant 0 : i32
    %c0_i32_0 = arith.constant 0 : i32
    %c0_i32_1 = arith.constant 0 : i32
    return %c0_i32, %c0_i32_0 : i32, i32
  }
  func.func @transform_2(%arg0: i32) -> (i32, i32) {
    %c0_i32 = arith.constant 0 : i32
    %c0_i32_0 = arith.constant 0 : i32
    return %c0_i32, %arg0 : i32, i32
  }
  func.func @transform_3(%arg0: i32) -> (i32, i32) {
    %c0_i32 = arith.constant 0 : i32
    %c0_i32_0 = arith.constant 0 : i32
    return %arg0, %c0_i32 : i32, i32
  }
  func.func @transform_4(%arg0: i32) -> i32 {
    %c0_i32 = arith.constant 0 : i32
    return %arg0 : i32
  }
}

</mosaic_0001>

<sc_bundles>
// kernel: kernel.4.cloned.1.call-start
scs
__scs_entry_jumppad:
0x0: {  	(pc) =	sbr.rel $0x88, $3  }
0x1: {  	(tag) =	ssettag $0x0;
	lr =	simm.s32 $0x1  }
0x2: {  	[smem:$0x3FA0] =	sst lr;
	_ =	strace $0xD0000000  }
0x3: {  	_ = 	snop  }
0x4: {  	_ = 	snop  }
0x5: {  	_ = 	snop  }
0x6: {  	_ = 	snop  }
0x7: {  	_ = 	snop  }
__scs_overlays_trampoline_lowered:
0x8: {  	[smem:$0x3FAF] =	sst s0  }
0x9: {  	[smem:$0x3FB0] =	sst s1  }
0xa: {  	[smem:$0x3FB1] =	sst s2  }
0xb: {  	[smem:$0x3FB2] =	sst s3  }
0xc: {  	[smem:$0x3FB3] =	sst s4  }
0xd: {  	[smem:$0x3FB4] =	sst s5  }
0xe: {  	[smem:$0x3FB5] =	sst s6  }
0xf: {  	[smem:$0x3FB6] =	sst s7  }
0x10: {  	[smem:$0x3FB7] =	sst s8  }
0x11: {  	[smem:$0x3FB8] =	sst s9;
	s0 =	simm.s32 @!p0 $0x0  }
0x12: {  	s1 =	sld [smem:$0x3F9E];
	s0 =	simm.s32 @p0 $0x1  }
0x13: {  	[smem:$0x3FB9] =	sst s0;
	s0 =	simm.s32 @!p1 $0x0  }
0x14: {  	s2 =	sld [smem:$0x3F9D];
	s0 =	simm.s32 @p1 $0x1  }
0x15: {  	[smem:$0x3FBA] =	sst s0;
	s0 =	simm.s32 @!p2 $0x0  }
0x16: {  	s3 =	sld [smem:$0x3FDB];
	s0 =	simm.s32 @p2 $0x1  }
0x17: {  	s4 =	simm.s32 $0x1BF5;
	[smem:$0x3FBC] =	sst s0  }
0x18: {  	s0 =	sld [smem:$0x3F9F];
	_ =	swait.ge [sflag:s4], $0x0  }
0x19: {  	s7 =	sld [smem:$0x3FA0]  }
0x1a: {  	s8 =	sadd.s32 $0xFFFFE003, lr  }
0x1b: {  	s9 =	sadd.s32 $0xFFFFFEF7, lr;
	s5 =	simm.s32 $0xFFFFFFFF;
	p2 =	slt.u32 s8, $0xFFFFF086  }
0x1c: {  	p1 =	slt.u32 s9, $0xF7A;
	s5 =	simm.s32 @!p2 $0x0  }
0x1d: {  	s5 =	simm.s32 @p1 $0x1;
	p0 =	seq.s32 s7, s2  }
0x1e: {  	s7 =	smul.u32 @!p0 $0xF7A, s2;
	p2 =	seq.s32 @!p0 s5, $0x0  }
0x1f: {  	s9 =	smul.u32 $0xF7A, s1;
	s8 =	simm.s32 @!p0 $0x1BF5;
	p2 =	por !p2, p0  }
0x20: {  	[sflag:s8] =	ssyncset.s32 @!p0 $0xFFFFF086;
	s6 =	sadd.s32 @!p0 s3, s7;
	s7 =	simm.s32 @!p0 $0x108  }
0x21: {  	s3 =	sadd.s32 s3, s9;
	s6 =	sadd.s32 @!p0 $0x88, s6;
	s7 =	simm.s32 @p2 $0x1082  }
0x22: {  	[simem:s7], [sflag:s8] =	dma.local @!p0 [hbm:s6], $0xF7A  }
0x23: {  	s9 =	sor.u32 $0xD0000000, s2;
	s6 =	simm.s32 $0x108;
	_ =	swait.ge @!p0 [sflag:s8], $0x0  }
0x24: {  	s3 =	sadd.s32 $0x88, s3;
	s6 =	simm.s32 @!p1 $0x1082;
	[sflag:s4] =	ssyncset.s32 $0xFFFFF086  }
0x25: {  	[simem:s6], [sflag:s4] =	dma.local [hbm:s3], $0xF7A  }
0x26: {  	[smem:$0x3FA0] =	sst s1;
	(tag) =	ssettag s2;
	_ =	strace s9  }
0x27: {  	s1 =	sld [smem:$0x3FB0]  }
0x28: {  	s2 =	sld [smem:$0x3FB1]  }
0x29: {  	s4 =	sld [smem:$0x3FB3]  }
0x2a: {  	p0 =	seq.s32 s5, $0x0;
	s5 =	sld [smem:$0x3FB4]  }
0x2b: {  	s6 =	sld [smem:$0x3FB5]  }
0x2c: {  	s7 =	sld [smem:$0x3FB6]  }
0x2d: {  	s3 =	simm.s32 $0x108;
	s8 =	sld [smem:$0x3FB7]  }
0x2e: {  	s3 =	simm.s32 @!p0 $0x1082;
	s9 =	sld [smem:$0x3FB8]  }
0x2f: {  	lr =	sadd.s32 s0, s3;
	s0 =	sld [smem:$0x3FAF]  }
0x30: {  	s3 =	sld [smem:$0x3FB2]  }
0x31: {  	[smem:$0x3FBB] =	sst s10  }
0x32: {  	s10 =	sld [smem:$0x3FB9];
	_ =	sdelay $0x3  }
0x33: {  	p0 =	seq.s32 s10, $0x1;
	s10 =	sld [smem:$0x3FBB];
	_ =	sdelay $0x3  }
0x34: {  	[smem:$0x3FBB] =	sst s10  }
0x35: {  	s10 =	sld [smem:$0x3FBA];
	_ =	sdelay $0x3  }
0x36: {  	p1 =	seq.s32 s10, $0x1;
	s10 =	sld [smem:$0x3FBB];
	_ =	sdelay $0x3  }
0x37: {  	[smem:$0x3FBB] =	sst s10  }
0x38: {  	s10 =	sld [smem:$0x3FBC]  }
0x39: {  	_ = 	snop;
	(pc) =	sbr.ind lr, $3  }
0x3a: {  	_ = 	snop  }
0x3b: {  	_ = 	snop  }
0x3c: {  	p2 =	seq.s32 s10, $0x1;
	s10 =	sld [smem:$0x3FBB]  }
0x3d: {  	_ =	shalt  }
0x3e: {  	_ =	shalt  }
0x3f: {  	_ =	shalt  }
0x40: {  	_ =	shalt  }
0x41: {  	_ =	shalt  }
0x42: {  	_ =	shalt  }
0x43: {  	_ =	shalt  }
0x44: {  	_ =	shalt  }
0x45: {  	_ =	shalt  }
0x46: {  	_ =	shalt  }
0x47: {  	_ =	shalt  }
0x48: {  	_ =	shalt  }
0x49: {  	_ =	shalt  }
0x4a: {  	_ =	shalt  }
0x4b: {  	_ =	shalt  }
0x4c: {  	_ =	shalt  }
0x4d: {  	_ =	shalt  }
0x4e: {  	_ =	shalt  }
0x4f: {  	_ =	shalt  }
0x50: {  	_ =	shalt  }
0x51: {  	_ =	shalt  }
0x52: {  	_ =	shalt  }
0x53: {  	_ =	shalt  }
0x54: {  	_ =	shalt  }
0x55: {  	_ =	shalt  }
0x56: {  	_ =	shalt  }
0x57: {  	_ =	shalt  }
0x58: {  	_ =	shalt  }
0x59: {  	_ =	shalt  }
0x5a: {  	_ =	shalt  }
0x5b: {  	_ =	shalt  }
0x5c: {  	_ =	shalt  }
0x5d: {  	_ =	shalt  }
0x5e: {  	_ =	shalt  }
0x5f: {  	_ =	shalt  }
0x60: {  	_ =	shalt  }
0x61: {  	_ =	shalt  }
0x62: {  	_ =	shalt  }
0x63: {  	_ =	shalt  }
0x64: {  	_ =	shalt  }
0x65: {  	_ =	shalt  }
0x66: {  	_ =	shalt  }
0x67: {  	_ =	shalt  }
0x68: {  	_ =	shalt  }
0x69: {  	_ =	shalt  }
0x6a: {  	_ =	shalt  }
0x6b: {  	_ =	shalt  }
0x6c: {  	_ =	shalt  }
0x6d: {  	_ =	shalt  }
0x6e: {  	_ =	shalt  }
0x6f: {  	_ =	shalt  }
0x70: {  	_ =	shalt  }
0x71: {  	_ =	shalt  }
0x72: {  	_ =	shalt  }
0x73: {  	_ =	shalt  }
0x74: {  	_ =	shalt  }
0x75: {  	_ =	shalt  }
0x76: {  	_ =	shalt  }
0x77: {  	_ =	shalt  }
0x78: {  	_ =	shalt  }
0x79: {  	_ =	shalt  }
0x7a: {  	_ =	shalt  }
0x7b: {  	_ =	shalt  }
0x7c: {  	_ =	shalt  }
0x7d: {  	_ =	shalt  }
0x7e: {  	_ =	shalt  }
0x7f: {  	_ =	shalt  }
0x80: {  	_ =	shalt  }
0x81: {  	_ =	shalt  }
0x82: {  	_ =	shalt  }
0x83: {  	_ =	shalt  }
0x84: {  	_ =	shalt  }
0x85: {  	_ =	shalt  }
0x86: {  	_ =	shalt  }
0x87: {  	_ =	shalt  }
.Lfunc_end0:
.L_simem_size_0:
called_computation_lowered:
.L_overlay_start_0:
0x88: {  	s2 =	sld [smem:$0x3FD9]  }
0x89: {  	s3 =	sld [smem:$0x3FFE];
	_ =	sdelay $0x1  }
0x8a: {  	s1 =	srdreg.scid  }
0x8b: {  	s0 =	sand.u32 $0x1, s1  }
0x8c: {  	s14 =	sshll.u32 s0, $0xA;
	s2 =	sadd.s32 s3, s2  }
0x8d: {  	s2 =	sadd.s32 s2, s14  }
0x8e: {  	[smem:$0x3FC7] =	sst s2  }
0x8f: {  	_ = 	snop  }
0x90: {  	s2 =	sld [smem:$0x3FD0];
	_ =	sdelay $0x2  }
0x91: {  	s15 =	simm.s32 $0xA;
	s4 =	simm.s32 $0x10  }
0x92: {  	[smem:s4], [sflag:s15] =	dma.local [hbm:s2], $0x1  }
0x93: {  	_ =	swait.eq [sflag:s15], $0x1  }
0x94: {  	[sflag:s15] =	ssyncset.done $0x0  }
0x95: {  	[sflag:s15] =	ssyncadd.s32 $0xFFFFFFFF  }
0x96: {  	s16 =	sld [smem:$0x10];
	(tm) =	ssettm $0x1  }
0x97: {  	s17 =	sld [smem:$0x3FFB];
	_ =	sdelay $0x3  }
0x98: {  	_ =	strace s17  }
0x99: {  	s3 =	sld [smem:$0x3FFC];
	_ =	sdelay $0x3  }
0x9a: {  	_ =	strace s3  }
0x9b: {  	s3 =	sld [smem:$0x3FFD];
	_ =	sdelay $0x3  }
0x9c: {  	_ =	strace s3  }
0x9d: {  	_ =	strace $0x8FFFFFFF  }
0x9e: {  	s18 =	sld [smem:$0x3FDB];
	_ =	sdelay $0x1  }
0x9f: {  	s19 =	simm.s32 $_scs_section_size  }
0xa0: {  	s5 =	simm.s32 $_size__tile_overlayer_lowered;
	s6 =	simm.s32 $_tile_overlayer_lowered  }
0xa1: {  	s22 =	simm.s32 $0x1BFF;
	s21 =	sshll.u32 s6, $0x1;
	s3 =	sadd.s32 s19, s18  }
0xa2: {  	s7 =	simm.s32 $0x0;
	s20 =	sshll.u32 s5, $0x1;
	s5 =	sadd.s32 s21, s3  }
0xa3: {  	[timem:s7], [sflag:s22] =	dma.local [hbm:s5], s20  }
0xa4: {  	_ =	swait.ge [sflag:s22], s20  }
0xa5: {  	s4 =	ssub.s32 $0x0, s20;
	[sflag:s22] =	ssyncset.done $0x0  }
0xa6: {  	[sflag:s22] =	ssyncadd.s32 s4;
	_ =	sdelay $0x1  }
0xa7: {  	s23 =	simm.s32 $0x1B8B  }
0xa8: {  	_ =	swait.ge [sflag:s23], $0x1  }
0xa9: {  	[sflag:s23] =	ssyncset.done $0x0  }
0xaa: {  	s25 =	simm.s32 $0x1B8E;
	s24 =	sld [smem:$0x3FFE];
	[sflag:s23] =	ssyncadd.s32 $0xFFFFFFFF  }
0xab: {  	s26 =	simm.s32 $execute0_lowered;
	[smem:$0x3FD2] =	sst s25  }
0xac: {  	s5 =	sshll.u32 s26, $0x1;
	_ =	strace $0x80000046;
	[dreg:$0x1] =	wrdreg $0xFFFFFFFF  }
0xad: {  	s28 =	simm.s32 $_size_execute0_lowered;
	s3 =	sadd.s32 s3, s5;
	[dreg:$0x0] =	wrdreg $0x0  }
0xae: {  	s5 =	sshll.u32 s28, $0x1;
	[dreg:$0x2] =	wrdreg s3  }
0xaf: {  	[dreg:$0x3] =	wrdreg s5  }
0xb0: {  	[dreg:$0x4] =	wrdreg $0xC0  }
0xb1: {  	_ =	task [dreg:s7], $0x5FFFF  }
0xb2: {  	[dreg:$0x1] =	wrdreg $0xFFFFFFFF  }
0xb3: {  	[dreg:$0x0] =	wrdreg $0x60  }
0xb4: {  	[dreg:$0x2] =	wrdreg s24  }
0xb5: {  	[dreg:$0x3] =	wrdreg s16  }
0xb6: {  	[dreg:$0x4] =	wrdreg $0x9  }
0xb7: {  	_ =	task.clear_ibuf [dreg:s7], $0x5FFFF;
	_ =	strace $0x90000046  }
0xb8: {  	s29 =	simm.s32 $0x9;
	_ =	strace $0x80000048  }
0xb9: {  	_ =	swait.ge [sflag:s29], $0x1  }
0xba: {  	[sflag:s29] =	ssyncadd.s32 $0xFFFFFFFF  }
0xbb: {  	_ =	strace $0x90000048  }
0xbc: {  	_ =	sfence  }
0xbd: {  	s30 =	sld [smem:$0x0];
	_ =	sdelay $0x2  }
0xbe: {  	s31 =	sshll.u32 s1, $0xD;
	s1 =	sshrl.u32 s1, $0x2  }
0xbf: {  	s3 =	sand.u32 $0x4000, s31;
	s1 =	sadd.s32 s1, s30  }
0xc0: {  	s0 =	sor.u32 s3, s0;
	s1 =	sshll.u32 s1, $0x11  }
0xc1: {  	s0 =	sor.u32 s1, s0  }
0xc2: {  	s0 =	sadd.s32 $0x8F2B, s0  }
0xc3: {  	[sflag:s0] =	ssyncadd.remote.s32 $0x1  }
0xc4: {  	_ =	sfence.sel $0xFFFF  }
0xc5: {  	[dreg:$0x0] =	wrdreg $0xFFFFFFFF;
	(pc) =	sbr.abs _section_cstart, $3  }
0xc6: {  	[dreg:$0x1] =	wrdreg $0xFFFFFFFF  }
0xc7: {  	_ =	task.clear_ibuf [dreg:s7], $0x2FFFF;
	_ =	strace $0x9FFFFFFF  }
0xc8: {  	(tm) =	ssettm $0x7FFFFFFF  }
0xc9: {  	_ =	shalt  }
tec
execute0_lowered:
.L_overlay_start_1:
0x0: {  	(tag) =	ssettag $0x1  }
0x1: {  	s0 =	rddreg [dreg:$0x0]  }
0x2: {  	s1 =	rddreg [dreg:$0x1]  }
0x3: {  	s2 =	simm.s32 $0x0;
	s3 =	srdreg.scid;
	s4 =	stileid.u32  }
0x4: {  	s28 =	simm.s32 $0x1610;
	s29 =	simm.s32 $0x2;
	s30 =	simm.s32 $0x3610  }
0x5: {  	s31 =	simm.s32 $0x3;
	[smem:$0x7FF] =	sst s2;
	s3 =	sand.u32 $0x1, s3  }
0x6: {  	s4 =	sshll.u32 s4, $0x1;
	s5 =	sadd.s32 $0xC00, s0;
	s7 =	sadd.s32 $0x15000, s0  }
0x7: {  	s0 =	sadd.s32 $0x14E00, s0;
	_ =	strace $0x80000047;
	[dreg:$0x3] =	wrdreg s7  }
0x8: {  	s4 =	sor.u32 s3, s4;
	s3 =	ssub.s32 $0x2, s3;
	[dreg:$0x4] =	wrdreg s0  }
0x9: {  	s0 =	simm.s32 $0x4;
	s6 =	smul.u32 $0x5080, s4;
	s23 =	sshrl.u32 s3, $0x1  }
0xa: {  	s8 =	smul.u32 $0xA10, s4;
	s4 =	sshll.u32 s4, $0xD;
	s24 =	ssub.s32 s3, s23  }
0xb: {  	s7 =	sadd.s32 s1, s4;
	s23 =	simm.s32 $0x5;
	s1 =	simm.s32 $0x0  }
0xc: {  	s25 =	sshrl.u32 s6, $0x3;
	s26 =	sadd.s32 s5, s8;
	s9 =	sadd.s32 $0x400, s7  }
0xd: {  	s11 =	sadd.s32 $0x800, s7;
	s13 =	sadd.s32 $0xC00, s7;
	s15 =	sadd.s32 $0x1000, s7  }
0xe: {  	s17 =	sadd.s32 $0x1400, s7;
	s19 =	sadd.s32 $0x1800, s7;
	s20 =	sadd.s32 $0x1C00, s7  }
0xf: {  	s21 =	smax.u32 s24, $0x1;
	[dreg:$0x5] =	wrdreg s26;
	s3 =	sadd.s32 s5, s25  }
0x10: {  	s25 =	simm.s32 $0xA10;
	s26 =	simm.s32 $0x1;
	s6 =	sadd.s32 $0x142, s3  }
0x11: {  	s8 =	sadd.s32 $0x284, s3;
	s10 =	sadd.s32 $0x3C6, s3;
	s12 =	sadd.s32 $0x508, s3  }
0x12: {  	v0 =	vimm.f32 $0.0e+00;
	s14 =	sadd.s32 $0x64A, s3;
	s16 =	sadd.s32 $0x78C, s3;
	s18 =	sadd.s32 $0x8CE, s3  }
.LBB2_1:
0x13: {  	s3 =	rddreg [dreg:$0x3];
	s4 =	simm.s32 $0x1420  }
0x14: {  	[tilespmem:s4], [sflag:$0x5] =	stream.linear.gather [hbm4b:s3+s2], $0x1C0, $0x38;
	[tilespmem:$0x5610] =	vst v63  }
0x15: {  	_ =	swait.ge [sflag:s23], $0x1C0  }
0x16: {  	[sflag:s23] =	ssyncset.done $0x0  }
0x17: {  	s24 =	simm.s32 $0x15E0;
	s22 =	rddreg [dreg:$0x4];
	[sflag:s23] =	ssyncadd.s32 $0xFFFFFE40  }
0x18: {  	[tilespmem:s24], [sflag:$0x5] =	stream.linear.gather [hbm4b:s22+s2], $0x30, $0x38;
	[tilespmem:$0x5610] =	vst v63  }
0x19: {  	_ =	swait.ge [sflag:s23], $0x30  }
0x1a: {  	[sflag:s23] =	ssyncset.done $0x0  }
0x1b: {  	[sflag:s23] =	ssyncadd.s32 $0xFFFFFFD0  }
0x1c: {  	v2 =	vld [tilespmem:$0x15E0]  }
0x1d: {  	v36 =	vld [tilespmem:$0x15F0]  }
0x1e: {  	v38 =	vld [tilespmem:$0x1600]  }
0x1f: {  	v7 =	vld [tilespmem:$0x1420]  }
0x20: {  	v8 =	vld [tilespmem:$0x1430]  }
0x21: {  	v9 =	vld [tilespmem:$0x1440]  }
0x22: {  	v12 =	vld [tilespmem:$0x1450]  }
0x23: {  	v10 =	vld [tilespmem:$0x1460]  }
0x24: {  	v11 =	vld [tilespmem:$0x1470]  }
0x25: {  	v13 =	vld [tilespmem:$0x1480]  }
0x26: {  	v16 =	vld [tilespmem:$0x1490]  }
0x27: {  	v14 =	vld [tilespmem:$0x14A0]  }
0x28: {  	v15 =	vld [tilespmem:$0x14B0]  }
0x29: {  	v17 =	vld [tilespmem:$0x14C0]  }
0x2a: {  	v20 =	vld [tilespmem:$0x14D0]  }
0x2b: {  	v18 =	vld [tilespmem:$0x14E0]  }
0x2c: {  	v19 =	vld [tilespmem:$0x14F0]  }
0x2d: {  	v50 =	vld [tilespmem:$0x1500]  }
0x2e: {  	v28 =	vld [tilespmem:$0x1510]  }
0x2f: {  	v21 =	vld [tilespmem:$0x1520]  }
0x30: {  	v22 =	vld [tilespmem:$0x1530]  }
0x31: {  	v27 =	vld [tilespmem:$0x1540]  }
0x32: {  	v63 =	vld [tilespmem:$0x1550]  }
0x33: {  	v24 =	vld [tilespmem:$0x1560]  }
0x34: {  	v25 =	vld [tilespmem:$0x1570]  }
0x35: {  	v29 =	vld [tilespmem:$0x1580]  }
0x36: {  	v37 =	vld [tilespmem:$0x1590]  }
0x37: {  	s5 =	rddreg [dreg:$0x5];
	v39 =	vld [tilespmem:$0x15C0]  }
0x38: {  	v61 =	vld [tilespmem:$0x15D0];
	[tilespmem:s2], [sflag:$0x1] =	stream.linear.gather [hbm4b:s5+s2], $0xA10, $0x38  }
0x39: {  	_ = 	snop  }
0x3a: {  	v1 =	vmov s2;
	[tilespmem:s25], [sflag:$0x2] =	stream.linear.gather [hbm4b:s6+s2], $0xA10, $0x38;
	[tilespmem:$0x5610] =	vst v63  }
0x3b: {  	v3 =	vadd.s32 $0x3, v1;
	_ =	swait.ge [sflag:s26], $0xA10  }
0x3c: {  	v4 =	vadd.s32 $0x2, v1;
	[sflag:s26] =	ssyncset.done $0x0  }
0x3d: {  	[sflag:s26] =	ssyncadd.s32 $0xFFFFF5F0  }
0x3e: {  	v5 =	vld.idx.msk [tilespmem:v10+s2+$0x0], $0xffff  }
0x3f: {  	v6 =	vld.idx.msk [tilespmem:v7+s2+$0x0], $0xffff  }
0x40: {  	v31 =	vld.idx.msk [tilespmem:v3+s2+$0x0], $0xffff  }
0x41: {  	v33 =	vld.idx.msk [tilespmem:v4+s2+$0x0], $0xffff  }
0x42: {  	v3 =	vadd.s32 $0x1, v1  }
0x43: {  	v4 =	vmul.f32 v5, v2  }
0x44: {  	v5 =	vmul.f32 v6, v2  }
0x45: {  	s22 =	sand.u32 $0x1C00, s2;
	s24 =	sand.u32 $0x40, s2;
	v4 =	vadd.f32 v4, v31  }
0x46: {  	s22 =	sor.u32 s24, s22;
	v1 =	vld.idx.msk [tilespmem:v1+s2+$0x0], $0xffff;
	v5 =	vadd.f32 v5, v33  }
0x47: {  	v3 =	vld.idx.msk [tilespmem:v3+s2+$0x0], $0xffff;
	[tilespmem:s22+$0x1690] =	vst v4  }
0x48: {  	[tilespmem:s22+$0x1610] =	vst v5  }
0x49: {  	v4 =	vld.idx.msk [tilespmem:v14+s2+$0x0], $0xffff;
	_ =	sdelay $0x4  }
0x4a: {  	[tilespmem:s22+$0x1710] =	vst v4  }
0x4b: {  	v4 =	vld.idx.msk [tilespmem:v18+s2+$0x0], $0xffff  }
0x4c: {  	v1 =	vadd.f32 $1.000000050e-03, v1  }
0x4d: {  	v3 =	vadd.f32 $1.000000050e-03, v3  }
0x4e: {  	(erf) = vrcp.f32 v1  }
0x4f: {  	(erf) = vrcp.f32 v3  }
0x50: {  	[tilespmem:s22+$0x1790] =	vst v4  }
0x51: {  	v1 =	vld.idx.msk [tilespmem:v21+s2+$0x0], $0xffff  }
0x52: {  	v3 =	vld.idx.msk [tilespmem:v24+s2+$0x0], $0xffff;
	_ =	sdelay $0x3  }
0x53: {  	v1 =	vmul.f32 v1, v2  }
0x54: {  	v58 =	vpop (erf);
	v3 =	vmul.f32 v3, v2  }
0x55: {  	v60 =	vpop (erf);
	[tilespmem:s22+$0x1990] =	vst v0;
	v1 =	vmul.f32 v1, v58  }
0x56: {  	[tilespmem:s22+$0x1910] =	vst v36;
	v3 =	vmul.f32 v3, v60  }
0x57: {  	[tilespmem:s22+$0x1810] =	vst v1  }
0x58: {  	[tilespmem:s22+$0x1890] =	vst v3  }
0x59: {  	v1 =	vld.idx.msk [tilespmem:v8+s2+$0x0], $0xffff  }
0x5a: {  	v3 =	vld.idx.msk [tilespmem:v11+s2+$0x0], $0xffff  }
0x5b: {  	[tilespmem:$0x1FDD0] =	vst v7  }
0x5c: {  	[tilespmem:$0x1FDF0] =	vst v8  }
0x5d: {  	[tilespmem:$0x1FE00] =	vst v10  }
0x5e: {  	[tilespmem:$0x1FE20] =	vst v11;
	v1 =	vadd.f32 v1, v33  }
0x5f: {  	[tilespmem:$0x1FE30] =	vst v9;
	v3 =	vadd.f32 v3, v31  }
0x60: {  	[tilespmem:s22+$0x1620] =	vst v1  }
0x61: {  	[tilespmem:s22+$0x16A0] =	vst v3  }
0x62: {  	[tilespmem:$0x1FE40] =	vst v14;
	v1 =	vld.idx.msk [tilespmem:v15+s2+$0x0], $0xffff  }
0x63: {  	[tilespmem:$0x1FE60] =	vst v13  }
0x64: {  	[tilespmem:$0x1FE70] =	vst v15  }
0x65: {  	[tilespmem:$0x1FE80] =	vst v18  }
0x66: {  	[tilespmem:$0x1FE90] =	vst v19  }
0x67: {  	[tilespmem:s22+$0x1720] =	vst v1  }
0x68: {  	[tilespmem:$0x1FEA0] =	vst v21;
	v1 =	vld.idx.msk [tilespmem:v19+s2+$0x0], $0xffff  }
0x69: {  	[tilespmem:$0x1FEB0] =	vst v22  }
0x6a: {  	[tilespmem:$0x1FEC0] =	vst v24  }
0x6b: {  	[tilespmem:$0x1FED0] =	vst v25  }
0x6c: {  	[tilespmem:$0x1FF00] =	vst v17  }
0x6d: {  	[tilespmem:s22+$0x17A0] =	vst v1  }
0x6e: {  	[tilespmem:$0x1FF50] =	vst v50;
	v1 =	vld.idx.msk [tilespmem:v22+s2+$0x0], $0xffff  }
0x6f: {  	[tilespmem:$0x1FF60] =	vst v27;
	v3 =	vld.idx.msk [tilespmem:v25+s2+$0x0], $0xffff  }
0x70: {  	[tilespmem:$0x1FF70] =	vst v29  }
0x71: {  	[tilespmem:$0x1FF80] =	vst v39  }
0x72: {  	[tilespmem:$0x1FF90] =	vst v12  }
0x73: {  	[tilespmem:s22+$0x19A0] =	vst v0;
	v1 =	vmul.f32 v1, v58  }
0x74: {  	[tilespmem:s22+$0x1920] =	vst v0;
	v3 =	vmul.f32 v3, v60  }
0x75: {  	[tilespmem:s22+$0x1820] =	vst v1  }
0x76: {  	v1 =	vadd.s32 $0xA1, v7;
	[tilespmem:s22+$0x18A0] =	vst v3  }
0x77: {  	v26 =	vadd.s32 $0xA1, v11;
	v30 =	vadd.s32 $0xA1, v16;
	v3 =	vadd.s32 $0xA1, v14;
	[tilespmem:$0x1FDE0] =	vst v1  }
0x78: {  	v35 =	vadd.s32 $0xA1, v15;
	v40 =	vadd.s32 $0xA1, v18;
	v1 =	vadd.s32 $0xA1, v10;
	[tilespmem:$0x1FE50] =	vst v3;
	v3 =	vld.idx.msk [tilespmem:v13+s2+$0x0], $0xffff  }
0x79: {  	v41 =	vadd.s32 $0xA1, v21;
	v23 =	vadd.s32 $0xA1, v24;
	v32 =	vadd.s32 $0xA1, v29;
	[tilespmem:$0x1FE10] =	vst v1;
	v1 =	vld.idx.msk [tilespmem:v9+s2+$0x0], $0xffff  }
0x7a: {  	v34 =	vadd.s32 $0xA1, v39;
	[tilespmem:$0x1FFA0] =	vst v16;
	v47 =	vmovc v30;
	v30 =	vadd.s32 s2, v30;
	v59 =	vmovc v32;
	v32 =	vadd.s32 s2, v32  }
0x7b: {  	[tilespmem:$0x1FFB0] =	vst v20;
	v45 =	vmovc v26;
	v26 =	vadd.s32 s2, v26;
	v6 =	vadd.s32 $0xA1, v37;
	v5 =	vadd.s32 $0xA1, v8  }
0x7c: {  	[tilespmem:$0x1FFC0] =	vst v28;
	v18 =	vadd.s32 $0xA1, v19;
	v4 =	vadd.s32 $0xA1, v20;
	v21 =	vadd.s32 $0xA1, v27  }
0x7d: {  	[tilespmem:$0x1FFD0] =	vst v63;
	v19 =	vadd.s32 $0xA1, v22;
	v22 =	vadd.s32 $0xA1, v63;
	v3 =	vadd.f32 v3, v31  }
0x7e: {  	v8 =	vadd.s32 $0xA1, v12;
	v15 =	vadd.s32 $0xA1, v50;
	[tilespmem:$0x1FF30] =	vst v22;
	v1 =	vadd.f32 v1, v33  }
0x7f: {  	v11 =	vadd.s32 s2, v6;
	v62 =	vadd.s32 s2, v15;
	v25 =	vadd.s32 $0xA1, v25;
	[tilespmem:s22+$0x16B0] =	vst v3  }
0x80: {  	v48 =	vmovc v35;
	v51 =	vmovc v40;
	v24 =	vadd.s32 s2, v22;
	v22 =	vadd.s32 s2, v35;
	v7 =	vadd.s32 $0xA1, v9;
	[tilespmem:s22+$0x1630] =	vst v1  }
0x81: {  	[tilespmem:$0x1FF40] =	vst v34;
	v55 =	vmovc v41;
	v53 =	vmovc v15;
	v14 =	vadd.s32 $0xA1, v17;
	v10 =	vadd.s32 $0xA1, v61;
	v15 =	vadd.s32 s2, v7;
	v1 =	vld.idx.msk [tilespmem:v17+s2+$0x0], $0xffff  }
0x82: {  	[tilespmem:$0x1FEE0] =	vst v6;
	v43 =	vmovc v7;
	v49 =	vmovc v14;
	v14 =	vadd.s32 s2, v14;
	v7 =	vadd.s32 s2, v41;
	v9 =	vadd.s32 $0xA1, v13  }
0x83: {  	v42 =	vmovc v5;
	v52 =	vmovc v18;
	v13 =	vadd.s32 $0xA1, v28;
	[tilespmem:$0x1FEF0] =	vst v10;
	v6 =	vadd.s32 s2, v10;
	v10 =	vadd.s32 s2, v4  }
0x84: {  	[tilespmem:$0x1FF10] =	vst v4;
	v57 =	vmovc v21;
	v44 =	vmovc v8;
	v4 =	vadd.s32 s2, v34;
	v34 =	vadd.s32 s2, v21;
	v21 =	vadd.s32 s2, v18  }
0x85: {  	v56 =	vmovc v19;
	v54 =	vmovc v25;
	v18 =	vadd.s32 s2, v19;
	v19 =	vadd.s32 s2, v25;
	v25 =	vadd.s32 s2, v5;
	[tilespmem:$0x1FF20] =	vst v13  }
0x86: {  	v5 =	vadd.s32 s2, v40;
	v13 =	vadd.s32 s2, v13;
	v46 =	vmovc v9;
	v3 =	vadd.s32 s2, v8;
	v8 =	vmovc v12;
	[tilespmem:s22+$0x1730] =	vst v1  }
0x87: {  	[tilespmem:$0x1FFE0] =	vst v37;
	v12 =	vmovc v16;
	v16 =	vmovc v20;
	v20 =	vmov v28;
	v28 =	vmov v37;
	v17 =	vadd.s32 s2, v9;
	v35 =	vld.idx.msk [tilespmem:v50+s2+$0x0], $0xffff  }
0x88: {  	s3 =	simm.s32 $0x0;
	s4 =	simm.s32 $0x0;
	s24 =	simm.s32 $0x40;
	[tilespmem:$0x1FFF0] =	vst v61;
	v9 =	vadd.s32 s2, v23;
	v50 =	vmovc v23;
	v23 =	vmovc v27;
	v27 =	vmov v29;
	v29 =	vmov v39  }
.LBB2_2:
0x89: {  	_ =	sdelay $0x2  }
0x8a: {  	[tilespmem:s22+$0x17B0] =	vst v35  }
0x8b: {  	v35 =	vld.idx.msk [tilespmem:v23+s2+$0x0], $0xffff  }
0x8c: {  	v23 =	vmov v34;
	v34 =	vld.idx.msk [tilespmem:v27+s2+$0x0], $0xffff;
	_ =	sdelay $0x3  }
0x8d: {  	v35 =	vmul.f32 v35, v58  }
0x8e: {  	[tilespmem:s22+$0x1930] =	vst v38;
	v34 =	vmul.f32 v34, v60  }
0x8f: {  	[tilespmem:s22+$0x1830] =	vst v35  }
0x90: {  	[tilespmem:s22+$0x18B0] =	vst v34  }
0x91: {  	v34 =	vld.idx.msk [tilespmem:v29+s2+$0x0], $0xffff;
	_ =	sdelay $0x4  }
0x92: {  	v29 =	vmov v4;
	v4 =	vmul.f32 v34, v2;
	_ =	sdelay $0x1  }
0x93: {  	[tilespmem:s22+$0x19B0] =	vst v4  }
0x94: {  	v4 =	vld.idx.msk [tilespmem:v8+s2+$0x0], $0xffff  }
0x95: {  	v8 =	vmov v3;
	v3 =	vld.idx.msk [tilespmem:v12+s2+$0x0], $0xffff;
	_ =	sdelay $0x3  }
0x96: {  	v4 =	vadd.f32 v4, v33  }
0x97: {  	v3 =	vadd.f32 v3, v31  }
0x98: {  	[tilespmem:s22+$0x1640] =	vst v4  }
0x99: {  	[tilespmem:s22+$0x16C0] =	vst v3  }
0x9a: {  	v3 =	vld.idx.msk [tilespmem:v16+s2+$0x0], $0xffff;
	_ =	sdelay $0x4  }
0x9b: {  	v1 =	vld [tilespmem:$0x1FDE0];
	[tilespmem:s22+$0x1740] =	vst v3  }
0x9c: {  	v3 =	vld.idx.msk [tilespmem:v20+s2+$0x0], $0xffff;
	_ =	sdelay $0x4  }
0x9d: {  	v40 =	vadd.s32 s3, v1;
	v1 =	vld [tilespmem:$0x1FE10];
	[tilespmem:s22+$0x17C0] =	vst v3  }
0x9e: {  	v3 =	vld.idx.msk [tilespmem:v63+s2+$0x0], $0xffff  }
0x9f: {  	v4 =	vld.idx.msk [tilespmem:v28+s2+$0x0], $0xffff;
	_ =	sdelay $0x3  }
0xa0: {  	v37 =	vadd.s32 s3, v1;
	v1 =	vld [tilespmem:$0x1FE50];
	v16 =	vmovc v10;
	v10 =	vimm.f32 $1.000000000e+00;
	v3 =	vmul.f32 v3, v58  }
0xa1: {  	[tilespmem:s22+$0x1940] =	vst v10;
	v4 =	vmul.f32 v4, v60  }
0xa2: {  	[tilespmem:s22+$0x1840] =	vst v3  }
0xa3: {  	[tilespmem:s22+$0x18C0] =	vst v4  }
0xa4: {  	v3 =	vld.idx.msk [tilespmem:v61+s2+$0x0], $0xffff  }
0xa5: {  	v1 =	vadd.s32 s3, v1;
	s3 =	sadd.s32 $0xA1, s3  }
0xa6: {  	v27 =	vmov v32;
	v32 =	vmov s3  }
0xa7: {  	v39 =	vadd.s32 $0x3, v32  }
0xa8: {  	v41 =	vadd.s32 $0x2, v32  }
0xa9: {  	[tilespmem:s22+$0x19C0] =	vst v3  }
0xaa: {  	v3 =	vld.idx.msk [tilespmem:v37+s2+$0x0], $0xffff  }
0xab: {  	v4 =	vld.idx.msk [tilespmem:v40+s2+$0x0], $0xffff  }
0xac: {  	v31 =	vld.idx.msk [tilespmem:v39+s2+$0x0], $0xffff  }
0xad: {  	v61 =	vmov v6;
	v6 =	vadd.s32 $0x1, v32;
	v33 =	vld.idx.msk [tilespmem:v41+s2+$0x0], $0xffff;
	_ =	sdelay $0x1  }
0xae: {  	v3 =	vmul.f32 v3, v2  }
0xaf: {  	s4 =	sadd.s32 $0x200, s4;
	s5 =	smov.u32 s24;
	v4 =	vmul.f32 v4, v2  }
0xb0: {  	s5 =	sand.u32 $0x40, s5;
	s22 =	sand.u32 $0x1C00, s4;
	v3 =	vadd.f32 v3, v31  }
0xb1: {  	v6 =	vld.idx.msk [tilespmem:v6+s2+$0x0], $0xffff;
	s22 =	sor.u32 s5, s22;
	v4 =	vadd.f32 v4, v33  }
0xb2: {  	v10 =	vld.idx.msk [tilespmem:v32+s2+$0x0], $0xffff;
	[tilespmem:s22+$0x1690] =	vst v3  }
0xb3: {  	[tilespmem:s22+$0x1610] =	vst v4  }
0xb4: {  	v1 =	vld.idx.msk [tilespmem:v1+s2+$0x0], $0xffff;
	_ =	sdelay $0x4  }
0xb5: {  	[tilespmem:s22+$0x1710] =	vst v1  }
0xb6: {  	v1 =	vld.idx.msk [tilespmem:v5+s2+$0x0], $0xffff  }
0xb7: {  	v4 =	vadd.f32 $1.000000050e-03, v10  }
0xb8: {  	v3 =	vadd.f32 $1.000000050e-03, v6  }
0xb9: {  	(erf) = vrcp.f32 v4  }
0xba: {  	(erf) = vrcp.f32 v3  }
0xbb: {  	[tilespmem:s22+$0x1790] =	vst v1  }
0xbc: {  	v1 =	vld.idx.msk [tilespmem:v7+s2+$0x0], $0xffff  }
0xbd: {  	v3 =	vld.idx.msk [tilespmem:v9+s2+$0x0], $0xffff;
	_ =	sdelay $0x3  }
0xbe: {  	v1 =	vmul.f32 v1, v2  }
0xbf: {  	v58 =	vpop (erf);
	v3 =	vmul.f32 v3, v2  }
0xc0: {  	v60 =	vpop (erf);
	[tilespmem:s22+$0x1990] =	vst v0;
	v1 =	vmul.f32 v1, v58  }
0xc1: {  	[tilespmem:s22+$0x1910] =	vst v36;
	v3 =	vmul.f32 v3, v60  }
0xc2: {  	[tilespmem:s22+$0x1810] =	vst v1  }
0xc3: {  	[tilespmem:s22+$0x1890] =	vst v3  }
0xc4: {  	v1 =	vld.idx.msk [tilespmem:v25+s2+$0x0], $0xffff  }
0xc5: {  	v3 =	vld.idx.msk [tilespmem:v26+s2+$0x0], $0xffff;
	_ =	sdelay $0x3  }
0xc6: {  	v1 =	vadd.f32 v1, v33  }
0xc7: {  	v3 =	vadd.f32 v3, v31  }
0xc8: {  	[tilespmem:s22+$0x1620] =	vst v1  }
0xc9: {  	[tilespmem:s22+$0x16A0] =	vst v3  }
0xca: {  	v1 =	vld.idx.msk [tilespmem:v22+s2+$0x0], $0xffff;
	_ =	sdelay $0x4  }
0xcb: {  	[tilespmem:s22+$0x1720] =	vst v1  }
0xcc: {  	v1 =	vld.idx.msk [tilespmem:v21+s2+$0x0], $0xffff;
	_ =	sdelay $0x4  }
0xcd: {  	[tilespmem:s22+$0x17A0] =	vst v1  }
0xce: {  	v1 =	vld.idx.msk [tilespmem:v18+s2+$0x0], $0xffff  }
0xcf: {  	v3 =	vld.idx.msk [tilespmem:v19+s2+$0x0], $0xffff;
	_ =	sdelay $0x3  }
0xd0: {  	[tilespmem:s22+$0x19A0] =	vst v0;
	v1 =	vmul.f32 v1, v58  }
0xd1: {  	[tilespmem:s22+$0x1920] =	vst v0;
	v3 =	vmul.f32 v3, v60  }
0xd2: {  	[tilespmem:s22+$0x1820] =	vst v1  }
0xd3: {  	[tilespmem:s22+$0x18A0] =	vst v3  }
0xd4: {  	v3 =	vld.idx.msk [tilespmem:v17+s2+$0x0], $0xffff;
	_ =	sdelay $0x4  }
0xd5: {  	v3 =	vadd.f32 v3, v31  }
0xd6: {  	v1 =	vld.idx.msk [tilespmem:v15+s2+$0x0], $0xffff  }
0xd7: {  	[tilespmem:s22+$0x16B0] =	vst v3;
	v3 =	vld [tilespmem:$0x1FEE0];
	_ =	sdelay $0x4  }
0xd8: {  	v28 =	vmov v11;
	v11 =	vadd.s32 s3, v3;
	v3 =	vld [tilespmem:$0x1FEF0];
	_ =	sdelay $0x4  }
0xd9: {  	v6 =	vadd.s32 s3, v3;
	v3 =	vld [tilespmem:$0x1FF10]  }
0xda: {  	v1 =	vadd.f32 v1, v33;
	_ =	sdelay $0x1  }
0xdb: {  	[tilespmem:s22+$0x1630] =	vst v1  }
0xdc: {  	v1 =	vld.idx.msk [tilespmem:v14+s2+$0x0], $0xffff  }
0xdd: {  	v10 =	vadd.s32 s3, v3;
	v3 =	vld [tilespmem:$0x1FF20];
	_ =	sdelay $0x3  }
0xde: {  	v34 =	vadd.s32 s3, v57;
	v12 =	vmov v30;
	v30 =	vadd.s32 s3, v47;
	[tilespmem:s22+$0x1730] =	vst v1;
	v1 =	vld [tilespmem:$0x1FF40]  }
0xdf: {  	p0 =	sne.s32 s24, $0x3C0;
	v20 =	vmovc v13;
	v32 =	vadd.s32 s3, v59;
	v5 =	vadd.s32 s3, v51;
	v13 =	vadd.s32 s3, v3;
	v3 =	vld [tilespmem:$0x1FF30]  }
.Ltmp0:
0xe0: {  	v7 =	vadd.s32 s3, v55;
	v9 =	vadd.s32 s3, v50;
	v25 =	vadd.s32 s3, v42;
	(pc) =	sbr.rel @p0 .LBB2_2-.Ltmp0, $4  }
0xe1: {  	v26 =	vadd.s32 s3, v45;
	v22 =	vadd.s32 s3, v48;
	v21 =	vadd.s32 s3, v52  }
0xe2: {  	v18 =	vadd.s32 s3, v56;
	v19 =	vadd.s32 s3, v54;
	v15 =	vadd.s32 s3, v43  }
0xe3: {  	v17 =	vadd.s32 s3, v46;
	v14 =	vadd.s32 s3, v49;
	v35 =	vld.idx.msk [tilespmem:v62+s2+$0x0], $0xffff;
	v62 =	vadd.s32 s3, v53  }
0xe4: {  	s24 =	sadd.s32 $0x40, s24;
	v63 =	vmovc v24;
	v4 =	vadd.s32 s3, v1;
	v24 =	vadd.s32 s3, v3;
	v3 =	vadd.s32 s3, v44  }
0xe5: {  	_ =	sdelay $0x2  }
0xe6: {  	[tilespmem:s22+$0x17B0] =	vst v35  }
0xe7: {  	v1 =	vld.idx.msk [tilespmem:v23+s2+$0x0], $0xffff  }
0xe8: {  	v3 =	vld.idx.msk [tilespmem:v27+s2+$0x0], $0xffff;
	_ =	sdelay $0x3  }
0xe9: {  	v1 =	vmul.f32 v1, v58  }
0xea: {  	[tilespmem:s22+$0x1930] =	vst v38;
	v3 =	vmul.f32 v3, v60  }
0xeb: {  	[tilespmem:s22+$0x1830] =	vst v1  }
0xec: {  	[tilespmem:s22+$0x18B0] =	vst v3  }
0xed: {  	v1 =	vld.idx.msk [tilespmem:v29+s2+$0x0], $0xffff;
	_ =	sdelay $0x4  }
0xee: {  	v1 =	vmul.f32 v1, v2;
	_ =	sdelay $0x1  }
0xef: {  	[tilespmem:s22+$0x19B0] =	vst v1  }
0xf0: {  	v1 =	vld.idx.msk [tilespmem:v8+s2+$0x0], $0xffff  }
0xf1: {  	v3 =	vld.idx.msk [tilespmem:v12+s2+$0x0], $0xffff;
	_ =	sdelay $0x3  }
0xf2: {  	v1 =	vadd.f32 v1, v33  }
0xf3: {  	v3 =	vadd.f32 v3, v31  }
0xf4: {  	[tilespmem:s22+$0x1640] =	vst v1  }
0xf5: {  	[tilespmem:s22+$0x16C0] =	vst v3  }
0xf6: {  	v1 =	vld.idx.msk [tilespmem:v16+s2+$0x0], $0xffff;
	_ =	sdelay $0x4  }
0xf7: {  	[tilespmem:s22+$0x1740] =	vst v1  }
0xf8: {  	v1 =	vld.idx.msk [tilespmem:v20+s2+$0x0], $0xffff;
	_ =	sdelay $0x4  }
0xf9: {  	[tilespmem:s22+$0x17C0] =	vst v1  }
0xfa: {  	v1 =	vld.idx.msk [tilespmem:v63+s2+$0x0], $0xffff  }
0xfb: {  	v3 =	vld.idx.msk [tilespmem:v28+s2+$0x0], $0xffff;
	_ =	sdelay $0x3  }
0xfc: {  	v10 =	vimm.f32 $1.000000000e+00;
	v1 =	vmul.f32 v1, v58  }
0xfd: {  	[tilespmem:s22+$0x1940] =	vst v10;
	v3 =	vmul.f32 v3, v60  }
0xfe: {  	[tilespmem:s22+$0x1840] =	vst v1  }
0xff: {  	[tilespmem:s22+$0x18C0] =	vst v3  }
0x100: {  	v1 =	vld.idx.msk [tilespmem:v61+s2+$0x0], $0xffff;
	_ =	sdelay $0x1  }
0x101: {  	v11 =	vld [tilespmem:$0x1FDD0]  }
0x102: {  	v18 =	vld [tilespmem:$0x1FE00];
	_ =	sdelay $0x1  }
0x103: {  	[tilespmem:s22+$0x19C0] =	vst v1;
	s22 =	simm.s32 $0x0  }
0x104: {  	[hbm4b:s7+s22] =	stream.linear.scatter [tilespmem:s28], [sflag:$0x3], $0x2000, $0x38;
	[tilespmem:$0x5610] =	vst v63  }
0x105: {  	v1 =	vadd.s32 s22, v11  }
0x106: {  	v3 =	vadd.s32 s22, v18;
	v4 =	vmov s22;
	[tilespmem:s22], [sflag:$0x1] =	stream.linear.gather [hbm4b:s8+s22], $0xA10, $0x38;
	[tilespmem:$0x5610] =	vst v63  }
0x107: {  	v5 =	vadd.s32 $0x2, v4;
	_ =	swait.ge [sflag:s29], $0xA10  }
0x108: {  	v6 =	vadd.s32 $0x3, v4;
	[sflag:s29] =	ssyncset.done $0x0  }
0x109: {  	v22 =	vld [tilespmem:$0x1FE40];
	[sflag:s29] =	ssyncadd.s32 $0xFFFFF5F0  }
0x10a: {  	v1 =	vld.idx.msk [tilespmem:v1+s25+$0x0], $0xffff  }
0x10b: {  	v3 =	vld.idx.msk [tilespmem:v3+s25+$0x0], $0xffff  }
0x10c: {  	v5 =	vld.idx.msk [tilespmem:v5+s25+$0x0], $0xffff  }
0x10d: {  	v6 =	vld.idx.msk [tilespmem:v6+s25+$0x0], $0xffff  }
0x10e: {  	v7 =	vadd.s32 $0x1, v4  }
0x10f: {  	v1 =	vmul.f32 v1, v2  }
0x110: {  	v8 =	vadd.s32 s22, v22;
	v3 =	vmul.f32 v3, v2  }
0x111: {  	s3 =	sand.u32 $0x1C00, s22;
	s4 =	sand.u32 $0x40, s22;
	v26 =	vld [tilespmem:$0x1FE80];
	v1 =	vadd.f32 v1, v5  }
0x112: {  	s24 =	sor.u32 s4, s3;
	v4 =	vld.idx.msk [tilespmem:v4+s25+$0x0], $0xffff;
	v3 =	vadd.f32 v3, v6  }
0x113: {  	v7 =	vld.idx.msk [tilespmem:v7+s25+$0x0], $0xffff;
	[tilespmem:s24+$0x3610] =	vst v1  }
0x114: {  	[tilespmem:s24+$0x3690] =	vst v3  }
0x115: {  	v1 =	vld.idx.msk [tilespmem:v8+s25+$0x0], $0xffff  }
0x116: {  	v3 =	vadd.s32 s22, v26  }
0x117: {  	v30 =	vld [tilespmem:$0x1FEA0]  }
0x118: {  	v34 =	vld [tilespmem:$0x1FEC0];
	_ =	sdelay $0x1  }
0x119: {  	[tilespmem:s24+$0x3710] =	vst v1  }
0x11a: {  	v1 =	vld.idx.msk [tilespmem:v3+s25+$0x0], $0xffff  }
0x11b: {  	v3 =	vadd.f32 $1.000000050e-03, v4;
	v4 =	vadd.s32 s22, v30  }
0x11c: {  	v7 =	vadd.f32 $1.000000050e-03, v7;
	v8 =	vadd.s32 s22, v34  }
0x11d: {  	(erf) = vrcp.f32 v3  }
0x11e: {  	(erf) = vrcp.f32 v7  }
0x11f: {  	v13 =	vld [tilespmem:$0x1FDF0];
	[tilespmem:s24+$0x3790] =	vst v1  }
0x120: {  	v1 =	vld.idx.msk [tilespmem:v4+s25+$0x0], $0xffff  }
0x121: {  	v3 =	vld.idx.msk [tilespmem:v8+s25+$0x0], $0xffff  }
0x122: {  	v19 =	vld [tilespmem:$0x1FE20];
	_ =	sdelay $0x2  }
0x123: {  	v1 =	vmul.f32 v1, v2  }
0x124: {  	v7 =	vadd.s32 s22, v13;
	v4 =	vpop (erf);
	v3 =	vmul.f32 v3, v2  }
0x125: {  	v9 =	vadd.s32 s22, v19;
	[tilespmem:s24+$0x3990] =	vst v0;
	v8 =	vpop (erf);
	v1 =	vmul.f32 v1, v4  }
0x126: {  	[tilespmem:s24+$0x3910] =	vst v36;
	v3 =	vmul.f32 v3, v8  }
0x127: {  	[tilespmem:s24+$0x3810] =	vst v1  }
0x128: {  	v23 =	vld [tilespmem:$0x1FE70];
	[tilespmem:s24+$0x3890] =	vst v3  }
0x129: {  	v1 =	vld.idx.msk [tilespmem:v7+s25+$0x0], $0xffff  }
0x12a: {  	v3 =	vld.idx.msk [tilespmem:v9+s25+$0x0], $0xffff;
	_ =	sdelay $0x2  }
0x12b: {  	v7 =	vadd.s32 s22, v23  }
0x12c: {  	v27 =	vld [tilespmem:$0x1FE90];
	v1 =	vadd.f32 v1, v5  }
0x12d: {  	v3 =	vadd.f32 v3, v6  }
0x12e: {  	[tilespmem:s24+$0x3620] =	vst v1  }
0x12f: {  	[tilespmem:s24+$0x36A0] =	vst v3  }
0x130: {  	v1 =	vld.idx.msk [tilespmem:v7+s25+$0x0], $0xffff  }
0x131: {  	v3 =	vadd.s32 s22, v27  }
0x132: {  	v31 =	vld [tilespmem:$0x1FEB0]  }
0x133: {  	v35 =	vld [tilespmem:$0x1FED0];
	_ =	sdelay $0x1  }
0x134: {  	[tilespmem:s24+$0x3720] =	vst v1  }
0x135: {  	v1 =	vld.idx.msk [tilespmem:v3+s25+$0x0], $0xffff  }
0x136: {  	v3 =	vadd.s32 s22, v31  }
0x137: {  	v7 =	vadd.s32 s22, v35;
	_ =	sdelay $0x1  }
0x138: {  	v16 =	vld [tilespmem:$0x1FE30]  }
0x139: {  	v20 =	vld [tilespmem:$0x1FE60];
	[tilespmem:s24+$0x37A0] =	vst v1  }
0x13a: {  	v1 =	vld.idx.msk [tilespmem:v3+s25+$0x0], $0xffff  }
0x13b: {  	v3 =	vld.idx.msk [tilespmem:v7+s25+$0x0], $0xffff;
	_ =	sdelay $0x2  }
0x13c: {  	v7 =	vadd.s32 s22, v16  }
0x13d: {  	v9 =	vadd.s32 s22, v20;
	[tilespmem:s24+$0x39A0] =	vst v0;
	v1 =	vmul.f32 v1, v4  }
0x13e: {  	[tilespmem:s24+$0x3920] =	vst v0;
	v3 =	vmul.f32 v3, v8  }
0x13f: {  	[tilespmem:s24+$0x3820] =	vst v1  }
0x140: {  	v24 =	vld [tilespmem:$0x1FF00];
	[tilespmem:s24+$0x38A0] =	vst v3  }
0x141: {  	v1 =	vld.idx.msk [tilespmem:v7+s25+$0x0], $0xffff  }
0x142: {  	v3 =	vld.idx.msk [tilespmem:v9+s25+$0x0], $0xffff;
	_ =	sdelay $0x2  }
0x143: {  	v7 =	vadd.s32 s22, v24  }
0x144: {  	v28 =	vld [tilespmem:$0x1FF50];
	v1 =	vadd.f32 v1, v5  }
0x145: {  	v3 =	vadd.f32 v3, v6  }
0x146: {  	[tilespmem:s24+$0x3630] =	vst v1  }
0x147: {  	[tilespmem:s24+$0x36B0] =	vst v3  }
0x148: {  	v1 =	vld.idx.msk [tilespmem:v7+s25+$0x0], $0xffff  }
0x149: {  	v3 =	vadd.s32 s22, v28  }
0x14a: {  	v32 =	vld [tilespmem:$0x1FF60]  }
0x14b: {  	v37 =	vld [tilespmem:$0x1FF70];
	_ =	sdelay $0x1  }
0x14c: {  	[tilespmem:s24+$0x3730] =	vst v1  }
0x14d: {  	v1 =	vld.idx.msk [tilespmem:v3+s25+$0x0], $0xffff  }
0x14e: {  	v3 =	vadd.s32 s22, v32  }
0x14f: {  	v7 =	vadd.s32 s22, v37;
	_ =	sdelay $0x2  }
0x150: {  	v40 =	vld [tilespmem:$0x1FF80];
	[tilespmem:s24+$0x37B0] =	vst v1  }
0x151: {  	v1 =	vld.idx.msk [tilespmem:v3+s25+$0x0], $0xffff  }
0x152: {  	v3 =	vld.idx.msk [tilespmem:v7+s25+$0x0], $0xffff;
	_ =	sdelay $0x2  }
0x153: {  	v7 =	vadd.s32 s22, v40  }
0x154: {  	v1 =	vmul.f32 v1, v4  }
0x155: {  	[tilespmem:s24+$0x3930] =	vst v38;
	v3 =	vmul.f32 v3, v8  }
0x156: {  	v17 =	vld [tilespmem:$0x1FF90];
	[tilespmem:s24+$0x3830] =	vst v1  }
0x157: {  	v21 =	vld [tilespmem:$0x1FFA0];
	[tilespmem:s24+$0x38B0] =	vst v3  }
0x158: {  	v1 =	vld.idx.msk [tilespmem:v7+s25+$0x0], $0xffff;
	_ =	sdelay $0x2  }
0x159: {  	v3 =	vadd.s32 s22, v17  }
0x15a: {  	v7 =	vadd.s32 s22, v21  }
0x15b: {  	v1 =	vmul.f32 v1, v2;
	_ =	sdelay $0x1  }
0x15c: {  	v25 =	vld [tilespmem:$0x1FFB0];
	[tilespmem:s24+$0x39B0] =	vst v1  }
0x15d: {  	v1 =	vld.idx.msk [tilespmem:v3+s25+$0x0], $0xffff  }
0x15e: {  	v3 =	vld.idx.msk [tilespmem:v7+s25+$0x0], $0xffff;
	_ =	sdelay $0x2  }
0x15f: {  	v7 =	vadd.s32 s22, v25  }
0x160: {  	v29 =	vld [tilespmem:$0x1FFC0];
	v1 =	vadd.f32 v1, v5  }
0x161: {  	v3 =	vadd.f32 v3, v6  }
0x162: {  	[tilespmem:s24+$0x3640] =	vst v1  }
0x163: {  	[tilespmem:s24+$0x36C0] =	vst v3  }
0x164: {  	v1 =	vld.idx.msk [tilespmem:v7+s25+$0x0], $0xffff  }
0x165: {  	v3 =	vadd.s32 s22, v29  }
0x166: {  	v33 =	vld [tilespmem:$0x1FFD0]  }
0x167: {  	v39 =	vld [tilespmem:$0x1FFE0];
	_ =	sdelay $0x1  }
0x168: {  	[tilespmem:s24+$0x3740] =	vst v1  }
0x169: {  	v1 =	vld.idx.msk [tilespmem:v3+s25+$0x0], $0xffff  }
0x16a: {  	v3 =	vadd.s32 s22, v33  }
0x16b: {  	v5 =	vadd.s32 s22, v39;
	_ =	sdelay $0x2  }
0x16c: {  	v41 =	vld [tilespmem:$0x1FFF0];
	[tilespmem:s24+$0x37C0] =	vst v1  }
0x16d: {  	v3 =	vld.idx.msk [tilespmem:v3+s25+$0x0], $0xffff  }
0x16e: {  	v5 =	vld.idx.msk [tilespmem:v5+s25+$0x0], $0xffff;
	_ =	sdelay $0x2  }
0x16f: {  	v1 =	vadd.s32 s22, v41  }
0x170: {  	v4 =	vmul.f32 v3, v4  }
0x171: {  	s3 =	simm.s32 $0x40;
	s4 =	simm.s32 $0x0;
	[tilespmem:s24+$0x3940] =	vst v10;
	v10 =	vimm.f32 $1.000000000e+00;
	v3 =	vmul.f32 v5, v8  }
.LBB2_4:
0x172: {  	p0 =	sne.s32 s3, $0x3C0;
	[tilespmem:s24+$0x3840] =	vst v4;
	s22 =	sadd.s32 $0xA1, s22;
	s4 =	sadd.s32 $0x200, s4  }
0x173: {  	s5 =	smov.u32 s3;
	s3 =	sadd.s32 $0x40, s3;
	[tilespmem:s24+$0x38C0] =	vst v3  }
0x174: {  	v1 =	vld.idx.msk [tilespmem:v1+s25+$0x0], $0xffff;
	_ =	sdelay $0x1  }
0x175: {  	v3 =	vadd.s32 s22, v11;
	v4 =	vadd.s32 s22, v18  }
0x176: {  	v5 =	vmov s22  }
0x177: {  	v6 =	vadd.s32 $0x1, v5;
	v7 =	vadd.s32 $0x2, v5  }
0x178: {  	v9 =	vadd.s32 $0x3, v5  }
0x179: {  	[tilespmem:s24+$0x39C0] =	vst v1  }
0x17a: {  	v1 =	vld.idx.msk [tilespmem:v3+s25+$0x0], $0xffff  }
0x17b: {  	v3 =	vld.idx.msk [tilespmem:v4+s25+$0x0], $0xffff  }
0x17c: {  	v8 =	vld.idx.msk [tilespmem:v7+s25+$0x0], $0xffff  }
0x17d: {  	v12 =	vld.idx.msk [tilespmem:v9+s25+$0x0], $0xffff;
	_ =	sdelay $0x2  }
0x17e: {  	v4 =	vadd.s32 s22, v22;
	v1 =	vmul.f32 v1, v2  }
0x17f: {  	v3 =	vmul.f32 v3, v2  }
0x180: {  	s5 =	sand.u32 $0x40, s5;
	s24 =	sand.u32 $0x1C00, s4;
	v1 =	vadd.f32 v1, v8;
	v5 =	vld.idx.msk [tilespmem:v5+s25+$0x0], $0xffff  }
0x181: {  	s24 =	sor.u32 s5, s24;
	v3 =	vadd.f32 v3, v12;
	v6 =	vld.idx.msk [tilespmem:v6+s25+$0x0], $0xffff  }
0x182: {  	[tilespmem:s24+$0x3610] =	vst v1  }
0x183: {  	[tilespmem:s24+$0x3690] =	vst v3  }
0x184: {  	v1 =	vld.idx.msk [tilespmem:v4+s25+$0x0], $0xffff  }
0x185: {  	v3 =	vadd.s32 s22, v26  }
0x186: {  	v4 =	vadd.f32 $1.000000050e-03, v5;
	_ =	sdelay $0x3  }
0x187: {  	[tilespmem:s24+$0x3710] =	vst v1  }
0x188: {  	v1 =	vld.idx.msk [tilespmem:v3+s25+$0x0], $0xffff;
	_ =	sdelay $0x1  }
0x189: {  	v5 =	vadd.s32 s22, v30;
	v3 =	vadd.f32 $1.000000050e-03, v6;
	v6 =	vadd.s32 s22, v34  }
0x18a: {  	(erf) = vrcp.f32 v4  }
0x18b: {  	(erf) = vrcp.f32 v3;
	_ =	sdelay $0x1  }
0x18c: {  	[tilespmem:s24+$0x3790] =	vst v1  }
0x18d: {  	v1 =	vld.idx.msk [tilespmem:v5+s25+$0x0], $0xffff  }
0x18e: {  	v3 =	vld.idx.msk [tilespmem:v6+s25+$0x0], $0xffff;
	_ =	sdelay $0x3  }
0x18f: {  	v14 =	vpop (erf)  }
0x190: {  	v1 =	vmul.f32 v1, v2;
	v15 =	vpop (erf)  }
0x191: {  	v4 =	vadd.s32 s22, v13;
	v5 =	vadd.s32 s22, v19;
	v3 =	vmul.f32 v3, v2  }
0x192: {  	v1 =	vmul.f32 v1, v14;
	[tilespmem:s24+$0x3990] =	vst v0  }
0x193: {  	v3 =	vmul.f32 v3, v15;
	[tilespmem:s24+$0x3910] =	vst v36  }
0x194: {  	[tilespmem:s24+$0x3810] =	vst v1  }
0x195: {  	[tilespmem:s24+$0x3890] =	vst v3  }
0x196: {  	v1 =	vld.idx.msk [tilespmem:v4+s25+$0x0], $0xffff  }
0x197: {  	v3 =	vld.idx.msk [tilespmem:v5+s25+$0x0], $0xffff  }
0x198: {  	v4 =	vadd.s32 s22, v23;
	_ =	sdelay $0x3  }
0x199: {  	v1 =	vadd.f32 v1, v8  }
0x19a: {  	v3 =	vadd.f32 v3, v12  }
0x19b: {  	[tilespmem:s24+$0x3620] =	vst v1  }
0x19c: {  	v1 =	vadd.s32 s22, v27;
	[tilespmem:s24+$0x36A0] =	vst v3  }
0x19d: {  	v3 =	vld.idx.msk [tilespmem:v4+s25+$0x0], $0xffff;
	_ =	sdelay $0x5  }
0x19e: {  	[tilespmem:s24+$0x3720] =	vst v3  }
0x19f: {  	v1 =	vld.idx.msk [tilespmem:v1+s25+$0x0], $0xffff;
	_ =	sdelay $0x1  }
0x1a0: {  	v4 =	vadd.s32 s22, v35;
	v3 =	vadd.s32 s22, v31;
	_ =	sdelay $0x3  }
0x1a1: {  	[tilespmem:s24+$0x37A0] =	vst v1  }
0x1a2: {  	v1 =	vld.idx.msk [tilespmem:v3+s25+$0x0], $0xffff  }
0x1a3: {  	v3 =	vld.idx.msk [tilespmem:v4+s25+$0x0], $0xffff;
	_ =	sdelay $0x3  }
0x1a4: {  	v5 =	vadd.s32 s22, v20;
	v4 =	vadd.s32 s22, v16  }
0x1a5: {  	v1 =	vmul.f32 v1, v14;
	[tilespmem:s24+$0x39A0] =	vst v0  }
0x1a6: {  	v3 =	vmul.f32 v3, v15;
	[tilespmem:s24+$0x3920] =	vst v0  }
0x1a7: {  	[tilespmem:s24+$0x3820] =	vst v1  }
0x1a8: {  	[tilespmem:s24+$0x38A0] =	vst v3  }
0x1a9: {  	v3 =	vadd.s32 s22, v24;
	v1 =	vld.idx.msk [tilespmem:v4+s25+$0x0], $0xffff  }
0x1aa: {  	v4 =	vld.idx.msk [tilespmem:v5+s25+$0x0], $0xffff;
	_ =	sdelay $0x4  }
0x1ab: {  	v1 =	vadd.f32 v1, v8  }
0x1ac: {  	v5 =	vadd.s32 s22, v28;
	v4 =	vadd.f32 v4, v12  }
0x1ad: {  	[tilespmem:s24+$0x3630] =	vst v1  }
0x1ae: {  	[tilespmem:s24+$0x36B0] =	vst v4  }
0x1af: {  	v1 =	vld.idx.msk [tilespmem:v3+s25+$0x0], $0xffff;
	_ =	sdelay $0x5  }
0x1b0: {  	[tilespmem:s24+$0x3730] =	vst v1  }
0x1b1: {  	v1 =	vld.idx.msk [tilespmem:v5+s25+$0x0], $0xffff;
	_ =	sdelay $0x1  }
0x1b2: {  	v4 =	vadd.s32 s22, v37;
	v3 =	vadd.s32 s22, v32;
	_ =	sdelay $0x3  }
0x1b3: {  	[tilespmem:s24+$0x37B0] =	vst v1;
	v1 =	vadd.s32 s22, v40  }
0x1b4: {  	v3 =	vld.idx.msk [tilespmem:v3+s25+$0x0], $0xffff  }
0x1b5: {  	v4 =	vld.idx.msk [tilespmem:v4+s25+$0x0], $0xffff  }
0x1b6: {  	[tilespmem:s24+$0x3930] =	vst v38;
	_ =	sdelay $0x3  }
0x1b7: {  	v3 =	vmul.f32 v3, v14  }
0x1b8: {  	v4 =	vmul.f32 v4, v15  }
0x1b9: {  	[tilespmem:s24+$0x3830] =	vst v3  }
0x1ba: {  	[tilespmem:s24+$0x38B0] =	vst v4  }
0x1bb: {  	v1 =	vld.idx.msk [tilespmem:v1+s25+$0x0], $0xffff;
	_ =	sdelay $0x3  }
0x1bc: {  	v3 =	vadd.s32 s22, v17;
	v4 =	vadd.s32 s22, v21;
	_ =	sdelay $0x1  }
0x1bd: {  	v1 =	vmul.f32 v1, v2  }
0x1be: {  	v5 =	vadd.s32 s22, v25  }
0x1bf: {  	[tilespmem:s24+$0x39B0] =	vst v1  }
0x1c0: {  	v1 =	vld.idx.msk [tilespmem:v3+s25+$0x0], $0xffff  }
0x1c1: {  	v3 =	vld.idx.msk [tilespmem:v4+s25+$0x0], $0xffff;
	_ =	sdelay $0x3  }
0x1c2: {  	v4 =	vadd.s32 s22, v29  }
0x1c3: {  	v1 =	vadd.f32 v1, v8  }
0x1c4: {  	v3 =	vadd.f32 v3, v12  }
0x1c5: {  	[tilespmem:s24+$0x3640] =	vst v1  }
0x1c6: {  	[tilespmem:s24+$0x36C0] =	vst v3  }
0x1c7: {  	v1 =	vld.idx.msk [tilespmem:v5+s25+$0x0], $0xffff;
	_ =	sdelay $0x5  }
0x1c8: {  	[tilespmem:s24+$0x3740] =	vst v1  }
0x1c9: {  	v3 =	vld.idx.msk [tilespmem:v4+s25+$0x0], $0xffff;
	_ =	sdelay $0x1  }
0x1ca: {  	v5 =	vadd.s32 s22, v39;
	v4 =	vadd.s32 s22, v33;
	_ =	sdelay $0x1  }
0x1cb: {  	v1 =	vadd.s32 s22, v41;
	_ =	sdelay $0x1  }
0x1cc: {  	[tilespmem:s24+$0x37C0] =	vst v3  }
0x1cd: {  	v3 =	vld.idx.msk [tilespmem:v4+s25+$0x0], $0xffff  }
0x1ce: {  	v5 =	vld.idx.msk [tilespmem:v5+s25+$0x0], $0xffff  }
0x1cf: {  	[tilespmem:s24+$0x3940] =	vst v10  }
.Ltmp1:
0x1d0: {  	(pc) =	sbr.rel @p0 .LBB2_4-.Ltmp1, $3  }
0x1d1: {  	_ =	sdelay $0x1  }
0x1d2: {  	v4 =	vmul.f32 v3, v14  }
0x1d3: {  	v3 =	vmul.f32 v5, v15  }
0x1d4: {  	_ =	sdelay $0x1  }
0x1d5: {  	[tilespmem:s24+$0x3840] =	vst v4  }
0x1d6: {  	[tilespmem:s24+$0x38C0] =	vst v3  }
0x1d7: {  	v1 =	vld.idx.msk [tilespmem:v1+s25+$0x0], $0xffff;
	_ =	sdelay $0x4  }
0x1d8: {  	s22 =	simm.s32 $0x0;
	[tilespmem:s24+$0x39C0] =	vst v1  }
0x1d9: {  	[hbm4b:s9+s22] =	stream.linear.scatter [tilespmem:s30], [sflag:$0x4], $0x2000, $0x38;
	[tilespmem:$0x5610] =	vst v63  }
0x1da: {  	_ = 	snop  }
0x1db: {  	[tilespmem:s25], [sflag:$0x2] =	stream.linear.gather [hbm4b:s10+s22], $0xA10, $0x38;
	[tilespmem:$0x5610] =	vst v63  }
0x1dc: {  	_ =	swait.ge [sflag:s26], $0xA10  }
0x1dd: {  	v1 =	vadd.s32 s22, v11;
	[sflag:s26] =	ssyncset.done $0x0  }
0x1de: {  	v3 =	vadd.s32 s22, v18;
	v4 =	vmov s22;
	[sflag:s26] =	ssyncadd.s32 $0xFFFFF5F0  }
0x1df: {  	v5 =	vadd.s32 $0x2, v4;
	_ =	swait.ge [sflag:s31], $0x2000  }
0x1e0: {  	v6 =	vadd.s32 $0x3, v4;
	[sflag:s31] =	ssyncset.done $0x0  }
0x1e1: {  	[sflag:s31] =	ssyncadd.s32 $0xFFFFE000  }
0x1e2: {  	v1 =	vld.idx.msk [tilespmem:v1+s2+$0x0], $0xffff  }
0x1e3: {  	v3 =	vld.idx.msk [tilespmem:v3+s2+$0x0], $0xffff  }
0x1e4: {  	v5 =	vld.idx.msk [tilespmem:v5+s2+$0x0], $0xffff  }
0x1e5: {  	v6 =	vld.idx.msk [tilespmem:v6+s2+$0x0], $0xffff  }
0x1e6: {  	v7 =	vadd.s32 $0x1, v4  }
0x1e7: {  	v1 =	vmul.f32 v1, v2  }
0x1e8: {  	v8 =	vadd.s32 s22, v22;
	v3 =	vmul.f32 v3, v2  }
0x1e9: {  	s3 =	sand.u32 $0x1C00, s22;
	s4 =	sand.u32 $0x40, s22;
	v1 =	vadd.f32 v1, v5  }
0x1ea: {  	s24 =	sor.u32 s4, s3;
	v4 =	vld.idx.msk [tilespmem:v4+s2+$0x0], $0xffff;
	v3 =	vadd.f32 v3, v6  }
0x1eb: {  	v7 =	vld.idx.msk [tilespmem:v7+s2+$0x0], $0xffff;
	[tilespmem:s24+$0x1610] =	vst v1  }
0x1ec: {  	[tilespmem:s24+$0x1690] =	vst v3  }
0x1ed: {  	v1 =	vld.idx.msk [tilespmem:v8+s2+$0x0], $0xffff  }
0x1ee: {  	v3 =	vadd.s32 s22, v26;
	_ =	sdelay $0x3  }
0x1ef: {  	[tilespmem:s24+$0x1710] =	vst v1  }
0x1f0: {  	v1 =	vld.idx.msk [tilespmem:v3+s2+$0x0], $0xffff  }
0x1f1: {  	v3 =	vadd.f32 $1.000000050e-03, v4;
	v4 =	vadd.s32 s22, v30  }
0x1f2: {  	v7 =	vadd.f32 $1.000000050e-03, v7;
	v8 =	vadd.s32 s22, v34  }
0x1f3: {  	(erf) = vrcp.f32 v3  }
0x1f4: {  	(erf) = vrcp.f32 v7  }
0x1f5: {  	[tilespmem:s24+$0x1790] =	vst v1  }
0x1f6: {  	v1 =	vld.idx.msk [tilespmem:v4+s2+$0x0], $0xffff  }
0x1f7: {  	v3 =	vld.idx.msk [tilespmem:v8+s2+$0x0], $0xffff;
	_ =	sdelay $0x3  }
0x1f8: {  	v1 =	vmul.f32 v1, v2  }
0x1f9: {  	v7 =	vadd.s32 s22, v13;
	v4 =	vpop (erf);
	v3 =	vmul.f32 v3, v2  }
0x1fa: {  	v9 =	vadd.s32 s22, v19;
	[tilespmem:s24+$0x1990] =	vst v0;
	v8 =	vpop (erf);
	v1 =	vmul.f32 v1, v4  }
0x1fb: {  	[tilespmem:s24+$0x1910] =	vst v36;
	v3 =	vmul.f32 v3, v8  }
0x1fc: {  	[tilespmem:s24+$0x1810] =	vst v1  }
0x1fd: {  	[tilespmem:s24+$0x1890] =	vst v3  }
0x1fe: {  	v1 =	vld.idx.msk [tilespmem:v7+s2+$0x0], $0xffff  }
0x1ff: {  	v3 =	vld.idx.msk [tilespmem:v9+s2+$0x0], $0xffff;
	_ =	sdelay $0x2  }
0x200: {  	v7 =	vadd.s32 s22, v23  }
0x201: {  	v1 =	vadd.f32 v1, v5  }
0x202: {  	v3 =	vadd.f32 v3, v6  }
0x203: {  	[tilespmem:s24+$0x1620] =	vst v1  }
0x204: {  	[tilespmem:s24+$0x16A0] =	vst v3  }
0x205: {  	v1 =	vld.idx.msk [tilespmem:v7+s2+$0x0], $0xffff  }
0x206: {  	v3 =	vadd.s32 s22, v27;
	_ =	sdelay $0x3  }
0x207: {  	[tilespmem:s24+$0x1720] =	vst v1  }
0x208: {  	v1 =	vld.idx.msk [tilespmem:v3+s2+$0x0], $0xffff  }
0x209: {  	v3 =	vadd.s32 s22, v31  }
0x20a: {  	v7 =	vadd.s32 s22, v35;
	_ =	sdelay $0x2  }
0x20b: {  	[tilespmem:s24+$0x17A0] =	vst v1  }
0x20c: {  	v1 =	vld.idx.msk [tilespmem:v3+s2+$0x0], $0xffff  }
0x20d: {  	v3 =	vld.idx.msk [tilespmem:v7+s2+$0x0], $0xffff;
	_ =	sdelay $0x2  }
0x20e: {  	v7 =	vadd.s32 s22, v16  }
0x20f: {  	v9 =	vadd.s32 s22, v20;
	[tilespmem:s24+$0x19A0] =	vst v0;
	v1 =	vmul.f32 v1, v4  }
0x210: {  	[tilespmem:s24+$0x1920] =	vst v0;
	v3 =	vmul.f32 v3, v8  }
0x211: {  	[tilespmem:s24+$0x1820] =	vst v1  }
0x212: {  	[tilespmem:s24+$0x18A0] =	vst v3  }
0x213: {  	v1 =	vld.idx.msk [tilespmem:v7+s2+$0x0], $0xffff  }
0x214: {  	v3 =	vld.idx.msk [tilespmem:v9+s2+$0x0], $0xffff;
	_ =	sdelay $0x2  }
0x215: {  	v7 =	vadd.s32 s22, v24  }
0x216: {  	v1 =	vadd.f32 v1, v5  }
0x217: {  	v3 =	vadd.f32 v3, v6  }
0x218: {  	[tilespmem:s24+$0x1630] =	vst v1  }
0x219: {  	[tilespmem:s24+$0x16B0] =	vst v3  }
0x21a: {  	v1 =	vld.idx.msk [tilespmem:v7+s2+$0x0], $0xffff  }
0x21b: {  	v3 =	vadd.s32 s22, v28;
	_ =	sdelay $0x3  }
0x21c: {  	[tilespmem:s24+$0x1730] =	vst v1  }
0x21d: {  	v1 =	vld.idx.msk [tilespmem:v3+s2+$0x0], $0xffff  }
0x21e: {  	v3 =	vadd.s32 s22, v32  }
0x21f: {  	v7 =	vadd.s32 s22, v37;
	_ =	sdelay $0x2  }
0x220: {  	[tilespmem:s24+$0x17B0] =	vst v1  }
0x221: {  	v1 =	vld.idx.msk [tilespmem:v3+s2+$0x0], $0xffff  }
0x222: {  	v3 =	vld.idx.msk [tilespmem:v7+s2+$0x0], $0xffff;
	_ =	sdelay $0x2  }
0x223: {  	v7 =	vadd.s32 s22, v40  }
0x224: {  	v1 =	vmul.f32 v1, v4  }
0x225: {  	[tilespmem:s24+$0x1930] =	vst v38;
	v3 =	vmul.f32 v3, v8  }
0x226: {  	[tilespmem:s24+$0x1830] =	vst v1  }
0x227: {  	[tilespmem:s24+$0x18B0] =	vst v3  }
0x228: {  	v1 =	vld.idx.msk [tilespmem:v7+s2+$0x0], $0xffff;
	_ =	sdelay $0x2  }
0x229: {  	v3 =	vadd.s32 s22, v17  }
0x22a: {  	v7 =	vadd.s32 s22, v21  }
0x22b: {  	v1 =	vmul.f32 v1, v2;
	_ =	sdelay $0x1  }
0x22c: {  	[tilespmem:s24+$0x19B0] =	vst v1  }
0x22d: {  	v1 =	vld.idx.msk [tilespmem:v3+s2+$0x0], $0xffff  }
0x22e: {  	v3 =	vld.idx.msk [tilespmem:v7+s2+$0x0], $0xffff;
	_ =	sdelay $0x2  }
0x22f: {  	v7 =	vadd.s32 s22, v25  }
0x230: {  	v1 =	vadd.f32 v1, v5  }
0x231: {  	v3 =	vadd.f32 v3, v6  }
0x232: {  	[tilespmem:s24+$0x1640] =	vst v1  }
0x233: {  	[tilespmem:s24+$0x16C0] =	vst v3  }
0x234: {  	v1 =	vld.idx.msk [tilespmem:v7+s2+$0x0], $0xffff  }
0x235: {  	v3 =	vadd.s32 s22, v29;
	_ =	sdelay $0x3  }
0x236: {  	[tilespmem:s24+$0x1740] =	vst v1  }
0x237: {  	v1 =	vld.idx.msk [tilespmem:v3+s2+$0x0], $0xffff  }
0x238: {  	v3 =	vadd.s32 s22, v33  }
0x239: {  	v5 =	vadd.s32 s22, v39;
	_ =	sdelay $0x2  }
0x23a: {  	[tilespmem:s24+$0x17C0] =	vst v1  }
0x23b: {  	v3 =	vld.idx.msk [tilespmem:v3+s2+$0x0], $0xffff  }
0x23c: {  	v5 =	vld.idx.msk [tilespmem:v5+s2+$0x0], $0xffff;
	_ =	sdelay $0x2  }
0x23d: {  	v1 =	vadd.s32 s22, v41  }
0x23e: {  	v4 =	vmul.f32 v3, v4  }
0x23f: {  	s3 =	simm.s32 $0x40;
	s4 =	simm.s32 $0x0;
	[tilespmem:s24+$0x1940] =	vst v10;
	v3 =	vmul.f32 v5, v8  }
.LBB2_6:
0x240: {  	p0 =	sne.s32 s3, $0x3C0;
	[tilespmem:s24+$0x1840] =	vst v4;
	s22 =	sadd.s32 $0xA1, s22;
	s4 =	sadd.s32 $0x200, s4  }
0x241: {  	s5 =	smov.u32 s3;
	s3 =	sadd.s32 $0x40, s3;
	[tilespmem:s24+$0x18C0] =	vst v3  }
0x242: {  	v1 =	vld.idx.msk [tilespmem:v1+s2+$0x0], $0xffff;
	_ =	sdelay $0x1  }
0x243: {  	v3 =	vadd.s32 s22, v11;
	v4 =	vadd.s32 s22, v18  }
0x244: {  	v5 =	vmov s22  }
0x245: {  	v6 =	vadd.s32 $0x1, v5;
	v7 =	vadd.s32 $0x2, v5  }
0x246: {  	v9 =	vadd.s32 $0x3, v5  }
0x247: {  	[tilespmem:s24+$0x19C0] =	vst v1  }
0x248: {  	v1 =	vld.idx.msk [tilespmem:v3+s2+$0x0], $0xffff  }
0x249: {  	v3 =	vld.idx.msk [tilespmem:v4+s2+$0x0], $0xffff  }
0x24a: {  	v8 =	vld.idx.msk [tilespmem:v7+s2+$0x0], $0xffff  }
0x24b: {  	v12 =	vld.idx.msk [tilespmem:v9+s2+$0x0], $0xffff;
	_ =	sdelay $0x2  }
0x24c: {  	v4 =	vadd.s32 s22, v22;
	v1 =	vmul.f32 v1, v2  }
0x24d: {  	v3 =	vmul.f32 v3, v2  }
0x24e: {  	s5 =	sand.u32 $0x40, s5;
	s24 =	sand.u32 $0x1C00, s4;
	v1 =	vadd.f32 v1, v8;
	v5 =	vld.idx.msk [tilespmem:v5+s2+$0x0], $0xffff  }
0x24f: {  	s24 =	sor.u32 s5, s24;
	v3 =	vadd.f32 v3, v12;
	v6 =	vld.idx.msk [tilespmem:v6+s2+$0x0], $0xffff  }
0x250: {  	[tilespmem:s24+$0x1610] =	vst v1  }
0x251: {  	[tilespmem:s24+$0x1690] =	vst v3  }
0x252: {  	v1 =	vld.idx.msk [tilespmem:v4+s2+$0x0], $0xffff  }
0x253: {  	v3 =	vadd.s32 s22, v26  }
0x254: {  	v4 =	vadd.f32 $1.000000050e-03, v5;
	_ =	sdelay $0x3  }
0x255: {  	[tilespmem:s24+$0x1710] =	vst v1  }
0x256: {  	v1 =	vld.idx.msk [tilespmem:v3+s2+$0x0], $0xffff;
	_ =	sdelay $0x1  }
0x257: {  	v5 =	vadd.s32 s22, v30;
	v3 =	vadd.f32 $1.000000050e-03, v6;
	v6 =	vadd.s32 s22, v34  }
0x258: {  	(erf) = vrcp.f32 v4  }
0x259: {  	(erf) = vrcp.f32 v3;
	_ =	sdelay $0x1  }
0x25a: {  	[tilespmem:s24+$0x1790] =	vst v1  }
0x25b: {  	v1 =	vld.idx.msk [tilespmem:v5+s2+$0x0], $0xffff  }
0x25c: {  	v3 =	vld.idx.msk [tilespmem:v6+s2+$0x0], $0xffff;
	_ =	sdelay $0x3  }
0x25d: {  	v14 =	vpop (erf)  }
0x25e: {  	v1 =	vmul.f32 v1, v2;
	v15 =	vpop (erf)  }
0x25f: {  	v4 =	vadd.s32 s22, v13;
	v5 =	vadd.s32 s22, v19;
	v3 =	vmul.f32 v3, v2  }
0x260: {  	v1 =	vmul.f32 v1, v14;
	[tilespmem:s24+$0x1990] =	vst v0  }
0x261: {  	v3 =	vmul.f32 v3, v15;
	[tilespmem:s24+$0x1910] =	vst v36  }
0x262: {  	[tilespmem:s24+$0x1810] =	vst v1  }
0x263: {  	[tilespmem:s24+$0x1890] =	vst v3  }
0x264: {  	v1 =	vld.idx.msk [tilespmem:v4+s2+$0x0], $0xffff  }
0x265: {  	v3 =	vld.idx.msk [tilespmem:v5+s2+$0x0], $0xffff  }
0x266: {  	v4 =	vadd.s32 s22, v23;
	_ =	sdelay $0x3  }
0x267: {  	v1 =	vadd.f32 v1, v8  }
0x268: {  	v3 =	vadd.f32 v3, v12  }
0x269: {  	[tilespmem:s24+$0x1620] =	vst v1  }
0x26a: {  	v1 =	vadd.s32 s22, v27;
	[tilespmem:s24+$0x16A0] =	vst v3  }
0x26b: {  	v3 =	vld.idx.msk [tilespmem:v4+s2+$0x0], $0xffff;
	_ =	sdelay $0x5  }
0x26c: {  	[tilespmem:s24+$0x1720] =	vst v3  }
0x26d: {  	v1 =	vld.idx.msk [tilespmem:v1+s2+$0x0], $0xffff;
	_ =	sdelay $0x1  }
0x26e: {  	v4 =	vadd.s32 s22, v35;
	v3 =	vadd.s32 s22, v31;
	_ =	sdelay $0x3  }
0x26f: {  	[tilespmem:s24+$0x17A0] =	vst v1  }
0x270: {  	v1 =	vld.idx.msk [tilespmem:v3+s2+$0x0], $0xffff  }
0x271: {  	v3 =	vld.idx.msk [tilespmem:v4+s2+$0x0], $0xffff;
	_ =	sdelay $0x3  }
0x272: {  	v5 =	vadd.s32 s22, v20;
	v4 =	vadd.s32 s22, v16  }
0x273: {  	v1 =	vmul.f32 v1, v14;
	[tilespmem:s24+$0x19A0] =	vst v0  }
0x274: {  	v3 =	vmul.f32 v3, v15;
	[tilespmem:s24+$0x1920] =	vst v0  }
0x275: {  	[tilespmem:s24+$0x1820] =	vst v1  }
0x276: {  	[tilespmem:s24+$0x18A0] =	vst v3  }
0x277: {  	v3 =	vadd.s32 s22, v24;
	v1 =	vld.idx.msk [tilespmem:v4+s2+$0x0], $0xffff  }
0x278: {  	v4 =	vld.idx.msk [tilespmem:v5+s2+$0x0], $0xffff;
	_ =	sdelay $0x4  }
0x279: {  	v1 =	vadd.f32 v1, v8  }
0x27a: {  	v5 =	vadd.s32 s22, v28;
	v4 =	vadd.f32 v4, v12  }
0x27b: {  	[tilespmem:s24+$0x1630] =	vst v1  }
0x27c: {  	[tilespmem:s24+$0x16B0] =	vst v4  }
0x27d: {  	v1 =	vld.idx.msk [tilespmem:v3+s2+$0x0], $0xffff;
	_ =	sdelay $0x5  }
0x27e: {  	[tilespmem:s24+$0x1730] =	vst v1  }
0x27f: {  	v1 =	vld.idx.msk [tilespmem:v5+s2+$0x0], $0xffff;
	_ =	sdelay $0x1  }
0x280: {  	v4 =	vadd.s32 s22, v37;
	v3 =	vadd.s32 s22, v32;
	_ =	sdelay $0x3  }
0x281: {  	[tilespmem:s24+$0x17B0] =	vst v1;
	v1 =	vadd.s32 s22, v40  }
0x282: {  	v3 =	vld.idx.msk [tilespmem:v3+s2+$0x0], $0xffff  }
0x283: {  	v4 =	vld.idx.msk [tilespmem:v4+s2+$0x0], $0xffff  }
0x284: {  	[tilespmem:s24+$0x1930] =	vst v38;
	_ =	sdelay $0x3  }
0x285: {  	v3 =	vmul.f32 v3, v14  }
0x286: {  	v4 =	vmul.f32 v4, v15  }
0x287: {  	[tilespmem:s24+$0x1830] =	vst v3  }
0x288: {  	[tilespmem:s24+$0x18B0] =	vst v4  }
0x289: {  	v1 =	vld.idx.msk [tilespmem:v1+s2+$0x0], $0xffff;
	_ =	sdelay $0x3  }
0x28a: {  	v3 =	vadd.s32 s22, v17;
	v4 =	vadd.s32 s22, v21;
	_ =	sdelay $0x1  }
0x28b: {  	v1 =	vmul.f32 v1, v2  }
0x28c: {  	v5 =	vadd.s32 s22, v25  }
0x28d: {  	[tilespmem:s24+$0x19B0] =	vst v1  }
0x28e: {  	v1 =	vld.idx.msk [tilespmem:v3+s2+$0x0], $0xffff  }
0x28f: {  	v3 =	vld.idx.msk [tilespmem:v4+s2+$0x0], $0xffff;
	_ =	sdelay $0x3  }
0x290: {  	v4 =	vadd.s32 s22, v29  }
0x291: {  	v1 =	vadd.f32 v1, v8  }
0x292: {  	v3 =	vadd.f32 v3, v12  }
0x293: {  	[tilespmem:s24+$0x1640] =	vst v1  }
0x294: {  	[tilespmem:s24+$0x16C0] =	vst v3  }
0x295: {  	v1 =	vld.idx.msk [tilespmem:v5+s2+$0x0], $0xffff;
	_ =	sdelay $0x5  }
0x296: {  	[tilespmem:s24+$0x1740] =	vst v1  }
0x297: {  	v3 =	vld.idx.msk [tilespmem:v4+s2+$0x0], $0xffff;
	_ =	sdelay $0x1  }
0x298: {  	v5 =	vadd.s32 s22, v39;
	v4 =	vadd.s32 s22, v33;
	_ =	sdelay $0x1  }
0x299: {  	v1 =	vadd.s32 s22, v41;
	_ =	sdelay $0x1  }
0x29a: {  	[tilespmem:s24+$0x17C0] =	vst v3  }
0x29b: {  	v3 =	vld.idx.msk [tilespmem:v4+s2+$0x0], $0xffff  }
0x29c: {  	v5 =	vld.idx.msk [tilespmem:v5+s2+$0x0], $0xffff  }
0x29d: {  	[tilespmem:s24+$0x1940] =	vst v10  }
.Ltmp2:
0x29e: {  	(pc) =	sbr.rel @p0 .LBB2_6-.Ltmp2, $3  }
0x29f: {  	_ =	sdelay $0x1  }
0x2a0: {  	v4 =	vmul.f32 v3, v14  }
0x2a1: {  	v3 =	vmul.f32 v5, v15  }
0x2a2: {  	_ =	sdelay $0x1  }
0x2a3: {  	[tilespmem:s24+$0x1840] =	vst v4  }
0x2a4: {  	[tilespmem:s24+$0x18C0] =	vst v3  }
0x2a5: {  	v1 =	vld.idx.msk [tilespmem:v1+s2+$0x0], $0xffff;
	_ =	sdelay $0x4  }
0x2a6: {  	s22 =	simm.s32 $0x0;
	[tilespmem:s24+$0x19C0] =	vst v1  }
0x2a7: {  	[hbm4b:s11+s22] =	stream.linear.scatter [tilespmem:s28], [sflag:$0x3], $0x2000, $0x38;
	[tilespmem:$0x5610] =	vst v63  }
0x2a8: {  	_ = 	snop  }
0x2a9: {  	[tilespmem:s22], [sflag:$0x1] =	stream.linear.gather [hbm4b:s12+s22], $0xA10, $0x38;
	[tilespmem:$0x5610] =	vst v63  }
0x2aa: {  	_ =	swait.ge [sflag:s29], $0xA10  }
0x2ab: {  	v1 =	vadd.s32 s22, v11;
	[sflag:s29] =	ssyncset.done $0x0  }
0x2ac: {  	v3 =	vadd.s32 s22, v18;
	v4 =	vmov s22;
	[sflag:s29] =	ssyncadd.s32 $0xFFFFF5F0  }
0x2ad: {  	v5 =	vadd.s32 $0x2, v4;
	_ =	swait.ge [sflag:s0], $0x2000  }
0x2ae: {  	v6 =	vadd.s32 $0x3, v4;
	[sflag:s0] =	ssyncset.done $0x0  }
0x2af: {  	[sflag:s0] =	ssyncadd.s32 $0xFFFFE000  }
0x2b0: {  	v1 =	vld.idx.msk [tilespmem:v1+s25+$0x0], $0xffff  }
0x2b1: {  	v3 =	vld.idx.msk [tilespmem:v3+s25+$0x0], $0xffff  }
0x2b2: {  	v5 =	vld.idx.msk [tilespmem:v5+s25+$0x0], $0xffff  }
0x2b3: {  	v6 =	vld.idx.msk [tilespmem:v6+s25+$0x0], $0xffff  }
0x2b4: {  	v7 =	vadd.s32 $0x1, v4  }
0x2b5: {  	v1 =	vmul.f32 v1, v2  }
0x2b6: {  	v8 =	vadd.s32 s22, v22;
	v3 =	vmul.f32 v3, v2  }
0x2b7: {  	s3 =	sand.u32 $0x1C00, s22;
	s4 =	sand.u32 $0x40, s22;
	v1 =	vadd.f32 v1, v5  }
0x2b8: {  	s24 =	sor.u32 s4, s3;
	v4 =	vld.idx.msk [tilespmem:v4+s25+$0x0], $0xffff;
	v3 =	vadd.f32 v3, v6  }
0x2b9: {  	v7 =	vld.idx.msk [tilespmem:v7+s25+$0x0], $0xffff;
	[tilespmem:s24+$0x3610] =	vst v1  }
0x2ba: {  	[tilespmem:s24+$0x3690] =	vst v3  }
0x2bb: {  	v1 =	vld.idx.msk [tilespmem:v8+s25+$0x0], $0xffff  }
0x2bc: {  	v3 =	vadd.s32 s22, v26;
	_ =	sdelay $0x3  }
0x2bd: {  	[tilespmem:s24+$0x3710] =	vst v1  }
0x2be: {  	v1 =	vld.idx.msk [tilespmem:v3+s25+$0x0], $0xffff  }
0x2bf: {  	v3 =	vadd.f32 $1.000000050e-03, v4;
	v4 =	vadd.s32 s22, v30  }
0x2c0: {  	v7 =	vadd.f32 $1.000000050e-03, v7;
	v8 =	vadd.s32 s22, v34  }
0x2c1: {  	(erf) = vrcp.f32 v3  }
0x2c2: {  	(erf) = vrcp.f32 v7  }
0x2c3: {  	[tilespmem:s24+$0x3790] =	vst v1  }
0x2c4: {  	v1 =	vld.idx.msk [tilespmem:v4+s25+$0x0], $0xffff  }
0x2c5: {  	v3 =	vld.idx.msk [tilespmem:v8+s25+$0x0], $0xffff;
	_ =	sdelay $0x3  }
0x2c6: {  	v1 =	vmul.f32 v1, v2  }
0x2c7: {  	v7 =	vadd.s32 s22, v13;
	v4 =	vpop (erf);
	v3 =	vmul.f32 v3, v2  }
0x2c8: {  	v9 =	vadd.s32 s22, v19;
	[tilespmem:s24+$0x3990] =	vst v0;
	v8 =	vpop (erf);
	v1 =	vmul.f32 v1, v4  }
0x2c9: {  	[tilespmem:s24+$0x3910] =	vst v36;
	v3 =	vmul.f32 v3, v8  }
0x2ca: {  	[tilespmem:s24+$0x3810] =	vst v1  }
0x2cb: {  	[tilespmem:s24+$0x3890] =	vst v3  }
0x2cc: {  	v1 =	vld.idx.msk [tilespmem:v7+s25+$0x0], $0xffff  }
0x2cd: {  	v3 =	vld.idx.msk [tilespmem:v9+s25+$0x0], $0xffff;
	_ =	sdelay $0x2  }
0x2ce: {  	v7 =	vadd.s32 s22, v23  }
0x2cf: {  	v1 =	vadd.f32 v1, v5  }
0x2d0: {  	v3 =	vadd.f32 v3, v6  }
0x2d1: {  	[tilespmem:s24+$0x3620] =	vst v1  }
0x2d2: {  	[tilespmem:s24+$0x36A0] =	vst v3  }
0x2d3: {  	v1 =	vld.idx.msk [tilespmem:v7+s25+$0x0], $0xffff  }
0x2d4: {  	v3 =	vadd.s32 s22, v27;
	_ =	sdelay $0x3  }
0x2d5: {  	[tilespmem:s24+$0x3720] =	vst v1  }
0x2d6: {  	v1 =	vld.idx.msk [tilespmem:v3+s25+$0x0], $0xffff  }
0x2d7: {  	v3 =	vadd.s32 s22, v31  }
0x2d8: {  	v7 =	vadd.s32 s22, v35;
	_ =	sdelay $0x2  }
0x2d9: {  	[tilespmem:s24+$0x37A0] =	vst v1  }
0x2da: {  	v1 =	vld.idx.msk [tilespmem:v3+s25+$0x0], $0xffff  }
0x2db: {  	v3 =	vld.idx.msk [tilespmem:v7+s25+$0x0], $0xffff;
	_ =	sdelay $0x2  }
0x2dc: {  	v7 =	vadd.s32 s22, v16  }
0x2dd: {  	v9 =	vadd.s32 s22, v20;
	[tilespmem:s24+$0x39A0] =	vst v0;
	v1 =	vmul.f32 v1, v4  }
0x2de: {  	[tilespmem:s24+$0x3920] =	vst v0;
	v3 =	vmul.f32 v3, v8  }
0x2df: {  	[tilespmem:s24+$0x3820] =	vst v1  }
0x2e0: {  	[tilespmem:s24+$0x38A0] =	vst v3  }
0x2e1: {  	v1 =	vld.idx.msk [tilespmem:v7+s25+$0x0], $0xffff  }
0x2e2: {  	v3 =	vld.idx.msk [tilespmem:v9+s25+$0x0], $0xffff;
	_ =	sdelay $0x2  }
0x2e3: {  	v7 =	vadd.s32 s22, v24  }
0x2e4: {  	v1 =	vadd.f32 v1, v5  }
0x2e5: {  	v3 =	vadd.f32 v3, v6  }
0x2e6: {  	[tilespmem:s24+$0x3630] =	vst v1  }
0x2e7: {  	[tilespmem:s24+$0x36B0] =	vst v3  }
0x2e8: {  	v1 =	vld.idx.msk [tilespmem:v7+s25+$0x0], $0xffff  }
0x2e9: {  	v3 =	vadd.s32 s22, v28;
	_ =	sdelay $0x3  }
0x2ea: {  	[tilespmem:s24+$0x3730] =	vst v1  }
0x2eb: {  	v1 =	vld.idx.msk [tilespmem:v3+s25+$0x0], $0xffff  }
0x2ec: {  	v3 =	vadd.s32 s22, v32  }
0x2ed: {  	v7 =	vadd.s32 s22, v37;
	_ =	sdelay $0x2  }
0x2ee: {  	[tilespmem:s24+$0x37B0] =	vst v1  }
0x2ef: {  	v1 =	vld.idx.msk [tilespmem:v3+s25+$0x0], $0xffff  }
0x2f0: {  	v3 =	vld.idx.msk [tilespmem:v7+s25+$0x0], $0xffff;
	_ =	sdelay $0x2  }
0x2f1: {  	v7 =	vadd.s32 s22, v40  }
0x2f2: {  	v1 =	vmul.f32 v1, v4  }
0x2f3: {  	[tilespmem:s24+$0x3930] =	vst v38;
	v3 =	vmul.f32 v3, v8  }
0x2f4: {  	[tilespmem:s24+$0x3830] =	vst v1  }
0x2f5: {  	[tilespmem:s24+$0x38B0] =	vst v3  }
0x2f6: {  	v1 =	vld.idx.msk [tilespmem:v7+s25+$0x0], $0xffff;
	_ =	sdelay $0x2  }
0x2f7: {  	v3 =	vadd.s32 s22, v17  }
0x2f8: {  	v7 =	vadd.s32 s22, v21  }
0x2f9: {  	v1 =	vmul.f32 v1, v2;
	_ =	sdelay $0x1  }
0x2fa: {  	[tilespmem:s24+$0x39B0] =	vst v1  }
0x2fb: {  	v1 =	vld.idx.msk [tilespmem:v3+s25+$0x0], $0xffff  }
0x2fc: {  	v3 =	vld.idx.msk [tilespmem:v7+s25+$0x0], $0xffff;
	_ =	sdelay $0x2  }
0x2fd: {  	v7 =	vadd.s32 s22, v25  }
0x2fe: {  	v1 =	vadd.f32 v1, v5  }
0x2ff: {  	v3 =	vadd.f32 v3, v6  }
0x300: {  	[tilespmem:s24+$0x3640] =	vst v1  }
0x301: {  	[tilespmem:s24+$0x36C0] =	vst v3  }
0x302: {  	v1 =	vld.idx.msk [tilespmem:v7+s25+$0x0], $0xffff  }
0x303: {  	v3 =	vadd.s32 s22, v29;
	_ =	sdelay $0x3  }
0x304: {  	[tilespmem:s24+$0x3740] =	vst v1  }
0x305: {  	v1 =	vld.idx.msk [tilespmem:v3+s25+$0x0], $0xffff  }
0x306: {  	v3 =	vadd.s32 s22, v33  }
0x307: {  	v5 =	vadd.s32 s22, v39;
	_ =	sdelay $0x2  }
0x308: {  	[tilespmem:s24+$0x37C0] =	vst v1  }
0x309: {  	v3 =	vld.idx.msk [tilespmem:v3+s25+$0x0], $0xffff  }
0x30a: {  	v5 =	vld.idx.msk [tilespmem:v5+s25+$0x0], $0xffff;
	_ =	sdelay $0x2  }
0x30b: {  	v1 =	vadd.s32 s22, v41  }
0x30c: {  	v4 =	vmul.f32 v3, v4  }
0x30d: {  	s3 =	simm.s32 $0x40;
	s4 =	simm.s32 $0x0;
	[tilespmem:s24+$0x3940] =	vst v10;
	v3 =	vmul.f32 v5, v8  }
.LBB2_8:
0x30e: {  	p0 =	sne.s32 s3, $0x3C0;
	[tilespmem:s24+$0x3840] =	vst v4;
	s22 =	sadd.s32 $0xA1, s22;
	s4 =	sadd.s32 $0x200, s4  }
0x30f: {  	s5 =	smov.u32 s3;
	s3 =	sadd.s32 $0x40, s3;
	[tilespmem:s24+$0x38C0] =	vst v3  }
0x310: {  	v1 =	vld.idx.msk [tilespmem:v1+s25+$0x0], $0xffff;
	_ =	sdelay $0x1  }
0x311: {  	v3 =	vadd.s32 s22, v11;
	v4 =	vadd.s32 s22, v18  }
0x312: {  	v5 =	vmov s22  }
0x313: {  	v6 =	vadd.s32 $0x1, v5;
	v7 =	vadd.s32 $0x2, v5  }
0x314: {  	v9 =	vadd.s32 $0x3, v5  }
0x315: {  	[tilespmem:s24+$0x39C0] =	vst v1  }
0x316: {  	v1 =	vld.idx.msk [tilespmem:v3+s25+$0x0], $0xffff  }
0x317: {  	v3 =	vld.idx.msk [tilespmem:v4+s25+$0x0], $0xffff  }
0x318: {  	v8 =	vld.idx.msk [tilespmem:v7+s25+$0x0], $0xffff  }
0x319: {  	v12 =	vld.idx.msk [tilespmem:v9+s25+$0x0], $0xffff;
	_ =	sdelay $0x2  }
0x31a: {  	v4 =	vadd.s32 s22, v22;
	v1 =	vmul.f32 v1, v2  }
0x31b: {  	v3 =	vmul.f32 v3, v2  }
0x31c: {  	s5 =	sand.u32 $0x40, s5;
	s24 =	sand.u32 $0x1C00, s4;
	v1 =	vadd.f32 v1, v8;
	v5 =	vld.idx.msk [tilespmem:v5+s25+$0x0], $0xffff  }
0x31d: {  	s24 =	sor.u32 s5, s24;
	v3 =	vadd.f32 v3, v12;
	v6 =	vld.idx.msk [tilespmem:v6+s25+$0x0], $0xffff  }
0x31e: {  	[tilespmem:s24+$0x3610] =	vst v1  }
0x31f: {  	[tilespmem:s24+$0x3690] =	vst v3  }
0x320: {  	v1 =	vld.idx.msk [tilespmem:v4+s25+$0x0], $0xffff  }
0x321: {  	v3 =	vadd.s32 s22, v26  }
0x322: {  	v4 =	vadd.f32 $1.000000050e-03, v5;
	_ =	sdelay $0x3  }
0x323: {  	[tilespmem:s24+$0x3710] =	vst v1  }
0x324: {  	v1 =	vld.idx.msk [tilespmem:v3+s25+$0x0], $0xffff;
	_ =	sdelay $0x1  }
0x325: {  	v5 =	vadd.s32 s22, v30;
	v3 =	vadd.f32 $1.000000050e-03, v6;
	v6 =	vadd.s32 s22, v34  }
0x326: {  	(erf) = vrcp.f32 v4  }
0x327: {  	(erf) = vrcp.f32 v3;
	_ =	sdelay $0x1  }
0x328: {  	[tilespmem:s24+$0x3790] =	vst v1  }
0x329: {  	v1 =	vld.idx.msk [tilespmem:v5+s25+$0x0], $0xffff  }
0x32a: {  	v3 =	vld.idx.msk [tilespmem:v6+s25+$0x0], $0xffff;
	_ =	sdelay $0x3  }
0x32b: {  	v14 =	vpop (erf)  }
0x32c: {  	v1 =	vmul.f32 v1, v2;
	v15 =	vpop (erf)  }
0x32d: {  	v4 =	vadd.s32 s22, v13;
	v5 =	vadd.s32 s22, v19;
	v3 =	vmul.f32 v3, v2  }
0x32e: {  	v1 =	vmul.f32 v1, v14;
	[tilespmem:s24+$0x3990] =	vst v0  }
0x32f: {  	v3 =	vmul.f32 v3, v15;
	[tilespmem:s24+$0x3910] =	vst v36  }
0x330: {  	[tilespmem:s24+$0x3810] =	vst v1  }
0x331: {  	[tilespmem:s24+$0x3890] =	vst v3  }
0x332: {  	v1 =	vld.idx.msk [tilespmem:v4+s25+$0x0], $0xffff  }
0x333: {  	v3 =	vld.idx.msk [tilespmem:v5+s25+$0x0], $0xffff  }
0x334: {  	v4 =	vadd.s32 s22, v23;
	_ =	sdelay $0x3  }
0x335: {  	v1 =	vadd.f32 v1, v8  }
0x336: {  	v3 =	vadd.f32 v3, v12  }
0x337: {  	[tilespmem:s24+$0x3620] =	vst v1  }
0x338: {  	v1 =	vadd.s32 s22, v27;
	[tilespmem:s24+$0x36A0] =	vst v3  }
0x339: {  	v3 =	vld.idx.msk [tilespmem:v4+s25+$0x0], $0xffff;
	_ =	sdelay $0x5  }
0x33a: {  	[tilespmem:s24+$0x3720] =	vst v3  }
0x33b: {  	v1 =	vld.idx.msk [tilespmem:v1+s25+$0x0], $0xffff;
	_ =	sdelay $0x1  }
0x33c: {  	v4 =	vadd.s32 s22, v35;
	v3 =	vadd.s32 s22, v31;
	_ =	sdelay $0x3  }
0x33d: {  	[tilespmem:s24+$0x37A0] =	vst v1  }
0x33e: {  	v1 =	vld.idx.msk [tilespmem:v3+s25+$0x0], $0xffff  }
0x33f: {  	v3 =	vld.idx.msk [tilespmem:v4+s25+$0x0], $0xffff;
	_ =	sdelay $0x3  }
0x340: {  	v5 =	vadd.s32 s22, v20;
	v4 =	vadd.s32 s22, v16  }
0x341: {  	v1 =	vmul.f32 v1, v14;
	[tilespmem:s24+$0x39A0] =	vst v0  }
0x342: {  	v3 =	vmul.f32 v3, v15;
	[tilespmem:s24+$0x3920] =	vst v0  }
0x343: {  	[tilespmem:s24+$0x3820] =	vst v1  }
0x344: {  	[tilespmem:s24+$0x38A0] =	vst v3  }
0x345: {  	v3 =	vadd.s32 s22, v24;
	v1 =	vld.idx.msk [tilespmem:v4+s25+$0x0], $0xffff  }
0x346: {  	v4 =	vld.idx.msk [tilespmem:v5+s25+$0x0], $0xffff;
	_ =	sdelay $0x4  }
0x347: {  	v1 =	vadd.f32 v1, v8  }
0x348: {  	v5 =	vadd.s32 s22, v28;
	v4 =	vadd.f32 v4, v12  }
0x349: {  	[tilespmem:s24+$0x3630] =	vst v1  }
0x34a: {  	[tilespmem:s24+$0x36B0] =	vst v4  }
0x34b: {  	v1 =	vld.idx.msk [tilespmem:v3+s25+$0x0], $0xffff;
	_ =	sdelay $0x5  }
0x34c: {  	[tilespmem:s24+$0x3730] =	vst v1  }
0x34d: {  	v1 =	vld.idx.msk [tilespmem:v5+s25+$0x0], $0xffff;
	_ =	sdelay $0x1  }
0x34e: {  	v4 =	vadd.s32 s22, v37;
	v3 =	vadd.s32 s22, v32;
	_ =	sdelay $0x3  }
0x34f: {  	[tilespmem:s24+$0x37B0] =	vst v1;
	v1 =	vadd.s32 s22, v40  }
0x350: {  	v3 =	vld.idx.msk [tilespmem:v3+s25+$0x0], $0xffff  }
0x351: {  	v4 =	vld.idx.msk [tilespmem:v4+s25+$0x0], $0xffff  }
0x352: {  	[tilespmem:s24+$0x3930] =	vst v38;
	_ =	sdelay $0x3  }
0x353: {  	v3 =	vmul.f32 v3, v14  }
0x354: {  	v4 =	vmul.f32 v4, v15  }
0x355: {  	[tilespmem:s24+$0x3830] =	vst v3  }
0x356: {  	[tilespmem:s24+$0x38B0] =	vst v4  }
0x357: {  	v1 =	vld.idx.msk [tilespmem:v1+s25+$0x0], $0xffff;
	_ =	sdelay $0x3  }
0x358: {  	v3 =	vadd.s32 s22, v17;
	v4 =	vadd.s32 s22, v21;
	_ =	sdelay $0x1  }
0x359: {  	v1 =	vmul.f32 v1, v2  }
0x35a: {  	v5 =	vadd.s32 s22, v25  }
0x35b: {  	[tilespmem:s24+$0x39B0] =	vst v1  }
0x35c: {  	v1 =	vld.idx.msk [tilespmem:v3+s25+$0x0], $0xffff  }
0x35d: {  	v3 =	vld.idx.msk [tilespmem:v4+s25+$0x0], $0xffff;
	_ =	sdelay $0x3  }
0x35e: {  	v4 =	vadd.s32 s22, v29  }
0x35f: {  	v1 =	vadd.f32 v1, v8  }
0x360: {  	v3 =	vadd.f32 v3, v12  }
0x361: {  	[tilespmem:s24+$0x3640] =	vst v1  }
0x362: {  	[tilespmem:s24+$0x36C0] =	vst v3  }
0x363: {  	v1 =	vld.idx.msk [tilespmem:v5+s25+$0x0], $0xffff;
	_ =	sdelay $0x5  }
0x364: {  	[tilespmem:s24+$0x3740] =	vst v1  }
0x365: {  	v3 =	vld.idx.msk [tilespmem:v4+s25+$0x0], $0xffff;
	_ =	sdelay $0x1  }
0x366: {  	v5 =	vadd.s32 s22, v39;
	v4 =	vadd.s32 s22, v33;
	_ =	sdelay $0x1  }
0x367: {  	v1 =	vadd.s32 s22, v41;
	_ =	sdelay $0x1  }
0x368: {  	[tilespmem:s24+$0x37C0] =	vst v3  }
0x369: {  	v3 =	vld.idx.msk [tilespmem:v4+s25+$0x0], $0xffff  }
0x36a: {  	v5 =	vld.idx.msk [tilespmem:v5+s25+$0x0], $0xffff  }
0x36b: {  	[tilespmem:s24+$0x3940] =	vst v10  }
.Ltmp3:
0x36c: {  	(pc) =	sbr.rel @p0 .LBB2_8-.Ltmp3, $3  }
0x36d: {  	_ =	sdelay $0x1  }
0x36e: {  	v4 =	vmul.f32 v3, v14  }
0x36f: {  	v3 =	vmul.f32 v5, v15  }
0x370: {  	_ =	sdelay $0x1  }
0x371: {  	[tilespmem:s24+$0x3840] =	vst v4  }
0x372: {  	[tilespmem:s24+$0x38C0] =	vst v3  }
0x373: {  	v1 =	vld.idx.msk [tilespmem:v1+s25+$0x0], $0xffff;
	_ =	sdelay $0x4  }
0x374: {  	s22 =	simm.s32 $0x0;
	[tilespmem:s24+$0x39C0] =	vst v1  }
0x375: {  	[hbm4b:s13+s22] =	stream.linear.scatter [tilespmem:s30], [sflag:$0x4], $0x2000, $0x38;
	[tilespmem:$0x5610] =	vst v63  }
0x376: {  	_ = 	snop  }
0x377: {  	[tilespmem:s25], [sflag:$0x2] =	stream.linear.gather [hbm4b:s14+s22], $0xA10, $0x38;
	[tilespmem:$0x5610] =	vst v63  }
0x378: {  	_ =	swait.ge [sflag:s26], $0xA10  }
0x379: {  	v1 =	vadd.s32 s22, v11;
	[sflag:s26] =	ssyncset.done $0x0  }
0x37a: {  	v3 =	vadd.s32 s22, v18;
	v4 =	vmov s22;
	[sflag:s26] =	ssyncadd.s32 $0xFFFFF5F0  }
0x37b: {  	v5 =	vadd.s32 $0x2, v4;
	_ =	swait.ge [sflag:s31], $0x2000  }
0x37c: {  	v6 =	vadd.s32 $0x3, v4;
	[sflag:s31] =	ssyncset.done $0x0  }
0x37d: {  	[sflag:s31] =	ssyncadd.s32 $0xFFFFE000  }
0x37e: {  	v1 =	vld.idx.msk [tilespmem:v1+s2+$0x0], $0xffff  }
0x37f: {  	v3 =	vld.idx.msk [tilespmem:v3+s2+$0x0], $0xffff  }
0x380: {  	v5 =	vld.idx.msk [tilespmem:v5+s2+$0x0], $0xffff  }
0x381: {  	v6 =	vld.idx.msk [tilespmem:v6+s2+$0x0], $0xffff  }
0x382: {  	v7 =	vadd.s32 $0x1, v4  }
0x383: {  	v1 =	vmul.f32 v1, v2  }
0x384: {  	v8 =	vadd.s32 s22, v22;
	v3 =	vmul.f32 v3, v2  }
0x385: {  	s3 =	sand.u32 $0x1C00, s22;
	s4 =	sand.u32 $0x40, s22;
	v1 =	vadd.f32 v1, v5  }
0x386: {  	s24 =	sor.u32 s4, s3;
	v4 =	vld.idx.msk [tilespmem:v4+s2+$0x0], $0xffff;
	v3 =	vadd.f32 v3, v6  }
0x387: {  	v7 =	vld.idx.msk [tilespmem:v7+s2+$0x0], $0xffff;
	[tilespmem:s24+$0x1610] =	vst v1  }
0x388: {  	[tilespmem:s24+$0x1690] =	vst v3  }
0x389: {  	v1 =	vld.idx.msk [tilespmem:v8+s2+$0x0], $0xffff  }
0x38a: {  	v3 =	vadd.s32 s22, v26;
	_ =	sdelay $0x3  }
0x38b: {  	[tilespmem:s24+$0x1710] =	vst v1  }
0x38c: {  	v1 =	vld.idx.msk [tilespmem:v3+s2+$0x0], $0xffff  }
0x38d: {  	v3 =	vadd.f32 $1.000000050e-03, v4;
	v4 =	vadd.s32 s22, v30  }
0x38e: {  	v7 =	vadd.f32 $1.000000050e-03, v7;
	v8 =	vadd.s32 s22, v34  }
0x38f: {  	(erf) = vrcp.f32 v3  }
0x390: {  	(erf) = vrcp.f32 v7  }
0x391: {  	[tilespmem:s24+$0x1790] =	vst v1  }
0x392: {  	v1 =	vld.idx.msk [tilespmem:v4+s2+$0x0], $0xffff  }
0x393: {  	v3 =	vld.idx.msk [tilespmem:v8+s2+$0x0], $0xffff;
	_ =	sdelay $0x3  }
0x394: {  	v1 =	vmul.f32 v1, v2  }
0x395: {  	v7 =	vadd.s32 s22, v13;
	v4 =	vpop (erf);
	v3 =	vmul.f32 v3, v2  }
0x396: {  	v9 =	vadd.s32 s22, v19;
	[tilespmem:s24+$0x1990] =	vst v0;
	v8 =	vpop (erf);
	v1 =	vmul.f32 v1, v4  }
0x397: {  	[tilespmem:s24+$0x1910] =	vst v36;
	v3 =	vmul.f32 v3, v8  }
0x398: {  	[tilespmem:s24+$0x1810] =	vst v1  }
0x399: {  	[tilespmem:s24+$0x1890] =	vst v3  }
0x39a: {  	v1 =	vld.idx.msk [tilespmem:v7+s2+$0x0], $0xffff  }
0x39b: {  	v3 =	vld.idx.msk [tilespmem:v9+s2+$0x0], $0xffff;
	_ =	sdelay $0x2  }
0x39c: {  	v7 =	vadd.s32 s22, v23  }
0x39d: {  	v1 =	vadd.f32 v1, v5  }
0x39e: {  	v3 =	vadd.f32 v3, v6  }
0x39f: {  	[tilespmem:s24+$0x1620] =	vst v1  }
0x3a0: {  	[tilespmem:s24+$0x16A0] =	vst v3  }
0x3a1: {  	v1 =	vld.idx.msk [tilespmem:v7+s2+$0x0], $0xffff  }
0x3a2: {  	v3 =	vadd.s32 s22, v27;
	_ =	sdelay $0x3  }
0x3a3: {  	[tilespmem:s24+$0x1720] =	vst v1  }
0x3a4: {  	v1 =	vld.idx.msk [tilespmem:v3+s2+$0x0], $0xffff  }
0x3a5: {  	v3 =	vadd.s32 s22, v31  }
0x3a6: {  	v7 =	vadd.s32 s22, v35;
	_ =	sdelay $0x2  }
0x3a7: {  	[tilespmem:s24+$0x17A0] =	vst v1  }
0x3a8: {  	v1 =	vld.idx.msk [tilespmem:v3+s2+$0x0], $0xffff  }
0x3a9: {  	v3 =	vld.idx.msk [tilespmem:v7+s2+$0x0], $0xffff;
	_ =	sdelay $0x2  }
0x3aa: {  	v7 =	vadd.s32 s22, v16  }
0x3ab: {  	v9 =	vadd.s32 s22, v20;
	[tilespmem:s24+$0x19A0] =	vst v0;
	v1 =	vmul.f32 v1, v4  }
0x3ac: {  	[tilespmem:s24+$0x1920] =	vst v0;
	v3 =	vmul.f32 v3, v8  }
0x3ad: {  	[tilespmem:s24+$0x1820] =	vst v1  }
0x3ae: {  	[tilespmem:s24+$0x18A0] =	vst v3  }
0x3af: {  	v1 =	vld.idx.msk [tilespmem:v7+s2+$0x0], $0xffff  }
0x3b0: {  	v3 =	vld.idx.msk [tilespmem:v9+s2+$0x0], $0xffff;
	_ =	sdelay $0x2  }
0x3b1: {  	v7 =	vadd.s32 s22, v24  }
0x3b2: {  	v1 =	vadd.f32 v1, v5  }
0x3b3: {  	v3 =	vadd.f32 v3, v6  }
0x3b4: {  	[tilespmem:s24+$0x1630] =	vst v1  }
0x3b5: {  	[tilespmem:s24+$0x16B0] =	vst v3  }
0x3b6: {  	v1 =	vld.idx.msk [tilespmem:v7+s2+$0x0], $0xffff  }
0x3b7: {  	v3 =	vadd.s32 s22, v28;
	_ =	sdelay $0x3  }
0x3b8: {  	[tilespmem:s24+$0x1730] =	vst v1  }
0x3b9: {  	v1 =	vld.idx.msk [tilespmem:v3+s2+$0x0], $0xffff  }
0x3ba: {  	v3 =	vadd.s32 s22, v32  }
0x3bb: {  	v7 =	vadd.s32 s22, v37;
	_ =	sdelay $0x2  }
0x3bc: {  	[tilespmem:s24+$0x17B0] =	vst v1  }
0x3bd: {  	v1 =	vld.idx.msk [tilespmem:v3+s2+$0x0], $0xffff  }
0x3be: {  	v3 =	vld.idx.msk [tilespmem:v7+s2+$0x0], $0xffff;
	_ =	sdelay $0x2  }
0x3bf: {  	v7 =	vadd.s32 s22, v40  }
0x3c0: {  	v1 =	vmul.f32 v1, v4  }
0x3c1: {  	[tilespmem:s24+$0x1930] =	vst v38;
	v3 =	vmul.f32 v3, v8  }
0x3c2: {  	[tilespmem:s24+$0x1830] =	vst v1  }
0x3c3: {  	[tilespmem:s24+$0x18B0] =	vst v3  }
0x3c4: {  	v1 =	vld.idx.msk [tilespmem:v7+s2+$0x0], $0xffff;
	_ =	sdelay $0x2  }
0x3c5: {  	v3 =	vadd.s32 s22, v17  }
0x3c6: {  	v7 =	vadd.s32 s22, v21  }
0x3c7: {  	v1 =	vmul.f32 v1, v2;
	_ =	sdelay $0x1  }
0x3c8: {  	[tilespmem:s24+$0x19B0] =	vst v1  }
0x3c9: {  	v1 =	vld.idx.msk [tilespmem:v3+s2+$0x0], $0xffff  }
0x3ca: {  	v3 =	vld.idx.msk [tilespmem:v7+s2+$0x0], $0xffff;
	_ =	sdelay $0x2  }
0x3cb: {  	v7 =	vadd.s32 s22, v25  }
0x3cc: {  	v1 =	vadd.f32 v1, v5  }
0x3cd: {  	v3 =	vadd.f32 v3, v6  }
0x3ce: {  	[tilespmem:s24+$0x1640] =	vst v1  }
0x3cf: {  	[tilespmem:s24+$0x16C0] =	vst v3  }
0x3d0: {  	v1 =	vld.idx.msk [tilespmem:v7+s2+$0x0], $0xffff  }
0x3d1: {  	v3 =	vadd.s32 s22, v29;
	_ =	sdelay $0x3  }
0x3d2: {  	[tilespmem:s24+$0x1740] =	vst v1  }
0x3d3: {  	v1 =	vld.idx.msk [tilespmem:v3+s2+$0x0], $0xffff  }
0x3d4: {  	v3 =	vadd.s32 s22, v33  }
0x3d5: {  	v5 =	vadd.s32 s22, v39;
	_ =	sdelay $0x2  }
0x3d6: {  	[tilespmem:s24+$0x17C0] =	vst v1  }
0x3d7: {  	v3 =	vld.idx.msk [tilespmem:v3+s2+$0x0], $0xffff  }
0x3d8: {  	v5 =	vld.idx.msk [tilespmem:v5+s2+$0x0], $0xffff;
	_ =	sdelay $0x2  }
0x3d9: {  	v1 =	vadd.s32 s22, v41  }
0x3da: {  	v4 =	vmul.f32 v3, v4  }
0x3db: {  	s3 =	simm.s32 $0x40;
	s4 =	simm.s32 $0x0;
	[tilespmem:s24+$0x1940] =	vst v10;
	v3 =	vmul.f32 v5, v8  }
.LBB2_10:
0x3dc: {  	p0 =	sne.s32 s3, $0x3C0;
	[tilespmem:s24+$0x1840] =	vst v4;
	s22 =	sadd.s32 $0xA1, s22;
	s4 =	sadd.s32 $0x200, s4  }
0x3dd: {  	s5 =	smov.u32 s3;
	s3 =	sadd.s32 $0x40, s3;
	[tilespmem:s24+$0x18C0] =	vst v3  }
0x3de: {  	v1 =	vld.idx.msk [tilespmem:v1+s2+$0x0], $0xffff;
	_ =	sdelay $0x1  }
0x3df: {  	v3 =	vadd.s32 s22, v11;
	v4 =	vadd.s32 s22, v18  }
0x3e0: {  	v5 =	vmov s22  }
0x3e1: {  	v6 =	vadd.s32 $0x1, v5;
	v7 =	vadd.s32 $0x2, v5  }
0x3e2: {  	v9 =	vadd.s32 $0x3, v5  }
0x3e3: {  	[tilespmem:s24+$0x19C0] =	vst v1  }
0x3e4: {  	v1 =	vld.idx.msk [tilespmem:v3+s2+$0x0], $0xffff  }
0x3e5: {  	v3 =	vld.idx.msk [tilespmem:v4+s2+$0x0], $0xffff  }
0x3e6: {  	v8 =	vld.idx.msk [tilespmem:v7+s2+$0x0], $0xffff  }
0x3e7: {  	v12 =	vld.idx.msk [tilespmem:v9+s2+$0x0], $0xffff;
	_ =	sdelay $0x2  }
0x3e8: {  	v4 =	vadd.s32 s22, v22;
	v1 =	vmul.f32 v1, v2  }
0x3e9: {  	v3 =	vmul.f32 v3, v2  }
0x3ea: {  	s5 =	sand.u32 $0x40, s5;
	s24 =	sand.u32 $0x1C00, s4;
	v1 =	vadd.f32 v1, v8;
	v5 =	vld.idx.msk [tilespmem:v5+s2+$0x0], $0xffff  }
0x3eb: {  	s24 =	sor.u32 s5, s24;
	v3 =	vadd.f32 v3, v12;
	v6 =	vld.idx.msk [tilespmem:v6+s2+$0x0], $0xffff  }
0x3ec: {  	[tilespmem:s24+$0x1610] =	vst v1  }
0x3ed: {  	[tilespmem:s24+$0x1690] =	vst v3  }
0x3ee: {  	v1 =	vld.idx.msk [tilespmem:v4+s2+$0x0], $0xffff  }
0x3ef: {  	v3 =	vadd.s32 s22, v26  }
0x3f0: {  	v4 =	vadd.f32 $1.000000050e-03, v5;
	_ =	sdelay $0x3  }
0x3f1: {  	[tilespmem:s24+$0x1710] =	vst v1  }
0x3f2: {  	v1 =	vld.idx.msk [tilespmem:v3+s2+$0x0], $0xffff;
	_ =	sdelay $0x1  }
0x3f3: {  	v5 =	vadd.s32 s22, v30;
	v3 =	vadd.f32 $1.000000050e-03, v6;
	v6 =	vadd.s32 s22, v34  }
0x3f4: {  	(erf) = vrcp.f32 v4  }
0x3f5: {  	(erf) = vrcp.f32 v3;
	_ =	sdelay $0x1  }
0x3f6: {  	[tilespmem:s24+$0x1790] =	vst v1  }
0x3f7: {  	v1 =	vld.idx.msk [tilespmem:v5+s2+$0x0], $0xffff  }
0x3f8: {  	v3 =	vld.idx.msk [tilespmem:v6+s2+$0x0], $0xffff;
	_ =	sdelay $0x3  }
0x3f9: {  	v14 =	vpop (erf)  }
0x3fa: {  	v1 =	vmul.f32 v1, v2;
	v15 =	vpop (erf)  }
0x3fb: {  	v4 =	vadd.s32 s22, v13;
	v5 =	vadd.s32 s22, v19;
	v3 =	vmul.f32 v3, v2  }
0x3fc: {  	v1 =	vmul.f32 v1, v14;
	[tilespmem:s24+$0x1990] =	vst v0  }
0x3fd: {  	v3 =	vmul.f32 v3, v15;
	[tilespmem:s24+$0x1910] =	vst v36  }
0x3fe: {  	[tilespmem:s24+$0x1810] =	vst v1  }
0x3ff: {  	[tilespmem:s24+$0x1890] =	vst v3  }
0x400: {  	v1 =	vld.idx.msk [tilespmem:v4+s2+$0x0], $0xffff  }
0x401: {  	v3 =	vld.idx.msk [tilespmem:v5+s2+$0x0], $0xffff  }
0x402: {  	v4 =	vadd.s32 s22, v23;
	_ =	sdelay $0x3  }
0x403: {  	v1 =	vadd.f32 v1, v8  }
0x404: {  	v3 =	vadd.f32 v3, v12  }
0x405: {  	[tilespmem:s24+$0x1620] =	vst v1  }
0x406: {  	v1 =	vadd.s32 s22, v27;
	[tilespmem:s24+$0x16A0] =	vst v3  }
0x407: {  	v3 =	vld.idx.msk [tilespmem:v4+s2+$0x0], $0xffff;
	_ =	sdelay $0x5  }
0x408: {  	[tilespmem:s24+$0x1720] =	vst v3  }
0x409: {  	v1 =	vld.idx.msk [tilespmem:v1+s2+$0x0], $0xffff;
	_ =	sdelay $0x1  }
0x40a: {  	v4 =	vadd.s32 s22, v35;
	v3 =	vadd.s32 s22, v31;
	_ =	sdelay $0x3  }
0x40b: {  	[tilespmem:s24+$0x17A0] =	vst v1  }
0x40c: {  	v1 =	vld.idx.msk [tilespmem:v3+s2+$0x0], $0xffff  }
0x40d: {  	v3 =	vld.idx.msk [tilespmem:v4+s2+$0x0], $0xffff;
	_ =	sdelay $0x3  }
0x40e: {  	v5 =	vadd.s32 s22, v20;
	v4 =	vadd.s32 s22, v16  }
0x40f: {  	v1 =	vmul.f32 v1, v14;
	[tilespmem:s24+$0x19A0] =	vst v0  }
0x410: {  	v3 =	vmul.f32 v3, v15;
	[tilespmem:s24+$0x1920] =	vst v0  }
0x411: {  	[tilespmem:s24+$0x1820] =	vst v1  }
0x412: {  	[tilespmem:s24+$0x18A0] =	vst v3  }
0x413: {  	v3 =	vadd.s32 s22, v24;
	v1 =	vld.idx.msk [tilespmem:v4+s2+$0x0], $0xffff  }
0x414: {  	v4 =	vld.idx.msk [tilespmem:v5+s2+$0x0], $0xffff;
	_ =	sdelay $0x4  }
0x415: {  	v1 =	vadd.f32 v1, v8  }
0x416: {  	v5 =	vadd.s32 s22, v28;
	v4 =	vadd.f32 v4, v12  }
0x417: {  	[tilespmem:s24+$0x1630] =	vst v1  }
0x418: {  	[tilespmem:s24+$0x16B0] =	vst v4  }
0x419: {  	v1 =	vld.idx.msk [tilespmem:v3+s2+$0x0], $0xffff;
	_ =	sdelay $0x5  }
0x41a: {  	[tilespmem:s24+$0x1730] =	vst v1  }
0x41b: {  	v1 =	vld.idx.msk [tilespmem:v5+s2+$0x0], $0xffff;
	_ =	sdelay $0x1  }
0x41c: {  	v4 =	vadd.s32 s22, v37;
	v3 =	vadd.s32 s22, v32;
	_ =	sdelay $0x3  }
0x41d: {  	[tilespmem:s24+$0x17B0] =	vst v1;
	v1 =	vadd.s32 s22, v40  }
0x41e: {  	v3 =	vld.idx.msk [tilespmem:v3+s2+$0x0], $0xffff  }
0x41f: {  	v4 =	vld.idx.msk [tilespmem:v4+s2+$0x0], $0xffff  }
0x420: {  	[tilespmem:s24+$0x1930] =	vst v38;
	_ =	sdelay $0x3  }
0x421: {  	v3 =	vmul.f32 v3, v14  }
0x422: {  	v4 =	vmul.f32 v4, v15  }
0x423: {  	[tilespmem:s24+$0x1830] =	vst v3  }
0x424: {  	[tilespmem:s24+$0x18B0] =	vst v4  }
0x425: {  	v1 =	vld.idx.msk [tilespmem:v1+s2+$0x0], $0xffff;
	_ =	sdelay $0x3  }
0x426: {  	v3 =	vadd.s32 s22, v17;
	v4 =	vadd.s32 s22, v21;
	_ =	sdelay $0x1  }
0x427: {  	v1 =	vmul.f32 v1, v2  }
0x428: {  	v5 =	vadd.s32 s22, v25  }
0x429: {  	[tilespmem:s24+$0x19B0] =	vst v1  }
0x42a: {  	v1 =	vld.idx.msk [tilespmem:v3+s2+$0x0], $0xffff  }
0x42b: {  	v3 =	vld.idx.msk [tilespmem:v4+s2+$0x0], $0xffff;
	_ =	sdelay $0x3  }
0x42c: {  	v4 =	vadd.s32 s22, v29  }
0x42d: {  	v1 =	vadd.f32 v1, v8  }
0x42e: {  	v3 =	vadd.f32 v3, v12  }
0x42f: {  	[tilespmem:s24+$0x1640] =	vst v1  }
0x430: {  	[tilespmem:s24+$0x16C0] =	vst v3  }
0x431: {  	v1 =	vld.idx.msk [tilespmem:v5+s2+$0x0], $0xffff;
	_ =	sdelay $0x5  }
0x432: {  	[tilespmem:s24+$0x1740] =	vst v1  }
0x433: {  	v3 =	vld.idx.msk [tilespmem:v4+s2+$0x0], $0xffff;
	_ =	sdelay $0x1  }
0x434: {  	v5 =	vadd.s32 s22, v39;
	v4 =	vadd.s32 s22, v33;
	_ =	sdelay $0x1  }
0x435: {  	v1 =	vadd.s32 s22, v41;
	_ =	sdelay $0x1  }
0x436: {  	[tilespmem:s24+$0x17C0] =	vst v3  }
0x437: {  	v3 =	vld.idx.msk [tilespmem:v4+s2+$0x0], $0xffff  }
0x438: {  	v5 =	vld.idx.msk [tilespmem:v5+s2+$0x0], $0xffff  }
0x439: {  	[tilespmem:s24+$0x1940] =	vst v10  }
.Ltmp4:
0x43a: {  	(pc) =	sbr.rel @p0 .LBB2_10-.Ltmp4, $3  }
0x43b: {  	_ =	sdelay $0x1  }
0x43c: {  	v4 =	vmul.f32 v3, v14  }
0x43d: {  	v3 =	vmul.f32 v5, v15  }
0x43e: {  	_ =	sdelay $0x1  }
0x43f: {  	[tilespmem:s24+$0x1840] =	vst v4  }
0x440: {  	[tilespmem:s24+$0x18C0] =	vst v3  }
0x441: {  	v1 =	vld.idx.msk [tilespmem:v1+s2+$0x0], $0xffff;
	_ =	sdelay $0x4  }
0x442: {  	s22 =	simm.s32 $0x0;
	[tilespmem:s24+$0x19C0] =	vst v1  }
0x443: {  	[hbm4b:s15+s22] =	stream.linear.scatter [tilespmem:s28], [sflag:$0x3], $0x2000, $0x38;
	[tilespmem:$0x5610] =	vst v63  }
0x444: {  	_ = 	snop  }
0x445: {  	[tilespmem:s22], [sflag:$0x1] =	stream.linear.gather [hbm4b:s16+s22], $0xA10, $0x38;
	[tilespmem:$0x5610] =	vst v63  }
0x446: {  	_ =	swait.ge [sflag:s29], $0xA10  }
0x447: {  	v1 =	vadd.s32 s22, v11;
	[sflag:s29] =	ssyncset.done $0x0  }
0x448: {  	v3 =	vadd.s32 s22, v18;
	v4 =	vmov s22;
	[sflag:s29] =	ssyncadd.s32 $0xFFFFF5F0  }
0x449: {  	v5 =	vadd.s32 $0x2, v4;
	_ =	swait.ge [sflag:s0], $0x2000  }
0x44a: {  	v6 =	vadd.s32 $0x3, v4;
	[sflag:s0] =	ssyncset.done $0x0  }
0x44b: {  	[sflag:s0] =	ssyncadd.s32 $0xFFFFE000  }
0x44c: {  	v1 =	vld.idx.msk [tilespmem:v1+s25+$0x0], $0xffff  }
0x44d: {  	v3 =	vld.idx.msk [tilespmem:v3+s25+$0x0], $0xffff  }
0x44e: {  	v5 =	vld.idx.msk [tilespmem:v5+s25+$0x0], $0xffff  }
0x44f: {  	v6 =	vld.idx.msk [tilespmem:v6+s25+$0x0], $0xffff  }
0x450: {  	v7 =	vadd.s32 $0x1, v4  }
0x451: {  	v1 =	vmul.f32 v1, v2  }
0x452: {  	v8 =	vadd.s32 s22, v22;
	v3 =	vmul.f32 v3, v2  }
0x453: {  	s3 =	sand.u32 $0x1C00, s22;
	s4 =	sand.u32 $0x40, s22;
	v1 =	vadd.f32 v1, v5  }
0x454: {  	s24 =	sor.u32 s4, s3;
	v4 =	vld.idx.msk [tilespmem:v4+s25+$0x0], $0xffff;
	v3 =	vadd.f32 v3, v6  }
0x455: {  	v7 =	vld.idx.msk [tilespmem:v7+s25+$0x0], $0xffff;
	[tilespmem:s24+$0x3610] =	vst v1  }
0x456: {  	[tilespmem:s24+$0x3690] =	vst v3  }
0x457: {  	v1 =	vld.idx.msk [tilespmem:v8+s25+$0x0], $0xffff  }
0x458: {  	v3 =	vadd.s32 s22, v26;
	_ =	sdelay $0x3  }
0x459: {  	[tilespmem:s24+$0x3710] =	vst v1  }
0x45a: {  	v1 =	vld.idx.msk [tilespmem:v3+s25+$0x0], $0xffff  }
0x45b: {  	v3 =	vadd.f32 $1.000000050e-03, v4;
	v4 =	vadd.s32 s22, v30  }
0x45c: {  	v7 =	vadd.f32 $1.000000050e-03, v7;
	v8 =	vadd.s32 s22, v34  }
0x45d: {  	(erf) = vrcp.f32 v3  }
0x45e: {  	(erf) = vrcp.f32 v7  }
0x45f: {  	[tilespmem:s24+$0x3790] =	vst v1  }
0x460: {  	v1 =	vld.idx.msk [tilespmem:v4+s25+$0x0], $0xffff  }
0x461: {  	v3 =	vld.idx.msk [tilespmem:v8+s25+$0x0], $0xffff;
	_ =	sdelay $0x3  }
0x462: {  	v1 =	vmul.f32 v1, v2  }
0x463: {  	v7 =	vadd.s32 s22, v13;
	v4 =	vpop (erf);
	v3 =	vmul.f32 v3, v2  }
0x464: {  	v9 =	vadd.s32 s22, v19;
	[tilespmem:s24+$0x3990] =	vst v0;
	v8 =	vpop (erf);
	v1 =	vmul.f32 v1, v4  }
0x465: {  	[tilespmem:s24+$0x3910] =	vst v36;
	v3 =	vmul.f32 v3, v8  }
0x466: {  	[tilespmem:s24+$0x3810] =	vst v1  }
0x467: {  	[tilespmem:s24+$0x3890] =	vst v3  }
0x468: {  	v1 =	vld.idx.msk [tilespmem:v7+s25+$0x0], $0xffff  }
0x469: {  	v3 =	vld.idx.msk [tilespmem:v9+s25+$0x0], $0xffff;
	_ =	sdelay $0x2  }
0x46a: {  	v7 =	vadd.s32 s22, v23  }
0x46b: {  	v1 =	vadd.f32 v1, v5  }
0x46c: {  	v3 =	vadd.f32 v3, v6  }
0x46d: {  	[tilespmem:s24+$0x3620] =	vst v1  }
0x46e: {  	[tilespmem:s24+$0x36A0] =	vst v3  }
0x46f: {  	v1 =	vld.idx.msk [tilespmem:v7+s25+$0x0], $0xffff  }
0x470: {  	v3 =	vadd.s32 s22, v27;
	_ =	sdelay $0x3  }
0x471: {  	[tilespmem:s24+$0x3720] =	vst v1  }
0x472: {  	v1 =	vld.idx.msk [tilespmem:v3+s25+$0x0], $0xffff  }
0x473: {  	v3 =	vadd.s32 s22, v31  }
0x474: {  	v7 =	vadd.s32 s22, v35;
	_ =	sdelay $0x2  }
0x475: {  	[tilespmem:s24+$0x37A0] =	vst v1  }
0x476: {  	v1 =	vld.idx.msk [tilespmem:v3+s25+$0x0], $0xffff  }
0x477: {  	v3 =	vld.idx.msk [tilespmem:v7+s25+$0x0], $0xffff;
	_ =	sdelay $0x2  }
0x478: {  	v7 =	vadd.s32 s22, v16  }
0x479: {  	v9 =	vadd.s32 s22, v20;
	[tilespmem:s24+$0x39A0] =	vst v0;
	v1 =	vmul.f32 v1, v4  }
0x47a: {  	[tilespmem:s24+$0x3920] =	vst v0;
	v3 =	vmul.f32 v3, v8  }
0x47b: {  	[tilespmem:s24+$0x3820] =	vst v1  }
0x47c: {  	[tilespmem:s24+$0x38A0] =	vst v3  }
0x47d: {  	v1 =	vld.idx.msk [tilespmem:v7+s25+$0x0], $0xffff  }
0x47e: {  	v3 =	vld.idx.msk [tilespmem:v9+s25+$0x0], $0xffff;
	_ =	sdelay $0x2  }
0x47f: {  	v7 =	vadd.s32 s22, v24  }
0x480: {  	v1 =	vadd.f32 v1, v5  }
0x481: {  	v3 =	vadd.f32 v3, v6  }
0x482: {  	[tilespmem:s24+$0x3630] =	vst v1  }
0x483: {  	[tilespmem:s24+$0x36B0] =	vst v3  }
0x484: {  	v1 =	vld.idx.msk [tilespmem:v7+s25+$0x0], $0xffff  }
0x485: {  	v3 =	vadd.s32 s22, v28;
	_ =	sdelay $0x3  }
0x486: {  	[tilespmem:s24+$0x3730] =	vst v1  }
0x487: {  	v1 =	vld.idx.msk [tilespmem:v3+s25+$0x0], $0xffff  }
0x488: {  	v3 =	vadd.s32 s22, v32  }
0x489: {  	v7 =	vadd.s32 s22, v37;
	_ =	sdelay $0x2  }
0x48a: {  	[tilespmem:s24+$0x37B0] =	vst v1  }
0x48b: {  	v1 =	vld.idx.msk [tilespmem:v3+s25+$0x0], $0xffff  }
0x48c: {  	v3 =	vld.idx.msk [tilespmem:v7+s25+$0x0], $0xffff;
	_ =	sdelay $0x2  }
0x48d: {  	v7 =	vadd.s32 s22, v40  }
0x48e: {  	v1 =	vmul.f32 v1, v4  }
0x48f: {  	[tilespmem:s24+$0x3930] =	vst v38;
	v3 =	vmul.f32 v3, v8  }
0x490: {  	[tilespmem:s24+$0x3830] =	vst v1  }
0x491: {  	[tilespmem:s24+$0x38B0] =	vst v3  }
0x492: {  	v1 =	vld.idx.msk [tilespmem:v7+s25+$0x0], $0xffff;
	_ =	sdelay $0x2  }
0x493: {  	v3 =	vadd.s32 s22, v17  }
0x494: {  	v7 =	vadd.s32 s22, v21  }
0x495: {  	v1 =	vmul.f32 v1, v2;
	_ =	sdelay $0x1  }
0x496: {  	[tilespmem:s24+$0x39B0] =	vst v1  }
0x497: {  	v1 =	vld.idx.msk [tilespmem:v3+s25+$0x0], $0xffff  }
0x498: {  	v3 =	vld.idx.msk [tilespmem:v7+s25+$0x0], $0xffff;
	_ =	sdelay $0x2  }
0x499: {  	v7 =	vadd.s32 s22, v25  }
0x49a: {  	v1 =	vadd.f32 v1, v5  }
0x49b: {  	v3 =	vadd.f32 v3, v6  }
0x49c: {  	[tilespmem:s24+$0x3640] =	vst v1  }
0x49d: {  	[tilespmem:s24+$0x36C0] =	vst v3  }
0x49e: {  	v1 =	vld.idx.msk [tilespmem:v7+s25+$0x0], $0xffff  }
0x49f: {  	v3 =	vadd.s32 s22, v29;
	_ =	sdelay $0x3  }
0x4a0: {  	[tilespmem:s24+$0x3740] =	vst v1  }
0x4a1: {  	v1 =	vld.idx.msk [tilespmem:v3+s25+$0x0], $0xffff  }
0x4a2: {  	v3 =	vadd.s32 s22, v33  }
0x4a3: {  	v5 =	vadd.s32 s22, v39;
	_ =	sdelay $0x2  }
0x4a4: {  	[tilespmem:s24+$0x37C0] =	vst v1  }
0x4a5: {  	v3 =	vld.idx.msk [tilespmem:v3+s25+$0x0], $0xffff  }
0x4a6: {  	v5 =	vld.idx.msk [tilespmem:v5+s25+$0x0], $0xffff;
	_ =	sdelay $0x2  }
0x4a7: {  	v1 =	vadd.s32 s22, v41  }
0x4a8: {  	v4 =	vmul.f32 v3, v4  }
0x4a9: {  	s3 =	simm.s32 $0x40;
	s4 =	simm.s32 $0x0;
	[tilespmem:s24+$0x3940] =	vst v10;
	v3 =	vmul.f32 v5, v8  }
.LBB2_12:
0x4aa: {  	p0 =	sne.s32 s3, $0x3C0;
	[tilespmem:s24+$0x3840] =	vst v4;
	s22 =	sadd.s32 $0xA1, s22;
	s4 =	sadd.s32 $0x200, s4  }
0x4ab: {  	s5 =	smov.u32 s3;
	s3 =	sadd.s32 $0x40, s3;
	[tilespmem:s24+$0x38C0] =	vst v3  }
0x4ac: {  	v1 =	vld.idx.msk [tilespmem:v1+s25+$0x0], $0xffff;
	_ =	sdelay $0x1  }
0x4ad: {  	v3 =	vadd.s32 s22, v11;
	v4 =	vadd.s32 s22, v18  }
0x4ae: {  	v5 =	vmov s22  }
0x4af: {  	v6 =	vadd.s32 $0x1, v5;
	v7 =	vadd.s32 $0x2, v5  }
0x4b0: {  	v9 =	vadd.s32 $0x3, v5  }
0x4b1: {  	[tilespmem:s24+$0x39C0] =	vst v1  }
0x4b2: {  	v1 =	vld.idx.msk [tilespmem:v3+s25+$0x0], $0xffff  }
0x4b3: {  	v3 =	vld.idx.msk [tilespmem:v4+s25+$0x0], $0xffff  }
0x4b4: {  	v8 =	vld.idx.msk [tilespmem:v7+s25+$0x0], $0xffff  }
0x4b5: {  	v12 =	vld.idx.msk [tilespmem:v9+s25+$0x0], $0xffff;
	_ =	sdelay $0x2  }
0x4b6: {  	v4 =	vadd.s32 s22, v22;
	v1 =	vmul.f32 v1, v2  }
0x4b7: {  	v3 =	vmul.f32 v3, v2  }
0x4b8: {  	s5 =	sand.u32 $0x40, s5;
	s24 =	sand.u32 $0x1C00, s4;
	v1 =	vadd.f32 v1, v8;
	v5 =	vld.idx.msk [tilespmem:v5+s25+$0x0], $0xffff  }
0x4b9: {  	s24 =	sor.u32 s5, s24;
	v3 =	vadd.f32 v3, v12;
	v6 =	vld.idx.msk [tilespmem:v6+s25+$0x0], $0xffff  }
0x4ba: {  	[tilespmem:s24+$0x3610] =	vst v1  }
0x4bb: {  	[tilespmem:s24+$0x3690] =	vst v3  }
0x4bc: {  	v1 =	vld.idx.msk [tilespmem:v4+s25+$0x0], $0xffff  }
0x4bd: {  	v3 =	vadd.s32 s22, v26  }
0x4be: {  	v4 =	vadd.f32 $1.000000050e-03, v5;
	_ =	sdelay $0x3  }
0x4bf: {  	[tilespmem:s24+$0x3710] =	vst v1  }
0x4c0: {  	v1 =	vld.idx.msk [tilespmem:v3+s25+$0x0], $0xffff;
	_ =	sdelay $0x1  }
0x4c1: {  	v5 =	vadd.s32 s22, v30;
	v3 =	vadd.f32 $1.000000050e-03, v6;
	v6 =	vadd.s32 s22, v34  }
0x4c2: {  	(erf) = vrcp.f32 v4  }
0x4c3: {  	(erf) = vrcp.f32 v3;
	_ =	sdelay $0x1  }
0x4c4: {  	[tilespmem:s24+$0x3790] =	vst v1  }
0x4c5: {  	v1 =	vld.idx.msk [tilespmem:v5+s25+$0x0], $0xffff  }
0x4c6: {  	v3 =	vld.idx.msk [tilespmem:v6+s25+$0x0], $0xffff;
	_ =	sdelay $0x3  }
0x4c7: {  	v14 =	vpop (erf)  }
0x4c8: {  	v1 =	vmul.f32 v1, v2;
	v15 =	vpop (erf)  }
0x4c9: {  	v4 =	vadd.s32 s22, v13;
	v5 =	vadd.s32 s22, v19;
	v3 =	vmul.f32 v3, v2  }
0x4ca: {  	v1 =	vmul.f32 v1, v14;
	[tilespmem:s24+$0x3990] =	vst v0  }
0x4cb: {  	v3 =	vmul.f32 v3, v15;
	[tilespmem:s24+$0x3910] =	vst v36  }
0x4cc: {  	[tilespmem:s24+$0x3810] =	vst v1  }
0x4cd: {  	[tilespmem:s24+$0x3890] =	vst v3  }
0x4ce: {  	v1 =	vld.idx.msk [tilespmem:v4+s25+$0x0], $0xffff  }
0x4cf: {  	v3 =	vld.idx.msk [tilespmem:v5+s25+$0x0], $0xffff  }
0x4d0: {  	v4 =	vadd.s32 s22, v23;
	_ =	sdelay $0x3  }
0x4d1: {  	v1 =	vadd.f32 v1, v8  }
0x4d2: {  	v3 =	vadd.f32 v3, v12  }
0x4d3: {  	[tilespmem:s24+$0x3620] =	vst v1  }
0x4d4: {  	v1 =	vadd.s32 s22, v27;
	[tilespmem:s24+$0x36A0] =	vst v3  }
0x4d5: {  	v3 =	vld.idx.msk [tilespmem:v4+s25+$0x0], $0xffff;
	_ =	sdelay $0x5  }
0x4d6: {  	[tilespmem:s24+$0x3720] =	vst v3  }
0x4d7: {  	v1 =	vld.idx.msk [tilespmem:v1+s25+$0x0], $0xffff;
	_ =	sdelay $0x1  }
0x4d8: {  	v4 =	vadd.s32 s22, v35;
	v3 =	vadd.s32 s22, v31;
	_ =	sdelay $0x3  }
0x4d9: {  	[tilespmem:s24+$0x37A0] =	vst v1  }
0x4da: {  	v1 =	vld.idx.msk [tilespmem:v3+s25+$0x0], $0xffff  }
0x4db: {  	v3 =	vld.idx.msk [tilespmem:v4+s25+$0x0], $0xffff;
	_ =	sdelay $0x3  }
0x4dc: {  	v5 =	vadd.s32 s22, v20;
	v4 =	vadd.s32 s22, v16  }
0x4dd: {  	v1 =	vmul.f32 v1, v14;
	[tilespmem:s24+$0x39A0] =	vst v0  }
0x4de: {  	v3 =	vmul.f32 v3, v15;
	[tilespmem:s24+$0x3920] =	vst v0  }
0x4df: {  	[tilespmem:s24+$0x3820] =	vst v1  }
0x4e0: {  	[tilespmem:s24+$0x38A0] =	vst v3  }
0x4e1: {  	v3 =	vadd.s32 s22, v24;
	v1 =	vld.idx.msk [tilespmem:v4+s25+$0x0], $0xffff  }
0x4e2: {  	v4 =	vld.idx.msk [tilespmem:v5+s25+$0x0], $0xffff;
	_ =	sdelay $0x4  }
0x4e3: {  	v1 =	vadd.f32 v1, v8  }
0x4e4: {  	v5 =	vadd.s32 s22, v28;
	v4 =	vadd.f32 v4, v12  }
0x4e5: {  	[tilespmem:s24+$0x3630] =	vst v1  }
0x4e6: {  	[tilespmem:s24+$0x36B0] =	vst v4  }
0x4e7: {  	v1 =	vld.idx.msk [tilespmem:v3+s25+$0x0], $0xffff;
	_ =	sdelay $0x5  }
0x4e8: {  	[tilespmem:s24+$0x3730] =	vst v1  }
0x4e9: {  	v1 =	vld.idx.msk [tilespmem:v5+s25+$0x0], $0xffff;
	_ =	sdelay $0x1  }
0x4ea: {  	v4 =	vadd.s32 s22, v37;
	v3 =	vadd.s32 s22, v32;
	_ =	sdelay $0x3  }
0x4eb: {  	[tilespmem:s24+$0x37B0] =	vst v1;
	v1 =	vadd.s32 s22, v40  }
0x4ec: {  	v3 =	vld.idx.msk [tilespmem:v3+s25+$0x0], $0xffff  }
0x4ed: {  	v4 =	vld.idx.msk [tilespmem:v4+s25+$0x0], $0xffff  }
0x4ee: {  	[tilespmem:s24+$0x3930] =	vst v38;
	_ =	sdelay $0x3  }
0x4ef: {  	v3 =	vmul.f32 v3, v14  }
0x4f0: {  	v4 =	vmul.f32 v4, v15  }
0x4f1: {  	[tilespmem:s24+$0x3830] =	vst v3  }
0x4f2: {  	[tilespmem:s24+$0x38B0] =	vst v4  }
0x4f3: {  	v1 =	vld.idx.msk [tilespmem:v1+s25+$0x0], $0xffff;
	_ =	sdelay $0x3  }
0x4f4: {  	v3 =	vadd.s32 s22, v17;
	v4 =	vadd.s32 s22, v21;
	_ =	sdelay $0x1  }
0x4f5: {  	v1 =	vmul.f32 v1, v2  }
0x4f6: {  	v5 =	vadd.s32 s22, v25  }
0x4f7: {  	[tilespmem:s24+$0x39B0] =	vst v1  }
0x4f8: {  	v1 =	vld.idx.msk [tilespmem:v3+s25+$0x0], $0xffff  }
0x4f9: {  	v3 =	vld.idx.msk [tilespmem:v4+s25+$0x0], $0xffff;
	_ =	sdelay $0x3  }
0x4fa: {  	v4 =	vadd.s32 s22, v29  }
0x4fb: {  	v1 =	vadd.f32 v1, v8  }
0x4fc: {  	v3 =	vadd.f32 v3, v12  }
0x4fd: {  	[tilespmem:s24+$0x3640] =	vst v1  }
0x4fe: {  	[tilespmem:s24+$0x36C0] =	vst v3  }
0x4ff: {  	v1 =	vld.idx.msk [tilespmem:v5+s25+$0x0], $0xffff;
	_ =	sdelay $0x5  }
0x500: {  	[tilespmem:s24+$0x3740] =	vst v1  }
0x501: {  	v3 =	vld.idx.msk [tilespmem:v4+s25+$0x0], $0xffff;
	_ =	sdelay $0x1  }
0x502: {  	v5 =	vadd.s32 s22, v39;
	v4 =	vadd.s32 s22, v33;
	_ =	sdelay $0x1  }
0x503: {  	v1 =	vadd.s32 s22, v41;
	_ =	sdelay $0x1  }
0x504: {  	[tilespmem:s24+$0x37C0] =	vst v3  }
0x505: {  	v3 =	vld.idx.msk [tilespmem:v4+s25+$0x0], $0xffff  }
0x506: {  	v5 =	vld.idx.msk [tilespmem:v5+s25+$0x0], $0xffff  }
0x507: {  	[tilespmem:s24+$0x3940] =	vst v10  }
.Ltmp5:
0x508: {  	(pc) =	sbr.rel @p0 .LBB2_12-.Ltmp5, $3  }
0x509: {  	_ =	sdelay $0x1  }
0x50a: {  	v4 =	vmul.f32 v3, v14  }
0x50b: {  	v3 =	vmul.f32 v5, v15  }
0x50c: {  	_ =	sdelay $0x1  }
0x50d: {  	[tilespmem:s24+$0x3840] =	vst v4  }
0x50e: {  	[tilespmem:s24+$0x38C0] =	vst v3  }
0x50f: {  	v1 =	vld.idx.msk [tilespmem:v1+s25+$0x0], $0xffff;
	_ =	sdelay $0x4  }
0x510: {  	s22 =	simm.s32 $0x0;
	[tilespmem:s24+$0x39C0] =	vst v1  }
0x511: {  	[hbm4b:s17+s22] =	stream.linear.scatter [tilespmem:s30], [sflag:$0x4], $0x2000, $0x38;
	[tilespmem:$0x5610] =	vst v63  }
0x512: {  	_ = 	snop  }
0x513: {  	[tilespmem:s25], [sflag:$0x2] =	stream.linear.gather [hbm4b:s18+s22], $0xA10, $0x38;
	[tilespmem:$0x5610] =	vst v63  }
0x514: {  	_ =	swait.ge [sflag:s26], $0xA10  }
0x515: {  	v1 =	vadd.s32 s22, v11;
	[sflag:s26] =	ssyncset.done $0x0  }
0x516: {  	v3 =	vadd.s32 s22, v18;
	v4 =	vmov s22;
	[sflag:s26] =	ssyncadd.s32 $0xFFFFF5F0  }
0x517: {  	v5 =	vadd.s32 $0x2, v4;
	_ =	swait.ge [sflag:s31], $0x2000  }
0x518: {  	v6 =	vadd.s32 $0x3, v4;
	[sflag:s31] =	ssyncset.done $0x0  }
0x519: {  	[sflag:s31] =	ssyncadd.s32 $0xFFFFE000  }
0x51a: {  	v1 =	vld.idx.msk [tilespmem:v1+s2+$0x0], $0xffff  }
0x51b: {  	v3 =	vld.idx.msk [tilespmem:v3+s2+$0x0], $0xffff  }
0x51c: {  	v5 =	vld.idx.msk [tilespmem:v5+s2+$0x0], $0xffff  }
0x51d: {  	v6 =	vld.idx.msk [tilespmem:v6+s2+$0x0], $0xffff  }
0x51e: {  	v7 =	vadd.s32 $0x1, v4  }
0x51f: {  	v1 =	vmul.f32 v1, v2  }
0x520: {  	v8 =	vadd.s32 s22, v22;
	v3 =	vmul.f32 v3, v2  }
0x521: {  	s3 =	sand.u32 $0x1C00, s22;
	s4 =	sand.u32 $0x40, s22;
	v1 =	vadd.f32 v1, v5  }
0x522: {  	s24 =	sor.u32 s4, s3;
	v4 =	vld.idx.msk [tilespmem:v4+s2+$0x0], $0xffff;
	v3 =	vadd.f32 v3, v6  }
0x523: {  	v7 =	vld.idx.msk [tilespmem:v7+s2+$0x0], $0xffff;
	[tilespmem:s24+$0x1610] =	vst v1  }
0x524: {  	[tilespmem:s24+$0x1690] =	vst v3  }
0x525: {  	v1 =	vld.idx.msk [tilespmem:v8+s2+$0x0], $0xffff  }
0x526: {  	v3 =	vadd.s32 s22, v26;
	_ =	sdelay $0x3  }
0x527: {  	[tilespmem:s24+$0x1710] =	vst v1  }
0x528: {  	v1 =	vld.idx.msk [tilespmem:v3+s2+$0x0], $0xffff  }
0x529: {  	v3 =	vadd.f32 $1.000000050e-03, v4;
	v4 =	vadd.s32 s22, v30  }
0x52a: {  	v7 =	vadd.f32 $1.000000050e-03, v7;
	v8 =	vadd.s32 s22, v34  }
0x52b: {  	(erf) = vrcp.f32 v3  }
0x52c: {  	(erf) = vrcp.f32 v7  }
0x52d: {  	[tilespmem:s24+$0x1790] =	vst v1  }
0x52e: {  	v1 =	vld.idx.msk [tilespmem:v4+s2+$0x0], $0xffff  }
0x52f: {  	v3 =	vld.idx.msk [tilespmem:v8+s2+$0x0], $0xffff;
	_ =	sdelay $0x3  }
0x530: {  	v1 =	vmul.f32 v1, v2  }
0x531: {  	v7 =	vadd.s32 s22, v13;
	v4 =	vpop (erf);
	v3 =	vmul.f32 v3, v2  }
0x532: {  	v9 =	vadd.s32 s22, v19;
	[tilespmem:s24+$0x1990] =	vst v0;
	v8 =	vpop (erf);
	v1 =	vmul.f32 v1, v4  }
0x533: {  	[tilespmem:s24+$0x1910] =	vst v36;
	v3 =	vmul.f32 v3, v8  }
0x534: {  	[tilespmem:s24+$0x1810] =	vst v1  }
0x535: {  	[tilespmem:s24+$0x1890] =	vst v3  }
0x536: {  	v1 =	vld.idx.msk [tilespmem:v7+s2+$0x0], $0xffff  }
0x537: {  	v3 =	vld.idx.msk [tilespmem:v9+s2+$0x0], $0xffff;
	_ =	sdelay $0x2  }
0x538: {  	v7 =	vadd.s32 s22, v23  }
0x539: {  	v1 =	vadd.f32 v1, v5  }
0x53a: {  	v3 =	vadd.f32 v3, v6  }
0x53b: {  	[tilespmem:s24+$0x1620] =	vst v1  }
0x53c: {  	[tilespmem:s24+$0x16A0] =	vst v3  }
0x53d: {  	v1 =	vld.idx.msk [tilespmem:v7+s2+$0x0], $0xffff  }
0x53e: {  	v3 =	vadd.s32 s22, v27;
	_ =	sdelay $0x3  }
0x53f: {  	[tilespmem:s24+$0x1720] =	vst v1  }
0x540: {  	v1 =	vld.idx.msk [tilespmem:v3+s2+$0x0], $0xffff  }
0x541: {  	v3 =	vadd.s32 s22, v31  }
0x542: {  	v7 =	vadd.s32 s22, v35;
	_ =	sdelay $0x2  }
0x543: {  	[tilespmem:s24+$0x17A0] =	vst v1  }
0x544: {  	v1 =	vld.idx.msk [tilespmem:v3+s2+$0x0], $0xffff  }
0x545: {  	v3 =	vld.idx.msk [tilespmem:v7+s2+$0x0], $0xffff;
	_ =	sdelay $0x2  }
0x546: {  	v7 =	vadd.s32 s22, v16  }
0x547: {  	v9 =	vadd.s32 s22, v20;
	[tilespmem:s24+$0x19A0] =	vst v0;
	v1 =	vmul.f32 v1, v4  }
0x548: {  	[tilespmem:s24+$0x1920] =	vst v0;
	v3 =	vmul.f32 v3, v8  }
0x549: {  	[tilespmem:s24+$0x1820] =	vst v1  }
0x54a: {  	[tilespmem:s24+$0x18A0] =	vst v3  }
0x54b: {  	v1 =	vld.idx.msk [tilespmem:v7+s2+$0x0], $0xffff  }
0x54c: {  	v3 =	vld.idx.msk [tilespmem:v9+s2+$0x0], $0xffff;
	_ =	sdelay $0x2  }
0x54d: {  	v7 =	vadd.s32 s22, v24  }
0x54e: {  	v1 =	vadd.f32 v1, v5  }
0x54f: {  	v3 =	vadd.f32 v3, v6  }
0x550: {  	[tilespmem:s24+$0x1630] =	vst v1  }
0x551: {  	[tilespmem:s24+$0x16B0] =	vst v3  }
0x552: {  	v1 =	vld.idx.msk [tilespmem:v7+s2+$0x0], $0xffff  }
0x553: {  	v3 =	vadd.s32 s22, v28;
	_ =	sdelay $0x3  }
0x554: {  	[tilespmem:s24+$0x1730] =	vst v1  }
0x555: {  	v1 =	vld.idx.msk [tilespmem:v3+s2+$0x0], $0xffff  }
0x556: {  	v3 =	vadd.s32 s22, v32  }
0x557: {  	v7 =	vadd.s32 s22, v37;
	_ =	sdelay $0x2  }
0x558: {  	[tilespmem:s24+$0x17B0] =	vst v1  }
0x559: {  	v1 =	vld.idx.msk [tilespmem:v3+s2+$0x0], $0xffff  }
0x55a: {  	v3 =	vld.idx.msk [tilespmem:v7+s2+$0x0], $0xffff;
	_ =	sdelay $0x2  }
0x55b: {  	v7 =	vadd.s32 s22, v40  }
0x55c: {  	v1 =	vmul.f32 v1, v4  }
0x55d: {  	[tilespmem:s24+$0x1930] =	vst v38;
	v3 =	vmul.f32 v3, v8  }
0x55e: {  	[tilespmem:s24+$0x1830] =	vst v1  }
0x55f: {  	[tilespmem:s24+$0x18B0] =	vst v3  }
0x560: {  	v1 =	vld.idx.msk [tilespmem:v7+s2+$0x0], $0xffff;
	_ =	sdelay $0x2  }
0x561: {  	v3 =	vadd.s32 s22, v17  }
0x562: {  	v7 =	vadd.s32 s22, v21  }
0x563: {  	v1 =	vmul.f32 v1, v2;
	_ =	sdelay $0x1  }
0x564: {  	[tilespmem:s24+$0x19B0] =	vst v1  }
0x565: {  	v1 =	vld.idx.msk [tilespmem:v3+s2+$0x0], $0xffff  }
0x566: {  	v3 =	vld.idx.msk [tilespmem:v7+s2+$0x0], $0xffff;
	_ =	sdelay $0x2  }
0x567: {  	v7 =	vadd.s32 s22, v25  }
0x568: {  	v1 =	vadd.f32 v1, v5  }
0x569: {  	v3 =	vadd.f32 v3, v6  }
0x56a: {  	[tilespmem:s24+$0x1640] =	vst v1  }
0x56b: {  	[tilespmem:s24+$0x16C0] =	vst v3  }
0x56c: {  	v1 =	vld.idx.msk [tilespmem:v7+s2+$0x0], $0xffff  }
0x56d: {  	v3 =	vadd.s32 s22, v29;
	_ =	sdelay $0x3  }
0x56e: {  	[tilespmem:s24+$0x1740] =	vst v1  }
0x56f: {  	v1 =	vld.idx.msk [tilespmem:v3+s2+$0x0], $0xffff  }
0x570: {  	v3 =	vadd.s32 s22, v33  }
0x571: {  	v5 =	vadd.s32 s22, v39;
	_ =	sdelay $0x2  }
0x572: {  	[tilespmem:s24+$0x17C0] =	vst v1  }
0x573: {  	v3 =	vld.idx.msk [tilespmem:v3+s2+$0x0], $0xffff  }
0x574: {  	v5 =	vld.idx.msk [tilespmem:v5+s2+$0x0], $0xffff;
	_ =	sdelay $0x2  }
0x575: {  	v1 =	vadd.s32 s22, v41  }
0x576: {  	v4 =	vmul.f32 v3, v4  }
0x577: {  	s3 =	simm.s32 $0x40;
	s4 =	simm.s32 $0x0;
	[tilespmem:s24+$0x1940] =	vst v10;
	v3 =	vmul.f32 v5, v8  }
.LBB2_14:
0x578: {  	p0 =	sne.s32 s3, $0x3C0;
	[tilespmem:s24+$0x1840] =	vst v4;
	s22 =	sadd.s32 $0xA1, s22;
	s4 =	sadd.s32 $0x200, s4  }
0x579: {  	s5 =	smov.u32 s3;
	s3 =	sadd.s32 $0x40, s3;
	[tilespmem:s24+$0x18C0] =	vst v3  }
0x57a: {  	v1 =	vld.idx.msk [tilespmem:v1+s2+$0x0], $0xffff;
	_ =	sdelay $0x1  }
0x57b: {  	v3 =	vadd.s32 s22, v11;
	v4 =	vadd.s32 s22, v18  }
0x57c: {  	v5 =	vmov s22  }
0x57d: {  	v6 =	vadd.s32 $0x1, v5;
	v7 =	vadd.s32 $0x2, v5  }
0x57e: {  	v9 =	vadd.s32 $0x3, v5  }
0x57f: {  	[tilespmem:s24+$0x19C0] =	vst v1  }
0x580: {  	v1 =	vld.idx.msk [tilespmem:v3+s2+$0x0], $0xffff  }
0x581: {  	v3 =	vld.idx.msk [tilespmem:v4+s2+$0x0], $0xffff  }
0x582: {  	v8 =	vld.idx.msk [tilespmem:v7+s2+$0x0], $0xffff  }
0x583: {  	v12 =	vld.idx.msk [tilespmem:v9+s2+$0x0], $0xffff;
	_ =	sdelay $0x2  }
0x584: {  	v4 =	vadd.s32 s22, v22;
	v1 =	vmul.f32 v1, v2  }
0x585: {  	v3 =	vmul.f32 v3, v2  }
0x586: {  	s5 =	sand.u32 $0x40, s5;
	s24 =	sand.u32 $0x1C00, s4;
	v1 =	vadd.f32 v1, v8;
	v5 =	vld.idx.msk [tilespmem:v5+s2+$0x0], $0xffff  }
0x587: {  	s24 =	sor.u32 s5, s24;
	v3 =	vadd.f32 v3, v12;
	v6 =	vld.idx.msk [tilespmem:v6+s2+$0x0], $0xffff  }
0x588: {  	[tilespmem:s24+$0x1610] =	vst v1  }
0x589: {  	[tilespmem:s24+$0x1690] =	vst v3  }
0x58a: {  	v1 =	vld.idx.msk [tilespmem:v4+s2+$0x0], $0xffff  }
0x58b: {  	v3 =	vadd.s32 s22, v26  }
0x58c: {  	v4 =	vadd.f32 $1.000000050e-03, v5;
	_ =	sdelay $0x3  }
0x58d: {  	[tilespmem:s24+$0x1710] =	vst v1  }
0x58e: {  	v1 =	vld.idx.msk [tilespmem:v3+s2+$0x0], $0xffff;
	_ =	sdelay $0x1  }
0x58f: {  	v5 =	vadd.s32 s22, v30;
	v3 =	vadd.f32 $1.000000050e-03, v6;
	v6 =	vadd.s32 s22, v34  }
0x590: {  	(erf) = vrcp.f32 v4  }
0x591: {  	(erf) = vrcp.f32 v3;
	_ =	sdelay $0x1  }
0x592: {  	[tilespmem:s24+$0x1790] =	vst v1  }
0x593: {  	v1 =	vld.idx.msk [tilespmem:v5+s2+$0x0], $0xffff  }
0x594: {  	v3 =	vld.idx.msk [tilespmem:v6+s2+$0x0], $0xffff;
	_ =	sdelay $0x3  }
0x595: {  	v14 =	vpop (erf)  }
0x596: {  	v1 =	vmul.f32 v1, v2;
	v15 =	vpop (erf)  }
0x597: {  	v4 =	vadd.s32 s22, v13;
	v5 =	vadd.s32 s22, v19;
	v3 =	vmul.f32 v3, v2  }
0x598: {  	v1 =	vmul.f32 v1, v14;
	[tilespmem:s24+$0x1990] =	vst v0  }
0x599: {  	v3 =	vmul.f32 v3, v15;
	[tilespmem:s24+$0x1910] =	vst v36  }
0x59a: {  	[tilespmem:s24+$0x1810] =	vst v1  }
0x59b: {  	[tilespmem:s24+$0x1890] =	vst v3  }
0x59c: {  	v1 =	vld.idx.msk [tilespmem:v4+s2+$0x0], $0xffff  }
0x59d: {  	v3 =	vld.idx.msk [tilespmem:v5+s2+$0x0], $0xffff  }
0x59e: {  	v4 =	vadd.s32 s22, v23;
	_ =	sdelay $0x3  }
0x59f: {  	v1 =	vadd.f32 v1, v8  }
0x5a0: {  	v3 =	vadd.f32 v3, v12  }
0x5a1: {  	[tilespmem:s24+$0x1620] =	vst v1  }
0x5a2: {  	v1 =	vadd.s32 s22, v27;
	[tilespmem:s24+$0x16A0] =	vst v3  }
0x5a3: {  	v3 =	vld.idx.msk [tilespmem:v4+s2+$0x0], $0xffff;
	_ =	sdelay $0x5  }
0x5a4: {  	[tilespmem:s24+$0x1720] =	vst v3  }
0x5a5: {  	v1 =	vld.idx.msk [tilespmem:v1+s2+$0x0], $0xffff;
	_ =	sdelay $0x1  }
0x5a6: {  	v4 =	vadd.s32 s22, v35;
	v3 =	vadd.s32 s22, v31;
	_ =	sdelay $0x3  }
0x5a7: {  	[tilespmem:s24+$0x17A0] =	vst v1  }
0x5a8: {  	v1 =	vld.idx.msk [tilespmem:v3+s2+$0x0], $0xffff  }
0x5a9: {  	v3 =	vld.idx.msk [tilespmem:v4+s2+$0x0], $0xffff;
	_ =	sdelay $0x3  }
0x5aa: {  	v5 =	vadd.s32 s22, v20;
	v4 =	vadd.s32 s22, v16  }
0x5ab: {  	v1 =	vmul.f32 v1, v14;
	[tilespmem:s24+$0x19A0] =	vst v0  }
0x5ac: {  	v3 =	vmul.f32 v3, v15;
	[tilespmem:s24+$0x1920] =	vst v0  }
0x5ad: {  	[tilespmem:s24+$0x1820] =	vst v1  }
0x5ae: {  	[tilespmem:s24+$0x18A0] =	vst v3  }
0x5af: {  	v3 =	vadd.s32 s22, v24;
	v1 =	vld.idx.msk [tilespmem:v4+s2+$0x0], $0xffff  }
0x5b0: {  	v4 =	vld.idx.msk [tilespmem:v5+s2+$0x0], $0xffff;
	_ =	sdelay $0x4  }
0x5b1: {  	v1 =	vadd.f32 v1, v8  }
0x5b2: {  	v5 =	vadd.s32 s22, v28;
	v4 =	vadd.f32 v4, v12  }
0x5b3: {  	[tilespmem:s24+$0x1630] =	vst v1  }
0x5b4: {  	[tilespmem:s24+$0x16B0] =	vst v4  }
0x5b5: {  	v1 =	vld.idx.msk [tilespmem:v3+s2+$0x0], $0xffff;
	_ =	sdelay $0x5  }
0x5b6: {  	[tilespmem:s24+$0x1730] =	vst v1  }
0x5b7: {  	v1 =	vld.idx.msk [tilespmem:v5+s2+$0x0], $0xffff;
	_ =	sdelay $0x1  }
0x5b8: {  	v4 =	vadd.s32 s22, v37;
	v3 =	vadd.s32 s22, v32;
	_ =	sdelay $0x3  }
0x5b9: {  	[tilespmem:s24+$0x17B0] =	vst v1;
	v1 =	vadd.s32 s22, v40  }
0x5ba: {  	v3 =	vld.idx.msk [tilespmem:v3+s2+$0x0], $0xffff  }
0x5bb: {  	v4 =	vld.idx.msk [tilespmem:v4+s2+$0x0], $0xffff  }
0x5bc: {  	[tilespmem:s24+$0x1930] =	vst v38;
	_ =	sdelay $0x3  }
0x5bd: {  	v3 =	vmul.f32 v3, v14  }
0x5be: {  	v4 =	vmul.f32 v4, v15  }
0x5bf: {  	[tilespmem:s24+$0x1830] =	vst v3  }
0x5c0: {  	[tilespmem:s24+$0x18B0] =	vst v4  }
0x5c1: {  	v1 =	vld.idx.msk [tilespmem:v1+s2+$0x0], $0xffff;
	_ =	sdelay $0x3  }
0x5c2: {  	v3 =	vadd.s32 s22, v17;
	v4 =	vadd.s32 s22, v21;
	_ =	sdelay $0x1  }
0x5c3: {  	v1 =	vmul.f32 v1, v2  }
0x5c4: {  	v5 =	vadd.s32 s22, v25  }
0x5c5: {  	[tilespmem:s24+$0x19B0] =	vst v1  }
0x5c6: {  	v1 =	vld.idx.msk [tilespmem:v3+s2+$0x0], $0xffff  }
0x5c7: {  	v3 =	vld.idx.msk [tilespmem:v4+s2+$0x0], $0xffff;
	_ =	sdelay $0x3  }
0x5c8: {  	v4 =	vadd.s32 s22, v29  }
0x5c9: {  	v1 =	vadd.f32 v1, v8  }
0x5ca: {  	v3 =	vadd.f32 v3, v12  }
0x5cb: {  	[tilespmem:s24+$0x1640] =	vst v1  }
0x5cc: {  	[tilespmem:s24+$0x16C0] =	vst v3  }
0x5cd: {  	v1 =	vld.idx.msk [tilespmem:v5+s2+$0x0], $0xffff;
	_ =	sdelay $0x5  }
0x5ce: {  	[tilespmem:s24+$0x1740] =	vst v1  }
0x5cf: {  	v3 =	vld.idx.msk [tilespmem:v4+s2+$0x0], $0xffff;
	_ =	sdelay $0x1  }
0x5d0: {  	v5 =	vadd.s32 s22, v39;
	v4 =	vadd.s32 s22, v33;
	_ =	sdelay $0x1  }
0x5d1: {  	v1 =	vadd.s32 s22, v41;
	_ =	sdelay $0x1  }
0x5d2: {  	[tilespmem:s24+$0x17C0] =	vst v3  }
0x5d3: {  	v3 =	vld.idx.msk [tilespmem:v4+s2+$0x0], $0xffff  }
0x5d4: {  	v5 =	vld.idx.msk [tilespmem:v5+s2+$0x0], $0xffff  }
0x5d5: {  	[tilespmem:s24+$0x1940] =	vst v10  }
.Ltmp6:
0x5d6: {  	(pc) =	sbr.rel @p0 .LBB2_14-.Ltmp6, $3  }
0x5d7: {  	_ =	sdelay $0x1  }
0x5d8: {  	v4 =	vmul.f32 v3, v14  }
0x5d9: {  	v3 =	vmul.f32 v5, v15  }
0x5da: {  	_ =	sdelay $0x1  }
0x5db: {  	[tilespmem:s24+$0x1840] =	vst v4  }
0x5dc: {  	[tilespmem:s24+$0x18C0] =	vst v3  }
0x5dd: {  	v1 =	vld.idx.msk [tilespmem:v1+s2+$0x0], $0xffff;
	_ =	sdelay $0x4  }
0x5de: {  	s22 =	simm.s32 $0x0;
	[tilespmem:s24+$0x19C0] =	vst v1  }
0x5df: {  	[hbm4b:s19+s22] =	stream.linear.scatter [tilespmem:s28], [sflag:$0x3], $0x2000, $0x38;
	[tilespmem:$0x5610] =	vst v63  }
0x5e0: {  	_ =	swait.ge [sflag:s29], $0xA10  }
0x5e1: {  	v1 =	vadd.s32 s22, v11;
	[sflag:s29] =	ssyncset.done $0x0  }
0x5e2: {  	v3 =	vadd.s32 s22, v18;
	v4 =	vmov s22;
	[sflag:s29] =	ssyncadd.s32 $0xFFFFF5F0  }
0x5e3: {  	v5 =	vadd.s32 $0x2, v4;
	_ =	swait.ge [sflag:s0], $0x2000  }
0x5e4: {  	v6 =	vadd.s32 $0x3, v4;
	[sflag:s0] =	ssyncset.done $0x0  }
0x5e5: {  	[sflag:s0] =	ssyncadd.s32 $0xFFFFE000  }
0x5e6: {  	v1 =	vld.idx.msk [tilespmem:v1+s25+$0x0], $0xffff  }
0x5e7: {  	v3 =	vld.idx.msk [tilespmem:v3+s25+$0x0], $0xffff  }
0x5e8: {  	v5 =	vld.idx.msk [tilespmem:v5+s25+$0x0], $0xffff  }
0x5e9: {  	v6 =	vld.idx.msk [tilespmem:v6+s25+$0x0], $0xffff  }
0x5ea: {  	v7 =	vadd.s32 $0x1, v4  }
0x5eb: {  	v1 =	vmul.f32 v1, v2  }
0x5ec: {  	v8 =	vadd.s32 s22, v22;
	v3 =	vmul.f32 v3, v2  }
0x5ed: {  	s3 =	sand.u32 $0x1C00, s22;
	s4 =	sand.u32 $0x40, s22;
	v1 =	vadd.f32 v1, v5  }
0x5ee: {  	s24 =	sor.u32 s4, s3;
	v4 =	vld.idx.msk [tilespmem:v4+s25+$0x0], $0xffff;
	v3 =	vadd.f32 v3, v6  }
0x5ef: {  	v7 =	vld.idx.msk [tilespmem:v7+s25+$0x0], $0xffff;
	[tilespmem:s24+$0x3610] =	vst v1  }
0x5f0: {  	[tilespmem:s24+$0x3690] =	vst v3  }
0x5f1: {  	v1 =	vld.idx.msk [tilespmem:v8+s25+$0x0], $0xffff  }
0x5f2: {  	v3 =	vadd.s32 s22, v26;
	_ =	sdelay $0x3  }
0x5f3: {  	[tilespmem:s24+$0x3710] =	vst v1  }
0x5f4: {  	v1 =	vld.idx.msk [tilespmem:v3+s25+$0x0], $0xffff  }
0x5f5: {  	v3 =	vadd.f32 $1.000000050e-03, v4;
	v4 =	vadd.s32 s22, v30  }
0x5f6: {  	v7 =	vadd.f32 $1.000000050e-03, v7;
	v8 =	vadd.s32 s22, v34  }
0x5f7: {  	(erf) = vrcp.f32 v3  }
0x5f8: {  	(erf) = vrcp.f32 v7  }
0x5f9: {  	[tilespmem:s24+$0x3790] =	vst v1  }
0x5fa: {  	v1 =	vld.idx.msk [tilespmem:v4+s25+$0x0], $0xffff  }
0x5fb: {  	v3 =	vld.idx.msk [tilespmem:v8+s25+$0x0], $0xffff;
	_ =	sdelay $0x3  }
0x5fc: {  	v1 =	vmul.f32 v1, v2  }
0x5fd: {  	v7 =	vadd.s32 s22, v13;
	v4 =	vpop (erf);
	v3 =	vmul.f32 v3, v2  }
0x5fe: {  	v9 =	vadd.s32 s22, v19;
	[tilespmem:s24+$0x3990] =	vst v0;
	v8 =	vpop (erf);
	v1 =	vmul.f32 v1, v4  }
0x5ff: {  	[tilespmem:s24+$0x3910] =	vst v36;
	v3 =	vmul.f32 v3, v8  }
0x600: {  	[tilespmem:s24+$0x3810] =	vst v1  }
0x601: {  	[tilespmem:s24+$0x3890] =	vst v3  }
0x602: {  	v1 =	vld.idx.msk [tilespmem:v7+s25+$0x0], $0xffff  }
0x603: {  	v3 =	vld.idx.msk [tilespmem:v9+s25+$0x0], $0xffff;
	_ =	sdelay $0x2  }
0x604: {  	v7 =	vadd.s32 s22, v23  }
0x605: {  	v1 =	vadd.f32 v1, v5  }
0x606: {  	v3 =	vadd.f32 v3, v6  }
0x607: {  	[tilespmem:s24+$0x3620] =	vst v1  }
0x608: {  	[tilespmem:s24+$0x36A0] =	vst v3  }
0x609: {  	v1 =	vld.idx.msk [tilespmem:v7+s25+$0x0], $0xffff  }
0x60a: {  	v3 =	vadd.s32 s22, v27;
	_ =	sdelay $0x3  }
0x60b: {  	[tilespmem:s24+$0x3720] =	vst v1  }
0x60c: {  	v1 =	vld.idx.msk [tilespmem:v3+s25+$0x0], $0xffff  }
0x60d: {  	v3 =	vadd.s32 s22, v31  }
0x60e: {  	v7 =	vadd.s32 s22, v35;
	_ =	sdelay $0x2  }
0x60f: {  	[tilespmem:s24+$0x37A0] =	vst v1  }
0x610: {  	v1 =	vld.idx.msk [tilespmem:v3+s25+$0x0], $0xffff  }
0x611: {  	v3 =	vld.idx.msk [tilespmem:v7+s25+$0x0], $0xffff;
	_ =	sdelay $0x2  }
0x612: {  	v7 =	vadd.s32 s22, v16  }
0x613: {  	v9 =	vadd.s32 s22, v20;
	[tilespmem:s24+$0x39A0] =	vst v0;
	v1 =	vmul.f32 v1, v4  }
0x614: {  	[tilespmem:s24+$0x3920] =	vst v0;
	v3 =	vmul.f32 v3, v8  }
0x615: {  	[tilespmem:s24+$0x3820] =	vst v1  }
0x616: {  	[tilespmem:s24+$0x38A0] =	vst v3  }
0x617: {  	v1 =	vld.idx.msk [tilespmem:v7+s25+$0x0], $0xffff  }
0x618: {  	v3 =	vld.idx.msk [tilespmem:v9+s25+$0x0], $0xffff;
	_ =	sdelay $0x2  }
0x619: {  	v7 =	vadd.s32 s22, v24  }
0x61a: {  	v1 =	vadd.f32 v1, v5  }
0x61b: {  	v3 =	vadd.f32 v3, v6  }
0x61c: {  	[tilespmem:s24+$0x3630] =	vst v1  }
0x61d: {  	[tilespmem:s24+$0x36B0] =	vst v3  }
0x61e: {  	v1 =	vld.idx.msk [tilespmem:v7+s25+$0x0], $0xffff  }
0x61f: {  	v3 =	vadd.s32 s22, v28;
	_ =	sdelay $0x3  }
0x620: {  	[tilespmem:s24+$0x3730] =	vst v1  }
0x621: {  	v1 =	vld.idx.msk [tilespmem:v3+s25+$0x0], $0xffff  }
0x622: {  	v3 =	vadd.s32 s22, v32  }
0x623: {  	v7 =	vadd.s32 s22, v37;
	_ =	sdelay $0x2  }
0x624: {  	[tilespmem:s24+$0x37B0] =	vst v1  }
0x625: {  	v1 =	vld.idx.msk [tilespmem:v3+s25+$0x0], $0xffff  }
0x626: {  	v3 =	vld.idx.msk [tilespmem:v7+s25+$0x0], $0xffff;
	_ =	sdelay $0x2  }
0x627: {  	v7 =	vadd.s32 s22, v40  }
0x628: {  	v1 =	vmul.f32 v1, v4  }
0x629: {  	[tilespmem:s24+$0x3930] =	vst v38;
	v3 =	vmul.f32 v3, v8  }
0x62a: {  	[tilespmem:s24+$0x3830] =	vst v1  }
0x62b: {  	[tilespmem:s24+$0x38B0] =	vst v3  }
0x62c: {  	v1 =	vld.idx.msk [tilespmem:v7+s25+$0x0], $0xffff;
	_ =	sdelay $0x2  }
0x62d: {  	v3 =	vadd.s32 s22, v17  }
0x62e: {  	v7 =	vadd.s32 s22, v21  }
0x62f: {  	v1 =	vmul.f32 v1, v2;
	_ =	sdelay $0x1  }
0x630: {  	[tilespmem:s24+$0x39B0] =	vst v1  }
0x631: {  	v1 =	vld.idx.msk [tilespmem:v3+s25+$0x0], $0xffff  }
0x632: {  	v3 =	vld.idx.msk [tilespmem:v7+s25+$0x0], $0xffff;
	_ =	sdelay $0x2  }
0x633: {  	v7 =	vadd.s32 s22, v25  }
0x634: {  	v1 =	vadd.f32 v1, v5  }
0x635: {  	v3 =	vadd.f32 v3, v6  }
0x636: {  	[tilespmem:s24+$0x3640] =	vst v1  }
0x637: {  	[tilespmem:s24+$0x36C0] =	vst v3  }
0x638: {  	v1 =	vld.idx.msk [tilespmem:v7+s25+$0x0], $0xffff  }
0x639: {  	v3 =	vadd.s32 s22, v29;
	_ =	sdelay $0x3  }
0x63a: {  	[tilespmem:s24+$0x3740] =	vst v1  }
0x63b: {  	v1 =	vld.idx.msk [tilespmem:v3+s25+$0x0], $0xffff  }
0x63c: {  	v3 =	vadd.s32 s22, v33  }
0x63d: {  	v5 =	vadd.s32 s22, v39;
	_ =	sdelay $0x2  }
0x63e: {  	[tilespmem:s24+$0x37C0] =	vst v1  }
0x63f: {  	v3 =	vld.idx.msk [tilespmem:v3+s25+$0x0], $0xffff  }
0x640: {  	v5 =	vld.idx.msk [tilespmem:v5+s25+$0x0], $0xffff;
	_ =	sdelay $0x2  }
0x641: {  	v1 =	vadd.s32 s22, v41  }
0x642: {  	v4 =	vmul.f32 v3, v4  }
0x643: {  	s3 =	simm.s32 $0x40;
	s4 =	simm.s32 $0x0;
	[tilespmem:s24+$0x3940] =	vst v10;
	v3 =	vmul.f32 v5, v8  }
.LBB2_16:
0x644: {  	p0 =	sne.s32 s3, $0x3C0;
	[tilespmem:s24+$0x3840] =	vst v4;
	s22 =	sadd.s32 $0xA1, s22;
	s4 =	sadd.s32 $0x200, s4  }
0x645: {  	s5 =	smov.u32 s3;
	s3 =	sadd.s32 $0x40, s3;
	[tilespmem:s24+$0x38C0] =	vst v3  }
0x646: {  	v1 =	vld.idx.msk [tilespmem:v1+s25+$0x0], $0xffff;
	_ =	sdelay $0x1  }
0x647: {  	v3 =	vadd.s32 s22, v11;
	v4 =	vadd.s32 s22, v18  }
0x648: {  	v5 =	vmov s22  }
0x649: {  	v6 =	vadd.s32 $0x1, v5;
	v7 =	vadd.s32 $0x2, v5  }
0x64a: {  	v9 =	vadd.s32 $0x3, v5  }
0x64b: {  	[tilespmem:s24+$0x39C0] =	vst v1  }
0x64c: {  	v1 =	vld.idx.msk [tilespmem:v3+s25+$0x0], $0xffff  }
0x64d: {  	v3 =	vld.idx.msk [tilespmem:v4+s25+$0x0], $0xffff  }
0x64e: {  	v8 =	vld.idx.msk [tilespmem:v7+s25+$0x0], $0xffff  }
0x64f: {  	v12 =	vld.idx.msk [tilespmem:v9+s25+$0x0], $0xffff;
	_ =	sdelay $0x2  }
0x650: {  	v4 =	vadd.s32 s22, v22;
	v1 =	vmul.f32 v1, v2  }
0x651: {  	v3 =	vmul.f32 v3, v2  }
0x652: {  	s5 =	sand.u32 $0x40, s5;
	s24 =	sand.u32 $0x1C00, s4;
	v1 =	vadd.f32 v1, v8;
	v5 =	vld.idx.msk [tilespmem:v5+s25+$0x0], $0xffff  }
0x653: {  	s24 =	sor.u32 s5, s24;
	v3 =	vadd.f32 v3, v12;
	v6 =	vld.idx.msk [tilespmem:v6+s25+$0x0], $0xffff  }
0x654: {  	[tilespmem:s24+$0x3610] =	vst v1  }
0x655: {  	[tilespmem:s24+$0x3690] =	vst v3  }
0x656: {  	v1 =	vld.idx.msk [tilespmem:v4+s25+$0x0], $0xffff  }
0x657: {  	v3 =	vadd.s32 s22, v26  }
0x658: {  	v4 =	vadd.f32 $1.000000050e-03, v5;
	_ =	sdelay $0x3  }
0x659: {  	[tilespmem:s24+$0x3710] =	vst v1  }
0x65a: {  	v1 =	vld.idx.msk [tilespmem:v3+s25+$0x0], $0xffff;
	_ =	sdelay $0x1  }
0x65b: {  	v5 =	vadd.s32 s22, v30;
	v3 =	vadd.f32 $1.000000050e-03, v6;
	v6 =	vadd.s32 s22, v34  }
0x65c: {  	(erf) = vrcp.f32 v4  }
0x65d: {  	(erf) = vrcp.f32 v3;
	_ =	sdelay $0x1  }
0x65e: {  	[tilespmem:s24+$0x3790] =	vst v1  }
0x65f: {  	v1 =	vld.idx.msk [tilespmem:v5+s25+$0x0], $0xffff  }
0x660: {  	v3 =	vld.idx.msk [tilespmem:v6+s25+$0x0], $0xffff;
	_ =	sdelay $0x3  }
0x661: {  	v14 =	vpop (erf)  }
0x662: {  	v1 =	vmul.f32 v1, v2;
	v15 =	vpop (erf)  }
0x663: {  	v4 =	vadd.s32 s22, v13;
	v5 =	vadd.s32 s22, v19;
	v3 =	vmul.f32 v3, v2  }
0x664: {  	v1 =	vmul.f32 v1, v14;
	[tilespmem:s24+$0x3990] =	vst v0  }
0x665: {  	v3 =	vmul.f32 v3, v15;
	[tilespmem:s24+$0x3910] =	vst v36  }
0x666: {  	[tilespmem:s24+$0x3810] =	vst v1  }
0x667: {  	[tilespmem:s24+$0x3890] =	vst v3  }
0x668: {  	v1 =	vld.idx.msk [tilespmem:v4+s25+$0x0], $0xffff  }
0x669: {  	v3 =	vld.idx.msk [tilespmem:v5+s25+$0x0], $0xffff  }
0x66a: {  	v4 =	vadd.s32 s22, v23;
	_ =	sdelay $0x3  }
0x66b: {  	v1 =	vadd.f32 v1, v8  }
0x66c: {  	v3 =	vadd.f32 v3, v12  }
0x66d: {  	[tilespmem:s24+$0x3620] =	vst v1  }
0x66e: {  	v1 =	vadd.s32 s22, v27;
	[tilespmem:s24+$0x36A0] =	vst v3  }
0x66f: {  	v3 =	vld.idx.msk [tilespmem:v4+s25+$0x0], $0xffff;
	_ =	sdelay $0x5  }
0x670: {  	[tilespmem:s24+$0x3720] =	vst v3  }
0x671: {  	v1 =	vld.idx.msk [tilespmem:v1+s25+$0x0], $0xffff;
	_ =	sdelay $0x1  }
0x672: {  	v4 =	vadd.s32 s22, v35;
	v3 =	vadd.s32 s22, v31;
	_ =	sdelay $0x3  }
0x673: {  	[tilespmem:s24+$0x37A0] =	vst v1  }
0x674: {  	v1 =	vld.idx.msk [tilespmem:v3+s25+$0x0], $0xffff  }
0x675: {  	v3 =	vld.idx.msk [tilespmem:v4+s25+$0x0], $0xffff;
	_ =	sdelay $0x3  }
0x676: {  	v5 =	vadd.s32 s22, v20;
	v4 =	vadd.s32 s22, v16  }
0x677: {  	v1 =	vmul.f32 v1, v14;
	[tilespmem:s24+$0x39A0] =	vst v0  }
0x678: {  	v3 =	vmul.f32 v3, v15;
	[tilespmem:s24+$0x3920] =	vst v0  }
0x679: {  	[tilespmem:s24+$0x3820] =	vst v1  }
0x67a: {  	[tilespmem:s24+$0x38A0] =	vst v3  }
0x67b: {  	v3 =	vadd.s32 s22, v24;
	v1 =	vld.idx.msk [tilespmem:v4+s25+$0x0], $0xffff  }
0x67c: {  	v4 =	vld.idx.msk [tilespmem:v5+s25+$0x0], $0xffff;
	_ =	sdelay $0x4  }
0x67d: {  	v1 =	vadd.f32 v1, v8  }
0x67e: {  	v5 =	vadd.s32 s22, v28;
	v4 =	vadd.f32 v4, v12  }
0x67f: {  	[tilespmem:s24+$0x3630] =	vst v1  }
0x680: {  	[tilespmem:s24+$0x36B0] =	vst v4  }
0x681: {  	v1 =	vld.idx.msk [tilespmem:v3+s25+$0x0], $0xffff;
	_ =	sdelay $0x5  }
0x682: {  	[tilespmem:s24+$0x3730] =	vst v1  }
0x683: {  	v1 =	vld.idx.msk [tilespmem:v5+s25+$0x0], $0xffff;
	_ =	sdelay $0x1  }
0x684: {  	v4 =	vadd.s32 s22, v37;
	v3 =	vadd.s32 s22, v32;
	_ =	sdelay $0x3  }
0x685: {  	[tilespmem:s24+$0x37B0] =	vst v1;
	v1 =	vadd.s32 s22, v40  }
0x686: {  	v3 =	vld.idx.msk [tilespmem:v3+s25+$0x0], $0xffff  }
0x687: {  	v4 =	vld.idx.msk [tilespmem:v4+s25+$0x0], $0xffff  }
0x688: {  	[tilespmem:s24+$0x3930] =	vst v38;
	_ =	sdelay $0x3  }
0x689: {  	v3 =	vmul.f32 v3, v14  }
0x68a: {  	v4 =	vmul.f32 v4, v15  }
0x68b: {  	[tilespmem:s24+$0x3830] =	vst v3  }
0x68c: {  	[tilespmem:s24+$0x38B0] =	vst v4  }
0x68d: {  	v1 =	vld.idx.msk [tilespmem:v1+s25+$0x0], $0xffff;
	_ =	sdelay $0x3  }
0x68e: {  	v3 =	vadd.s32 s22, v17;
	v4 =	vadd.s32 s22, v21;
	_ =	sdelay $0x1  }
0x68f: {  	v1 =	vmul.f32 v1, v2  }
0x690: {  	v5 =	vadd.s32 s22, v25  }
0x691: {  	[tilespmem:s24+$0x39B0] =	vst v1  }
0x692: {  	v1 =	vld.idx.msk [tilespmem:v3+s25+$0x0], $0xffff  }
0x693: {  	v3 =	vld.idx.msk [tilespmem:v4+s25+$0x0], $0xffff;
	_ =	sdelay $0x3  }
0x694: {  	v4 =	vadd.s32 s22, v29  }
0x695: {  	v1 =	vadd.f32 v1, v8  }
0x696: {  	v3 =	vadd.f32 v3, v12  }
0x697: {  	[tilespmem:s24+$0x3640] =	vst v1  }
0x698: {  	[tilespmem:s24+$0x36C0] =	vst v3  }
0x699: {  	v1 =	vld.idx.msk [tilespmem:v5+s25+$0x0], $0xffff;
	_ =	sdelay $0x5  }
0x69a: {  	[tilespmem:s24+$0x3740] =	vst v1  }
0x69b: {  	v3 =	vld.idx.msk [tilespmem:v4+s25+$0x0], $0xffff;
	_ =	sdelay $0x1  }
0x69c: {  	v5 =	vadd.s32 s22, v39;
	v4 =	vadd.s32 s22, v33;
	_ =	sdelay $0x1  }
0x69d: {  	v1 =	vadd.s32 s22, v41;
	_ =	sdelay $0x1  }
0x69e: {  	[tilespmem:s24+$0x37C0] =	vst v3  }
0x69f: {  	v3 =	vld.idx.msk [tilespmem:v4+s25+$0x0], $0xffff  }
0x6a0: {  	v5 =	vld.idx.msk [tilespmem:v5+s25+$0x0], $0xffff  }
0x6a1: {  	[tilespmem:s24+$0x3940] =	vst v10  }
.Ltmp7:
0x6a2: {  	(pc) =	sbr.rel @p0 .LBB2_16-.Ltmp7, $3  }
0x6a3: {  	_ =	sdelay $0x1  }
0x6a4: {  	v4 =	vmul.f32 v3, v14  }
0x6a5: {  	v3 =	vmul.f32 v5, v15  }
0x6a6: {  	_ =	sdelay $0x1  }
0x6a7: {  	[tilespmem:s24+$0x3840] =	vst v4  }
0x6a8: {  	[tilespmem:s24+$0x38C0] =	vst v3  }
0x6a9: {  	v1 =	vld.idx.msk [tilespmem:v1+s25+$0x0], $0xffff;
	_ =	sdelay $0x4  }
0x6aa: {  	s1 =	sadd.s32 $0x1, s1;
	[tilespmem:s24+$0x39C0] =	vst v1  }
0x6ab: {  	[hbm4b:s20+s2] =	stream.linear.scatter [tilespmem:s30], [sflag:$0x4], $0x2000, $0x38;
	[tilespmem:$0x5610] =	vst v63  }
0x6ac: {  	p0 =	sne.s32 s1, s21;
	_ =	swait.ge [sflag:s31], $0x2000  }
.Ltmp8:
0x6ad: {  	[sflag:s31] =	ssyncset.done $0x0;
	(pc) =	sbr.rel @p0 .LBB2_1-.Ltmp8, $4  }
0x6ae: {  	[sflag:s31] =	ssyncadd.s32 $0xFFFFE000  }
0x6af: {  	_ =	swait.ge [sflag:s0], $0x2000  }
0x6b0: {  	[sflag:s0] =	ssyncset.done $0x0  }
0x6b1: {  	[sflag:s0] =	ssyncadd.s32 $0xFFFFE000  }
0x6b2: {  	_ =	sfence.sel $0x180000  }
0x6b3: {  	[bflag:$0x0] =	sbarrier.arrive $0xFFFF  }
0x6b4: {  	_ =	strace $0x90000047  }
0x6b5: {  	s0 =	stileid.u32;
	[bflag:$0x2] =	sbarrier.arrive $0xFFFF  }
0x6b6: {  	p0 =	sne.s32 s0, $0x0;
	s0 =	rddreg [dreg:$0x2]  }
0x6b7: {  	s0 =	sadd.s32 @!p0 $0x100000, s0  }
0x6b8: {  	[sflag:s0] =	ssyncadd.tile.s32 @!p0 $0x1;
	_ =	shalt  }
.Lfunc_end2:
_tile_overlayer_lowered:
.L_overlay_start_2:
0x6b9: {  	(tag) =	ssettag $0x2  }
0x6ba: {  	s0 =	rddreg [dreg:$0x0];
	s2 =	stileid.u32  }
0x6bb: {  	s1 =	rddreg [dreg:$0x1];
	p0 =	sne.s32 s2, $0x0  }
0x6bc: {  	s3 =	rddreg [dreg:$0x2];
	[bflag:$0x3] =	sbarrier.arrive $0xFFFF;
	s2 =	simm.s32 @!p0 $0x1C05  }
0x6bd: {  	[timem:s3], [sflag:s2] =	dma.local @!p0 [hbm:s0], s1  }
0x6be: {  	s0 =	simm.s32 @!p0 $0x5  }
0x6bf: {  	_ =	swait.ge @!p0 [sflag:s0], s1  }
0x6c0: {  	s1 =	ssub.s32 @!p0 $0x0, s1;
	[sflag:s0] =	ssyncset.done @!p0 $0x0  }
0x6c1: {  	[sflag:s0] =	ssyncadd.s32 @!p0 s1  }
0x6c2: {  	[bflag:$0x3] =	sbarrier.arrive $0xFFFF  }
0x6c3: {  	_ =	shalt  }

</sc_bundles>
